<compile_context>
chip_gen: v7x
topology: tpu7x:2x2x1
jax: 0.10.2.dev20260603
libtpu: 0.0.44.dev20260713+nightly
codegen_flags: <defaults>
</compile_context>

<pallas_src>
import functools

import jax
import jax.numpy as jnp
from jax import lax
from jax.experimental import pallas as pl
from jax.experimental.pallas import tpu as pltpu
from jax.experimental.pallas import tpu_sc as plsc

N = 10000
E = 320000
N2 = 20000
E2 = 640000
A = 40000
G = 256
D_FEAT = 128
D = 64
NI2 = 16
NC = 10

NCORES = 2
NSUB = 16
NW = NCORES * NSUB

NPAD = 10240
N2PAD = 20480
EPAD = 327680
E2PAD = 655360

@functools.lru_cache(maxsize=None)
def _make_segsum(n_pad, e_pad, chunk):
    per_w = e_pad // NW
    n_chunks = per_w // chunk
    assert n_chunks % 2 == 0 and n_chunks >= 2
    krow = chunk // 128
    rows_per_tile = n_pad // NSUB
    mesh = plsc.VectorSubcoreMesh(core_axis_name="c", subcore_axis_name="s")

    @functools.partial(
        pl.kernel,
        out_type=jax.ShapeDtypeStruct((NCORES, n_pad, D), jnp.float32),
        mesh=mesh,
        scratch_types=[
            pltpu.VMEM((2 * krow, 128), jnp.int32),
            pltpu.VMEM((2 * krow, 128), jnp.int32),
            pltpu.VMEM((chunk, D), jnp.float32),
            pltpu.VMEM((chunk, D), jnp.float32),
            pltpu.VMEM_SHARED((n_pad, D), jnp.float32),
            pltpu.SemaphoreType.DMA,
            pltpu.SemaphoreType.DMA,
            [pltpu.SemaphoreType.DMA] * 4,
            [pltpu.SemaphoreType.DMA] * 4,
        ],
        compiler_params=pltpu.CompilerParams(use_tc_tiling_on_sc=False),
    )
    def segsum(y_hbm, eidx_hbm, zeros_hbm, out_hbm,
               idx0_v, idx1_v, rows0_v, rows1_v, acc_s,
               gsem0, gsem1, ssem0, ssem1):
        cid = lax.axis_index("c")
        sid = lax.axis_index("s")
        wid = cid * NSUB + sid
        tile_base = sid * rows_per_tile
        base_g = wid * n_chunks * 2 * krow

        def fire(row0, idx_v, rows_v, sem):
            pltpu.sync_copy(eidx_hbm.at[pl.ds(row0, 2 * krow)], idx_v)
            for j in range(krow):
                pltpu.async_copy(y_hbm.at[idx_v.at[j]],
                                 rows_v.at[pl.ds(j * 128, 128)], sem)

        def drain(rows_v, sem):
            pltpu.make_async_copy(y_hbm.at[pl.ds(0, chunk)], rows_v, sem).wait()

        def scatter(idx_v, rows_v, ssem):
            for j in range(krow):
                pltpu.async_copy(rows_v.at[pl.ds(j * 128, 128)],
                                 acc_s.at[idx_v.at[krow + j]], ssem[j],
                                 add=True)

        def drain_s(idx_v, rows_v, ssem):
            for j in range(krow):
                pltpu.make_async_copy(rows_v.at[pl.ds(j * 128, 128)],
                                      acc_s.at[idx_v.at[krow + j]],
                                      ssem[j]).wait()

        fire(base_g, idx0_v, rows0_v, gsem0)
        pltpu.sync_copy(zeros_hbm,
                        acc_s.at[pl.ds(tile_base, rows_per_tile)])
        plsc.subcore_barrier()

        @pl.loop(0, n_chunks // 2)
        def _(h):
            ci1 = 2 * h + 1
            ci2 = 2 * h + 2
            drain(rows0_v, gsem0)

            @pl.when(h > 0)
            def _():
                drain_s(idx1_v, rows1_v, ssem1)

            fire(base_g + ci1 * 2 * krow, idx1_v, rows1_v, gsem1)
            scatter(idx0_v, rows0_v, ssem0)
            drain(rows1_v, gsem1)

            @pl.when(ci2 < n_chunks)
            def _():
                drain_s(idx0_v, rows0_v, ssem0)
                fire(base_g + ci2 * 2 * krow, idx0_v, rows0_v, gsem0)

            scatter(idx1_v, rows1_v, ssem1)

        drain_s(idx0_v, rows0_v, ssem0)
        drain_s(idx1_v, rows1_v, ssem1)
        plsc.subcore_barrier()
        pltpu.sync_copy(
            acc_s.at[pl.ds(tile_base, rows_per_tile)],
            out_hbm.at[cid].at[pl.ds(tile_base, rows_per_tile)])

    return segsum


@functools.lru_cache(maxsize=None)
def _make_pairsum(n_pad):
    out_per_w = n_pad // NW
    oc = 128
    n_chunks = out_per_w // oc
    mesh = plsc.VectorSubcoreMesh(core_axis_name="c", subcore_axis_name="s")

    @functools.partial(
        pl.kernel,
        out_type=jax.ShapeDtypeStruct((n_pad, D), jnp.float32),
        mesh=mesh,
        scratch_types=[
            pltpu.VMEM((2, 128), jnp.int32),
            pltpu.VMEM((2, 128), jnp.int32),
            pltpu.VMEM((2 * oc, D), jnp.float32),
            pltpu.VMEM((2 * oc, D), jnp.float32),
            pltpu.VMEM((oc, D), jnp.float32),
            pltpu.VMEM((oc, D), jnp.float32),
            pltpu.SemaphoreType.DMA,
            pltpu.SemaphoreType.DMA,
            pltpu.SemaphoreType.DMA,
            pltpu.SemaphoreType.DMA,
        ],
        compiler_params=pltpu.CompilerParams(use_tc_tiling_on_sc=False),
    )
    def pairsum(y_hbm, src_hbm, out_hbm,
                idx0_v, idx1_v, rows0_v, rows1_v, out0_v, out1_v,
                gsem0, gsem1, osem0, osem1):
        cid = lax.axis_index("c")
        sid = lax.axis_index("s")
        wid = cid * NSUB + sid
        base_out = wid * out_per_w
        base_idx = wid * n_chunks * 2

        def fire(ci, idx_v, rows_v, sem):
            pltpu.sync_copy(src_hbm.at[pl.ds(base_idx + ci * 2, 2)], idx_v)
            for j in range(2):
                pltpu.async_copy(y_hbm.at[idx_v.at[j]],
                                 rows_v.at[pl.ds(j * 128, 128)], sem)

        def drain_g(rows_v, sem):
            pltpu.make_async_copy(y_hbm.at[pl.ds(0, 2 * oc)], rows_v, sem).wait()

        def reduce_write(ci, rows_v, out_v, sem):
            @pl.loop(0, oc)
            def _(i):
                for j in range(D // 16):
                    s = pl.ds(j * 16, 16)
                    out_v[i, s] = rows_v[2 * i, s] + rows_v[2 * i + 1, s]
            pltpu.async_copy(out_v, out_hbm.at[pl.ds(base_out + ci * oc, oc)],
                             sem)

        def drain_o(out_v, sem):
            pltpu.make_async_copy(y_hbm.at[pl.ds(0, oc)], out_v, sem).wait()

        fire(0, idx0_v, rows0_v, gsem0)

        @pl.loop(0, (n_chunks + 1) // 2)
        def _(h):
            ci0 = 2 * h
            ci1 = 2 * h + 1
            ci2 = 2 * h + 2
            drain_g(rows0_v, gsem0)

            @pl.when(ci1 < n_chunks)
            def _():
                fire(ci1, idx1_v, rows1_v, gsem1)

            @pl.when(h > 0)
            def _():
                drain_o(out0_v, osem0)

            reduce_write(ci0, rows0_v, out0_v, osem0)

            @pl.when(ci1 < n_chunks)
            def _():
                drain_g(rows1_v, gsem1)

                @pl.when(ci2 < n_chunks)
                def _():
                    fire(ci2, idx0_v, rows0_v, gsem0)

                @pl.when(h > 0)
                def _():
                    drain_o(out1_v, osem1)

                reduce_write(ci1, rows1_v, out1_v, osem1)

        drain_o(out0_v, osem0)
        if n_chunks > 1:
            drain_o(out1_v, osem1)

    return pairsum


_BS = 1024


def _mm(x, w, b):
    n, din = x.shape
    dout = w.shape[1]

    def body(x_ref, w_ref, b_ref, o_ref):
        o_ref[...] = jnp.dot(x_ref[...], w_ref[...],
                             preferred_element_type=jnp.float32) + b_ref[...]

    return pl.pallas_call(
        body,
        grid=(n // _BS,),
        in_specs=[
            pl.BlockSpec((_BS, din), lambda i: (i, 0)),
            pl.BlockSpec((din, dout), lambda i: (0, 0)),
            pl.BlockSpec((1, dout), lambda i: (0, 0)),
        ],
        out_specs=pl.BlockSpec((_BS, dout), lambda i: (i, 0)),
        out_shape=jax.ShapeDtypeStruct((n, dout), jnp.float32),
    )(x, w, b.reshape(1, -1))


def _agg_spec(split):
    if split:
        nh = NHALF // _BS
        return pl.BlockSpec((1, _BS, D), lambda i: (i // nh, i % nh, 0))
    return pl.BlockSpec((NCORES, _BS, D), lambda i: (0, i, 0))


def _comb_mm(aggp, r, w, b, split=False):
    n = r.shape[0]
    dout = w.shape[1]

    def body(a_ref, r_ref, w_ref, b_ref, o_ref):
        agg = a_ref[0] if split else a_ref[0] + a_ref[1]
        h = jnp.maximum(agg + r_ref[...], 0.0)
        o_ref[...] = jnp.dot(h, w_ref[...],
                             preferred_element_type=jnp.float32) + b_ref[...]

    return pl.pallas_call(
        body,
        grid=(n // _BS,),
        in_specs=[
            _agg_spec(split),
            pl.BlockSpec((_BS, D), lambda i: (i, 0)),
            pl.BlockSpec((D, dout), lambda i: (0, 0)),
            pl.BlockSpec((1, dout), lambda i: (0, 0)),
        ],
        out_specs=pl.BlockSpec((_BS, dout), lambda i: (i, 0)),
        out_shape=jax.ShapeDtypeStruct((n, dout), jnp.float32),
    )(aggp, r, w, b.reshape(1, -1))


def _comb_pool(aggp, r, seg3d, split=False):
    n = r.shape[0]

    def body(a_ref, r_ref, s_ref, h_ref, sum_ref, cnt_ref):
        i = pl.program_id(0)
        agg = a_ref[0] if split else a_ref[0] + a_ref[1]
        h = jnp.maximum(agg + r_ref[...], 0.0)
        h_ref[...] = h
        ids = s_ref[0, 0, :]
        mask = (lax.broadcasted_iota(jnp.int32, (G, _BS), 0)
                == ids[None, :]).astype(jnp.float32)

        @pl.when(i == 0)
        def _():
            sum_ref[...] = jnp.zeros_like(sum_ref)
            cnt_ref[...] = jnp.zeros_like(cnt_ref)

        sum_ref[...] += jnp.dot(mask, h,
                                preferred_element_type=jnp.float32)
        cnt_ref[...] += jnp.sum(mask, axis=1, keepdims=True)

    return pl.pallas_call(
        body,
        grid=(n // _BS,),
        in_specs=[
            _agg_spec(split),
            pl.BlockSpec((_BS, D), lambda i: (i, 0)),
            pl.BlockSpec((1, 1, _BS), lambda i: (i, 0, 0)),
        ],
        out_specs=[
            pl.BlockSpec((_BS, D), lambda i: (i, 0)),
            pl.BlockSpec((G, D), lambda i: (0, 0)),
            pl.BlockSpec((G, 1), lambda i: (0, 0)),
        ],
        out_shape=[
            jax.ShapeDtypeStruct((n, D), jnp.float32),
            jax.ShapeDtypeStruct((G, D), jnp.float32),
            jax.ShapeDtypeStruct((G, 1), jnp.float32),
        ],
    )(aggp, r, seg3d)


def _tuple_mm(tp, iso, wa, wb, b):
    n = iso.shape[0]
    dout = wa.shape[1]

    def body(t_ref, i_ref, wa_ref, wb_ref, b_ref, o_ref):
        h = t_ref[...] * 0.5
        o_ref[...] = (jnp.dot(h, wa_ref[...], preferred_element_type=jnp.float32)
                      + jnp.dot(i_ref[...], wb_ref[...],
                                preferred_element_type=jnp.float32)
                      + b_ref[...])

    return pl.pallas_call(
        body,
        grid=(n // _BS,),
        in_specs=[
            pl.BlockSpec((_BS, D), lambda i: (i, 0)),
            pl.BlockSpec((_BS, NI2), lambda i: (i, 0)),
            pl.BlockSpec((D, dout), lambda i: (0, 0)),
            pl.BlockSpec((NI2, dout), lambda i: (0, 0)),
            pl.BlockSpec((1, dout), lambda i: (0, 0)),
        ],
        out_specs=pl.BlockSpec((_BS, dout), lambda i: (i, 0)),
        out_shape=jax.ShapeDtypeStruct((n, dout), jnp.float32),
    )(tp, iso, wa, wb, b.reshape(1, -1))


def _final_mlp(s0, c0, s1, c1, wfc0, bfc0, wfc1, bfc1, wfc2, bfc2):
    def body(s0_ref, c0_ref, s1_ref, c1_ref, w0_ref, b0_ref, w1_ref, b1_ref,
             w2_ref, b2_ref, o_ref):
        x0 = s0_ref[...] / jnp.maximum(c0_ref[...], 1.0)
        x1 = s1_ref[...] / jnp.maximum(c1_ref[...], 1.0)
        a = jnp.maximum(
            jnp.dot(x0, w0_ref[:D], preferred_element_type=jnp.float32)
            + jnp.dot(x1, w0_ref[D:], preferred_element_type=jnp.float32)
            + b0_ref[...], 0.0)
        h = jnp.maximum(
            jnp.dot(a, w1_ref[...], preferred_element_type=jnp.float32)
            + b1_ref[...], 0.0)
        o = jnp.dot(h, w2_ref[...], preferred_element_type=jnp.float32) + b2_ref[...]
        m = jnp.max(o, axis=1, keepdims=True)
        z = o - m
        lse = jnp.log(jnp.sum(jnp.exp(z), axis=1, keepdims=True))
        o_ref[...] = z - lse

    return pl.pallas_call(
        body,
        out_shape=jax.ShapeDtypeStruct((G, NC), jnp.float32),
    )(s0, c0, s1, c1, wfc0, bfc0.reshape(1, -1), wfc1, bfc1.reshape(1, -1),
      wfc2, bfc2.reshape(1, -1))


def _pad_rows(x, n_pad, fill=0.0):
    return jnp.pad(x, ((0, n_pad - x.shape[0]), (0, 0)), constant_values=fill)


def _prep_edges(src, dst, e_pad, dummy_dst, chunk):
    e = src.shape[0]
    krow = chunk // 128
    src = jnp.pad(src.astype(jnp.int32), (0, e_pad - e),
                  constant_values=0).reshape(e_pad // chunk, krow, 128)
    dst = jnp.pad(dst.astype(jnp.int32), (0, e_pad - e),
                  constant_values=dummy_dst).reshape(e_pad // chunk, krow, 128)
    return jnp.concatenate([src, dst], axis=1).reshape(-1, 128)


def kernel(x, edge_index, edge_index_2, batch, batch_2, assignment_index_2,
           iso_type_2, W_init_rel, b_init, W_init_root,
           W00_rel, b00, W00_root, W01_rel, b01, W01_root,
           W10_rel, b10, W10_root, W11_rel, b11, W11_root,
           Wfc0, bfc0, Wfc1, bfc1, Wfc2, bfc2):
    zeros1 = jnp.zeros((NPAD // NSUB, D), jnp.float32)
    zeros2 = jnp.zeros((N2PAD // NSUB, D), jnp.float32)

    eidx1 = _prep_edges(edge_index[0], edge_index[1], EPAD, N, 512)
    srca = jnp.pad(assignment_index_2[0].astype(jnp.int32),
                   (0, 2 * N2PAD - A), constant_values=0).reshape(-1, 128)
    eidx2 = _prep_edges(edge_index_2[0], edge_index_2[1], E2PAD, N2, 256)

    batch3d = jnp.pad(batch.astype(jnp.int32), (0, NPAD - N),
                      constant_values=G).reshape(NPAD // _BS, 1, _BS)
    batch23d = jnp.pad(batch_2.astype(jnp.int32), (0, N2PAD - N2),
                       constant_values=G).reshape(N2PAD // _BS, 1, _BS)

    xp = _pad_rows(x, NPAD)
    isop = _pad_rows(iso_type_2, N2PAD)

    seg1 = _make_segsum(NPAD, EPAD, 512)
    pairsum = _make_pairsum(N2PAD)
    seg2 = _make_segsum(N2PAD, E2PAD, 256)

    w_init = jnp.concatenate([W_init_rel, W_init_root], axis=1)
    b_init_c = jnp.concatenate([jnp.zeros((D,), jnp.float32), b_init])
    w00 = jnp.concatenate([W00_rel, W00_root], axis=1)
    b00_c = jnp.concatenate([jnp.zeros((D,), jnp.float32), b00])
    w01 = jnp.concatenate([W01_rel, W01_root], axis=1)
    b01_c = jnp.concatenate([jnp.zeros((D,), jnp.float32), b01])
    w10a = jnp.concatenate([W10_rel[:D], W10_root[:D]], axis=1)
    w10b = jnp.concatenate([W10_rel[D:], W10_root[D:]], axis=1)
    b10_c = jnp.concatenate([jnp.zeros((D,), jnp.float32), b10])
    w11 = jnp.concatenate([W11_rel, W11_root], axis=1)
    b11_c = jnp.concatenate([jnp.zeros((D,), jnp.float32), b11])

    yr0 = _mm(xp, w_init, b_init_c)
    y0, r0 = yr0[:, :D], yr0[:, D:]
    agg0 = seg1(y0, eidx1, zeros1)

    yr1 = _comb_mm(agg0, r0, w00, b00_c)
    y1, r1 = yr1[:, :D], yr1[:, D:]
    agg1 = seg1(y1, eidx1, zeros1)

    yr2 = _comb_mm(agg1, r1, w01, b01_c)
    y2, r2 = yr2[:, :D], yr2[:, D:]
    agg2 = seg1(y2, eidx1, zeros1)

    h3, s0, c0 = _comb_pool(agg2, r2, batch3d)

    tp = pairsum(h3, srca)
    yr4 = _tuple_mm(tp, isop, w10a, w10b, b10_c)
    y4, r4 = yr4[:, :D], yr4[:, D:]
    agg3 = seg2(y4, eidx2, zeros2)

    yr5 = _comb_mm(agg3, r4, w11, b11_c)
    y5, r5 = yr5[:, :D], yr5[:, D:]
    agg4 = seg2(y5, eidx2, zeros2)

    _, s1, c1 = _comb_pool(agg4, r5, batch23d)

    return _final_mlp(s0, c0, s1, c1, Wfc0, bfc0, Wfc1, bfc1, Wfc2, bfc2)

# --- scband reference (transcript-rebuilt; emitter-appended) ---
"""Pipeline reference for scband-net-65927747993607 (READ-ONLY COPY).

The authoritative reference and input builder live on the scoring server;
editing this copy changes nothing except your own understanding.
"""

import jax, jax.numpy as jnp
import numpy as np

N = 10000
E = 320000
N2 = 20000
E2 = 640000
A = 40000
G = 256
D_FEAT = 128
D0 = 64
D = 64
NI2 = 16
NC = 10


def _lin(k, fan_in, fan_out):
    return jax.random.normal(k, (fan_in, fan_out), jnp.float32) * (1.0 / np.sqrt(fan_in))


def setup_inputs(seed: int = 0) -> dict:
    key = jax.random.key(seed)
    ks = jax.random.split(key, 24)
    inp = {}
    inp["x"] = jax.random.normal(ks[0], (N, D_FEAT), jnp.float32)
    inp["edge_index"] = jax.random.randint(ks[1], (2, E), 0, N)
    inp["edge_index_2"] = jax.random.randint(ks[2], (2, E2), 0, N2)
    inp["batch"] = jnp.sort(jax.random.randint(ks[3], (N,), 0, G))
    inp["batch_2"] = jnp.sort(jax.random.randint(ks[4], (N2,), 0, G))
    src = jax.random.randint(ks[5], (A,), 0, N)
    dst = jnp.repeat(jnp.arange(N2, dtype=jnp.int64 if jax.config.jax_enable_x64 else jnp.int32), 2)
    inp["assignment_index_2"] = jnp.stack([src, dst.astype(src.dtype)])
    iso = jax.random.randint(ks[6], (N2,), 0, NI2)
    inp["iso_type_2"] = jax.nn.one_hot(iso, NI2, dtype=jnp.float32)
    inp["W_init_rel"] = _lin(ks[7], D_FEAT, D0)
    inp["b_init"] = jnp.zeros((D0,), jnp.float32)
    inp["W_init_root"] = _lin(ks[8], D_FEAT, D0)
    inp["W00_rel"] = _lin(ks[9], D0, D)
    inp["b00"] = jnp.zeros((D,), jnp.float32)
    inp["W00_root"] = _lin(ks[10], D0, D)
    inp["W01_rel"] = _lin(ks[11], D, D)
    inp["b01"] = jnp.zeros((D,), jnp.float32)
    inp["W01_root"] = _lin(ks[12], D, D)
    inp["W10_rel"] = _lin(ks[13], NI2 + D, D)
    inp["b10"] = jnp.zeros((D,), jnp.float32)
    inp["W10_root"] = _lin(ks[14], NI2 + D, D)
    inp["W11_rel"] = _lin(ks[15], D, D)
    inp["b11"] = jnp.zeros((D,), jnp.float32)
    inp["W11_root"] = _lin(ks[16], D, D)
    inp["Wfc0"] = _lin(ks[17], 2 * D, D)
    inp["bfc0"] = jnp.zeros((D,), jnp.float32)
    inp["Wfc1"] = _lin(ks[18], D, D // 2)
    inp["bfc1"] = jnp.zeros((D // 2,), jnp.float32)
    inp["Wfc2"] = _lin(ks[19], D // 2, NC)
    inp["bfc2"] = jnp.zeros((NC,), jnp.float32)
    return inp


def graph_conv(x, ei, W_rel, b_rel, W_root, n):
    msgs = jnp.take(x, ei[0], axis=0)
    agg = jax.ops.segment_sum(msgs, ei[1], num_segments=n)
    return agg @ W_rel + b_rel + x @ W_root


def scatter_mean(x, idx, n):
    s = jax.ops.segment_sum(x, idx, num_segments=n)
    c = jax.ops.segment_sum(jnp.ones((x.shape[0], 1), x.dtype), idx, num_segments=n)
    return s / jnp.maximum(c, 1.0)


def reference(x, edge_index, edge_index_2, batch, batch_2, assignment_index_2, iso_type_2,
              W_init_rel, b_init, W_init_root,
              W00_rel, b00, W00_root, W01_rel, b01, W01_root,
              W10_rel, b10, W10_root, W11_rel, b11, W11_root,
              Wfc0, bfc0, Wfc1, bfc1, Wfc2, bfc2):
    h = jax.nn.relu(graph_conv(x, edge_index, W_init_rel, b_init, W_init_root, N))
    # j = 0: 1-GNN layers
    h = jax.nn.relu(graph_conv(h, edge_index, W00_rel, b00, W00_root, N))
    h = jax.nn.relu(graph_conv(h, edge_index, W01_rel, b01, W01_root, N))
    xpd0 = scatter_mean(h, batch, G)
    # avg_pool onto 2-tuples + iso-type concat
    h2 = scatter_mean(jnp.take(h, assignment_index_2[0], axis=0), assignment_index_2[1], N2)
    h2 = jnp.concatenate([h2, iso_type_2], axis=1)
    # j = 1: 2-GNN layers
    h2 = jax.nn.relu(graph_conv(h2, edge_index_2, W10_rel, b10, W10_root, N2))
    h2 = jax.nn.relu(graph_conv(h2, edge_index_2, W11_rel, b11, W11_root, N2))
    xpd1 = scatter_mean(h2, batch_2, G)
    xg = jnp.concatenate([xpd0, xpd1], axis=1)
    xg = jax.nn.relu(xg @ Wfc0 + bfc0)
    xg = jax.nn.relu(xg @ Wfc1 + bfc1)
    xg = xg @ Wfc2 + bfc2
    return jax.nn.log_softmax(xg, axis=1)

if __name__ == "__main__":
    import jax
    _d = setup_inputs()
    print(jax.jit(kernel)(*tuple(_d.values())))

</pallas_src>

<mosaic_0001>
#map = affine_map<(d0, d1) -> (0, 0)>
#map1 = affine_map<(d0, d1) -> (0, 0, 0)>
module attributes {stable_mosaic.version = 14 : i64} {
  func.func @segsum(%arg0: i32, %arg1: i32, %arg2: memref<10240x64xf32, #tpu.memory_space<hbm>>, %arg3: memref<5120x128xi32, #tpu.memory_space<hbm>>, %arg4: memref<640x64xf32, #tpu.memory_space<hbm>>, %arg5: memref<2x10240x64xf32, #tpu.memory_space<hbm>>, %arg6: memref<8x128xi32, #tpu.memory_space<vmem>>, %arg7: memref<8x128xi32, #tpu.memory_space<vmem>>, %arg8: memref<512x64xf32, #tpu.memory_space<vmem>>, %arg9: memref<512x64xf32, #tpu.memory_space<vmem>>, %arg10: memref<10240x64xf32, #tpu.memory_space<vmem_shared>>, %arg11: memref<!tpu.dma_semaphore, #tpu.memory_space<semaphore_mem>>, %arg12: memref<!tpu.dma_semaphore, #tpu.memory_space<semaphore_mem>>, %arg13: memref<!tpu.dma_semaphore, #tpu.memory_space<semaphore_mem>>, %arg14: memref<!tpu.dma_semaphore, #tpu.memory_space<semaphore_mem>>, %arg15: memref<!tpu.dma_semaphore, #tpu.memory_space<semaphore_mem>>, %arg16: memref<!tpu.dma_semaphore, #tpu.memory_space<semaphore_mem>>, %arg17: memref<!tpu.dma_semaphore, #tpu.memory_space<semaphore_mem>>, %arg18: memref<!tpu.dma_semaphore, #tpu.memory_space<semaphore_mem>>, %arg19: memref<!tpu.dma_semaphore, #tpu.memory_space<semaphore_mem>>, %arg20: memref<!tpu.dma_semaphore, #tpu.memory_space<semaphore_mem>>) attributes {dimension_semantics = [#tpu.dimension_semantics<core_parallel>, #tpu.dimension_semantics<subcore_parallel>], iteration_bounds = array<i64: 2, 16>, scalar_prefetch = 0 : i64, scratch_operands = 15 : i64, tpu.core_type = #tpu.core_type<sc_vector_subcore>, window_params = [{transform_indices = #map}, {transform_indices = #map}, {transform_indices = #map}, {transform_indices = #map1}]} {
    %mul3A = arith.constant 16 : i32
    %mul3A_0 = arith.muli %arg0, %mul3A : i32
    %add3A = arith.addi %mul3A_0, %arg1 : i32
    %mul3A_1 = arith.constant 640 : i32
    %mul3A_2 = arith.muli %arg1, %mul3A_1 : i32
    %mul3A_3 = arith.constant 20 : i32
    %mul3A_4 = arith.muli %add3A, %mul3A_3 : i32
    %mul3A_5 = arith.constant 2 : i32
    %mul3A_6 = arith.muli %mul3A_4, %mul3A_5 : i32
    %mul3A_7 = arith.constant 4 : i32
    %mul3A_8 = arith.muli %mul3A_6, %mul3A_7 : i32
    "tpu.region"() ({
      %run_scoped3A = tpu.sem_alloc : memref<!tpu.dma_semaphore, #tpu.memory_space<semaphore_mem>>
      %dma_start3A_132 = arith.constant 0 : i32
      %dma_start3A_133 = tpu.memref_slice %arg3[%mul3A_8, %dma_start3A_132] : memref<5120x128xi32, #tpu.memory_space<hbm>> -> memref<8x128xi32, #tpu.memory_space<hbm>>
      %dma_start3A_134 = arith.constant 0 : i32
      %dma_start3A_135 = tpu.memref_slice %arg3[%mul3A_8, %dma_start3A_134] : memref<5120x128xi32, #tpu.memory_space<hbm>> -> memref<8x128xi32, #tpu.memory_space<hbm>>
      tpu.enqueue_dma source(%dma_start3A_135 : memref<8x128xi32, #tpu.memory_space<hbm>>) target(%arg6 : memref<8x128xi32, #tpu.memory_space<vmem>>) target_semaphore(%run_scoped3A : memref<!tpu.dma_semaphore, #tpu.memory_space<semaphore_mem>>)
      %dma_wait3A_136 = arith.constant 0 : i32
      %dma_wait3A_137 = tpu.memref_slice %arg3[%mul3A_8, %dma_wait3A_136] : memref<5120x128xi32, #tpu.memory_space<hbm>> -> memref<8x128xi32, #tpu.memory_space<hbm>>
      %dma_wait3A_138 = arith.constant 0 : i32
      %dma_wait3A_139 = tpu.memref_slice %arg3[%mul3A_8, %dma_wait3A_138] : memref<5120x128xi32, #tpu.memory_space<hbm>> -> memref<8x128xi32, #tpu.memory_space<hbm>>
      tpu.wait_dma2 semaphore(%run_scoped3A : memref<!tpu.dma_semaphore, #tpu.memory_space<semaphore_mem>>) src(%dma_wait3A_139 : memref<8x128xi32, #tpu.memory_space<hbm>>) dst(%arg6 : memref<8x128xi32, #tpu.memory_space<vmem>>)
      tpu.yield
    }) : () -> ()
    %dma_start3A = arith.constant 0 : i32
    %dma_start3A_9 = arith.constant 0 : i32
    %dma_start3A_10 = arith.constant 0 : i32
    %dma_start3A_11 = tpu.memref_slice %arg8[%dma_start3A_9, %dma_start3A_10] : memref<512x64xf32, #tpu.memory_space<vmem>> -> memref<128x64xf32, #tpu.memory_space<vmem>>
    %dma_start3A_12 = arith.constant 0 : i32
    %dma_start3A_13 = tpu.memref_slice %arg6[%dma_start3A, %dma_start3A_12] : memref<8x128xi32, #tpu.memory_space<vmem>> -> memref<1x128xi32, #tpu.memory_space<vmem>>
    %dma_start3A_14 = tpu.memref_squeeze %dma_start3A_13 : memref<1x128xi32, #tpu.memory_space<vmem>> -> memref<128xi32, #tpu.memory_space<vmem>>
    %dma_start3A_15 = arith.constant 0 : i32
    %dma_start3A_16 = arith.constant 0 : i32
    %dma_start3A_17 = tpu.memref_slice %arg2[%dma_start3A_15, %dma_start3A_16] : memref<10240x64xf32, #tpu.memory_space<hbm>> -> memref<10240x64xf32, #tpu.memory_space<hbm>>
    tpu.enqueue_indirect_dma source(%dma_start3A_17 : memref<10240x64xf32, #tpu.memory_space<hbm>>) target(%dma_start3A_11 : memref<128x64xf32, #tpu.memory_space<vmem>>) offsets(%dma_start3A_14 : memref<128xi32, #tpu.memory_space<vmem>>) semaphore(%arg11 : memref<!tpu.dma_semaphore, #tpu.memory_space<semaphore_mem>>)
    %dma_start3A_18 = arith.constant 1 : i32
    %dma_start3A_19 = arith.constant 128 : i32
    %dma_start3A_20 = arith.constant 0 : i32
    %dma_start3A_21 = tpu.memref_slice %arg8[%dma_start3A_19, %dma_start3A_20] : memref<512x64xf32, #tpu.memory_space<vmem>> -> memref<128x64xf32, #tpu.memory_space<vmem>>
    %dma_start3A_22 = arith.constant 0 : i32
    %dma_start3A_23 = tpu.memref_slice %arg6[%dma_start3A_18, %dma_start3A_22] : memref<8x128xi32, #tpu.memory_space<vmem>> -> memref<1x128xi32, #tpu.memory_space<vmem>>
    %dma_start3A_24 = tpu.memref_squeeze %dma_start3A_23 : memref<1x128xi32, #tpu.memory_space<vmem>> -> memref<128xi32, #tpu.memory_space<vmem>>
    %dma_start3A_25 = arith.constant 0 : i32
    %dma_start3A_26 = arith.constant 0 : i32
    %dma_start3A_27 = tpu.memref_slice %arg2[%dma_start3A_25, %dma_start3A_26] : memref<10240x64xf32, #tpu.memory_space<hbm>> -> memref<10240x64xf32, #tpu.memory_space<hbm>>
    tpu.enqueue_indirect_dma source(%dma_start3A_27 : memref<10240x64xf32, #tpu.memory_space<hbm>>) target(%dma_start3A_21 : memref<128x64xf32, #tpu.memory_space<vmem>>) offsets(%dma_start3A_24 : memref<128xi32, #tpu.memory_space<vmem>>) semaphore(%arg11 : memref<!tpu.dma_semaphore, #tpu.memory_space<semaphore_mem>>)
    %dma_start3A_28 = arith.constant 2 : i32
    %dma_start3A_29 = arith.constant 256 : i32
    %dma_start3A_30 = arith.constant 0 : i32
    %dma_start3A_31 = tpu.memref_slice %arg8[%dma_start3A_29, %dma_start3A_30] : memref<512x64xf32, #tpu.memory_space<vmem>> -> memref<128x64xf32, #tpu.memory_space<vmem>>
    %dma_start3A_32 = arith.constant 0 : i32
    %dma_start3A_33 = tpu.memref_slice %arg6[%dma_start3A_28, %dma_start3A_32] : memref<8x128xi32, #tpu.memory_space<vmem>> -> memref<1x128xi32, #tpu.memory_space<vmem>>
    %dma_start3A_34 = tpu.memref_squeeze %dma_start3A_33 : memref<1x128xi32, #tpu.memory_space<vmem>> -> memref<128xi32, #tpu.memory_space<vmem>>
    %dma_start3A_35 = arith.constant 0 : i32
    %dma_start3A_36 = arith.constant 0 : i32
    %dma_start3A_37 = tpu.memref_slice %arg2[%dma_start3A_35, %dma_start3A_36] : memref<10240x64xf32, #tpu.memory_space<hbm>> -> memref<10240x64xf32, #tpu.memory_space<hbm>>
    tpu.enqueue_indirect_dma source(%dma_start3A_37 : memref<10240x64xf32, #tpu.memory_space<hbm>>) target(%dma_start3A_31 : memref<128x64xf32, #tpu.memory_space<vmem>>) offsets(%dma_start3A_34 : memref<128xi32, #tpu.memory_space<vmem>>) semaphore(%arg11 : memref<!tpu.dma_semaphore, #tpu.memory_space<semaphore_mem>>)
    %dma_start3A_38 = arith.constant 3 : i32
    %dma_start3A_39 = arith.constant 384 : i32
    %dma_start3A_40 = arith.constant 0 : i32
    %dma_start3A_41 = tpu.memref_slice %arg8[%dma_start3A_39, %dma_start3A_40] : memref<512x64xf32, #tpu.memory_space<vmem>> -> memref<128x64xf32, #tpu.memory_space<vmem>>
    %dma_start3A_42 = arith.constant 0 : i32
    %dma_start3A_43 = tpu.memref_slice %arg6[%dma_start3A_38, %dma_start3A_42] : memref<8x128xi32, #tpu.memory_space<vmem>> -> memref<1x128xi32, #tpu.memory_space<vmem>>
    %dma_start3A_44 = tpu.memref_squeeze %dma_start3A_43 : memref<1x128xi32, #tpu.memory_space<vmem>> -> memref<128xi32, #tpu.memory_space<vmem>>
    %dma_start3A_45 = arith.constant 0 : i32
    %dma_start3A_46 = arith.constant 0 : i32
    %dma_start3A_47 = tpu.memref_slice %arg2[%dma_start3A_45, %dma_start3A_46] : memref<10240x64xf32, #tpu.memory_space<hbm>> -> memref<10240x64xf32, #tpu.memory_space<hbm>>
    tpu.enqueue_indirect_dma source(%dma_start3A_47 : memref<10240x64xf32, #tpu.memory_space<hbm>>) target(%dma_start3A_41 : memref<128x64xf32, #tpu.memory_space<vmem>>) offsets(%dma_start3A_44 : memref<128xi32, #tpu.memory_space<vmem>>) semaphore(%arg11 : memref<!tpu.dma_semaphore, #tpu.memory_space<semaphore_mem>>)
    "tpu.region"() ({
      %run_scoped3A = tpu.sem_alloc : memref<!tpu.dma_semaphore, #tpu.memory_space<semaphore_mem>>
      %dma_start3A_132 = arith.constant 0 : i32
      %dma_start3A_133 = tpu.memref_slice %arg10[%mul3A_2, %dma_start3A_132] : memref<10240x64xf32, #tpu.memory_space<vmem_shared>> -> memref<640x64xf32, #tpu.memory_space<vmem_shared>>
      tpu.enqueue_dma source(%arg4 : memref<640x64xf32, #tpu.memory_space<hbm>>) target(%dma_start3A_133 : memref<640x64xf32, #tpu.memory_space<vmem_shared>>) target_semaphore(%run_scoped3A : memref<!tpu.dma_semaphore, #tpu.memory_space<semaphore_mem>>)
      %dma_wait3A_134 = arith.constant 0 : i32
      %dma_wait3A_135 = tpu.memref_slice %arg10[%mul3A_2, %dma_wait3A_134] : memref<10240x64xf32, #tpu.memory_space<vmem_shared>> -> memref<640x64xf32, #tpu.memory_space<vmem_shared>>
      tpu.wait_dma2 semaphore(%run_scoped3A : memref<!tpu.dma_semaphore, #tpu.memory_space<semaphore_mem>>) src(%arg4 : memref<640x64xf32, #tpu.memory_space<hbm>>) dst(%dma_wait3A_135 : memref<640x64xf32, #tpu.memory_space<vmem_shared>>)
      tpu.yield
    }) : () -> ()
    %barrier3A = arith.constant 0 : index
    tpu.barrier barrier_id(%barrier3A)
    %scan3A = arith.constant 0 : i32
    %scan3A_48 = arith.constant 10 : i32
    %scan3A_49 = arith.addi %scan3A, %scan3A_48 : i32
    %scan3A_50 = arith.constant 1 : i32
    scf.for %scan3A_132 = %scan3A to %scan3A_49 step %scan3A_50  : i32 {
      %mul3A_133 = arith.constant 1 : i32
      %mul3A_134 = arith.muli %scan3A_132, %mul3A_133 : i32
      %add3A_135 = arith.constant 0 : i32
      %add3A_136 = arith.addi %add3A_135, %mul3A_134 : i32
      %mul3A_137 = arith.constant 2 : i32
      %mul3A_138 = arith.muli %mul3A_137, %add3A_136 : i32
      %add3A_139 = arith.constant 1 : i32
      %add3A_140 = arith.addi %mul3A_138, %add3A_139 : i32
      %mul3A_141 = arith.constant 2 : i32
      %mul3A_142 = arith.muli %mul3A_141, %add3A_136 : i32
      %add3A_143 = arith.constant 2 : i32
      %add3A_144 = arith.addi %mul3A_142, %add3A_143 : i32
      %dma_wait3A_145 = arith.constant 0 : i32
      %dma_wait3A_146 = arith.constant 0 : i32
      %dma_wait3A_147 = tpu.memref_slice %arg2[%dma_wait3A_145, %dma_wait3A_146] : memref<10240x64xf32, #tpu.memory_space<hbm>> -> memref<512x64xf32, #tpu.memory_space<hbm>>
      %dma_wait3A_148 = arith.constant 0 : i32
      %dma_wait3A_149 = arith.constant 0 : i32
      %dma_wait3A_150 = tpu.memref_slice %arg2[%dma_wait3A_148, %dma_wait3A_149] : memref<10240x64xf32, #tpu.memory_space<hbm>> -> memref<512x64xf32, #tpu.memory_space<hbm>>
      tpu.wait_dma2 semaphore(%arg11 : memref<!tpu.dma_semaphore, #tpu.memory_space<semaphore_mem>>) src(%dma_wait3A_150 : memref<512x64xf32, #tpu.memory_space<hbm>>) dst(%arg8 : memref<512x64xf32, #tpu.memory_space<vmem>>)
      %gt3A = arith.constant 0 : i32
      %gt3A_151 = arith.cmpi sgt, %add3A_136, %gt3A : i32
      %convert_element_type3A = arith.extui %gt3A_151 : i1 to i32
      %cond3A = arith.constant 0 : i32
      %cond3A_152 = arith.cmpi ne, %convert_element_type3A, %cond3A : i32
      scf.if %cond3A_152 {
        %dma_wait3A_288 = arith.constant 4 : i32
        %dma_wait3A_289 = arith.constant 0 : i32
        %dma_wait3A_290 = arith.constant 0 : i32
        %dma_wait3A_291 = tpu.memref_slice %arg9[%dma_wait3A_289, %dma_wait3A_290] : memref<512x64xf32, #tpu.memory_space<vmem>> -> memref<128x64xf32, #tpu.memory_space<vmem>>
        %dma_wait3A_292 = arith.constant 0 : i32
        %dma_wait3A_293 = tpu.memref_slice %arg7[%dma_wait3A_288, %dma_wait3A_292] : memref<8x128xi32, #tpu.memory_space<vmem>> -> memref<1x128xi32, #tpu.memory_space<vmem>>
        %dma_wait3A_294 = tpu.memref_squeeze %dma_wait3A_293 : memref<1x128xi32, #tpu.memory_space<vmem>> -> memref<128xi32, #tpu.memory_space<vmem>>
        %dma_wait3A_295 = arith.constant 0 : i32
        %dma_wait3A_296 = arith.constant 0 : i32
        %dma_wait3A_297 = tpu.memref_slice %arg10[%dma_wait3A_295, %dma_wait3A_296] : memref<10240x64xf32, #tpu.memory_space<vmem_shared>> -> memref<10240x64xf32, #tpu.memory_space<vmem_shared>>
        tpu.wait_indirect_dma semaphore(%arg17 : memref<!tpu.dma_semaphore, #tpu.memory_space<semaphore_mem>>) src(%dma_wait3A_291 : memref<128x64xf32, #tpu.memory_space<vmem>>) dst(%dma_wait3A_297 : memref<10240x64xf32, #tpu.memory_space<vmem_shared>>)
        %dma_wait3A_298 = arith.constant 5 : i32
        %dma_wait3A_299 = arith.constant 128 : i32
        %dma_wait3A_300 = arith.constant 0 : i32
        %dma_wait3A_301 = tpu.memref_slice %arg9[%dma_wait3A_299, %dma_wait3A_300] : memref<512x64xf32, #tpu.memory_space<vmem>> -> memref<128x64xf32, #tpu.memory_space<vmem>>
        %dma_wait3A_302 = arith.constant 0 : i32
        %dma_wait3A_303 = tpu.memref_slice %arg7[%dma_wait3A_298, %dma_wait3A_302] : memref<8x128xi32, #tpu.memory_space<vmem>> -> memref<1x128xi32, #tpu.memory_space<vmem>>
        %dma_wait3A_304 = tpu.memref_squeeze %dma_wait3A_303 : memref<1x128xi32, #tpu.memory_space<vmem>> -> memref<128xi32, #tpu.memory_space<vmem>>
        %dma_wait3A_305 = arith.constant 0 : i32
        %dma_wait3A_306 = arith.constant 0 : i32
        %dma_wait3A_307 = tpu.memref_slice %arg10[%dma_wait3A_305, %dma_wait3A_306] : memref<10240x64xf32, #tpu.memory_space<vmem_shared>> -> memref<10240x64xf32, #tpu.memory_space<vmem_shared>>
        tpu.wait_indirect_dma semaphore(%arg18 : memref<!tpu.dma_semaphore, #tpu.memory_space<semaphore_mem>>) src(%dma_wait3A_301 : memref<128x64xf32, #tpu.memory_space<vmem>>) dst(%dma_wait3A_307 : memref<10240x64xf32, #tpu.memory_space<vmem_shared>>)
        %dma_wait3A_308 = arith.constant 6 : i32
        %dma_wait3A_309 = arith.constant 256 : i32
        %dma_wait3A_310 = arith.constant 0 : i32
        %dma_wait3A_311 = tpu.memref_slice %arg9[%dma_wait3A_309, %dma_wait3A_310] : memref<512x64xf32, #tpu.memory_space<vmem>> -> memref<128x64xf32, #tpu.memory_space<vmem>>
        %dma_wait3A_312 = arith.constant 0 : i32
        %dma_wait3A_313 = tpu.memref_slice %arg7[%dma_wait3A_308, %dma_wait3A_312] : memref<8x128xi32, #tpu.memory_space<vmem>> -> memref<1x128xi32, #tpu.memory_space<vmem>>
        %dma_wait3A_314 = tpu.memref_squeeze %dma_wait3A_313 : memref<1x128xi32, #tpu.memory_space<vmem>> -> memref<128xi32, #tpu.memory_space<vmem>>
        %dma_wait3A_315 = arith.constant 0 : i32
        %dma_wait3A_316 = arith.constant 0 : i32
        %dma_wait3A_317 = tpu.memref_slice %arg10[%dma_wait3A_315, %dma_wait3A_316] : memref<10240x64xf32, #tpu.memory_space<vmem_shared>> -> memref<10240x64xf32, #tpu.memory_space<vmem_shared>>
        tpu.wait_indirect_dma semaphore(%arg19 : memref<!tpu.dma_semaphore, #tpu.memory_space<semaphore_mem>>) src(%dma_wait3A_311 : memref<128x64xf32, #tpu.memory_space<vmem>>) dst(%dma_wait3A_317 : memref<10240x64xf32, #tpu.memory_space<vmem_shared>>)
        %dma_wait3A_318 = arith.constant 7 : i32
        %dma_wait3A_319 = arith.constant 384 : i32
        %dma_wait3A_320 = arith.constant 0 : i32
        %dma_wait3A_321 = tpu.memref_slice %arg9[%dma_wait3A_319, %dma_wait3A_320] : memref<512x64xf32, #tpu.memory_space<vmem>> -> memref<128x64xf32, #tpu.memory_space<vmem>>
        %dma_wait3A_322 = arith.constant 0 : i32
        %dma_wait3A_323 = tpu.memref_slice %arg7[%dma_wait3A_318, %dma_wait3A_322] : memref<8x128xi32, #tpu.memory_space<vmem>> -> memref<1x128xi32, #tpu.memory_space<vmem>>
        %dma_wait3A_324 = tpu.memref_squeeze %dma_wait3A_323 : memref<1x128xi32, #tpu.memory_space<vmem>> -> memref<128xi32, #tpu.memory_space<vmem>>
        %dma_wait3A_325 = arith.constant 0 : i32
        %dma_wait3A_326 = arith.constant 0 : i32
        %dma_wait3A_327 = tpu.memref_slice %arg10[%dma_wait3A_325, %dma_wait3A_326] : memref<10240x64xf32, #tpu.memory_space<vmem_shared>> -> memref<10240x64xf32, #tpu.memory_space<vmem_shared>>
        tpu.wait_indirect_dma semaphore(%arg20 : memref<!tpu.dma_semaphore, #tpu.memory_space<semaphore_mem>>) src(%dma_wait3A_321 : memref<128x64xf32, #tpu.memory_space<vmem>>) dst(%dma_wait3A_327 : memref<10240x64xf32, #tpu.memory_space<vmem_shared>>)
      } else {
      }
      %mul3A_153 = arith.constant 2 : i32
      %mul3A_154 = arith.muli %add3A_140, %mul3A_153 : i32
      %mul3A_155 = arith.constant 4 : i32
      %mul3A_156 = arith.muli %mul3A_154, %mul3A_155 : i32
      %add3A_157 = arith.addi %mul3A_8, %mul3A_156 : i32
      "tpu.region"() ({
        %run_scoped3A = tpu.sem_alloc : memref<!tpu.dma_semaphore, #tpu.memory_space<semaphore_mem>>
        %dma_start3A_288 = arith.constant 0 : i32
        %dma_start3A_289 = tpu.memref_slice %arg3[%add3A_157, %dma_start3A_288] : memref<5120x128xi32, #tpu.memory_space<hbm>> -> memref<8x128xi32, #tpu.memory_space<hbm>>
        %dma_start3A_290 = arith.constant 0 : i32
        %dma_start3A_291 = tpu.memref_slice %arg3[%add3A_157, %dma_start3A_290] : memref<5120x128xi32, #tpu.memory_space<hbm>> -> memref<8x128xi32, #tpu.memory_space<hbm>>
        tpu.enqueue_dma source(%dma_start3A_291 : memref<8x128xi32, #tpu.memory_space<hbm>>) target(%arg7 : memref<8x128xi32, #tpu.memory_space<vmem>>) target_semaphore(%run_scoped3A : memref<!tpu.dma_semaphore, #tpu.memory_space<semaphore_mem>>)
        %dma_wait3A_292 = arith.constant 0 : i32
        %dma_wait3A_293 = tpu.memref_slice %arg3[%add3A_157, %dma_wait3A_292] : memref<5120x128xi32, #tpu.memory_space<hbm>> -> memref<8x128xi32, #tpu.memory_space<hbm>>
        %dma_wait3A_294 = arith.constant 0 : i32
        %dma_wait3A_295 = tpu.memref_slice %arg3[%add3A_157, %dma_wait3A_294] : memref<5120x128xi32, #tpu.memory_space<hbm>> -> memref<8x128xi32, #tpu.memory_space<hbm>>
        tpu.wait_dma2 semaphore(%run_scoped3A : memref<!tpu.dma_semaphore, #tpu.memory_space<semaphore_mem>>) src(%dma_wait3A_295 : memref<8x128xi32, #tpu.memory_space<hbm>>) dst(%arg7 : memref<8x128xi32, #tpu.memory_space<vmem>>)
        tpu.yield
      }) : () -> ()
      %dma_start3A_158 = arith.constant 0 : i32
      %dma_start3A_159 = arith.constant 0 : i32
      %dma_start3A_160 = arith.constant 0 : i32
      %dma_start3A_161 = tpu.memref_slice %arg9[%dma_start3A_159, %dma_start3A_160] : memref<512x64xf32, #tpu.memory_space<vmem>> -> memref<128x64xf32, #tpu.memory_space<vmem>>
      %dma_start3A_162 = arith.constant 0 : i32
      %dma_start3A_163 = tpu.memref_slice %arg7[%dma_start3A_158, %dma_start3A_162] : memref<8x128xi32, #tpu.memory_space<vmem>> -> memref<1x128xi32, #tpu.memory_space<vmem>>
      %dma_start3A_164 = tpu.memref_squeeze %dma_start3A_163 : memref<1x128xi32, #tpu.memory_space<vmem>> -> memref<128xi32, #tpu.memory_space<vmem>>
      %dma_start3A_165 = arith.constant 0 : i32
      %dma_start3A_166 = arith.constant 0 : i32
      %dma_start3A_167 = tpu.memref_slice %arg2[%dma_start3A_165, %dma_start3A_166] : memref<10240x64xf32, #tpu.memory_space<hbm>> -> memref<10240x64xf32, #tpu.memory_space<hbm>>
      tpu.enqueue_indirect_dma source(%dma_start3A_167 : memref<10240x64xf32, #tpu.memory_space<hbm>>) target(%dma_start3A_161 : memref<128x64xf32, #tpu.memory_space<vmem>>) offsets(%dma_start3A_164 : memref<128xi32, #tpu.memory_space<vmem>>) semaphore(%arg12 : memref<!tpu.dma_semaphore, #tpu.memory_space<semaphore_mem>>)
      %dma_start3A_168 = arith.constant 1 : i32
      %dma_start3A_169 = arith.constant 128 : i32
      %dma_start3A_170 = arith.constant 0 : i32
      %dma_start3A_171 = tpu.memref_slice %arg9[%dma_start3A_169, %dma_start3A_170] : memref<512x64xf32, #tpu.memory_space<vmem>> -> memref<128x64xf32, #tpu.memory_space<vmem>>
      %dma_start3A_172 = arith.constant 0 : i32
      %dma_start3A_173 = tpu.memref_slice %arg7[%dma_start3A_168, %dma_start3A_172] : memref<8x128xi32, #tpu.memory_space<vmem>> -> memref<1x128xi32, #tpu.memory_space<vmem>>
      %dma_start3A_174 = tpu.memref_squeeze %dma_start3A_173 : memref<1x128xi32, #tpu.memory_space<vmem>> -> memref<128xi32, #tpu.memory_space<vmem>>
      %dma_start3A_175 = arith.constant 0 : i32
      %dma_start3A_176 = arith.constant 0 : i32
      %dma_start3A_177 = tpu.memref_slice %arg2[%dma_start3A_175, %dma_start3A_176] : memref<10240x64xf32, #tpu.memory_space<hbm>> -> memref<10240x64xf32, #tpu.memory_space<hbm>>
      tpu.enqueue_indirect_dma source(%dma_start3A_177 : memref<10240x64xf32, #tpu.memory_space<hbm>>) target(%dma_start3A_171 : memref<128x64xf32, #tpu.memory_space<vmem>>) offsets(%dma_start3A_174 : memref<128xi32, #tpu.memory_space<vmem>>) semaphore(%arg12 : memref<!tpu.dma_semaphore, #tpu.memory_space<semaphore_mem>>)
      %dma_start3A_178 = arith.constant 2 : i32
      %dma_start3A_179 = arith.constant 256 : i32
      %dma_start3A_180 = arith.constant 0 : i32
      %dma_start3A_181 = tpu.memref_slice %arg9[%dma_start3A_179, %dma_start3A_180] : memref<512x64xf32, #tpu.memory_space<vmem>> -> memref<128x64xf32, #tpu.memory_space<vmem>>
      %dma_start3A_182 = arith.constant 0 : i32
      %dma_start3A_183 = tpu.memref_slice %arg7[%dma_start3A_178, %dma_start3A_182] : memref<8x128xi32, #tpu.memory_space<vmem>> -> memref<1x128xi32, #tpu.memory_space<vmem>>
      %dma_start3A_184 = tpu.memref_squeeze %dma_start3A_183 : memref<1x128xi32, #tpu.memory_space<vmem>> -> memref<128xi32, #tpu.memory_space<vmem>>
      %dma_start3A_185 = arith.constant 0 : i32
      %dma_start3A_186 = arith.constant 0 : i32
      %dma_start3A_187 = tpu.memref_slice %arg2[%dma_start3A_185, %dma_start3A_186] : memref<10240x64xf32, #tpu.memory_space<hbm>> -> memref<10240x64xf32, #tpu.memory_space<hbm>>
      tpu.enqueue_indirect_dma source(%dma_start3A_187 : memref<10240x64xf32, #tpu.memory_space<hbm>>) target(%dma_start3A_181 : memref<128x64xf32, #tpu.memory_space<vmem>>) offsets(%dma_start3A_184 : memref<128xi32, #tpu.memory_space<vmem>>) semaphore(%arg12 : memref<!tpu.dma_semaphore, #tpu.memory_space<semaphore_mem>>)
      %dma_start3A_188 = arith.constant 3 : i32
      %dma_start3A_189 = arith.constant 384 : i32
      %dma_start3A_190 = arith.constant 0 : i32
      %dma_start3A_191 = tpu.memref_slice %arg9[%dma_start3A_189, %dma_start3A_190] : memref<512x64xf32, #tpu.memory_space<vmem>> -> memref<128x64xf32, #tpu.memory_space<vmem>>
      %dma_start3A_192 = arith.constant 0 : i32
      %dma_start3A_193 = tpu.memref_slice %arg7[%dma_start3A_188, %dma_start3A_192] : memref<8x128xi32, #tpu.memory_space<vmem>> -> memref<1x128xi32, #tpu.memory_space<vmem>>
      %dma_start3A_194 = tpu.memref_squeeze %dma_start3A_193 : memref<1x128xi32, #tpu.memory_space<vmem>> -> memref<128xi32, #tpu.memory_space<vmem>>
      %dma_start3A_195 = arith.constant 0 : i32
      %dma_start3A_196 = arith.constant 0 : i32
      %dma_start3A_197 = tpu.memref_slice %arg2[%dma_start3A_195, %dma_start3A_196] : memref<10240x64xf32, #tpu.memory_space<hbm>> -> memref<10240x64xf32, #tpu.memory_space<hbm>>
      tpu.enqueue_indirect_dma source(%dma_start3A_197 : memref<10240x64xf32, #tpu.memory_space<hbm>>) target(%dma_start3A_191 : memref<128x64xf32, #tpu.memory_space<vmem>>) offsets(%dma_start3A_194 : memref<128xi32, #tpu.memory_space<vmem>>) semaphore(%arg12 : memref<!tpu.dma_semaphore, #tpu.memory_space<semaphore_mem>>)
      %dma_start3A_198 = arith.constant 4 : i32
      %dma_start3A_199 = arith.constant 0 : i32
      %dma_start3A_200 = arith.constant 0 : i32
      %dma_start3A_201 = tpu.memref_slice %arg8[%dma_start3A_199, %dma_start3A_200] : memref<512x64xf32, #tpu.memory_space<vmem>> -> memref<128x64xf32, #tpu.memory_space<vmem>>
      %dma_start3A_202 = arith.constant 0 : i32
      %dma_start3A_203 = tpu.memref_slice %arg6[%dma_start3A_198, %dma_start3A_202] : memref<8x128xi32, #tpu.memory_space<vmem>> -> memref<1x128xi32, #tpu.memory_space<vmem>>
      %dma_start3A_204 = tpu.memref_squeeze %dma_start3A_203 : memref<1x128xi32, #tpu.memory_space<vmem>> -> memref<128xi32, #tpu.memory_space<vmem>>
      %dma_start3A_205 = arith.constant 0 : i32
      %dma_start3A_206 = arith.constant 0 : i32
      %dma_start3A_207 = tpu.memref_slice %arg10[%dma_start3A_205, %dma_start3A_206] : memref<10240x64xf32, #tpu.memory_space<vmem_shared>> -> memref<10240x64xf32, #tpu.memory_space<vmem_shared>>
      tpu.enqueue_indirect_dma source(%dma_start3A_201 : memref<128x64xf32, #tpu.memory_space<vmem>>) target(%dma_start3A_207 : memref<10240x64xf32, #tpu.memory_space<vmem_shared>>) offsets(%dma_start3A_204 : memref<128xi32, #tpu.memory_space<vmem>>) semaphore(%arg13 : memref<!tpu.dma_semaphore, #tpu.memory_space<semaphore_mem>>) {add = true}
      %dma_start3A_208 = arith.constant 5 : i32
      %dma_start3A_209 = arith.constant 128 : i32
      %dma_start3A_210 = arith.constant 0 : i32
      %dma_start3A_211 = tpu.memref_slice %arg8[%dma_start3A_209, %dma_start3A_210] : memref<512x64xf32, #tpu.memory_space<vmem>> -> memref<128x64xf32, #tpu.memory_space<vmem>>
      %dma_start3A_212 = arith.constant 0 : i32
      %dma_start3A_213 = tpu.memref_slice %arg6[%dma_start3A_208, %dma_start3A_212] : memref<8x128xi32, #tpu.memory_space<vmem>> -> memref<1x128xi32, #tpu.memory_space<vmem>>
      %dma_start3A_214 = tpu.memref_squeeze %dma_start3A_213 : memref<1x128xi32, #tpu.memory_space<vmem>> -> memref<128xi32, #tpu.memory_space<vmem>>
      %dma_start3A_215 = arith.constant 0 : i32
      %dma_start3A_216 = arith.constant 0 : i32
      %dma_start3A_217 = tpu.memref_slice %arg10[%dma_start3A_215, %dma_start3A_216] : memref<10240x64xf32, #tpu.memory_space<vmem_shared>> -> memref<10240x64xf32, #tpu.memory_space<vmem_shared>>
      tpu.enqueue_indirect_dma source(%dma_start3A_211 : memref<128x64xf32, #tpu.memory_space<vmem>>) target(%dma_start3A_217 : memref<10240x64xf32, #tpu.memory_space<vmem_shared>>) offsets(%dma_start3A_214 : memref<128xi32, #tpu.memory_space<vmem>>) semaphore(%arg14 : memref<!tpu.dma_semaphore, #tpu.memory_space<semaphore_mem>>) {add = true}
      %dma_start3A_218 = arith.constant 6 : i32
      %dma_start3A_219 = arith.constant 256 : i32
      %dma_start3A_220 = arith.constant 0 : i32
      %dma_start3A_221 = tpu.memref_slice %arg8[%dma_start3A_219, %dma_start3A_220] : memref<512x64xf32, #tpu.memory_space<vmem>> -> memref<128x64xf32, #tpu.memory_space<vmem>>
      %dma_start3A_222 = arith.constant 0 : i32
      %dma_start3A_223 = tpu.memref_slice %arg6[%dma_start3A_218, %dma_start3A_222] : memref<8x128xi32, #tpu.memory_space<vmem>> -> memref<1x128xi32, #tpu.memory_space<vmem>>
      %dma_start3A_224 = tpu.memref_squeeze %dma_start3A_223 : memref<1x128xi32, #tpu.memory_space<vmem>> -> memref<128xi32, #tpu.memory_space<vmem>>
      %dma_start3A_225 = arith.constant 0 : i32
      %dma_start3A_226 = arith.constant 0 : i32
      %dma_start3A_227 = tpu.memref_slice %arg10[%dma_start3A_225, %dma_start3A_226] : memref<10240x64xf32, #tpu.memory_space<vmem_shared>> -> memref<10240x64xf32, #tpu.memory_space<vmem_shared>>
      tpu.enqueue_indirect_dma source(%dma_start3A_221 : memref<128x64xf32, #tpu.memory_space<vmem>>) target(%dma_start3A_227 : memref<10240x64xf32, #tpu.memory_space<vmem_shared>>) offsets(%dma_start3A_224 : memref<128xi32, #tpu.memory_space<vmem>>) semaphore(%arg15 : memref<!tpu.dma_semaphore, #tpu.memory_space<semaphore_mem>>) {add = true}
      %dma_start3A_228 = arith.constant 7 : i32
      %dma_start3A_229 = arith.constant 384 : i32
      %dma_start3A_230 = arith.constant 0 : i32
      %dma_start3A_231 = tpu.memref_slice %arg8[%dma_start3A_229, %dma_start3A_230] : memref<512x64xf32, #tpu.memory_space<vmem>> -> memref<128x64xf32, #tpu.memory_space<vmem>>
      %dma_start3A_232 = arith.constant 0 : i32
      %dma_start3A_233 = tpu.memref_slice %arg6[%dma_start3A_228, %dma_start3A_232] : memref<8x128xi32, #tpu.memory_space<vmem>> -> memref<1x128xi32, #tpu.memory_space<vmem>>
      %dma_start3A_234 = tpu.memref_squeeze %dma_start3A_233 : memref<1x128xi32, #tpu.memory_space<vmem>> -> memref<128xi32, #tpu.memory_space<vmem>>
      %dma_start3A_235 = arith.constant 0 : i32
      %dma_start3A_236 = arith.constant 0 : i32
      %dma_start3A_237 = tpu.memref_slice %arg10[%dma_start3A_235, %dma_start3A_236] : memref<10240x64xf32, #tpu.memory_space<vmem_shared>> -> memref<10240x64xf32, #tpu.memory_space<vmem_shared>>
      tpu.enqueue_indirect_dma source(%dma_start3A_231 : memref<128x64xf32, #tpu.memory_space<vmem>>) target(%dma_start3A_237 : memref<10240x64xf32, #tpu.memory_space<vmem_shared>>) offsets(%dma_start3A_234 : memref<128xi32, #tpu.memory_space<vmem>>) semaphore(%arg16 : memref<!tpu.dma_semaphore, #tpu.memory_space<semaphore_mem>>) {add = true}
      %dma_wait3A_238 = arith.constant 0 : i32
      %dma_wait3A_239 = arith.constant 0 : i32
      %dma_wait3A_240 = tpu.memref_slice %arg2[%dma_wait3A_238, %dma_wait3A_239] : memref<10240x64xf32, #tpu.memory_space<hbm>> -> memref<512x64xf32, #tpu.memory_space<hbm>>
      %dma_wait3A_241 = arith.constant 0 : i32
      %dma_wait3A_242 = arith.constant 0 : i32
      %dma_wait3A_243 = tpu.memref_slice %arg2[%dma_wait3A_241, %dma_wait3A_242] : memref<10240x64xf32, #tpu.memory_space<hbm>> -> memref<512x64xf32, #tpu.memory_space<hbm>>
      tpu.wait_dma2 semaphore(%arg12 : memref<!tpu.dma_semaphore, #tpu.memory_space<semaphore_mem>>) src(%dma_wait3A_243 : memref<512x64xf32, #tpu.memory_space<hbm>>) dst(%arg9 : memref<512x64xf32, #tpu.memory_space<vmem>>)
      %lt3A = arith.constant 20 : i32
      %lt3A_244 = arith.cmpi slt, %add3A_144, %lt3A : i32
      %convert_element_type3A_245 = arith.extui %lt3A_244 : i1 to i32
      %cond3A_246 = arith.constant 0 : i32
      %cond3A_247 = arith.cmpi ne, %convert_element_type3A_245, %cond3A_246 : i32
      scf.if %cond3A_247 {
        %dma_wait3A_288 = arith.constant 4 : i32
        %dma_wait3A_289 = arith.constant 0 : i32
        %dma_wait3A_290 = arith.constant 0 : i32
        %dma_wait3A_291 = tpu.memref_slice %arg8[%dma_wait3A_289, %dma_wait3A_290] : memref<512x64xf32, #tpu.memory_space<vmem>> -> memref<128x64xf32, #tpu.memory_space<vmem>>
        %dma_wait3A_292 = arith.constant 0 : i32
        %dma_wait3A_293 = tpu.memref_slice %arg6[%dma_wait3A_288, %dma_wait3A_292] : memref<8x128xi32, #tpu.memory_space<vmem>> -> memref<1x128xi32, #tpu.memory_space<vmem>>
        %dma_wait3A_294 = tpu.memref_squeeze %dma_wait3A_293 : memref<1x128xi32, #tpu.memory_space<vmem>> -> memref<128xi32, #tpu.memory_space<vmem>>
        %dma_wait3A_295 = arith.constant 0 : i32
        %dma_wait3A_296 = arith.constant 0 : i32
        %dma_wait3A_297 = tpu.memref_slice %arg10[%dma_wait3A_295, %dma_wait3A_296] : memref<10240x64xf32, #tpu.memory_space<vmem_shared>> -> memref<10240x64xf32, #tpu.memory_space<vmem_shared>>
        tpu.wait_indirect_dma semaphore(%arg13 : memref<!tpu.dma_semaphore, #tpu.memory_space<semaphore_mem>>) src(%dma_wait3A_291 : memref<128x64xf32, #tpu.memory_space<vmem>>) dst(%dma_wait3A_297 : memref<10240x64xf32, #tpu.memory_space<vmem_shared>>)
        %dma_wait3A_298 = arith.constant 5 : i32
        %dma_wait3A_299 = arith.constant 128 : i32
        %dma_wait3A_300 = arith.constant 0 : i32
        %dma_wait3A_301 = tpu.memref_slice %arg8[%dma_wait3A_299, %dma_wait3A_300] : memref<512x64xf32, #tpu.memory_space<vmem>> -> memref<128x64xf32, #tpu.memory_space<vmem>>
        %dma_wait3A_302 = arith.constant 0 : i32
        %dma_wait3A_303 = tpu.memref_slice %arg6[%dma_wait3A_298, %dma_wait3A_302] : memref<8x128xi32, #tpu.memory_space<vmem>> -> memref<1x128xi32, #tpu.memory_space<vmem>>
        %dma_wait3A_304 = tpu.memref_squeeze %dma_wait3A_303 : memref<1x128xi32, #tpu.memory_space<vmem>> -> memref<128xi32, #tpu.memory_space<vmem>>
        %dma_wait3A_305 = arith.constant 0 : i32
        %dma_wait3A_306 = arith.constant 0 : i32
        %dma_wait3A_307 = tpu.memref_slice %arg10[%dma_wait3A_305, %dma_wait3A_306] : memref<10240x64xf32, #tpu.memory_space<vmem_shared>> -> memref<10240x64xf32, #tpu.memory_space<vmem_shared>>
        tpu.wait_indirect_dma semaphore(%arg14 : memref<!tpu.dma_semaphore, #tpu.memory_space<semaphore_mem>>) src(%dma_wait3A_301 : memref<128x64xf32, #tpu.memory_space<vmem>>) dst(%dma_wait3A_307 : memref<10240x64xf32, #tpu.memory_space<vmem_shared>>)
        %dma_wait3A_308 = arith.constant 6 : i32
        %dma_wait3A_309 = arith.constant 256 : i32
        %dma_wait3A_310 = arith.constant 0 : i32
        %dma_wait3A_311 = tpu.memref_slice %arg8[%dma_wait3A_309, %dma_wait3A_310] : memref<512x64xf32, #tpu.memory_space<vmem>> -> memref<128x64xf32, #tpu.memory_space<vmem>>
        %dma_wait3A_312 = arith.constant 0 : i32
        %dma_wait3A_313 = tpu.memref_slice %arg6[%dma_wait3A_308, %dma_wait3A_312] : memref<8x128xi32, #tpu.memory_space<vmem>> -> memref<1x128xi32, #tpu.memory_space<vmem>>
        %dma_wait3A_314 = tpu.memref_squeeze %dma_wait3A_313 : memref<1x128xi32, #tpu.memory_space<vmem>> -> memref<128xi32, #tpu.memory_space<vmem>>
        %dma_wait3A_315 = arith.constant 0 : i32
        %dma_wait3A_316 = arith.constant 0 : i32
        %dma_wait3A_317 = tpu.memref_slice %arg10[%dma_wait3A_315, %dma_wait3A_316] : memref<10240x64xf32, #tpu.memory_space<vmem_shared>> -> memref<10240x64xf32, #tpu.memory_space<vmem_shared>>
        tpu.wait_indirect_dma semaphore(%arg15 : memref<!tpu.dma_semaphore, #tpu.memory_space<semaphore_mem>>) src(%dma_wait3A_311 : memref<128x64xf32, #tpu.memory_space<vmem>>) dst(%dma_wait3A_317 : memref<10240x64xf32, #tpu.memory_space<vmem_shared>>)
        %dma_wait3A_318 = arith.constant 7 : i32
        %dma_wait3A_319 = arith.constant 384 : i32
        %dma_wait3A_320 = arith.constant 0 : i32
        %dma_wait3A_321 = tpu.memref_slice %arg8[%dma_wait3A_319, %dma_wait3A_320] : memref<512x64xf32, #tpu.memory_space<vmem>> -> memref<128x64xf32, #tpu.memory_space<vmem>>
        %dma_wait3A_322 = arith.constant 0 : i32
        %dma_wait3A_323 = tpu.memref_slice %arg6[%dma_wait3A_318, %dma_wait3A_322] : memref<8x128xi32, #tpu.memory_space<vmem>> -> memref<1x128xi32, #tpu.memory_space<vmem>>
        %dma_wait3A_324 = tpu.memref_squeeze %dma_wait3A_323 : memref<1x128xi32, #tpu.memory_space<vmem>> -> memref<128xi32, #tpu.memory_space<vmem>>
        %dma_wait3A_325 = arith.constant 0 : i32
        %dma_wait3A_326 = arith.constant 0 : i32
        %dma_wait3A_327 = tpu.memref_slice %arg10[%dma_wait3A_325, %dma_wait3A_326] : memref<10240x64xf32, #tpu.memory_space<vmem_shared>> -> memref<10240x64xf32, #tpu.memory_space<vmem_shared>>
        tpu.wait_indirect_dma semaphore(%arg16 : memref<!tpu.dma_semaphore, #tpu.memory_space<semaphore_mem>>) src(%dma_wait3A_321 : memref<128x64xf32, #tpu.memory_space<vmem>>) dst(%dma_wait3A_327 : memref<10240x64xf32, #tpu.memory_space<vmem_shared>>)
        %mul3A_328 = arith.constant 2 : i32
        %mul3A_329 = arith.muli %add3A_144, %mul3A_328 : i32
        %mul3A_330 = arith.constant 4 : i32
        %mul3A_331 = arith.muli %mul3A_329, %mul3A_330 : i32
        %add3A_332 = arith.addi %mul3A_8, %mul3A_331 : i32
        "tpu.region"() ({
          %run_scoped3A = tpu.sem_alloc : memref<!tpu.dma_semaphore, #tpu.memory_space<semaphore_mem>>
          %dma_start3A_373 = arith.constant 0 : i32
          %dma_start3A_374 = tpu.memref_slice %arg3[%add3A_332, %dma_start3A_373] : memref<5120x128xi32, #tpu.memory_space<hbm>> -> memref<8x128xi32, #tpu.memory_space<hbm>>
          %dma_start3A_375 = arith.constant 0 : i32
          %dma_start3A_376 = tpu.memref_slice %arg3[%add3A_332, %dma_start3A_375] : memref<5120x128xi32, #tpu.memory_space<hbm>> -> memref<8x128xi32, #tpu.memory_space<hbm>>
          tpu.enqueue_dma source(%dma_start3A_376 : memref<8x128xi32, #tpu.memory_space<hbm>>) target(%arg6 : memref<8x128xi32, #tpu.memory_space<vmem>>) target_semaphore(%run_scoped3A : memref<!tpu.dma_semaphore, #tpu.memory_space<semaphore_mem>>)
          %dma_wait3A_377 = arith.constant 0 : i32
          %dma_wait3A_378 = tpu.memref_slice %arg3[%add3A_332, %dma_wait3A_377] : memref<5120x128xi32, #tpu.memory_space<hbm>> -> memref<8x128xi32, #tpu.memory_space<hbm>>
          %dma_wait3A_379 = arith.constant 0 : i32
          %dma_wait3A_380 = tpu.memref_slice %arg3[%add3A_332, %dma_wait3A_379] : memref<5120x128xi32, #tpu.memory_space<hbm>> -> memref<8x128xi32, #tpu.memory_space<hbm>>
          tpu.wait_dma2 semaphore(%run_scoped3A : memref<!tpu.dma_semaphore, #tpu.memory_space<semaphore_mem>>) src(%dma_wait3A_380 : memref<8x128xi32, #tpu.memory_space<hbm>>) dst(%arg6 : memref<8x128xi32, #tpu.memory_space<vmem>>)
          tpu.yield
        }) : () -> ()
        %dma_start3A_333 = arith.constant 0 : i32
        %dma_start3A_334 = arith.constant 0 : i32
        %dma_start3A_335 = arith.constant 0 : i32
        %dma_start3A_336 = tpu.memref_slice %arg8[%dma_start3A_334, %dma_start3A_335] : memref<512x64xf32, #tpu.memory_space<vmem>> -> memref<128x64xf32, #tpu.memory_space<vmem>>
        %dma_start3A_337 = arith.constant 0 : i32
        %dma_start3A_338 = tpu.memref_slice %arg6[%dma_start3A_333, %dma_start3A_337] : memref<8x128xi32, #tpu.memory_space<vmem>> -> memref<1x128xi32, #tpu.memory_space<vmem>>
        %dma_start3A_339 = tpu.memref_squeeze %dma_start3A_338 : memref<1x128xi32, #tpu.memory_space<vmem>> -> memref<128xi32, #tpu.memory_space<vmem>>
        %dma_start3A_340 = arith.constant 0 : i32
        %dma_start3A_341 = arith.constant 0 : i32
        %dma_start3A_342 = tpu.memref_slice %arg2[%dma_start3A_340, %dma_start3A_341] : memref<10240x64xf32, #tpu.memory_space<hbm>> -> memref<10240x64xf32, #tpu.memory_space<hbm>>
        tpu.enqueue_indirect_dma source(%dma_start3A_342 : memref<10240x64xf32, #tpu.memory_space<hbm>>) target(%dma_start3A_336 : memref<128x64xf32, #tpu.memory_space<vmem>>) offsets(%dma_start3A_339 : memref<128xi32, #tpu.memory_space<vmem>>) semaphore(%arg11 : memref<!tpu.dma_semaphore, #tpu.memory_space<semaphore_mem>>)
        %dma_start3A_343 = arith.constant 1 : i32
        %dma_start3A_344 = arith.constant 128 : i32
        %dma_start3A_345 = arith.constant 0 : i32
        %dma_start3A_346 = tpu.memref_slice %arg8[%dma_start3A_344, %dma_start3A_345] : memref<512x64xf32, #tpu.memory_space<vmem>> -> memref<128x64xf32, #tpu.memory_space<vmem>>
        %dma_start3A_347 = arith.constant 0 : i32
        %dma_start3A_348 = tpu.memref_slice %arg6[%dma_start3A_343, %dma_start3A_347] : memref<8x128xi32, #tpu.memory_space<vmem>> -> memref<1x128xi32, #tpu.memory_space<vmem>>
        %dma_start3A_349 = tpu.memref_squeeze %dma_start3A_348 : memref<1x128xi32, #tpu.memory_space<vmem>> -> memref<128xi32, #tpu.memory_space<vmem>>
        %dma_start3A_350 = arith.constant 0 : i32
        %dma_start3A_351 = arith.constant 0 : i32
        %dma_start3A_352 = tpu.memref_slice %arg2[%dma_start3A_350, %dma_start3A_351] : memref<10240x64xf32, #tpu.memory_space<hbm>> -> memref<10240x64xf32, #tpu.memory_space<hbm>>
        tpu.enqueue_indirect_dma source(%dma_start3A_352 : memref<10240x64xf32, #tpu.memory_space<hbm>>) target(%dma_start3A_346 : memref<128x64xf32, #tpu.memory_space<vmem>>) offsets(%dma_start3A_349 : memref<128xi32, #tpu.memory_space<vmem>>) semaphore(%arg11 : memref<!tpu.dma_semaphore, #tpu.memory_space<semaphore_mem>>)
        %dma_start3A_353 = arith.constant 2 : i32
        %dma_start3A_354 = arith.constant 256 : i32
        %dma_start3A_355 = arith.constant 0 : i32
        %dma_start3A_356 = tpu.memref_slice %arg8[%dma_start3A_354, %dma_start3A_355] : memref<512x64xf32, #tpu.memory_space<vmem>> -> memref<128x64xf32, #tpu.memory_space<vmem>>
        %dma_start3A_357 = arith.constant 0 : i32
        %dma_start3A_358 = tpu.memref_slice %arg6[%dma_start3A_353, %dma_start3A_357] : memref<8x128xi32, #tpu.memory_space<vmem>> -> memref<1x128xi32, #tpu.memory_space<vmem>>
        %dma_start3A_359 = tpu.memref_squeeze %dma_start3A_358 : memref<1x128xi32, #tpu.memory_space<vmem>> -> memref<128xi32, #tpu.memory_space<vmem>>
        %dma_start3A_360 = arith.constant 0 : i32
        %dma_start3A_361 = arith.constant 0 : i32
        %dma_start3A_362 = tpu.memref_slice %arg2[%dma_start3A_360, %dma_start3A_361] : memref<10240x64xf32, #tpu.memory_space<hbm>> -> memref<10240x64xf32, #tpu.memory_space<hbm>>
        tpu.enqueue_indirect_dma source(%dma_start3A_362 : memref<10240x64xf32, #tpu.memory_space<hbm>>) target(%dma_start3A_356 : memref<128x64xf32, #tpu.memory_space<vmem>>) offsets(%dma_start3A_359 : memref<128xi32, #tpu.memory_space<vmem>>) semaphore(%arg11 : memref<!tpu.dma_semaphore, #tpu.memory_space<semaphore_mem>>)
        %dma_start3A_363 = arith.constant 3 : i32
        %dma_start3A_364 = arith.constant 384 : i32
        %dma_start3A_365 = arith.constant 0 : i32
        %dma_start3A_366 = tpu.memref_slice %arg8[%dma_start3A_364, %dma_start3A_365] : memref<512x64xf32, #tpu.memory_space<vmem>> -> memref<128x64xf32, #tpu.memory_space<vmem>>
        %dma_start3A_367 = arith.constant 0 : i32
        %dma_start3A_368 = tpu.memref_slice %arg6[%dma_start3A_363, %dma_start3A_367] : memref<8x128xi32, #tpu.memory_space<vmem>> -> memref<1x128xi32, #tpu.memory_space<vmem>>
        %dma_start3A_369 = tpu.memref_squeeze %dma_start3A_368 : memref<1x128xi32, #tpu.memory_space<vmem>> -> memref<128xi32, #tpu.memory_space<vmem>>
        %dma_start3A_370 = arith.constant 0 : i32
        %dma_start3A_371 = arith.constant 0 : i32
        %dma_start3A_372 = tpu.memref_slice %arg2[%dma_start3A_370, %dma_start3A_371] : memref<10240x64xf32, #tpu.memory_space<hbm>> -> memref<10240x64xf32, #tpu.memory_space<hbm>>
        tpu.enqueue_indirect_dma source(%dma_start3A_372 : memref<10240x64xf32, #tpu.memory_space<hbm>>) target(%dma_start3A_366 : memref<128x64xf32, #tpu.memory_space<vmem>>) offsets(%dma_start3A_369 : memref<128xi32, #tpu.memory_space<vmem>>) semaphore(%arg11 : memref<!tpu.dma_semaphore, #tpu.memory_space<semaphore_mem>>)
      } else {
      }
      %dma_start3A_248 = arith.constant 4 : i32
      %dma_start3A_249 = arith.constant 0 : i32
      %dma_start3A_250 = arith.constant 0 : i32
      %dma_start3A_251 = tpu.memref_slice %arg9[%dma_start3A_249, %dma_start3A_250] : memref<512x64xf32, #tpu.memory_space<vmem>> -> memref<128x64xf32, #tpu.memory_space<vmem>>
      %dma_start3A_252 = arith.constant 0 : i32
      %dma_start3A_253 = tpu.memref_slice %arg7[%dma_start3A_248, %dma_start3A_252] : memref<8x128xi32, #tpu.memory_space<vmem>> -> memref<1x128xi32, #tpu.memory_space<vmem>>
      %dma_start3A_254 = tpu.memref_squeeze %dma_start3A_253 : memref<1x128xi32, #tpu.memory_space<vmem>> -> memref<128xi32, #tpu.memory_space<vmem>>
      %dma_start3A_255 = arith.constant 0 : i32
      %dma_start3A_256 = arith.constant 0 : i32
      %dma_start3A_257 = tpu.memref_slice %arg10[%dma_start3A_255, %dma_start3A_256] : memref<10240x64xf32, #tpu.memory_space<vmem_shared>> -> memref<10240x64xf32, #tpu.memory_space<vmem_shared>>
      tpu.enqueue_indirect_dma source(%dma_start3A_251 : memref<128x64xf32, #tpu.memory_space<vmem>>) target(%dma_start3A_257 : memref<10240x64xf32, #tpu.memory_space<vmem_shared>>) offsets(%dma_start3A_254 : memref<128xi32, #tpu.memory_space<vmem>>) semaphore(%arg17 : memref<!tpu.dma_semaphore, #tpu.memory_space<semaphore_mem>>) {add = true}
      %dma_start3A_258 = arith.constant 5 : i32
      %dma_start3A_259 = arith.constant 128 : i32
      %dma_start3A_260 = arith.constant 0 : i32
      %dma_start3A_261 = tpu.memref_slice %arg9[%dma_start3A_259, %dma_start3A_260] : memref<512x64xf32, #tpu.memory_space<vmem>> -> memref<128x64xf32, #tpu.memory_space<vmem>>
      %dma_start3A_262 = arith.constant 0 : i32
      %dma_start3A_263 = tpu.memref_slice %arg7[%dma_start3A_258, %dma_start3A_262] : memref<8x128xi32, #tpu.memory_space<vmem>> -> memref<1x128xi32, #tpu.memory_space<vmem>>
      %dma_start3A_264 = tpu.memref_squeeze %dma_start3A_263 : memref<1x128xi32, #tpu.memory_space<vmem>> -> memref<128xi32, #tpu.memory_space<vmem>>
      %dma_start3A_265 = arith.constant 0 : i32
      %dma_start3A_266 = arith.constant 0 : i32
      %dma_start3A_267 = tpu.memref_slice %arg10[%dma_start3A_265, %dma_start3A_266] : memref<10240x64xf32, #tpu.memory_space<vmem_shared>> -> memref<10240x64xf32, #tpu.memory_space<vmem_shared>>
      tpu.enqueue_indirect_dma source(%dma_start3A_261 : memref<128x64xf32, #tpu.memory_space<vmem>>) target(%dma_start3A_267 : memref<10240x64xf32, #tpu.memory_space<vmem_shared>>) offsets(%dma_start3A_264 : memref<128xi32, #tpu.memory_space<vmem>>) semaphore(%arg18 : memref<!tpu.dma_semaphore, #tpu.memory_space<semaphore_mem>>) {add = true}
      %dma_start3A_268 = arith.constant 6 : i32
      %dma_start3A_269 = arith.constant 256 : i32
      %dma_start3A_270 = arith.constant 0 : i32
      %dma_start3A_271 = tpu.memref_slice %arg9[%dma_start3A_269, %dma_start3A_270] : memref<512x64xf32, #tpu.memory_space<vmem>> -> memref<128x64xf32, #tpu.memory_space<vmem>>
      %dma_start3A_272 = arith.constant 0 : i32
      %dma_start3A_273 = tpu.memref_slice %arg7[%dma_start3A_268, %dma_start3A_272] : memref<8x128xi32, #tpu.memory_space<vmem>> -> memref<1x128xi32, #tpu.memory_space<vmem>>
      %dma_start3A_274 = tpu.memref_squeeze %dma_start3A_273 : memref<1x128xi32, #tpu.memory_space<vmem>> -> memref<128xi32, #tpu.memory_space<vmem>>
      %dma_start3A_275 = arith.constant 0 : i32
      %dma_start3A_276 = arith.constant 0 : i32
      %dma_start3A_277 = tpu.memref_slice %arg10[%dma_start3A_275, %dma_start3A_276] : memref<10240x64xf32, #tpu.memory_space<vmem_shared>> -> memref<10240x64xf32, #tpu.memory_space<vmem_shared>>
      tpu.enqueue_indirect_dma source(%dma_start3A_271 : memref<128x64xf32, #tpu.memory_space<vmem>>) target(%dma_start3A_277 : memref<10240x64xf32, #tpu.memory_space<vmem_shared>>) offsets(%dma_start3A_274 : memref<128xi32, #tpu.memory_space<vmem>>) semaphore(%arg19 : memref<!tpu.dma_semaphore, #tpu.memory_space<semaphore_mem>>) {add = true}
      %dma_start3A_278 = arith.constant 7 : i32
      %dma_start3A_279 = arith.constant 384 : i32
      %dma_start3A_280 = arith.constant 0 : i32
      %dma_start3A_281 = tpu.memref_slice %arg9[%dma_start3A_279, %dma_start3A_280] : memref<512x64xf32, #tpu.memory_space<vmem>> -> memref<128x64xf32, #tpu.memory_space<vmem>>
      %dma_start3A_282 = arith.constant 0 : i32
      %dma_start3A_283 = tpu.memref_slice %arg7[%dma_start3A_278, %dma_start3A_282] : memref<8x128xi32, #tpu.memory_space<vmem>> -> memref<1x128xi32, #tpu.memory_space<vmem>>
      %dma_start3A_284 = tpu.memref_squeeze %dma_start3A_283 : memref<1x128xi32, #tpu.memory_space<vmem>> -> memref<128xi32, #tpu.memory_space<vmem>>
      %dma_start3A_285 = arith.constant 0 : i32
      %dma_start3A_286 = arith.constant 0 : i32
      %dma_start3A_287 = tpu.memref_slice %arg10[%dma_start3A_285, %dma_start3A_286] : memref<10240x64xf32, #tpu.memory_space<vmem_shared>> -> memref<10240x64xf32, #tpu.memory_space<vmem_shared>>
      tpu.enqueue_indirect_dma source(%dma_start3A_281 : memref<128x64xf32, #tpu.memory_space<vmem>>) target(%dma_start3A_287 : memref<10240x64xf32, #tpu.memory_space<vmem_shared>>) offsets(%dma_start3A_284 : memref<128xi32, #tpu.memory_space<vmem>>) semaphore(%arg20 : memref<!tpu.dma_semaphore, #tpu.memory_space<semaphore_mem>>) {add = true}
    }
    %scan3A_51 = arith.constant 10 : i32
    %dma_wait3A = arith.constant 4 : i32
    %dma_wait3A_52 = arith.constant 0 : i32
    %dma_wait3A_53 = arith.constant 0 : i32
    %dma_wait3A_54 = tpu.memref_slice %arg8[%dma_wait3A_52, %dma_wait3A_53] : memref<512x64xf32, #tpu.memory_space<vmem>> -> memref<128x64xf32, #tpu.memory_space<vmem>>
    %dma_wait3A_55 = arith.constant 0 : i32
    %dma_wait3A_56 = tpu.memref_slice %arg6[%dma_wait3A, %dma_wait3A_55] : memref<8x128xi32, #tpu.memory_space<vmem>> -> memref<1x128xi32, #tpu.memory_space<vmem>>
    %dma_wait3A_57 = tpu.memref_squeeze %dma_wait3A_56 : memref<1x128xi32, #tpu.memory_space<vmem>> -> memref<128xi32, #tpu.memory_space<vmem>>
    %dma_wait3A_58 = arith.constant 0 : i32
    %dma_wait3A_59 = arith.constant 0 : i32
    %dma_wait3A_60 = tpu.memref_slice %arg10[%dma_wait3A_58, %dma_wait3A_59] : memref<10240x64xf32, #tpu.memory_space<vmem_shared>> -> memref<10240x64xf32, #tpu.memory_space<vmem_shared>>
    tpu.wait_indirect_dma semaphore(%arg13 : memref<!tpu.dma_semaphore, #tpu.memory_space<semaphore_mem>>) src(%dma_wait3A_54 : memref<128x64xf32, #tpu.memory_space<vmem>>) dst(%dma_wait3A_60 : memref<10240x64xf32, #tpu.memory_space<vmem_shared>>)
    %dma_wait3A_61 = arith.constant 5 : i32
    %dma_wait3A_62 = arith.constant 128 : i32
    %dma_wait3A_63 = arith.constant 0 : i32
    %dma_wait3A_64 = tpu.memref_slice %arg8[%dma_wait3A_62, %dma_wait3A_63] : memref<512x64xf32, #tpu.memory_space<vmem>> -> memref<128x64xf32, #tpu.memory_space<vmem>>
    %dma_wait3A_65 = arith.constant 0 : i32
    %dma_wait3A_66 = tpu.memref_slice %arg6[%dma_wait3A_61, %dma_wait3A_65] : memref<8x128xi32, #tpu.memory_space<vmem>> -> memref<1x128xi32, #tpu.memory_space<vmem>>
    %dma_wait3A_67 = tpu.memref_squeeze %dma_wait3A_66 : memref<1x128xi32, #tpu.memory_space<vmem>> -> memref<128xi32, #tpu.memory_space<vmem>>
    %dma_wait3A_68 = arith.constant 0 : i32
    %dma_wait3A_69 = arith.constant 0 : i32
    %dma_wait3A_70 = tpu.memref_slice %arg10[%dma_wait3A_68, %dma_wait3A_69] : memref<10240x64xf32, #tpu.memory_space<vmem_shared>> -> memref<10240x64xf32, #tpu.memory_space<vmem_shared>>
    tpu.wait_indirect_dma semaphore(%arg14 : memref<!tpu.dma_semaphore, #tpu.memory_space<semaphore_mem>>) src(%dma_wait3A_64 : memref<128x64xf32, #tpu.memory_space<vmem>>) dst(%dma_wait3A_70 : memref<10240x64xf32, #tpu.memory_space<vmem_shared>>)
    %dma_wait3A_71 = arith.constant 6 : i32
    %dma_wait3A_72 = arith.constant 256 : i32
    %dma_wait3A_73 = arith.constant 0 : i32
    %dma_wait3A_74 = tpu.memref_slice %arg8[%dma_wait3A_72, %dma_wait3A_73] : memref<512x64xf32, #tpu.memory_space<vmem>> -> memref<128x64xf32, #tpu.memory_space<vmem>>
    %dma_wait3A_75 = arith.constant 0 : i32
    %dma_wait3A_76 = tpu.memref_slice %arg6[%dma_wait3A_71, %dma_wait3A_75] : memref<8x128xi32, #tpu.memory_space<vmem>> -> memref<1x128xi32, #tpu.memory_space<vmem>>
    %dma_wait3A_77 = tpu.memref_squeeze %dma_wait3A_76 : memref<1x128xi32, #tpu.memory_space<vmem>> -> memref<128xi32, #tpu.memory_space<vmem>>
    %dma_wait3A_78 = arith.constant 0 : i32
    %dma_wait3A_79 = arith.constant 0 : i32
    %dma_wait3A_80 = tpu.memref_slice %arg10[%dma_wait3A_78, %dma_wait3A_79] : memref<10240x64xf32, #tpu.memory_space<vmem_shared>> -> memref<10240x64xf32, #tpu.memory_space<vmem_shared>>
    tpu.wait_indirect_dma semaphore(%arg15 : memref<!tpu.dma_semaphore, #tpu.memory_space<semaphore_mem>>) src(%dma_wait3A_74 : memref<128x64xf32, #tpu.memory_space<vmem>>) dst(%dma_wait3A_80 : memref<10240x64xf32, #tpu.memory_space<vmem_shared>>)
    %dma_wait3A_81 = arith.constant 7 : i32
    %dma_wait3A_82 = arith.constant 384 : i32
    %dma_wait3A_83 = arith.constant 0 : i32
    %dma_wait3A_84 = tpu.memref_slice %arg8[%dma_wait3A_82, %dma_wait3A_83] : memref<512x64xf32, #tpu.memory_space<vmem>> -> memref<128x64xf32, #tpu.memory_space<vmem>>
    %dma_wait3A_85 = arith.constant 0 : i32
    %dma_wait3A_86 = tpu.memref_slice %arg6[%dma_wait3A_81, %dma_wait3A_85] : memref<8x128xi32, #tpu.memory_space<vmem>> -> memref<1x128xi32, #tpu.memory_space<vmem>>
    %dma_wait3A_87 = tpu.memref_squeeze %dma_wait3A_86 : memref<1x128xi32, #tpu.memory_space<vmem>> -> memref<128xi32, #tpu.memory_space<vmem>>
    %dma_wait3A_88 = arith.constant 0 : i32
    %dma_wait3A_89 = arith.constant 0 : i32
    %dma_wait3A_90 = tpu.memref_slice %arg10[%dma_wait3A_88, %dma_wait3A_89] : memref<10240x64xf32, #tpu.memory_space<vmem_shared>> -> memref<10240x64xf32, #tpu.memory_space<vmem_shared>>
    tpu.wait_indirect_dma semaphore(%arg16 : memref<!tpu.dma_semaphore, #tpu.memory_space<semaphore_mem>>) src(%dma_wait3A_84 : memref<128x64xf32, #tpu.memory_space<vmem>>) dst(%dma_wait3A_90 : memref<10240x64xf32, #tpu.memory_space<vmem_shared>>)
    %dma_wait3A_91 = arith.constant 4 : i32
    %dma_wait3A_92 = arith.constant 0 : i32
    %dma_wait3A_93 = arith.constant 0 : i32
    %dma_wait3A_94 = tpu.memref_slice %arg9[%dma_wait3A_92, %dma_wait3A_93] : memref<512x64xf32, #tpu.memory_space<vmem>> -> memref<128x64xf32, #tpu.memory_space<vmem>>
    %dma_wait3A_95 = arith.constant 0 : i32
    %dma_wait3A_96 = tpu.memref_slice %arg7[%dma_wait3A_91, %dma_wait3A_95] : memref<8x128xi32, #tpu.memory_space<vmem>> -> memref<1x128xi32, #tpu.memory_space<vmem>>
    %dma_wait3A_97 = tpu.memref_squeeze %dma_wait3A_96 : memref<1x128xi32, #tpu.memory_space<vmem>> -> memref<128xi32, #tpu.memory_space<vmem>>
    %dma_wait3A_98 = arith.constant 0 : i32
    %dma_wait3A_99 = arith.constant 0 : i32
    %dma_wait3A_100 = tpu.memref_slice %arg10[%dma_wait3A_98, %dma_wait3A_99] : memref<10240x64xf32, #tpu.memory_space<vmem_shared>> -> memref<10240x64xf32, #tpu.memory_space<vmem_shared>>
    tpu.wait_indirect_dma semaphore(%arg17 : memref<!tpu.dma_semaphore, #tpu.memory_space<semaphore_mem>>) src(%dma_wait3A_94 : memref<128x64xf32, #tpu.memory_space<vmem>>) dst(%dma_wait3A_100 : memref<10240x64xf32, #tpu.memory_space<vmem_shared>>)
    %dma_wait3A_101 = arith.constant 5 : i32
    %dma_wait3A_102 = arith.constant 128 : i32
    %dma_wait3A_103 = arith.constant 0 : i32
    %dma_wait3A_104 = tpu.memref_slice %arg9[%dma_wait3A_102, %dma_wait3A_103] : memref<512x64xf32, #tpu.memory_space<vmem>> -> memref<128x64xf32, #tpu.memory_space<vmem>>
    %dma_wait3A_105 = arith.constant 0 : i32
    %dma_wait3A_106 = tpu.memref_slice %arg7[%dma_wait3A_101, %dma_wait3A_105] : memref<8x128xi32, #tpu.memory_space<vmem>> -> memref<1x128xi32, #tpu.memory_space<vmem>>
    %dma_wait3A_107 = tpu.memref_squeeze %dma_wait3A_106 : memref<1x128xi32, #tpu.memory_space<vmem>> -> memref<128xi32, #tpu.memory_space<vmem>>
    %dma_wait3A_108 = arith.constant 0 : i32
    %dma_wait3A_109 = arith.constant 0 : i32
    %dma_wait3A_110 = tpu.memref_slice %arg10[%dma_wait3A_108, %dma_wait3A_109] : memref<10240x64xf32, #tpu.memory_space<vmem_shared>> -> memref<10240x64xf32, #tpu.memory_space<vmem_shared>>
    tpu.wait_indirect_dma semaphore(%arg18 : memref<!tpu.dma_semaphore, #tpu.memory_space<semaphore_mem>>) src(%dma_wait3A_104 : memref<128x64xf32, #tpu.memory_space<vmem>>) dst(%dma_wait3A_110 : memref<10240x64xf32, #tpu.memory_space<vmem_shared>>)
    %dma_wait3A_111 = arith.constant 6 : i32
    %dma_wait3A_112 = arith.constant 256 : i32
    %dma_wait3A_113 = arith.constant 0 : i32
    %dma_wait3A_114 = tpu.memref_slice %arg9[%dma_wait3A_112, %dma_wait3A_113] : memref<512x64xf32, #tpu.memory_space<vmem>> -> memref<128x64xf32, #tpu.memory_space<vmem>>
    %dma_wait3A_115 = arith.constant 0 : i32
    %dma_wait3A_116 = tpu.memref_slice %arg7[%dma_wait3A_111, %dma_wait3A_115] : memref<8x128xi32, #tpu.memory_space<vmem>> -> memref<1x128xi32, #tpu.memory_space<vmem>>
    %dma_wait3A_117 = tpu.memref_squeeze %dma_wait3A_116 : memref<1x128xi32, #tpu.memory_space<vmem>> -> memref<128xi32, #tpu.memory_space<vmem>>
    %dma_wait3A_118 = arith.constant 0 : i32
    %dma_wait3A_119 = arith.constant 0 : i32
    %dma_wait3A_120 = tpu.memref_slice %arg10[%dma_wait3A_118, %dma_wait3A_119] : memref<10240x64xf32, #tpu.memory_space<vmem_shared>> -> memref<10240x64xf32, #tpu.memory_space<vmem_shared>>
    tpu.wait_indirect_dma semaphore(%arg19 : memref<!tpu.dma_semaphore, #tpu.memory_space<semaphore_mem>>) src(%dma_wait3A_114 : memref<128x64xf32, #tpu.memory_space<vmem>>) dst(%dma_wait3A_120 : memref<10240x64xf32, #tpu.memory_space<vmem_shared>>)
    %dma_wait3A_121 = arith.constant 7 : i32
    %dma_wait3A_122 = arith.constant 384 : i32
    %dma_wait3A_123 = arith.constant 0 : i32
    %dma_wait3A_124 = tpu.memref_slice %arg9[%dma_wait3A_122, %dma_wait3A_123] : memref<512x64xf32, #tpu.memory_space<vmem>> -> memref<128x64xf32, #tpu.memory_space<vmem>>
    %dma_wait3A_125 = arith.constant 0 : i32
    %dma_wait3A_126 = tpu.memref_slice %arg7[%dma_wait3A_121, %dma_wait3A_125] : memref<8x128xi32, #tpu.memory_space<vmem>> -> memref<1x128xi32, #tpu.memory_space<vmem>>
    %dma_wait3A_127 = tpu.memref_squeeze %dma_wait3A_126 : memref<1x128xi32, #tpu.memory_space<vmem>> -> memref<128xi32, #tpu.memory_space<vmem>>
    %dma_wait3A_128 = arith.constant 0 : i32
    %dma_wait3A_129 = arith.constant 0 : i32
    %dma_wait3A_130 = tpu.memref_slice %arg10[%dma_wait3A_128, %dma_wait3A_129] : memref<10240x64xf32, #tpu.memory_space<vmem_shared>> -> memref<10240x64xf32, #tpu.memory_space<vmem_shared>>
    tpu.wait_indirect_dma semaphore(%arg20 : memref<!tpu.dma_semaphore, #tpu.memory_space<semaphore_mem>>) src(%dma_wait3A_124 : memref<128x64xf32, #tpu.memory_space<vmem>>) dst(%dma_wait3A_130 : memref<10240x64xf32, #tpu.memory_space<vmem_shared>>)
    %barrier3A_131 = arith.constant 0 : index
    tpu.barrier barrier_id(%barrier3A_131)
    "tpu.region"() ({
      %run_scoped3A = tpu.sem_alloc : memref<!tpu.dma_semaphore, #tpu.memory_space<semaphore_mem>>
      %dma_start3A_132 = arith.constant 0 : i32
      %dma_start3A_133 = arith.constant 0 : i32
      %dma_start3A_134 = tpu.memref_slice %arg5[%arg0, %dma_start3A_132, %dma_start3A_133] : memref<2x10240x64xf32, #tpu.memory_space<hbm>> -> memref<1x10240x64xf32, #tpu.memory_space<hbm>>
      %dma_start3A_135 = tpu.memref_squeeze %dma_start3A_134 : memref<1x10240x64xf32, #tpu.memory_space<hbm>> -> memref<10240x64xf32, #tpu.memory_space<hbm>>
      %dma_start3A_136 = arith.constant 0 : i32
      %dma_start3A_137 = tpu.memref_slice %dma_start3A_135[%mul3A_2, %dma_start3A_136] : memref<10240x64xf32, #tpu.memory_space<hbm>> -> memref<640x64xf32, #tpu.memory_space<hbm>>
      %dma_start3A_138 = arith.constant 0 : i32
      %dma_start3A_139 = tpu.memref_slice %arg10[%mul3A_2, %dma_start3A_138] : memref<10240x64xf32, #tpu.memory_space<vmem_shared>> -> memref<640x64xf32, #tpu.memory_space<vmem_shared>>
      tpu.enqueue_dma source(%dma_start3A_139 : memref<640x64xf32, #tpu.memory_space<vmem_shared>>) target(%dma_start3A_137 : memref<640x64xf32, #tpu.memory_space<hbm>>) target_semaphore(%run_scoped3A : memref<!tpu.dma_semaphore, #tpu.memory_space<semaphore_mem>>)
      %dma_wait3A_140 = arith.constant 0 : i32
      %dma_wait3A_141 = arith.constant 0 : i32
      %dma_wait3A_142 = tpu.memref_slice %arg5[%arg0, %dma_wait3A_140, %dma_wait3A_141] : memref<2x10240x64xf32, #tpu.memory_space<hbm>> -> memref<1x10240x64xf32, #tpu.memory_space<hbm>>
      %dma_wait3A_143 = tpu.memref_squeeze %dma_wait3A_142 : memref<1x10240x64xf32, #tpu.memory_space<hbm>> -> memref<10240x64xf32, #tpu.memory_space<hbm>>
      %dma_wait3A_144 = arith.constant 0 : i32
      %dma_wait3A_145 = tpu.memref_slice %dma_wait3A_143[%mul3A_2, %dma_wait3A_144] : memref<10240x64xf32, #tpu.memory_space<hbm>> -> memref<640x64xf32, #tpu.memory_space<hbm>>
      %dma_wait3A_146 = arith.constant 0 : i32
      %dma_wait3A_147 = tpu.memref_slice %arg10[%mul3A_2, %dma_wait3A_146] : memref<10240x64xf32, #tpu.memory_space<vmem_shared>> -> memref<640x64xf32, #tpu.memory_space<vmem_shared>>
      tpu.wait_dma2 semaphore(%run_scoped3A : memref<!tpu.dma_semaphore, #tpu.memory_space<semaphore_mem>>) src(%dma_wait3A_147 : memref<640x64xf32, #tpu.memory_space<vmem_shared>>) dst(%dma_wait3A_145 : memref<640x64xf32, #tpu.memory_space<hbm>>)
      tpu.yield
    }) : () -> ()
    return
  }
}

#map = affine_map<(d0, d1) -> (0, 0)>
#map1 = affine_map<(d0, d1) -> (0, 0, 0)>
module attributes {stable_mosaic.version = 14 : i64} {
  func.func @segsum(%arg0: i32, %arg1: i32, %arg2: memref<10240x64xf32, #tpu.memory_space<hbm>>, %arg3: memref<5120x128xi32, #tpu.memory_space<hbm>>, %arg4: memref<640x64xf32, #tpu.memory_space<hbm>>, %arg5: memref<2x10240x64xf32, #tpu.memory_space<hbm>>, %arg6: memref<8x128xi32, #tpu.memory_space<vmem>>, %arg7: memref<8x128xi32, #tpu.memory_space<vmem>>, %arg8: memref<512x64xf32, #tpu.memory_space<vmem>>, %arg9: memref<512x64xf32, #tpu.memory_space<vmem>>, %arg10: memref<10240x64xf32, #tpu.memory_space<vmem_shared>>, %arg11: memref<!tpu.dma_semaphore, #tpu.memory_space<semaphore_mem>>, %arg12: memref<!tpu.dma_semaphore, #tpu.memory_space<semaphore_mem>>, %arg13: memref<!tpu.dma_semaphore, #tpu.memory_space<semaphore_mem>>, %arg14: memref<!tpu.dma_semaphore, #tpu.memory_space<semaphore_mem>>, %arg15: memref<!tpu.dma_semaphore, #tpu.memory_space<semaphore_mem>>, %arg16: memref<!tpu.dma_semaphore, #tpu.memory_space<semaphore_mem>>, %arg17: memref<!tpu.dma_semaphore, #tpu.memory_space<semaphore_mem>>, %arg18: memref<!tpu.dma_semaphore, #tpu.memory_space<semaphore_mem>>, %arg19: memref<!tpu.dma_semaphore, #tpu.memory_space<semaphore_mem>>, %arg20: memref<!tpu.dma_semaphore, #tpu.memory_space<semaphore_mem>>) attributes {dimension_semantics = [#tpu.dimension_semantics<core_parallel>, #tpu.dimension_semantics<subcore_parallel>], iteration_bounds = array<i64: 2, 16>, scalar_prefetch = 0 : i64, scratch_operands = 15 : i64, tpu.core_type = #tpu.core_type<sc_vector_subcore>, window_params = [{transform_indices = #map}, {transform_indices = #map}, {transform_indices = #map}, {transform_indices = #map1}]} {
    %mul3A = arith.constant 16 : i32
    %mul3A_0 = arith.muli %arg0, %mul3A : i32
    %add3A = arith.addi %mul3A_0, %arg1 : i32
    %mul3A_1 = arith.constant 640 : i32
    %mul3A_2 = arith.muli %arg1, %mul3A_1 : i32
    %mul3A_3 = arith.constant 20 : i32
    %mul3A_4 = arith.muli %add3A, %mul3A_3 : i32
    %mul3A_5 = arith.constant 2 : i32
    %mul3A_6 = arith.muli %mul3A_4, %mul3A_5 : i32
    %mul3A_7 = arith.constant 4 : i32
    %mul3A_8 = arith.muli %mul3A_6, %mul3A_7 : i32
    "tpu.region"() ({
      %run_scoped3A = tpu.sem_alloc : memref<!tpu.dma_semaphore, #tpu.memory_space<semaphore_mem>>
      %dma_start3A_132 = arith.constant 0 : i32
      %dma_start3A_133 = tpu.memref_slice %arg3[%mul3A_8, %dma_start3A_132] : memref<5120x128xi32, #tpu.memory_space<hbm>> -> memref<8x128xi32, #tpu.memory_space<hbm>>
      %dma_start3A_134 = arith.constant 0 : i32
      %dma_start3A_135 = tpu.memref_slice %arg3[%mul3A_8, %dma_start3A_134] : memref<5120x128xi32, #tpu.memory_space<hbm>> -> memref<8x128xi32, #tpu.memory_space<hbm>>
      tpu.enqueue_dma source(%dma_start3A_135 : memref<8x128xi32, #tpu.memory_space<hbm>>) target(%arg6 : memref<8x128xi32, #tpu.memory_space<vmem>>) target_semaphore(%run_scoped3A : memref<!tpu.dma_semaphore, #tpu.memory_space<semaphore_mem>>)
      %dma_wait3A_136 = arith.constant 0 : i32
      %dma_wait3A_137 = tpu.memref_slice %arg3[%mul3A_8, %dma_wait3A_136] : memref<5120x128xi32, #tpu.memory_space<hbm>> -> memref<8x128xi32, #tpu.memory_space<hbm>>
      %dma_wait3A_138 = arith.constant 0 : i32
      %dma_wait3A_139 = tpu.memref_slice %arg3[%mul3A_8, %dma_wait3A_138] : memref<5120x128xi32, #tpu.memory_space<hbm>> -> memref<8x128xi32, #tpu.memory_space<hbm>>
      tpu.wait_dma2 semaphore(%run_scoped3A : memref<!tpu.dma_semaphore, #tpu.memory_space<semaphore_mem>>) src(%dma_wait3A_139 : memref<8x128xi32, #tpu.memory_space<hbm>>) dst(%arg6 : memref<8x128xi32, #tpu.memory_space<vmem>>)
      tpu.yield
    }) : () -> ()
    %dma_start3A = arith.constant 0 : i32
    %dma_start3A_9 = arith.constant 0 : i32
    %dma_start3A_10 = arith.constant 0 : i32
    %dma_start3A_11 = tpu.memref_slice %arg8[%dma_start3A_9, %dma_start3A_10] : memref<512x64xf32, #tpu.memory_space<vmem>> -> memref<128x64xf32, #tpu.memory_space<vmem>>
    %dma_start3A_12 = arith.constant 0 : i32
    %dma_start3A_13 = tpu.memref_slice %arg6[%dma_start3A, %dma_start3A_12] : memref<8x128xi32, #tpu.memory_space<vmem>> -> memref<1x128xi32, #tpu.memory_space<vmem>>
    %dma_start3A_14 = tpu.memref_squeeze %dma_start3A_13 : memref<1x128xi32, #tpu.memory_space<vmem>> -> memref<128xi32, #tpu.memory_space<vmem>>
    %dma_start3A_15 = arith.constant 0 : i32
    %dma_start3A_16 = arith.constant 0 : i32
    %dma_start3A_17 = tpu.memref_slice %arg2[%dma_start3A_15, %dma_start3A_16] : memref<10240x64xf32, #tpu.memory_space<hbm>> -> memref<10240x64xf32, #tpu.memory_space<hbm>>
    tpu.enqueue_indirect_dma source(%dma_start3A_17 : memref<10240x64xf32, #tpu.memory_space<hbm>>) target(%dma_start3A_11 : memref<128x64xf32, #tpu.memory_space<vmem>>) offsets(%dma_start3A_14 : memref<128xi32, #tpu.memory_space<vmem>>) semaphore(%arg11 : memref<!tpu.dma_semaphore, #tpu.memory_space<semaphore_mem>>)
    %dma_start3A_18 = arith.constant 1 : i32
    %dma_start3A_19 = arith.constant 128 : i32
    %dma_start3A_20 = arith.constant 0 : i32
    %dma_start3A_21 = tpu.memref_slice %arg8[%dma_start3A_19, %dma_start3A_20] : memref<512x64xf32, #tpu.memory_space<vmem>> -> memref<128x64xf32, #tpu.memory_space<vmem>>
    %dma_start3A_22 = arith.constant 0 : i32
    %dma_start3A_23 = tpu.memref_slice %arg6[%dma_start3A_18, %dma_start3A_22] : memref<8x128xi32, #tpu.memory_space<vmem>> -> memref<1x128xi32, #tpu.memory_space<vmem>>
    %dma_start3A_24 = tpu.memref_squeeze %dma_start3A_23 : memref<1x128xi32, #tpu.memory_space<vmem>> -> memref<128xi32, #tpu.memory_space<vmem>>
    %dma_start3A_25 = arith.constant 0 : i32
    %dma_start3A_26 = arith.constant 0 : i32
    %dma_start3A_27 = tpu.memref_slice %arg2[%dma_start3A_25, %dma_start3A_26] : memref<10240x64xf32, #tpu.memory_space<hbm>> -> memref<10240x64xf32, #tpu.memory_space<hbm>>
    tpu.enqueue_indirect_dma source(%dma_start3A_27 : memref<10240x64xf32, #tpu.memory_space<hbm>>) target(%dma_start3A_21 : memref<128x64xf32, #tpu.memory_space<vmem>>) offsets(%dma_start3A_24 : memref<128xi32, #tpu.memory_space<vmem>>) semaphore(%arg11 : memref<!tpu.dma_semaphore, #tpu.memory_space<semaphore_mem>>)
    %dma_start3A_28 = arith.constant 2 : i32
    %dma_start3A_29 = arith.constant 256 : i32
    %dma_start3A_30 = arith.constant 0 : i32
    %dma_start3A_31 = tpu.memref_slice %arg8[%dma_start3A_29, %dma_start3A_30] : memref<512x64xf32, #tpu.memory_space<vmem>> -> memref<128x64xf32, #tpu.memory_space<vmem>>
    %dma_start3A_32 = arith.constant 0 : i32
    %dma_start3A_33 = tpu.memref_slice %arg6[%dma_start3A_28, %dma_start3A_32] : memref<8x128xi32, #tpu.memory_space<vmem>> -> memref<1x128xi32, #tpu.memory_space<vmem>>
    %dma_start3A_34 = tpu.memref_squeeze %dma_start3A_33 : memref<1x128xi32, #tpu.memory_space<vmem>> -> memref<128xi32, #tpu.memory_space<vmem>>
    %dma_start3A_35 = arith.constant 0 : i32
    %dma_start3A_36 = arith.constant 0 : i32
    %dma_start3A_37 = tpu.memref_slice %arg2[%dma_start3A_35, %dma_start3A_36] : memref<10240x64xf32, #tpu.memory_space<hbm>> -> memref<10240x64xf32, #tpu.memory_space<hbm>>
    tpu.enqueue_indirect_dma source(%dma_start3A_37 : memref<10240x64xf32, #tpu.memory_space<hbm>>) target(%dma_start3A_31 : memref<128x64xf32, #tpu.memory_space<vmem>>) offsets(%dma_start3A_34 : memref<128xi32, #tpu.memory_space<vmem>>) semaphore(%arg11 : memref<!tpu.dma_semaphore, #tpu.memory_space<semaphore_mem>>)
    %dma_start3A_38 = arith.constant 3 : i32
    %dma_start3A_39 = arith.constant 384 : i32
    %dma_start3A_40 = arith.constant 0 : i32
    %dma_start3A_41 = tpu.memref_slice %arg8[%dma_start3A_39, %dma_start3A_40] : memref<512x64xf32, #tpu.memory_space<vmem>> -> memref<128x64xf32, #tpu.memory_space<vmem>>
    %dma_start3A_42 = arith.constant 0 : i32
    %dma_start3A_43 = tpu.memref_slice %arg6[%dma_start3A_38, %dma_start3A_42] : memref<8x128xi32, #tpu.memory_space<vmem>> -> memref<1x128xi32, #tpu.memory_space<vmem>>
    %dma_start3A_44 = tpu.memref_squeeze %dma_start3A_43 : memref<1x128xi32, #tpu.memory_space<vmem>> -> memref<128xi32, #tpu.memory_space<vmem>>
    %dma_start3A_45 = arith.constant 0 : i32
    %dma_start3A_46 = arith.constant 0 : i32
    %dma_start3A_47 = tpu.memref_slice %arg2[%dma_start3A_45, %dma_start3A_46] : memref<10240x64xf32, #tpu.memory_space<hbm>> -> memref<10240x64xf32, #tpu.memory_space<hbm>>
    tpu.enqueue_indirect_dma source(%dma_start3A_47 : memref<10240x64xf32, #tpu.memory_space<hbm>>) target(%dma_start3A_41 : memref<128x64xf32, #tpu.memory_space<vmem>>) offsets(%dma_start3A_44 : memref<128xi32, #tpu.memory_space<vmem>>) semaphore(%arg11 : memref<!tpu.dma_semaphore, #tpu.memory_space<semaphore_mem>>)
    "tpu.region"() ({
      %run_scoped3A = tpu.sem_alloc : memref<!tpu.dma_semaphore, #tpu.memory_space<semaphore_mem>>
      %dma_start3A_132 = arith.constant 0 : i32
      %dma_start3A_133 = tpu.memref_slice %arg10[%mul3A_2, %dma_start3A_132] : memref<10240x64xf32, #tpu.memory_space<vmem_shared>> -> memref<640x64xf32, #tpu.memory_space<vmem_shared>>
      tpu.enqueue_dma source(%arg4 : memref<640x64xf32, #tpu.memory_space<hbm>>) target(%dma_start3A_133 : memref<640x64xf32, #tpu.memory_space<vmem_shared>>) target_semaphore(%run_scoped3A : memref<!tpu.dma_semaphore, #tpu.memory_space<semaphore_mem>>)
      %dma_wait3A_134 = arith.constant 0 : i32
      %dma_wait3A_135 = tpu.memref_slice %arg10[%mul3A_2, %dma_wait3A_134] : memref<10240x64xf32, #tpu.memory_space<vmem_shared>> -> memref<640x64xf32, #tpu.memory_space<vmem_shared>>
      tpu.wait_dma2 semaphore(%run_scoped3A : memref<!tpu.dma_semaphore, #tpu.memory_space<semaphore_mem>>) src(%arg4 : memref<640x64xf32, #tpu.memory_space<hbm>>) dst(%dma_wait3A_135 : memref<640x64xf32, #tpu.memory_space<vmem_shared>>)
      tpu.yield
    }) : () -> ()
    %barrier3A = arith.constant 0 : index
    tpu.barrier barrier_id(%barrier3A)
    %scan3A = arith.constant 0 : i32
    %scan3A_48 = arith.constant 10 : i32
    %scan3A_49 = arith.addi %scan3A, %scan3A_48 : i32
    %scan3A_50 = arith.constant 1 : i32
    scf.for %scan3A_132 = %scan3A to %scan3A_49 step %scan3A_50  : i32 {
      %mul3A_133 = arith.constant 1 : i32
      %mul3A_134 = arith.muli %scan3A_132, %mul3A_133 : i32
      %add3A_135 = arith.constant 0 : i32
      %add3A_136 = arith.addi %add3A_135, %mul3A_134 : i32
      %mul3A_137 = arith.constant 2 : i32
      %mul3A_138 = arith.muli %mul3A_137, %add3A_136 : i32
      %add3A_139 = arith.constant 1 : i32
      %add3A_140 = arith.addi %mul3A_138, %add3A_139 : i32
      %mul3A_141 = arith.constant 2 : i32
      %mul3A_142 = arith.muli %mul3A_141, %add3A_136 : i32
      %add3A_143 = arith.constant 2 : i32
      %add3A_144 = arith.addi %mul3A_142, %add3A_143 : i32
      %dma_wait3A_145 = arith.constant 0 : i32
      %dma_wait3A_146 = arith.constant 0 : i32
      %dma_wait3A_147 = tpu.memref_slice %arg2[%dma_wait3A_145, %dma_wait3A_146] : memref<10240x64xf32, #tpu.memory_space<hbm>> -> memref<512x64xf32, #tpu.memory_space<hbm>>
      %dma_wait3A_148 = arith.constant 0 : i32
      %dma_wait3A_149 = arith.constant 0 : i32
      %dma_wait3A_150 = tpu.memref_slice %arg2[%dma_wait3A_148, %dma_wait3A_149] : memref<10240x64xf32, #tpu.memory_space<hbm>> -> memref<512x64xf32, #tpu.memory_space<hbm>>
      tpu.wait_dma2 semaphore(%arg11 : memref<!tpu.dma_semaphore, #tpu.memory_space<semaphore_mem>>) src(%dma_wait3A_150 : memref<512x64xf32, #tpu.memory_space<hbm>>) dst(%arg8 : memref<512x64xf32, #tpu.memory_space<vmem>>)
      %gt3A = arith.constant 0 : i32
      %gt3A_151 = arith.cmpi sgt, %add3A_136, %gt3A : i32
      %convert_element_type3A = arith.extui %gt3A_151 : i1 to i32
      %cond3A = arith.constant 0 : i32
      %cond3A_152 = arith.cmpi ne, %convert_element_type3A, %cond3A : i32
      scf.if %cond3A_152 {
        %dma_wait3A_288 = arith.constant 4 : i32
        %dma_wait3A_289 = arith.constant 0 : i32
        %dma_wait3A_290 = arith.constant 0 : i32
        %dma_wait3A_291 = tpu.memref_slice %arg9[%dma_wait3A_289, %dma_wait3A_290] : memref<512x64xf32, #tpu.memory_space<vmem>> -> memref<128x64xf32, #tpu.memory_space<vmem>>
        %dma_wait3A_292 = arith.constant 0 : i32
        %dma_wait3A_293 = tpu.memref_slice %arg7[%dma_wait3A_288, %dma_wait3A_292] : memref<8x128xi32, #tpu.memory_space<vmem>> -> memref<1x128xi32, #tpu.memory_space<vmem>>
        %dma_wait3A_294 = tpu.memref_squeeze %dma_wait3A_293 : memref<1x128xi32, #tpu.memory_space<vmem>> -> memref<128xi32, #tpu.memory_space<vmem>>
        %dma_wait3A_295 = arith.constant 0 : i32
        %dma_wait3A_296 = arith.constant 0 : i32
        %dma_wait3A_297 = tpu.memref_slice %arg10[%dma_wait3A_295, %dma_wait3A_296] : memref<10240x64xf32, #tpu.memory_space<vmem_shared>> -> memref<10240x64xf32, #tpu.memory_space<vmem_shared>>
        tpu.wait_indirect_dma semaphore(%arg17 : memref<!tpu.dma_semaphore, #tpu.memory_space<semaphore_mem>>) src(%dma_wait3A_291 : memref<128x64xf32, #tpu.memory_space<vmem>>) dst(%dma_wait3A_297 : memref<10240x64xf32, #tpu.memory_space<vmem_shared>>)
        %dma_wait3A_298 = arith.constant 5 : i32
        %dma_wait3A_299 = arith.constant 128 : i32
        %dma_wait3A_300 = arith.constant 0 : i32
        %dma_wait3A_301 = tpu.memref_slice %arg9[%dma_wait3A_299, %dma_wait3A_300] : memref<512x64xf32, #tpu.memory_space<vmem>> -> memref<128x64xf32, #tpu.memory_space<vmem>>
        %dma_wait3A_302 = arith.constant 0 : i32
        %dma_wait3A_303 = tpu.memref_slice %arg7[%dma_wait3A_298, %dma_wait3A_302] : memref<8x128xi32, #tpu.memory_space<vmem>> -> memref<1x128xi32, #tpu.memory_space<vmem>>
        %dma_wait3A_304 = tpu.memref_squeeze %dma_wait3A_303 : memref<1x128xi32, #tpu.memory_space<vmem>> -> memref<128xi32, #tpu.memory_space<vmem>>
        %dma_wait3A_305 = arith.constant 0 : i32
        %dma_wait3A_306 = arith.constant 0 : i32
        %dma_wait3A_307 = tpu.memref_slice %arg10[%dma_wait3A_305, %dma_wait3A_306] : memref<10240x64xf32, #tpu.memory_space<vmem_shared>> -> memref<10240x64xf32, #tpu.memory_space<vmem_shared>>
        tpu.wait_indirect_dma semaphore(%arg18 : memref<!tpu.dma_semaphore, #tpu.memory_space<semaphore_mem>>) src(%dma_wait3A_301 : memref<128x64xf32, #tpu.memory_space<vmem>>) dst(%dma_wait3A_307 : memref<10240x64xf32, #tpu.memory_space<vmem_shared>>)
        %dma_wait3A_308 = arith.constant 6 : i32
        %dma_wait3A_309 = arith.constant 256 : i32
        %dma_wait3A_310 = arith.constant 0 : i32
        %dma_wait3A_311 = tpu.memref_slice %arg9[%dma_wait3A_309, %dma_wait3A_310] : memref<512x64xf32, #tpu.memory_space<vmem>> -> memref<128x64xf32, #tpu.memory_space<vmem>>
        %dma_wait3A_312 = arith.constant 0 : i32
        %dma_wait3A_313 = tpu.memref_slice %arg7[%dma_wait3A_308, %dma_wait3A_312] : memref<8x128xi32, #tpu.memory_space<vmem>> -> memref<1x128xi32, #tpu.memory_space<vmem>>
        %dma_wait3A_314 = tpu.memref_squeeze %dma_wait3A_313 : memref<1x128xi32, #tpu.memory_space<vmem>> -> memref<128xi32, #tpu.memory_space<vmem>>
        %dma_wait3A_315 = arith.constant 0 : i32
        %dma_wait3A_316 = arith.constant 0 : i32
        %dma_wait3A_317 = tpu.memref_slice %arg10[%dma_wait3A_315, %dma_wait3A_316] : memref<10240x64xf32, #tpu.memory_space<vmem_shared>> -> memref<10240x64xf32, #tpu.memory_space<vmem_shared>>
        tpu.wait_indirect_dma semaphore(%arg19 : memref<!tpu.dma_semaphore, #tpu.memory_space<semaphore_mem>>) src(%dma_wait3A_311 : memref<128x64xf32, #tpu.memory_space<vmem>>) dst(%dma_wait3A_317 : memref<10240x64xf32, #tpu.memory_space<vmem_shared>>)
        %dma_wait3A_318 = arith.constant 7 : i32
        %dma_wait3A_319 = arith.constant 384 : i32
        %dma_wait3A_320 = arith.constant 0 : i32
        %dma_wait3A_321 = tpu.memref_slice %arg9[%dma_wait3A_319, %dma_wait3A_320] : memref<512x64xf32, #tpu.memory_space<vmem>> -> memref<128x64xf32, #tpu.memory_space<vmem>>
        %dma_wait3A_322 = arith.constant 0 : i32
        %dma_wait3A_323 = tpu.memref_slice %arg7[%dma_wait3A_318, %dma_wait3A_322] : memref<8x128xi32, #tpu.memory_space<vmem>> -> memref<1x128xi32, #tpu.memory_space<vmem>>
        %dma_wait3A_324 = tpu.memref_squeeze %dma_wait3A_323 : memref<1x128xi32, #tpu.memory_space<vmem>> -> memref<128xi32, #tpu.memory_space<vmem>>
        %dma_wait3A_325 = arith.constant 0 : i32
        %dma_wait3A_326 = arith.constant 0 : i32
        %dma_wait3A_327 = tpu.memref_slice %arg10[%dma_wait3A_325, %dma_wait3A_326] : memref<10240x64xf32, #tpu.memory_space<vmem_shared>> -> memref<10240x64xf32, #tpu.memory_space<vmem_shared>>
        tpu.wait_indirect_dma semaphore(%arg20 : memref<!tpu.dma_semaphore, #tpu.memory_space<semaphore_mem>>) src(%dma_wait3A_321 : memref<128x64xf32, #tpu.memory_space<vmem>>) dst(%dma_wait3A_327 : memref<10240x64xf32, #tpu.memory_space<vmem_shared>>)
      } else {
      }
      %mul3A_153 = arith.constant 2 : i32
      %mul3A_154 = arith.muli %add3A_140, %mul3A_153 : i32
      %mul3A_155 = arith.constant 4 : i32
      %mul3A_156 = arith.muli %mul3A_154, %mul3A_155 : i32
      %add3A_157 = arith.addi %mul3A_8, %mul3A_156 : i32
      "tpu.region"() ({
        %run_scoped3A = tpu.sem_alloc : memref<!tpu.dma_semaphore, #tpu.memory_space<semaphore_mem>>
        %dma_start3A_288 = arith.constant 0 : i32
        %dma_start3A_289 = tpu.memref_slice %arg3[%add3A_157, %dma_start3A_288] : memref<5120x128xi32, #tpu.memory_space<hbm>> -> memref<8x128xi32, #tpu.memory_space<hbm>>
        %dma_start3A_290 = arith.constant 0 : i32
        %dma_start3A_291 = tpu.memref_slice %arg3[%add3A_157, %dma_start3A_290] : memref<5120x128xi32, #tpu.memory_space<hbm>> -> memref<8x128xi32, #tpu.memory_space<hbm>>
        tpu.enqueue_dma source(%dma_start3A_291 : memref<8x128xi32, #tpu.memory_space<hbm>>) target(%arg7 : memref<8x128xi32, #tpu.memory_space<vmem>>) target_semaphore(%run_scoped3A : memref<!tpu.dma_semaphore, #tpu.memory_space<semaphore_mem>>)
        %dma_wait3A_292 = arith.constant 0 : i32
        %dma_wait3A_293 = tpu.memref_slice %arg3[%add3A_157, %dma_wait3A_292] : memref<5120x128xi32, #tpu.memory_space<hbm>> -> memref<8x128xi32, #tpu.memory_space<hbm>>
        %dma_wait3A_294 = arith.constant 0 : i32
        %dma_wait3A_295 = tpu.memref_slice %arg3[%add3A_157, %dma_wait3A_294] : memref<5120x128xi32, #tpu.memory_space<hbm>> -> memref<8x128xi32, #tpu.memory_space<hbm>>
        tpu.wait_dma2 semaphore(%run_scoped3A : memref<!tpu.dma_semaphore, #tpu.memory_space<semaphore_mem>>) src(%dma_wait3A_295 : memref<8x128xi32, #tpu.memory_space<hbm>>) dst(%arg7 : memref<8x128xi32, #tpu.memory_space<vmem>>)
        tpu.yield
      }) : () -> ()
      %dma_start3A_158 = arith.constant 0 : i32
      %dma_start3A_159 = arith.constant 0 : i32
      %dma_start3A_160 = arith.constant 0 : i32
      %dma_start3A_161 = tpu.memref_slice %arg9[%dma_start3A_159, %dma_start3A_160] : memref<512x64xf32, #tpu.memory_space<vmem>> -> memref<128x64xf32, #tpu.memory_space<vmem>>
      %dma_start3A_162 = arith.constant 0 : i32
      %dma_start3A_163 = tpu.memref_slice %arg7[%dma_start3A_158, %dma_start3A_162] : memref<8x128xi32, #tpu.memory_space<vmem>> -> memref<1x128xi32, #tpu.memory_space<vmem>>
      %dma_start3A_164 = tpu.memref_squeeze %dma_start3A_163 : memref<1x128xi32, #tpu.memory_space<vmem>> -> memref<128xi32, #tpu.memory_space<vmem>>
      %dma_start3A_165 = arith.constant 0 : i32
      %dma_start3A_166 = arith.constant 0 : i32
      %dma_start3A_167 = tpu.memref_slice %arg2[%dma_start3A_165, %dma_start3A_166] : memref<10240x64xf32, #tpu.memory_space<hbm>> -> memref<10240x64xf32, #tpu.memory_space<hbm>>
      tpu.enqueue_indirect_dma source(%dma_start3A_167 : memref<10240x64xf32, #tpu.memory_space<hbm>>) target(%dma_start3A_161 : memref<128x64xf32, #tpu.memory_space<vmem>>) offsets(%dma_start3A_164 : memref<128xi32, #tpu.memory_space<vmem>>) semaphore(%arg12 : memref<!tpu.dma_semaphore, #tpu.memory_space<semaphore_mem>>)
      %dma_start3A_168 = arith.constant 1 : i32
      %dma_start3A_169 = arith.constant 128 : i32
      %dma_start3A_170 = arith.constant 0 : i32
      %dma_start3A_171 = tpu.memref_slice %arg9[%dma_start3A_169, %dma_start3A_170] : memref<512x64xf32, #tpu.memory_space<vmem>> -> memref<128x64xf32, #tpu.memory_space<vmem>>
      %dma_start3A_172 = arith.constant 0 : i32
      %dma_start3A_173 = tpu.memref_slice %arg7[%dma_start3A_168, %dma_start3A_172] : memref<8x128xi32, #tpu.memory_space<vmem>> -> memref<1x128xi32, #tpu.memory_space<vmem>>
      %dma_start3A_174 = tpu.memref_squeeze %dma_start3A_173 : memref<1x128xi32, #tpu.memory_space<vmem>> -> memref<128xi32, #tpu.memory_space<vmem>>
      %dma_start3A_175 = arith.constant 0 : i32
      %dma_start3A_176 = arith.constant 0 : i32
      %dma_start3A_177 = tpu.memref_slice %arg2[%dma_start3A_175, %dma_start3A_176] : memref<10240x64xf32, #tpu.memory_space<hbm>> -> memref<10240x64xf32, #tpu.memory_space<hbm>>
      tpu.enqueue_indirect_dma source(%dma_start3A_177 : memref<10240x64xf32, #tpu.memory_space<hbm>>) target(%dma_start3A_171 : memref<128x64xf32, #tpu.memory_space<vmem>>) offsets(%dma_start3A_174 : memref<128xi32, #tpu.memory_space<vmem>>) semaphore(%arg12 : memref<!tpu.dma_semaphore, #tpu.memory_space<semaphore_mem>>)
      %dma_start3A_178 = arith.constant 2 : i32
      %dma_start3A_179 = arith.constant 256 : i32
      %dma_start3A_180 = arith.constant 0 : i32
      %dma_start3A_181 = tpu.memref_slice %arg9[%dma_start3A_179, %dma_start3A_180] : memref<512x64xf32, #tpu.memory_space<vmem>> -> memref<128x64xf32, #tpu.memory_space<vmem>>
      %dma_start3A_182 = arith.constant 0 : i32
      %dma_start3A_183 = tpu.memref_slice %arg7[%dma_start3A_178, %dma_start3A_182] : memref<8x128xi32, #tpu.memory_space<vmem>> -> memref<1x128xi32, #tpu.memory_space<vmem>>
      %dma_start3A_184 = tpu.memref_squeeze %dma_start3A_183 : memref<1x128xi32, #tpu.memory_space<vmem>> -> memref<128xi32, #tpu.memory_space<vmem>>
      %dma_start3A_185 = arith.constant 0 : i32
      %dma_start3A_186 = arith.constant 0 : i32
      %dma_start3A_187 = tpu.memref_slice %arg2[%dma_start3A_185, %dma_start3A_186] : memref<10240x64xf32, #tpu.memory_space<hbm>> -> memref<10240x64xf32, #tpu.memory_space<hbm>>
      tpu.enqueue_indirect_dma source(%dma_start3A_187 : memref<10240x64xf32, #tpu.memory_space<hbm>>) target(%dma_start3A_181 : memref<128x64xf32, #tpu.memory_space<vmem>>) offsets(%dma_start3A_184 : memref<128xi32, #tpu.memory_space<vmem>>) semaphore(%arg12 : memref<!tpu.dma_semaphore, #tpu.memory_space<semaphore_mem>>)
      %dma_start3A_188 = arith.constant 3 : i32
      %dma_start3A_189 = arith.constant 384 : i32
      %dma_start3A_190 = arith.constant 0 : i32
      %dma_start3A_191 = tpu.memref_slice %arg9[%dma_start3A_189, %dma_start3A_190] : memref<512x64xf32, #tpu.memory_space<vmem>> -> memref<128x64xf32, #tpu.memory_space<vmem>>
      %dma_start3A_192 = arith.constant 0 : i32
      %dma_start3A_193 = tpu.memref_slice %arg7[%dma_start3A_188, %dma_start3A_192] : memref<8x128xi32, #tpu.memory_space<vmem>> -> memref<1x128xi32, #tpu.memory_space<vmem>>
      %dma_start3A_194 = tpu.memref_squeeze %dma_start3A_193 : memref<1x128xi32, #tpu.memory_space<vmem>> -> memref<128xi32, #tpu.memory_space<vmem>>
      %dma_start3A_195 = arith.constant 0 : i32
      %dma_start3A_196 = arith.constant 0 : i32
      %dma_start3A_197 = tpu.memref_slice %arg2[%dma_start3A_195, %dma_start3A_196] : memref<10240x64xf32, #tpu.memory_space<hbm>> -> memref<10240x64xf32, #tpu.memory_space<hbm>>
      tpu.enqueue_indirect_dma source(%dma_start3A_197 : memref<10240x64xf32, #tpu.memory_space<hbm>>) target(%dma_start3A_191 : memref<128x64xf32, #tpu.memory_space<vmem>>) offsets(%dma_start3A_194 : memref<128xi32, #tpu.memory_space<vmem>>) semaphore(%arg12 : memref<!tpu.dma_semaphore, #tpu.memory_space<semaphore_mem>>)
      %dma_start3A_198 = arith.constant 4 : i32
      %dma_start3A_199 = arith.constant 0 : i32
      %dma_start3A_200 = arith.constant 0 : i32
      %dma_start3A_201 = tpu.memref_slice %arg8[%dma_start3A_199, %dma_start3A_200] : memref<512x64xf32, #tpu.memory_space<vmem>> -> memref<128x64xf32, #tpu.memory_space<vmem>>
      %dma_start3A_202 = arith.constant 0 : i32
      %dma_start3A_203 = tpu.memref_slice %arg6[%dma_start3A_198, %dma_start3A_202] : memref<8x128xi32, #tpu.memory_space<vmem>> -> memref<1x128xi32, #tpu.memory_space<vmem>>
      %dma_start3A_204 = tpu.memref_squeeze %dma_start3A_203 : memref<1x128xi32, #tpu.memory_space<vmem>> -> memref<128xi32, #tpu.memory_space<vmem>>
      %dma_start3A_205 = arith.constant 0 : i32
      %dma_start3A_206 = arith.constant 0 : i32
      %dma_start3A_207 = tpu.memref_slice %arg10[%dma_start3A_205, %dma_start3A_206] : memref<10240x64xf32, #tpu.memory_space<vmem_shared>> -> memref<10240x64xf32, #tpu.memory_space<vmem_shared>>
      tpu.enqueue_indirect_dma source(%dma_start3A_201 : memref<128x64xf32, #tpu.memory_space<vmem>>) target(%dma_start3A_207 : memref<10240x64xf32, #tpu.memory_space<vmem_shared>>) offsets(%dma_start3A_204 : memref<128xi32, #tpu.memory_space<vmem>>) semaphore(%arg13 : memref<!tpu.dma_semaphore, #tpu.memory_space<semaphore_mem>>) {add = true}
      %dma_start3A_208 = arith.constant 5 : i32
      %dma_start3A_209 = arith.constant 128 : i32
      %dma_start3A_210 = arith.constant 0 : i32
      %dma_start3A_211 = tpu.memref_slice %arg8[%dma_start3A_209, %dma_start3A_210] : memref<512x64xf32, #tpu.memory_space<vmem>> -> memref<128x64xf32, #tpu.memory_space<vmem>>
      %dma_start3A_212 = arith.constant 0 : i32
      %dma_start3A_213 = tpu.memref_slice %arg6[%dma_start3A_208, %dma_start3A_212] : memref<8x128xi32, #tpu.memory_space<vmem>> -> memref<1x128xi32, #tpu.memory_space<vmem>>
      %dma_start3A_214 = tpu.memref_squeeze %dma_start3A_213 : memref<1x128xi32, #tpu.memory_space<vmem>> -> memref<128xi32, #tpu.memory_space<vmem>>
      %dma_start3A_215 = arith.constant 0 : i32
      %dma_start3A_216 = arith.constant 0 : i32
      %dma_start3A_217 = tpu.memref_slice %arg10[%dma_start3A_215, %dma_start3A_216] : memref<10240x64xf32, #tpu.memory_space<vmem_shared>> -> memref<10240x64xf32, #tpu.memory_space<vmem_shared>>
      tpu.enqueue_indirect_dma source(%dma_start3A_211 : memref<128x64xf32, #tpu.memory_space<vmem>>) target(%dma_start3A_217 : memref<10240x64xf32, #tpu.memory_space<vmem_shared>>) offsets(%dma_start3A_214 : memref<128xi32, #tpu.memory_space<vmem>>) semaphore(%arg14 : memref<!tpu.dma_semaphore, #tpu.memory_space<semaphore_mem>>) {add = true}
      %dma_start3A_218 = arith.constant 6 : i32
      %dma_start3A_219 = arith.constant 256 : i32
      %dma_start3A_220 = arith.constant 0 : i32
      %dma_start3A_221 = tpu.memref_slice %arg8[%dma_start3A_219, %dma_start3A_220] : memref<512x64xf32, #tpu.memory_space<vmem>> -> memref<128x64xf32, #tpu.memory_space<vmem>>
      %dma_start3A_222 = arith.constant 0 : i32
      %dma_start3A_223 = tpu.memref_slice %arg6[%dma_start3A_218, %dma_start3A_222] : memref<8x128xi32, #tpu.memory_space<vmem>> -> memref<1x128xi32, #tpu.memory_space<vmem>>
      %dma_start3A_224 = tpu.memref_squeeze %dma_start3A_223 : memref<1x128xi32, #tpu.memory_space<vmem>> -> memref<128xi32, #tpu.memory_space<vmem>>
      %dma_start3A_225 = arith.constant 0 : i32
      %dma_start3A_226 = arith.constant 0 : i32
      %dma_start3A_227 = tpu.memref_slice %arg10[%dma_start3A_225, %dma_start3A_226] : memref<10240x64xf32, #tpu.memory_space<vmem_shared>> -> memref<10240x64xf32, #tpu.memory_space<vmem_shared>>
      tpu.enqueue_indirect_dma source(%dma_start3A_221 : memref<128x64xf32, #tpu.memory_space<vmem>>) target(%dma_start3A_227 : memref<10240x64xf32, #tpu.memory_space<vmem_shared>>) offsets(%dma_start3A_224 : memref<128xi32, #tpu.memory_space<vmem>>) semaphore(%arg15 : memref<!tpu.dma_semaphore, #tpu.memory_space<semaphore_mem>>) {add = true}
      %dma_start3A_228 = arith.constant 7 : i32
      %dma_start3A_229 = arith.constant 384 : i32
      %dma_start3A_230 = arith.constant 0 : i32
      %dma_start3A_231 = tpu.memref_slice %arg8[%dma_start3A_229, %dma_start3A_230] : memref<512x64xf32, #tpu.memory_space<vmem>> -> memref<128x64xf32, #tpu.memory_space<vmem>>
      %dma_start3A_232 = arith.constant 0 : i32
      %dma_start3A_233 = tpu.memref_slice %arg6[%dma_start3A_228, %dma_start3A_232] : memref<8x128xi32, #tpu.memory_space<vmem>> -> memref<1x128xi32, #tpu.memory_space<vmem>>
      %dma_start3A_234 = tpu.memref_squeeze %dma_start3A_233 : memref<1x128xi32, #tpu.memory_space<vmem>> -> memref<128xi32, #tpu.memory_space<vmem>>
      %dma_start3A_235 = arith.constant 0 : i32
      %dma_start3A_236 = arith.constant 0 : i32
      %dma_start3A_237 = tpu.memref_slice %arg10[%dma_start3A_235, %dma_start3A_236] : memref<10240x64xf32, #tpu.memory_space<vmem_shared>> -> memref<10240x64xf32, #tpu.memory_space<vmem_shared>>
      tpu.enqueue_indirect_dma source(%dma_start3A_231 : memref<128x64xf32, #tpu.memory_space<vmem>>) target(%dma_start3A_237 : memref<10240x64xf32, #tpu.memory_space<vmem_shared>>) offsets(%dma_start3A_234 : memref<128xi32, #tpu.memory_space<vmem>>) semaphore(%arg16 : memref<!tpu.dma_semaphore, #tpu.memory_space<semaphore_mem>>) {add = true}
      %dma_wait3A_238 = arith.constant 0 : i32
      %dma_wait3A_239 = arith.constant 0 : i32
      %dma_wait3A_240 = tpu.memref_slice %arg2[%dma_wait3A_238, %dma_wait3A_239] : memref<10240x64xf32, #tpu.memory_space<hbm>> -> memref<512x64xf32, #tpu.memory_space<hbm>>
      %dma_wait3A_241 = arith.constant 0 : i32
      %dma_wait3A_242 = arith.constant 0 : i32
      %dma_wait3A_243 = tpu.memref_slice %arg2[%dma_wait3A_241, %dma_wait3A_242] : memref<10240x64xf32, #tpu.memory_space<hbm>> -> memref<512x64xf32, #tpu.memory_space<hbm>>
      tpu.wait_dma2 semaphore(%arg12 : memref<!tpu.dma_semaphore, #tpu.memory_space<semaphore_mem>>) src(%dma_wait3A_243 : memref<512x64xf32, #tpu.memory_space<hbm>>) dst(%arg9 : memref<512x64xf32, #tpu.memory_space<vmem>>)
      %lt3A = arith.constant 20 : i32
      %lt3A_244 = arith.cmpi slt, %add3A_144, %lt3A : i32
      %convert_element_type3A_245 = arith.extui %lt3A_244 : i1 to i32
      %cond3A_246 = arith.constant 0 : i32
      %cond3A_247 = arith.cmpi ne, %convert_element_type3A_245, %cond3A_246 : i32
      scf.if %cond3A_247 {
        %dma_wait3A_288 = arith.constant 4 : i32
        %dma_wait3A_289 = arith.constant 0 : i32
        %dma_wait3A_290 = arith.constant 0 : i32
        %dma_wait3A_291 = tpu.memref_slice %arg8[%dma_wait3A_289, %dma_wait3A_290] : memref<512x64xf32, #tpu.memory_space<vmem>> -> memref<128x64xf32, #tpu.memory_space<vmem>>
        %dma_wait3A_292 = arith.constant 0 : i32
        %dma_wait3A_293 = tpu.memref_slice %arg6[%dma_wait3A_288, %dma_wait3A_292] : memref<8x128xi32, #tpu.memory_space<vmem>> -> memref<1x128xi32, #tpu.memory_space<vmem>>
        %dma_wait3A_294 = tpu.memref_squeeze %dma_wait3A_293 : memref<1x128xi32, #tpu.memory_space<vmem>> -> memref<128xi32, #tpu.memory_space<vmem>>
        %dma_wait3A_295 = arith.constant 0 : i32
        %dma_wait3A_296 = arith.constant 0 : i32
        %dma_wait3A_297 = tpu.memref_slice %arg10[%dma_wait3A_295, %dma_wait3A_296] : memref<10240x64xf32, #tpu.memory_space<vmem_shared>> -> memref<10240x64xf32, #tpu.memory_space<vmem_shared>>
        tpu.wait_indirect_dma semaphore(%arg13 : memref<!tpu.dma_semaphore, #tpu.memory_space<semaphore_mem>>) src(%dma_wait3A_291 : memref<128x64xf32, #tpu.memory_space<vmem>>) dst(%dma_wait3A_297 : memref<10240x64xf32, #tpu.memory_space<vmem_shared>>)
        %dma_wait3A_298 = arith.constant 5 : i32
        %dma_wait3A_299 = arith.constant 128 : i32
        %dma_wait3A_300 = arith.constant 0 : i32
        %dma_wait3A_301 = tpu.memref_slice %arg8[%dma_wait3A_299, %dma_wait3A_300] : memref<512x64xf32, #tpu.memory_space<vmem>> -> memref<128x64xf32, #tpu.memory_space<vmem>>
        %dma_wait3A_302 = arith.constant 0 : i32
        %dma_wait3A_303 = tpu.memref_slice %arg6[%dma_wait3A_298, %dma_wait3A_302] : memref<8x128xi32, #tpu.memory_space<vmem>> -> memref<1x128xi32, #tpu.memory_space<vmem>>
        %dma_wait3A_304 = tpu.memref_squeeze %dma_wait3A_303 : memref<1x128xi32, #tpu.memory_space<vmem>> -> memref<128xi32, #tpu.memory_space<vmem>>
        %dma_wait3A_305 = arith.constant 0 : i32
        %dma_wait3A_306 = arith.constant 0 : i32
        %dma_wait3A_307 = tpu.memref_slice %arg10[%dma_wait3A_305, %dma_wait3A_306] : memref<10240x64xf32, #tpu.memory_space<vmem_shared>> -> memref<10240x64xf32, #tpu.memory_space<vmem_shared>>
        tpu.wait_indirect_dma semaphore(%arg14 : memref<!tpu.dma_semaphore, #tpu.memory_space<semaphore_mem>>) src(%dma_wait3A_301 : memref<128x64xf32, #tpu.memory_space<vmem>>) dst(%dma_wait3A_307 : memref<10240x64xf32, #tpu.memory_space<vmem_shared>>)
        %dma_wait3A_308 = arith.constant 6 : i32
        %dma_wait3A_309 = arith.constant 256 : i32
        %dma_wait3A_310 = arith.constant 0 : i32
        %dma_wait3A_311 = tpu.memref_slice %arg8[%dma_wait3A_309, %dma_wait3A_310] : memref<512x64xf32, #tpu.memory_space<vmem>> -> memref<128x64xf32, #tpu.memory_space<vmem>>
        %dma_wait3A_312 = arith.constant 0 : i32
        %dma_wait3A_313 = tpu.memref_slice %arg6[%dma_wait3A_308, %dma_wait3A_312] : memref<8x128xi32, #tpu.memory_space<vmem>> -> memref<1x128xi32, #tpu.memory_space<vmem>>
        %dma_wait3A_314 = tpu.memref_squeeze %dma_wait3A_313 : memref<1x128xi32, #tpu.memory_space<vmem>> -> memref<128xi32, #tpu.memory_space<vmem>>
        %dma_wait3A_315 = arith.constant 0 : i32
        %dma_wait3A_316 = arith.constant 0 : i32
        %dma_wait3A_317 = tpu.memref_slice %arg10[%dma_wait3A_315, %dma_wait3A_316] : memref<10240x64xf32, #tpu.memory_space<vmem_shared>> -> memref<10240x64xf32, #tpu.memory_space<vmem_shared>>
        tpu.wait_indirect_dma semaphore(%arg15 : memref<!tpu.dma_semaphore, #tpu.memory_space<semaphore_mem>>) src(%dma_wait3A_311 : memref<128x64xf32, #tpu.memory_space<vmem>>) dst(%dma_wait3A_317 : memref<10240x64xf32, #tpu.memory_space<vmem_shared>>)
        %dma_wait3A_318 = arith.constant 7 : i32
        %dma_wait3A_319 = arith.constant 384 : i32
        %dma_wait3A_320 = arith.constant 0 : i32
        %dma_wait3A_321 = tpu.memref_slice %arg8[%dma_wait3A_319, %dma_wait3A_320] : memref<512x64xf32, #tpu.memory_space<vmem>> -> memref<128x64xf32, #tpu.memory_space<vmem>>
        %dma_wait3A_322 = arith.constant 0 : i32
        %dma_wait3A_323 = tpu.memref_slice %arg6[%dma_wait3A_318, %dma_wait3A_322] : memref<8x128xi32, #tpu.memory_space<vmem>> -> memref<1x128xi32, #tpu.memory_space<vmem>>
        %dma_wait3A_324 = tpu.memref_squeeze %dma_wait3A_323 : memref<1x128xi32, #tpu.memory_space<vmem>> -> memref<128xi32, #tpu.memory_space<vmem>>
        %dma_wait3A_325 = arith.constant 0 : i32
        %dma_wait3A_326 = arith.constant 0 : i32
        %dma_wait3A_327 = tpu.memref_slice %arg10[%dma_wait3A_325, %dma_wait3A_326] : memref<10240x64xf32, #tpu.memory_space<vmem_shared>> -> memref<10240x64xf32, #tpu.memory_space<vmem_shared>>
        tpu.wait_indirect_dma semaphore(%arg16 : memref<!tpu.dma_semaphore, #tpu.memory_space<semaphore_mem>>) src(%dma_wait3A_321 : memref<128x64xf32, #tpu.memory_space<vmem>>) dst(%dma_wait3A_327 : memref<10240x64xf32, #tpu.memory_space<vmem_shared>>)
        %mul3A_328 = arith.constant 2 : i32
        %mul3A_329 = arith.muli %add3A_144, %mul3A_328 : i32
        %mul3A_330 = arith.constant 4 : i32
        %mul3A_331 = arith.muli %mul3A_329, %mul3A_330 : i32
        %add3A_332 = arith.addi %mul3A_8, %mul3A_331 : i32
        "tpu.region"() ({
          %run_scoped3A = tpu.sem_alloc : memref<!tpu.dma_semaphore, #tpu.memory_space<semaphore_mem>>
          %dma_start3A_373 = arith.constant 0 : i32
          %dma_start3A_374 = tpu.memref_slice %arg3[%add3A_332, %dma_start3A_373] : memref<5120x128xi32, #tpu.memory_space<hbm>> -> memref<8x128xi32, #tpu.memory_space<hbm>>
          %dma_start3A_375 = arith.constant 0 : i32
          %dma_start3A_376 = tpu.memref_slice %arg3[%add3A_332, %dma_start3A_375] : memref<5120x128xi32, #tpu.memory_space<hbm>> -> memref<8x128xi32, #tpu.memory_space<hbm>>
          tpu.enqueue_dma source(%dma_start3A_376 : memref<8x128xi32, #tpu.memory_space<hbm>>) target(%arg6 : memref<8x128xi32, #tpu.memory_space<vmem>>) target_semaphore(%run_scoped3A : memref<!tpu.dma_semaphore, #tpu.memory_space<semaphore_mem>>)
          %dma_wait3A_377 = arith.constant 0 : i32
          %dma_wait3A_378 = tpu.memref_slice %arg3[%add3A_332, %dma_wait3A_377] : memref<5120x128xi32, #tpu.memory_space<hbm>> -> memref<8x128xi32, #tpu.memory_space<hbm>>
          %dma_wait3A_379 = arith.constant 0 : i32
          %dma_wait3A_380 = tpu.memref_slice %arg3[%add3A_332, %dma_wait3A_379] : memref<5120x128xi32, #tpu.memory_space<hbm>> -> memref<8x128xi32, #tpu.memory_space<hbm>>
          tpu.wait_dma2 semaphore(%run_scoped3A : memref<!tpu.dma_semaphore, #tpu.memory_space<semaphore_mem>>) src(%dma_wait3A_380 : memref<8x128xi32, #tpu.memory_space<hbm>>) dst(%arg6 : memref<8x128xi32, #tpu.memory_space<vmem>>)
          tpu.yield
        }) : () -> ()
        %dma_start3A_333 = arith.constant 0 : i32
        %dma_start3A_334 = arith.constant 0 : i32
        %dma_start3A_335 = arith.constant 0 : i32
        %dma_start3A_336 = tpu.memref_slice %arg8[%dma_start3A_334, %dma_start3A_335] : memref<512x64xf32, #tpu.memory_space<vmem>> -> memref<128x64xf32, #tpu.memory_space<vmem>>
        %dma_start3A_337 = arith.constant 0 : i32
        %dma_start3A_338 = tpu.memref_slice %arg6[%dma_start3A_333, %dma_start3A_337] : memref<8x128xi32, #tpu.memory_space<vmem>> -> memref<1x128xi32, #tpu.memory_space<vmem>>
        %dma_start3A_339 = tpu.memref_squeeze %dma_start3A_338 : memref<1x128xi32, #tpu.memory_space<vmem>> -> memref<128xi32, #tpu.memory_space<vmem>>
        %dma_start3A_340 = arith.constant 0 : i32
        %dma_start3A_341 = arith.constant 0 : i32
        %dma_start3A_342 = tpu.memref_slice %arg2[%dma_start3A_340, %dma_start3A_341] : memref<10240x64xf32, #tpu.memory_space<hbm>> -> memref<10240x64xf32, #tpu.memory_space<hbm>>
        tpu.enqueue_indirect_dma source(%dma_start3A_342 : memref<10240x64xf32, #tpu.memory_space<hbm>>) target(%dma_start3A_336 : memref<128x64xf32, #tpu.memory_space<vmem>>) offsets(%dma_start3A_339 : memref<128xi32, #tpu.memory_space<vmem>>) semaphore(%arg11 : memref<!tpu.dma_semaphore, #tpu.memory_space<semaphore_mem>>)
        %dma_start3A_343 = arith.constant 1 : i32
        %dma_start3A_344 = arith.constant 128 : i32
        %dma_start3A_345 = arith.constant 0 : i32
        %dma_start3A_346 = tpu.memref_slice %arg8[%dma_start3A_344, %dma_start3A_345] : memref<512x64xf32, #tpu.memory_space<vmem>> -> memref<128x64xf32, #tpu.memory_space<vmem>>
        %dma_start3A_347 = arith.constant 0 : i32
        %dma_start3A_348 = tpu.memref_slice %arg6[%dma_start3A_343, %dma_start3A_347] : memref<8x128xi32, #tpu.memory_space<vmem>> -> memref<1x128xi32, #tpu.memory_space<vmem>>
        %dma_start3A_349 = tpu.memref_squeeze %dma_start3A_348 : memref<1x128xi32, #tpu.memory_space<vmem>> -> memref<128xi32, #tpu.memory_space<vmem>>
        %dma_start3A_350 = arith.constant 0 : i32
        %dma_start3A_351 = arith.constant 0 : i32
        %dma_start3A_352 = tpu.memref_slice %arg2[%dma_start3A_350, %dma_start3A_351] : memref<10240x64xf32, #tpu.memory_space<hbm>> -> memref<10240x64xf32, #tpu.memory_space<hbm>>
        tpu.enqueue_indirect_dma source(%dma_start3A_352 : memref<10240x64xf32, #tpu.memory_space<hbm>>) target(%dma_start3A_346 : memref<128x64xf32, #tpu.memory_space<vmem>>) offsets(%dma_start3A_349 : memref<128xi32, #tpu.memory_space<vmem>>) semaphore(%arg11 : memref<!tpu.dma_semaphore, #tpu.memory_space<semaphore_mem>>)
        %dma_start3A_353 = arith.constant 2 : i32
        %dma_start3A_354 = arith.constant 256 : i32
        %dma_start3A_355 = arith.constant 0 : i32
        %dma_start3A_356 = tpu.memref_slice %arg8[%dma_start3A_354, %dma_start3A_355] : memref<512x64xf32, #tpu.memory_space<vmem>> -> memref<128x64xf32, #tpu.memory_space<vmem>>
        %dma_start3A_357 = arith.constant 0 : i32
        %dma_start3A_358 = tpu.memref_slice %arg6[%dma_start3A_353, %dma_start3A_357] : memref<8x128xi32, #tpu.memory_space<vmem>> -> memref<1x128xi32, #tpu.memory_space<vmem>>
        %dma_start3A_359 = tpu.memref_squeeze %dma_start3A_358 : memref<1x128xi32, #tpu.memory_space<vmem>> -> memref<128xi32, #tpu.memory_space<vmem>>
        %dma_start3A_360 = arith.constant 0 : i32
        %dma_start3A_361 = arith.constant 0 : i32
        %dma_start3A_362 = tpu.memref_slice %arg2[%dma_start3A_360, %dma_start3A_361] : memref<10240x64xf32, #tpu.memory_space<hbm>> -> memref<10240x64xf32, #tpu.memory_space<hbm>>
        tpu.enqueue_indirect_dma source(%dma_start3A_362 : memref<10240x64xf32, #tpu.memory_space<hbm>>) target(%dma_start3A_356 : memref<128x64xf32, #tpu.memory_space<vmem>>) offsets(%dma_start3A_359 : memref<128xi32, #tpu.memory_space<vmem>>) semaphore(%arg11 : memref<!tpu.dma_semaphore, #tpu.memory_space<semaphore_mem>>)
        %dma_start3A_363 = arith.constant 3 : i32
        %dma_start3A_364 = arith.constant 384 : i32
        %dma_start3A_365 = arith.constant 0 : i32
        %dma_start3A_366 = tpu.memref_slice %arg8[%dma_start3A_364, %dma_start3A_365] : memref<512x64xf32, #tpu.memory_space<vmem>> -> memref<128x64xf32, #tpu.memory_space<vmem>>
        %dma_start3A_367 = arith.constant 0 : i32
        %dma_start3A_368 = tpu.memref_slice %arg6[%dma_start3A_363, %dma_start3A_367] : memref<8x128xi32, #tpu.memory_space<vmem>> -> memref<1x128xi32, #tpu.memory_space<vmem>>
        %dma_start3A_369 = tpu.memref_squeeze %dma_start3A_368 : memref<1x128xi32, #tpu.memory_space<vmem>> -> memref<128xi32, #tpu.memory_space<vmem>>
        %dma_start3A_370 = arith.constant 0 : i32
        %dma_start3A_371 = arith.constant 0 : i32
        %dma_start3A_372 = tpu.memref_slice %arg2[%dma_start3A_370, %dma_start3A_371] : memref<10240x64xf32, #tpu.memory_space<hbm>> -> memref<10240x64xf32, #tpu.memory_space<hbm>>
        tpu.enqueue_indirect_dma source(%dma_start3A_372 : memref<10240x64xf32, #tpu.memory_space<hbm>>) target(%dma_start3A_366 : memref<128x64xf32, #tpu.memory_space<vmem>>) offsets(%dma_start3A_369 : memref<128xi32, #tpu.memory_space<vmem>>) semaphore(%arg11 : memref<!tpu.dma_semaphore, #tpu.memory_space<semaphore_mem>>)
      } else {
      }
      %dma_start3A_248 = arith.constant 4 : i32
      %dma_start3A_249 = arith.constant 0 : i32
      %dma_start3A_250 = arith.constant 0 : i32
      %dma_start3A_251 = tpu.memref_slice %arg9[%dma_start3A_249, %dma_start3A_250] : memref<512x64xf32, #tpu.memory_space<vmem>> -> memref<128x64xf32, #tpu.memory_space<vmem>>
      %dma_start3A_252 = arith.constant 0 : i32
      %dma_start3A_253 = tpu.memref_slice %arg7[%dma_start3A_248, %dma_start3A_252] : memref<8x128xi32, #tpu.memory_space<vmem>> -> memref<1x128xi32, #tpu.memory_space<vmem>>
      %dma_start3A_254 = tpu.memref_squeeze %dma_start3A_253 : memref<1x128xi32, #tpu.memory_space<vmem>> -> memref<128xi32, #tpu.memory_space<vmem>>
      %dma_start3A_255 = arith.constant 0 : i32
      %dma_start3A_256 = arith.constant 0 : i32
      %dma_start3A_257 = tpu.memref_slice %arg10[%dma_start3A_255, %dma_start3A_256] : memref<10240x64xf32, #tpu.memory_space<vmem_shared>> -> memref<10240x64xf32, #tpu.memory_space<vmem_shared>>
      tpu.enqueue_indirect_dma source(%dma_start3A_251 : memref<128x64xf32, #tpu.memory_space<vmem>>) target(%dma_start3A_257 : memref<10240x64xf32, #tpu.memory_space<vmem_shared>>) offsets(%dma_start3A_254 : memref<128xi32, #tpu.memory_space<vmem>>) semaphore(%arg17 : memref<!tpu.dma_semaphore, #tpu.memory_space<semaphore_mem>>) {add = true}
      %dma_start3A_258 = arith.constant 5 : i32
      %dma_start3A_259 = arith.constant 128 : i32
      %dma_start3A_260 = arith.constant 0 : i32
      %dma_start3A_261 = tpu.memref_slice %arg9[%dma_start3A_259, %dma_start3A_260] : memref<512x64xf32, #tpu.memory_space<vmem>> -> memref<128x64xf32, #tpu.memory_space<vmem>>
      %dma_start3A_262 = arith.constant 0 : i32
      %dma_start3A_263 = tpu.memref_slice %arg7[%dma_start3A_258, %dma_start3A_262] : memref<8x128xi32, #tpu.memory_space<vmem>> -> memref<1x128xi32, #tpu.memory_space<vmem>>
      %dma_start3A_264 = tpu.memref_squeeze %dma_start3A_263 : memref<1x128xi32, #tpu.memory_space<vmem>> -> memref<128xi32, #tpu.memory_space<vmem>>
      %dma_start3A_265 = arith.constant 0 : i32
      %dma_start3A_266 = arith.constant 0 : i32
      %dma_start3A_267 = tpu.memref_slice %arg10[%dma_start3A_265, %dma_start3A_266] : memref<10240x64xf32, #tpu.memory_space<vmem_shared>> -> memref<10240x64xf32, #tpu.memory_space<vmem_shared>>
      tpu.enqueue_indirect_dma source(%dma_start3A_261 : memref<128x64xf32, #tpu.memory_space<vmem>>) target(%dma_start3A_267 : memref<10240x64xf32, #tpu.memory_space<vmem_shared>>) offsets(%dma_start3A_264 : memref<128xi32, #tpu.memory_space<vmem>>) semaphore(%arg18 : memref<!tpu.dma_semaphore, #tpu.memory_space<semaphore_mem>>) {add = true}
      %dma_start3A_268 = arith.constant 6 : i32
      %dma_start3A_269 = arith.constant 256 : i32
      %dma_start3A_270 = arith.constant 0 : i32
      %dma_start3A_271 = tpu.memref_slice %arg9[%dma_start3A_269, %dma_start3A_270] : memref<512x64xf32, #tpu.memory_space<vmem>> -> memref<128x64xf32, #tpu.memory_space<vmem>>
      %dma_start3A_272 = arith.constant 0 : i32
      %dma_start3A_273 = tpu.memref_slice %arg7[%dma_start3A_268, %dma_start3A_272] : memref<8x128xi32, #tpu.memory_space<vmem>> -> memref<1x128xi32, #tpu.memory_space<vmem>>
      %dma_start3A_274 = tpu.memref_squeeze %dma_start3A_273 : memref<1x128xi32, #tpu.memory_space<vmem>> -> memref<128xi32, #tpu.memory_space<vmem>>
      %dma_start3A_275 = arith.constant 0 : i32
      %dma_start3A_276 = arith.constant 0 : i32
      %dma_start3A_277 = tpu.memref_slice %arg10[%dma_start3A_275, %dma_start3A_276] : memref<10240x64xf32, #tpu.memory_space<vmem_shared>> -> memref<10240x64xf32, #tpu.memory_space<vmem_shared>>
      tpu.enqueue_indirect_dma source(%dma_start3A_271 : memref<128x64xf32, #tpu.memory_space<vmem>>) target(%dma_start3A_277 : memref<10240x64xf32, #tpu.memory_space<vmem_shared>>) offsets(%dma_start3A_274 : memref<128xi32, #tpu.memory_space<vmem>>) semaphore(%arg19 : memref<!tpu.dma_semaphore, #tpu.memory_space<semaphore_mem>>) {add = true}
      %dma_start3A_278 = arith.constant 7 : i32
      %dma_start3A_279 = arith.constant 384 : i32
      %dma_start3A_280 = arith.constant 0 : i32
      %dma_start3A_281 = tpu.memref_slice %arg9[%dma_start3A_279, %dma_start3A_280] : memref<512x64xf32, #tpu.memory_space<vmem>> -> memref<128x64xf32, #tpu.memory_space<vmem>>
      %dma_start3A_282 = arith.constant 0 : i32
      %dma_start3A_283 = tpu.memref_slice %arg7[%dma_start3A_278, %dma_start3A_282] : memref<8x128xi32, #tpu.memory_space<vmem>> -> memref<1x128xi32, #tpu.memory_space<vmem>>
      %dma_start3A_284 = tpu.memref_squeeze %dma_start3A_283 : memref<1x128xi32, #tpu.memory_space<vmem>> -> memref<128xi32, #tpu.memory_space<vmem>>
      %dma_start3A_285 = arith.constant 0 : i32
      %dma_start3A_286 = arith.constant 0 : i32
      %dma_start3A_287 = tpu.memref_slice %arg10[%dma_start3A_285, %dma_start3A_286] : memref<10240x64xf32, #tpu.memory_space<vmem_shared>> -> memref<10240x64xf32, #tpu.memory_space<vmem_shared>>
      tpu.enqueue_indirect_dma source(%dma_start3A_281 : memref<128x64xf32, #tpu.memory_space<vmem>>) target(%dma_start3A_287 : memref<10240x64xf32, #tpu.memory_space<vmem_shared>>) offsets(%dma_start3A_284 : memref<128xi32, #tpu.memory_space<vmem>>) semaphore(%arg20 : memref<!tpu.dma_semaphore, #tpu.memory_space<semaphore_mem>>) {add = true}
    }
    %scan3A_51 = arith.constant 10 : i32
    %dma_wait3A = arith.constant 4 : i32
    %dma_wait3A_52 = arith.constant 0 : i32
    %dma_wait3A_53 = arith.constant 0 : i32
    %dma_wait3A_54 = tpu.memref_slice %arg8[%dma_wait3A_52, %dma_wait3A_53] : memref<512x64xf32, #tpu.memory_space<vmem>> -> memref<128x64xf32, #tpu.memory_space<vmem>>
    %dma_wait3A_55 = arith.constant 0 : i32
    %dma_wait3A_56 = tpu.memref_slice %arg6[%dma_wait3A, %dma_wait3A_55] : memref<8x128xi32, #tpu.memory_space<vmem>> -> memref<1x128xi32, #tpu.memory_space<vmem>>
    %dma_wait3A_57 = tpu.memref_squeeze %dma_wait3A_56 : memref<1x128xi32, #tpu.memory_space<vmem>> -> memref<128xi32, #tpu.memory_space<vmem>>
    %dma_wait3A_58 = arith.constant 0 : i32
    %dma_wait3A_59 = arith.constant 0 : i32
    %dma_wait3A_60 = tpu.memref_slice %arg10[%dma_wait3A_58, %dma_wait3A_59] : memref<10240x64xf32, #tpu.memory_space<vmem_shared>> -> memref<10240x64xf32, #tpu.memory_space<vmem_shared>>
    tpu.wait_indirect_dma semaphore(%arg13 : memref<!tpu.dma_semaphore, #tpu.memory_space<semaphore_mem>>) src(%dma_wait3A_54 : memref<128x64xf32, #tpu.memory_space<vmem>>) dst(%dma_wait3A_60 : memref<10240x64xf32, #tpu.memory_space<vmem_shared>>)
    %dma_wait3A_61 = arith.constant 5 : i32
    %dma_wait3A_62 = arith.constant 128 : i32
    %dma_wait3A_63 = arith.constant 0 : i32
    %dma_wait3A_64 = tpu.memref_slice %arg8[%dma_wait3A_62, %dma_wait3A_63] : memref<512x64xf32, #tpu.memory_space<vmem>> -> memref<128x64xf32, #tpu.memory_space<vmem>>
    %dma_wait3A_65 = arith.constant 0 : i32
    %dma_wait3A_66 = tpu.memref_slice %arg6[%dma_wait3A_61, %dma_wait3A_65] : memref<8x128xi32, #tpu.memory_space<vmem>> -> memref<1x128xi32, #tpu.memory_space<vmem>>
    %dma_wait3A_67 = tpu.memref_squeeze %dma_wait3A_66 : memref<1x128xi32, #tpu.memory_space<vmem>> -> memref<128xi32, #tpu.memory_space<vmem>>
    %dma_wait3A_68 = arith.constant 0 : i32
    %dma_wait3A_69 = arith.constant 0 : i32
    %dma_wait3A_70 = tpu.memref_slice %arg10[%dma_wait3A_68, %dma_wait3A_69] : memref<10240x64xf32, #tpu.memory_space<vmem_shared>> -> memref<10240x64xf32, #tpu.memory_space<vmem_shared>>
    tpu.wait_indirect_dma semaphore(%arg14 : memref<!tpu.dma_semaphore, #tpu.memory_space<semaphore_mem>>) src(%dma_wait3A_64 : memref<128x64xf32, #tpu.memory_space<vmem>>) dst(%dma_wait3A_70 : memref<10240x64xf32, #tpu.memory_space<vmem_shared>>)
    %dma_wait3A_71 = arith.constant 6 : i32
    %dma_wait3A_72 = arith.constant 256 : i32
    %dma_wait3A_73 = arith.constant 0 : i32
    %dma_wait3A_74 = tpu.memref_slice %arg8[%dma_wait3A_72, %dma_wait3A_73] : memref<512x64xf32, #tpu.memory_space<vmem>> -> memref<128x64xf32, #tpu.memory_space<vmem>>
    %dma_wait3A_75 = arith.constant 0 : i32
    %dma_wait3A_76 = tpu.memref_slice %arg6[%dma_wait3A_71, %dma_wait3A_75] : memref<8x128xi32, #tpu.memory_space<vmem>> -> memref<1x128xi32, #tpu.memory_space<vmem>>
    %dma_wait3A_77 = tpu.memref_squeeze %dma_wait3A_76 : memref<1x128xi32, #tpu.memory_space<vmem>> -> memref<128xi32, #tpu.memory_space<vmem>>
    %dma_wait3A_78 = arith.constant 0 : i32
    %dma_wait3A_79 = arith.constant 0 : i32
    %dma_wait3A_80 = tpu.memref_slice %arg10[%dma_wait3A_78, %dma_wait3A_79] : memref<10240x64xf32, #tpu.memory_space<vmem_shared>> -> memref<10240x64xf32, #tpu.memory_space<vmem_shared>>
    tpu.wait_indirect_dma semaphore(%arg15 : memref<!tpu.dma_semaphore, #tpu.memory_space<semaphore_mem>>) src(%dma_wait3A_74 : memref<128x64xf32, #tpu.memory_space<vmem>>) dst(%dma_wait3A_80 : memref<10240x64xf32, #tpu.memory_space<vmem_shared>>)
    %dma_wait3A_81 = arith.constant 7 : i32
    %dma_wait3A_82 = arith.constant 384 : i32
    %dma_wait3A_83 = arith.constant 0 : i32
    %dma_wait3A_84 = tpu.memref_slice %arg8[%dma_wait3A_82, %dma_wait3A_83] : memref<512x64xf32, #tpu.memory_space<vmem>> -> memref<128x64xf32, #tpu.memory_space<vmem>>
    %dma_wait3A_85 = arith.constant 0 : i32
    %dma_wait3A_86 = tpu.memref_slice %arg6[%dma_wait3A_81, %dma_wait3A_85] : memref<8x128xi32, #tpu.memory_space<vmem>> -> memref<1x128xi32, #tpu.memory_space<vmem>>
    %dma_wait3A_87 = tpu.memref_squeeze %dma_wait3A_86 : memref<1x128xi32, #tpu.memory_space<vmem>> -> memref<128xi32, #tpu.memory_space<vmem>>
    %dma_wait3A_88 = arith.constant 0 : i32
    %dma_wait3A_89 = arith.constant 0 : i32
    %dma_wait3A_90 = tpu.memref_slice %arg10[%dma_wait3A_88, %dma_wait3A_89] : memref<10240x64xf32, #tpu.memory_space<vmem_shared>> -> memref<10240x64xf32, #tpu.memory_space<vmem_shared>>
    tpu.wait_indirect_dma semaphore(%arg16 : memref<!tpu.dma_semaphore, #tpu.memory_space<semaphore_mem>>) src(%dma_wait3A_84 : memref<128x64xf32, #tpu.memory_space<vmem>>) dst(%dma_wait3A_90 : memref<10240x64xf32, #tpu.memory_space<vmem_shared>>)
    %dma_wait3A_91 = arith.constant 4 : i32
    %dma_wait3A_92 = arith.constant 0 : i32
    %dma_wait3A_93 = arith.constant 0 : i32
    %dma_wait3A_94 = tpu.memref_slice %arg9[%dma_wait3A_92, %dma_wait3A_93] : memref<512x64xf32, #tpu.memory_space<vmem>> -> memref<128x64xf32, #tpu.memory_space<vmem>>
    %dma_wait3A_95 = arith.constant 0 : i32
    %dma_wait3A_96 = tpu.memref_slice %arg7[%dma_wait3A_91, %dma_wait3A_95] : memref<8x128xi32, #tpu.memory_space<vmem>> -> memref<1x128xi32, #tpu.memory_space<vmem>>
    %dma_wait3A_97 = tpu.memref_squeeze %dma_wait3A_96 : memref<1x128xi32, #tpu.memory_space<vmem>> -> memref<128xi32, #tpu.memory_space<vmem>>
    %dma_wait3A_98 = arith.constant 0 : i32
    %dma_wait3A_99 = arith.constant 0 : i32
    %dma_wait3A_100 = tpu.memref_slice %arg10[%dma_wait3A_98, %dma_wait3A_99] : memref<10240x64xf32, #tpu.memory_space<vmem_shared>> -> memref<10240x64xf32, #tpu.memory_space<vmem_shared>>
    tpu.wait_indirect_dma semaphore(%arg17 : memref<!tpu.dma_semaphore, #tpu.memory_space<semaphore_mem>>) src(%dma_wait3A_94 : memref<128x64xf32, #tpu.memory_space<vmem>>) dst(%dma_wait3A_100 : memref<10240x64xf32, #tpu.memory_space<vmem_shared>>)
    %dma_wait3A_101 = arith.constant 5 : i32
    %dma_wait3A_102 = arith.constant 128 : i32
    %dma_wait3A_103 = arith.constant 0 : i32
    %dma_wait3A_104 = tpu.memref_slice %arg9[%dma_wait3A_102, %dma_wait3A_103] : memref<512x64xf32, #tpu.memory_space<vmem>> -> memref<128x64xf32, #tpu.memory_space<vmem>>
    %dma_wait3A_105 = arith.constant 0 : i32
    %dma_wait3A_106 = tpu.memref_slice %arg7[%dma_wait3A_101, %dma_wait3A_105] : memref<8x128xi32, #tpu.memory_space<vmem>> -> memref<1x128xi32, #tpu.memory_space<vmem>>
    %dma_wait3A_107 = tpu.memref_squeeze %dma_wait3A_106 : memref<1x128xi32, #tpu.memory_space<vmem>> -> memref<128xi32, #tpu.memory_space<vmem>>
    %dma_wait3A_108 = arith.constant 0 : i32
    %dma_wait3A_109 = arith.constant 0 : i32
    %dma_wait3A_110 = tpu.memref_slice %arg10[%dma_wait3A_108, %dma_wait3A_109] : memref<10240x64xf32, #tpu.memory_space<vmem_shared>> -> memref<10240x64xf32, #tpu.memory_space<vmem_shared>>
    tpu.wait_indirect_dma semaphore(%arg18 : memref<!tpu.dma_semaphore, #tpu.memory_space<semaphore_mem>>) src(%dma_wait3A_104 : memref<128x64xf32, #tpu.memory_space<vmem>>) dst(%dma_wait3A_110 : memref<10240x64xf32, #tpu.memory_space<vmem_shared>>)
    %dma_wait3A_111 = arith.constant 6 : i32
    %dma_wait3A_112 = arith.constant 256 : i32
    %dma_wait3A_113 = arith.constant 0 : i32
    %dma_wait3A_114 = tpu.memref_slice %arg9[%dma_wait3A_112, %dma_wait3A_113] : memref<512x64xf32, #tpu.memory_space<vmem>> -> memref<128x64xf32, #tpu.memory_space<vmem>>
    %dma_wait3A_115 = arith.constant 0 : i32
    %dma_wait3A_116 = tpu.memref_slice %arg7[%dma_wait3A_111, %dma_wait3A_115] : memref<8x128xi32, #tpu.memory_space<vmem>> -> memref<1x128xi32, #tpu.memory_space<vmem>>
    %dma_wait3A_117 = tpu.memref_squeeze %dma_wait3A_116 : memref<1x128xi32, #tpu.memory_space<vmem>> -> memref<128xi32, #tpu.memory_space<vmem>>
    %dma_wait3A_118 = arith.constant 0 : i32
    %dma_wait3A_119 = arith.constant 0 : i32
    %dma_wait3A_120 = tpu.memref_slice %arg10[%dma_wait3A_118, %dma_wait3A_119] : memref<10240x64xf32, #tpu.memory_space<vmem_shared>> -> memref<10240x64xf32, #tpu.memory_space<vmem_shared>>
    tpu.wait_indirect_dma semaphore(%arg19 : memref<!tpu.dma_semaphore, #tpu.memory_space<semaphore_mem>>) src(%dma_wait3A_114 : memref<128x64xf32, #tpu.memory_space<vmem>>) dst(%dma_wait3A_120 : memref<10240x64xf32, #tpu.memory_space<vmem_shared>>)
    %dma_wait3A_121 = arith.constant 7 : i32
    %dma_wait3A_122 = arith.constant 384 : i32
    %dma_wait3A_123 = arith.constant 0 : i32
    %dma_wait3A_124 = tpu.memref_slice %arg9[%dma_wait3A_122, %dma_wait3A_123] : memref<512x64xf32, #tpu.memory_space<vmem>> -> memref<128x64xf32, #tpu.memory_space<vmem>>
    %dma_wait3A_125 = arith.constant 0 : i32
    %dma_wait3A_126 = tpu.memref_slice %arg7[%dma_wait3A_121, %dma_wait3A_125] : memref<8x128xi32, #tpu.memory_space<vmem>> -> memref<1x128xi32, #tpu.memory_space<vmem>>
    %dma_wait3A_127 = tpu.memref_squeeze %dma_wait3A_126 : memref<1x128xi32, #tpu.memory_space<vmem>> -> memref<128xi32, #tpu.memory_space<vmem>>
    %dma_wait3A_128 = arith.constant 0 : i32
    %dma_wait3A_129 = arith.constant 0 : i32
    %dma_wait3A_130 = tpu.memref_slice %arg10[%dma_wait3A_128, %dma_wait3A_129] : memref<10240x64xf32, #tpu.memory_space<vmem_shared>> -> memref<10240x64xf32, #tpu.memory_space<vmem_shared>>
    tpu.wait_indirect_dma semaphore(%arg20 : memref<!tpu.dma_semaphore, #tpu.memory_space<semaphore_mem>>) src(%dma_wait3A_124 : memref<128x64xf32, #tpu.memory_space<vmem>>) dst(%dma_wait3A_130 : memref<10240x64xf32, #tpu.memory_space<vmem_shared>>)
    %barrier3A_131 = arith.constant 0 : index
    tpu.barrier barrier_id(%barrier3A_131)
    "tpu.region"() ({
      %run_scoped3A = tpu.sem_alloc : memref<!tpu.dma_semaphore, #tpu.memory_space<semaphore_mem>>
      %dma_start3A_132 = arith.constant 0 : i32
      %dma_start3A_133 = arith.constant 0 : i32
      %dma_start3A_134 = tpu.memref_slice %arg5[%arg0, %dma_start3A_132, %dma_start3A_133] : memref<2x10240x64xf32, #tpu.memory_space<hbm>> -> memref<1x10240x64xf32, #tpu.memory_space<hbm>>
      %dma_start3A_135 = tpu.memref_squeeze %dma_start3A_134 : memref<1x10240x64xf32, #tpu.memory_space<hbm>> -> memref<10240x64xf32, #tpu.memory_space<hbm>>
      %dma_start3A_136 = arith.constant 0 : i32
      %dma_start3A_137 = tpu.memref_slice %dma_start3A_135[%mul3A_2, %dma_start3A_136] : memref<10240x64xf32, #tpu.memory_space<hbm>> -> memref<640x64xf32, #tpu.memory_space<hbm>>
      %dma_start3A_138 = arith.constant 0 : i32
      %dma_start3A_139 = tpu.memref_slice %arg10[%mul3A_2, %dma_start3A_138] : memref<10240x64xf32, #tpu.memory_space<vmem_shared>> -> memref<640x64xf32, #tpu.memory_space<vmem_shared>>
      tpu.enqueue_dma source(%dma_start3A_139 : memref<640x64xf32, #tpu.memory_space<vmem_shared>>) target(%dma_start3A_137 : memref<640x64xf32, #tpu.memory_space<hbm>>) target_semaphore(%run_scoped3A : memref<!tpu.dma_semaphore, #tpu.memory_space<semaphore_mem>>)
      %dma_wait3A_140 = arith.constant 0 : i32
      %dma_wait3A_141 = arith.constant 0 : i32
      %dma_wait3A_142 = tpu.memref_slice %arg5[%arg0, %dma_wait3A_140, %dma_wait3A_141] : memref<2x10240x64xf32, #tpu.memory_space<hbm>> -> memref<1x10240x64xf32, #tpu.memory_space<hbm>>
      %dma_wait3A_143 = tpu.memref_squeeze %dma_wait3A_142 : memref<1x10240x64xf32, #tpu.memory_space<hbm>> -> memref<10240x64xf32, #tpu.memory_space<hbm>>
      %dma_wait3A_144 = arith.constant 0 : i32
      %dma_wait3A_145 = tpu.memref_slice %dma_wait3A_143[%mul3A_2, %dma_wait3A_144] : memref<10240x64xf32, #tpu.memory_space<hbm>> -> memref<640x64xf32, #tpu.memory_space<hbm>>
      %dma_wait3A_146 = arith.constant 0 : i32
      %dma_wait3A_147 = tpu.memref_slice %arg10[%mul3A_2, %dma_wait3A_146] : memref<10240x64xf32, #tpu.memory_space<vmem_shared>> -> memref<640x64xf32, #tpu.memory_space<vmem_shared>>
      tpu.wait_dma2 semaphore(%run_scoped3A : memref<!tpu.dma_semaphore, #tpu.memory_space<semaphore_mem>>) src(%dma_wait3A_147 : memref<640x64xf32, #tpu.memory_space<vmem_shared>>) dst(%dma_wait3A_145 : memref<640x64xf32, #tpu.memory_space<hbm>>)
      tpu.yield
    }) : () -> ()
    return
  }
}

#map = affine_map<(d0, d1) -> (0, 0)>
#map1 = affine_map<(d0, d1) -> (0, 0, 0)>
module attributes {stable_mosaic.version = 14 : i64} {
  func.func @segsum(%arg0: i32, %arg1: i32, %arg2: memref<10240x64xf32, #tpu.memory_space<hbm>>, %arg3: memref<5120x128xi32, #tpu.memory_space<hbm>>, %arg4: memref<640x64xf32, #tpu.memory_space<hbm>>, %arg5: memref<2x10240x64xf32, #tpu.memory_space<hbm>>, %arg6: memref<8x128xi32, #tpu.memory_space<vmem>>, %arg7: memref<8x128xi32, #tpu.memory_space<vmem>>, %arg8: memref<512x64xf32, #tpu.memory_space<vmem>>, %arg9: memref<512x64xf32, #tpu.memory_space<vmem>>, %arg10: memref<10240x64xf32, #tpu.memory_space<vmem_shared>>, %arg11: memref<!tpu.dma_semaphore, #tpu.memory_space<semaphore_mem>>, %arg12: memref<!tpu.dma_semaphore, #tpu.memory_space<semaphore_mem>>, %arg13: memref<!tpu.dma_semaphore, #tpu.memory_space<semaphore_mem>>, %arg14: memref<!tpu.dma_semaphore, #tpu.memory_space<semaphore_mem>>, %arg15: memref<!tpu.dma_semaphore, #tpu.memory_space<semaphore_mem>>, %arg16: memref<!tpu.dma_semaphore, #tpu.memory_space<semaphore_mem>>, %arg17: memref<!tpu.dma_semaphore, #tpu.memory_space<semaphore_mem>>, %arg18: memref<!tpu.dma_semaphore, #tpu.memory_space<semaphore_mem>>, %arg19: memref<!tpu.dma_semaphore, #tpu.memory_space<semaphore_mem>>, %arg20: memref<!tpu.dma_semaphore, #tpu.memory_space<semaphore_mem>>) attributes {dimension_semantics = [#tpu.dimension_semantics<core_parallel>, #tpu.dimension_semantics<subcore_parallel>], iteration_bounds = array<i64: 2, 16>, scalar_prefetch = 0 : i64, scratch_operands = 15 : i64, tpu.core_type = #tpu.core_type<sc_vector_subcore>, window_params = [{transform_indices = #map}, {transform_indices = #map}, {transform_indices = #map}, {transform_indices = #map1}]} {
    %mul3A = arith.constant 16 : i32
    %mul3A_0 = arith.muli %arg0, %mul3A : i32
    %add3A = arith.addi %mul3A_0, %arg1 : i32
    %mul3A_1 = arith.constant 640 : i32
    %mul3A_2 = arith.muli %arg1, %mul3A_1 : i32
    %mul3A_3 = arith.constant 20 : i32
    %mul3A_4 = arith.muli %add3A, %mul3A_3 : i32
    %mul3A_5 = arith.constant 2 : i32
    %mul3A_6 = arith.muli %mul3A_4, %mul3A_5 : i32
    %mul3A_7 = arith.constant 4 : i32
    %mul3A_8 = arith.muli %mul3A_6, %mul3A_7 : i32
    "tpu.region"() ({
      %run_scoped3A = tpu.sem_alloc : memref<!tpu.dma_semaphore, #tpu.memory_space<semaphore_mem>>
      %dma_start3A_132 = arith.constant 0 : i32
      %dma_start3A_133 = tpu.memref_slice %arg3[%mul3A_8, %dma_start3A_132] : memref<5120x128xi32, #tpu.memory_space<hbm>> -> memref<8x128xi32, #tpu.memory_space<hbm>>
      %dma_start3A_134 = arith.constant 0 : i32
      %dma_start3A_135 = tpu.memref_slice %arg3[%mul3A_8, %dma_start3A_134] : memref<5120x128xi32, #tpu.memory_space<hbm>> -> memref<8x128xi32, #tpu.memory_space<hbm>>
      tpu.enqueue_dma source(%dma_start3A_135 : memref<8x128xi32, #tpu.memory_space<hbm>>) target(%arg6 : memref<8x128xi32, #tpu.memory_space<vmem>>) target_semaphore(%run_scoped3A : memref<!tpu.dma_semaphore, #tpu.memory_space<semaphore_mem>>)
      %dma_wait3A_136 = arith.constant 0 : i32
      %dma_wait3A_137 = tpu.memref_slice %arg3[%mul3A_8, %dma_wait3A_136] : memref<5120x128xi32, #tpu.memory_space<hbm>> -> memref<8x128xi32, #tpu.memory_space<hbm>>
      %dma_wait3A_138 = arith.constant 0 : i32
      %dma_wait3A_139 = tpu.memref_slice %arg3[%mul3A_8, %dma_wait3A_138] : memref<5120x128xi32, #tpu.memory_space<hbm>> -> memref<8x128xi32, #tpu.memory_space<hbm>>
      tpu.wait_dma2 semaphore(%run_scoped3A : memref<!tpu.dma_semaphore, #tpu.memory_space<semaphore_mem>>) src(%dma_wait3A_139 : memref<8x128xi32, #tpu.memory_space<hbm>>) dst(%arg6 : memref<8x128xi32, #tpu.memory_space<vmem>>)
      tpu.yield
    }) : () -> ()
    %dma_start3A = arith.constant 0 : i32
    %dma_start3A_9 = arith.constant 0 : i32
    %dma_start3A_10 = arith.constant 0 : i32
    %dma_start3A_11 = tpu.memref_slice %arg8[%dma_start3A_9, %dma_start3A_10] : memref<512x64xf32, #tpu.memory_space<vmem>> -> memref<128x64xf32, #tpu.memory_space<vmem>>
    %dma_start3A_12 = arith.constant 0 : i32
    %dma_start3A_13 = tpu.memref_slice %arg6[%dma_start3A, %dma_start3A_12] : memref<8x128xi32, #tpu.memory_space<vmem>> -> memref<1x128xi32, #tpu.memory_space<vmem>>
    %dma_start3A_14 = tpu.memref_squeeze %dma_start3A_13 : memref<1x128xi32, #tpu.memory_space<vmem>> -> memref<128xi32, #tpu.memory_space<vmem>>
    %dma_start3A_15 = arith.constant 0 : i32
    %dma_start3A_16 = arith.constant 0 : i32
    %dma_start3A_17 = tpu.memref_slice %arg2[%dma_start3A_15, %dma_start3A_16] : memref<10240x64xf32, #tpu.memory_space<hbm>> -> memref<10240x64xf32, #tpu.memory_space<hbm>>
    tpu.enqueue_indirect_dma source(%dma_start3A_17 : memref<10240x64xf32, #tpu.memory_space<hbm>>) target(%dma_start3A_11 : memref<128x64xf32, #tpu.memory_space<vmem>>) offsets(%dma_start3A_14 : memref<128xi32, #tpu.memory_space<vmem>>) semaphore(%arg11 : memref<!tpu.dma_semaphore, #tpu.memory_space<semaphore_mem>>)
    %dma_start3A_18 = arith.constant 1 : i32
    %dma_start3A_19 = arith.constant 128 : i32
    %dma_start3A_20 = arith.constant 0 : i32
    %dma_start3A_21 = tpu.memref_slice %arg8[%dma_start3A_19, %dma_start3A_20] : memref<512x64xf32, #tpu.memory_space<vmem>> -> memref<128x64xf32, #tpu.memory_space<vmem>>
    %dma_start3A_22 = arith.constant 0 : i32
    %dma_start3A_23 = tpu.memref_slice %arg6[%dma_start3A_18, %dma_start3A_22] : memref<8x128xi32, #tpu.memory_space<vmem>> -> memref<1x128xi32, #tpu.memory_space<vmem>>
    %dma_start3A_24 = tpu.memref_squeeze %dma_start3A_23 : memref<1x128xi32, #tpu.memory_space<vmem>> -> memref<128xi32, #tpu.memory_space<vmem>>
    %dma_start3A_25 = arith.constant 0 : i32
    %dma_start3A_26 = arith.constant 0 : i32
    %dma_start3A_27 = tpu.memref_slice %arg2[%dma_start3A_25, %dma_start3A_26] : memref<10240x64xf32, #tpu.memory_space<hbm>> -> memref<10240x64xf32, #tpu.memory_space<hbm>>
    tpu.enqueue_indirect_dma source(%dma_start3A_27 : memref<10240x64xf32, #tpu.memory_space<hbm>>) target(%dma_start3A_21 : memref<128x64xf32, #tpu.memory_space<vmem>>) offsets(%dma_start3A_24 : memref<128xi32, #tpu.memory_space<vmem>>) semaphore(%arg11 : memref<!tpu.dma_semaphore, #tpu.memory_space<semaphore_mem>>)
    %dma_start3A_28 = arith.constant 2 : i32
    %dma_start3A_29 = arith.constant 256 : i32
    %dma_start3A_30 = arith.constant 0 : i32
    %dma_start3A_31 = tpu.memref_slice %arg8[%dma_start3A_29, %dma_start3A_30] : memref<512x64xf32, #tpu.memory_space<vmem>> -> memref<128x64xf32, #tpu.memory_space<vmem>>
    %dma_start3A_32 = arith.constant 0 : i32
    %dma_start3A_33 = tpu.memref_slice %arg6[%dma_start3A_28, %dma_start3A_32] : memref<8x128xi32, #tpu.memory_space<vmem>> -> memref<1x128xi32, #tpu.memory_space<vmem>>
    %dma_start3A_34 = tpu.memref_squeeze %dma_start3A_33 : memref<1x128xi32, #tpu.memory_space<vmem>> -> memref<128xi32, #tpu.memory_space<vmem>>
    %dma_start3A_35 = arith.constant 0 : i32
    %dma_start3A_36 = arith.constant 0 : i32
    %dma_start3A_37 = tpu.memref_slice %arg2[%dma_start3A_35, %dma_start3A_36] : memref<10240x64xf32, #tpu.memory_space<hbm>> -> memref<10240x64xf32, #tpu.memory_space<hbm>>
    tpu.enqueue_indirect_dma source(%dma_start3A_37 : memref<10240x64xf32, #tpu.memory_space<hbm>>) target(%dma_start3A_31 : memref<128x64xf32, #tpu.memory_space<vmem>>) offsets(%dma_start3A_34 : memref<128xi32, #tpu.memory_space<vmem>>) semaphore(%arg11 : memref<!tpu.dma_semaphore, #tpu.memory_space<semaphore_mem>>)
    %dma_start3A_38 = arith.constant 3 : i32
    %dma_start3A_39 = arith.constant 384 : i32
    %dma_start3A_40 = arith.constant 0 : i32
    %dma_start3A_41 = tpu.memref_slice %arg8[%dma_start3A_39, %dma_start3A_40] : memref<512x64xf32, #tpu.memory_space<vmem>> -> memref<128x64xf32, #tpu.memory_space<vmem>>
    %dma_start3A_42 = arith.constant 0 : i32
    %dma_start3A_43 = tpu.memref_slice %arg6[%dma_start3A_38, %dma_start3A_42] : memref<8x128xi32, #tpu.memory_space<vmem>> -> memref<1x128xi32, #tpu.memory_space<vmem>>
    %dma_start3A_44 = tpu.memref_squeeze %dma_start3A_43 : memref<1x128xi32, #tpu.memory_space<vmem>> -> memref<128xi32, #tpu.memory_space<vmem>>
    %dma_start3A_45 = arith.constant 0 : i32
    %dma_start3A_46 = arith.constant 0 : i32
    %dma_start3A_47 = tpu.memref_slice %arg2[%dma_start3A_45, %dma_start3A_46] : memref<10240x64xf32, #tpu.memory_space<hbm>> -> memref<10240x64xf32, #tpu.memory_space<hbm>>
    tpu.enqueue_indirect_dma source(%dma_start3A_47 : memref<10240x64xf32, #tpu.memory_space<hbm>>) target(%dma_start3A_41 : memref<128x64xf32, #tpu.memory_space<vmem>>) offsets(%dma_start3A_44 : memref<128xi32, #tpu.memory_space<vmem>>) semaphore(%arg11 : memref<!tpu.dma_semaphore, #tpu.memory_space<semaphore_mem>>)
    "tpu.region"() ({
      %run_scoped3A = tpu.sem_alloc : memref<!tpu.dma_semaphore, #tpu.memory_space<semaphore_mem>>
      %dma_start3A_132 = arith.constant 0 : i32
      %dma_start3A_133 = tpu.memref_slice %arg10[%mul3A_2, %dma_start3A_132] : memref<10240x64xf32, #tpu.memory_space<vmem_shared>> -> memref<640x64xf32, #tpu.memory_space<vmem_shared>>
      tpu.enqueue_dma source(%arg4 : memref<640x64xf32, #tpu.memory_space<hbm>>) target(%dma_start3A_133 : memref<640x64xf32, #tpu.memory_space<vmem_shared>>) target_semaphore(%run_scoped3A : memref<!tpu.dma_semaphore, #tpu.memory_space<semaphore_mem>>)
      %dma_wait3A_134 = arith.constant 0 : i32
      %dma_wait3A_135 = tpu.memref_slice %arg10[%mul3A_2, %dma_wait3A_134] : memref<10240x64xf32, #tpu.memory_space<vmem_shared>> -> memref<640x64xf32, #tpu.memory_space<vmem_shared>>
      tpu.wait_dma2 semaphore(%run_scoped3A : memref<!tpu.dma_semaphore, #tpu.memory_space<semaphore_mem>>) src(%arg4 : memref<640x64xf32, #tpu.memory_space<hbm>>) dst(%dma_wait3A_135 : memref<640x64xf32, #tpu.memory_space<vmem_shared>>)
      tpu.yield
    }) : () -> ()
    %barrier3A = arith.constant 0 : index
    tpu.barrier barrier_id(%barrier3A)
    %scan3A = arith.constant 0 : i32
    %scan3A_48 = arith.constant 10 : i32
    %scan3A_49 = arith.addi %scan3A, %scan3A_48 : i32
    %scan3A_50 = arith.constant 1 : i32
    scf.for %scan3A_132 = %scan3A to %scan3A_49 step %scan3A_50  : i32 {
      %mul3A_133 = arith.constant 1 : i32
      %mul3A_134 = arith.muli %scan3A_132, %mul3A_133 : i32
      %add3A_135 = arith.constant 0 : i32
      %add3A_136 = arith.addi %add3A_135, %mul3A_134 : i32
      %mul3A_137 = arith.constant 2 : i32
      %mul3A_138 = arith.muli %mul3A_137, %add3A_136 : i32
      %add3A_139 = arith.constant 1 : i32
      %add3A_140 = arith.addi %mul3A_138, %add3A_139 : i32
      %mul3A_141 = arith.constant 2 : i32
      %mul3A_142 = arith.muli %mul3A_141, %add3A_136 : i32
      %add3A_143 = arith.constant 2 : i32
      %add3A_144 = arith.addi %mul3A_142, %add3A_143 : i32
      %dma_wait3A_145 = arith.constant 0 : i32
      %dma_wait3A_146 = arith.constant 0 : i32
      %dma_wait3A_147 = tpu.memref_slice %arg2[%dma_wait3A_145, %dma_wait3A_146] : memref<10240x64xf32, #tpu.memory_space<hbm>> -> memref<512x64xf32, #tpu.memory_space<hbm>>
      %dma_wait3A_148 = arith.constant 0 : i32
      %dma_wait3A_149 = arith.constant 0 : i32
      %dma_wait3A_150 = tpu.memref_slice %arg2[%dma_wait3A_148, %dma_wait3A_149] : memref<10240x64xf32, #tpu.memory_space<hbm>> -> memref<512x64xf32, #tpu.memory_space<hbm>>
      tpu.wait_dma2 semaphore(%arg11 : memref<!tpu.dma_semaphore, #tpu.memory_space<semaphore_mem>>) src(%dma_wait3A_150 : memref<512x64xf32, #tpu.memory_space<hbm>>) dst(%arg8 : memref<512x64xf32, #tpu.memory_space<vmem>>)
      %gt3A = arith.constant 0 : i32
      %gt3A_151 = arith.cmpi sgt, %add3A_136, %gt3A : i32
      %convert_element_type3A = arith.extui %gt3A_151 : i1 to i32
      %cond3A = arith.constant 0 : i32
      %cond3A_152 = arith.cmpi ne, %convert_element_type3A, %cond3A : i32
      scf.if %cond3A_152 {
        %dma_wait3A_288 = arith.constant 4 : i32
        %dma_wait3A_289 = arith.constant 0 : i32
        %dma_wait3A_290 = arith.constant 0 : i32
        %dma_wait3A_291 = tpu.memref_slice %arg9[%dma_wait3A_289, %dma_wait3A_290] : memref<512x64xf32, #tpu.memory_space<vmem>> -> memref<128x64xf32, #tpu.memory_space<vmem>>
        %dma_wait3A_292 = arith.constant 0 : i32
        %dma_wait3A_293 = tpu.memref_slice %arg7[%dma_wait3A_288, %dma_wait3A_292] : memref<8x128xi32, #tpu.memory_space<vmem>> -> memref<1x128xi32, #tpu.memory_space<vmem>>
        %dma_wait3A_294 = tpu.memref_squeeze %dma_wait3A_293 : memref<1x128xi32, #tpu.memory_space<vmem>> -> memref<128xi32, #tpu.memory_space<vmem>>
        %dma_wait3A_295 = arith.constant 0 : i32
        %dma_wait3A_296 = arith.constant 0 : i32
        %dma_wait3A_297 = tpu.memref_slice %arg10[%dma_wait3A_295, %dma_wait3A_296] : memref<10240x64xf32, #tpu.memory_space<vmem_shared>> -> memref<10240x64xf32, #tpu.memory_space<vmem_shared>>
        tpu.wait_indirect_dma semaphore(%arg17 : memref<!tpu.dma_semaphore, #tpu.memory_space<semaphore_mem>>) src(%dma_wait3A_291 : memref<128x64xf32, #tpu.memory_space<vmem>>) dst(%dma_wait3A_297 : memref<10240x64xf32, #tpu.memory_space<vmem_shared>>)
        %dma_wait3A_298 = arith.constant 5 : i32
        %dma_wait3A_299 = arith.constant 128 : i32
        %dma_wait3A_300 = arith.constant 0 : i32
        %dma_wait3A_301 = tpu.memref_slice %arg9[%dma_wait3A_299, %dma_wait3A_300] : memref<512x64xf32, #tpu.memory_space<vmem>> -> memref<128x64xf32, #tpu.memory_space<vmem>>
        %dma_wait3A_302 = arith.constant 0 : i32
        %dma_wait3A_303 = tpu.memref_slice %arg7[%dma_wait3A_298, %dma_wait3A_302] : memref<8x128xi32, #tpu.memory_space<vmem>> -> memref<1x128xi32, #tpu.memory_space<vmem>>
        %dma_wait3A_304 = tpu.memref_squeeze %dma_wait3A_303 : memref<1x128xi32, #tpu.memory_space<vmem>> -> memref<128xi32, #tpu.memory_space<vmem>>
        %dma_wait3A_305 = arith.constant 0 : i32
        %dma_wait3A_306 = arith.constant 0 : i32
        %dma_wait3A_307 = tpu.memref_slice %arg10[%dma_wait3A_305, %dma_wait3A_306] : memref<10240x64xf32, #tpu.memory_space<vmem_shared>> -> memref<10240x64xf32, #tpu.memory_space<vmem_shared>>
        tpu.wait_indirect_dma semaphore(%arg18 : memref<!tpu.dma_semaphore, #tpu.memory_space<semaphore_mem>>) src(%dma_wait3A_301 : memref<128x64xf32, #tpu.memory_space<vmem>>) dst(%dma_wait3A_307 : memref<10240x64xf32, #tpu.memory_space<vmem_shared>>)
        %dma_wait3A_308 = arith.constant 6 : i32
        %dma_wait3A_309 = arith.constant 256 : i32
        %dma_wait3A_310 = arith.constant 0 : i32
        %dma_wait3A_311 = tpu.memref_slice %arg9[%dma_wait3A_309, %dma_wait3A_310] : memref<512x64xf32, #tpu.memory_space<vmem>> -> memref<128x64xf32, #tpu.memory_space<vmem>>
        %dma_wait3A_312 = arith.constant 0 : i32
        %dma_wait3A_313 = tpu.memref_slice %arg7[%dma_wait3A_308, %dma_wait3A_312] : memref<8x128xi32, #tpu.memory_space<vmem>> -> memref<1x128xi32, #tpu.memory_space<vmem>>
        %dma_wait3A_314 = tpu.memref_squeeze %dma_wait3A_313 : memref<1x128xi32, #tpu.memory_space<vmem>> -> memref<128xi32, #tpu.memory_space<vmem>>
        %dma_wait3A_315 = arith.constant 0 : i32
        %dma_wait3A_316 = arith.constant 0 : i32
        %dma_wait3A_317 = tpu.memref_slice %arg10[%dma_wait3A_315, %dma_wait3A_316] : memref<10240x64xf32, #tpu.memory_space<vmem_shared>> -> memref<10240x64xf32, #tpu.memory_space<vmem_shared>>
        tpu.wait_indirect_dma semaphore(%arg19 : memref<!tpu.dma_semaphore, #tpu.memory_space<semaphore_mem>>) src(%dma_wait3A_311 : memref<128x64xf32, #tpu.memory_space<vmem>>) dst(%dma_wait3A_317 : memref<10240x64xf32, #tpu.memory_space<vmem_shared>>)
        %dma_wait3A_318 = arith.constant 7 : i32
        %dma_wait3A_319 = arith.constant 384 : i32
        %dma_wait3A_320 = arith.constant 0 : i32
        %dma_wait3A_321 = tpu.memref_slice %arg9[%dma_wait3A_319, %dma_wait3A_320] : memref<512x64xf32, #tpu.memory_space<vmem>> -> memref<128x64xf32, #tpu.memory_space<vmem>>
        %dma_wait3A_322 = arith.constant 0 : i32
        %dma_wait3A_323 = tpu.memref_slice %arg7[%dma_wait3A_318, %dma_wait3A_322] : memref<8x128xi32, #tpu.memory_space<vmem>> -> memref<1x128xi32, #tpu.memory_space<vmem>>
        %dma_wait3A_324 = tpu.memref_squeeze %dma_wait3A_323 : memref<1x128xi32, #tpu.memory_space<vmem>> -> memref<128xi32, #tpu.memory_space<vmem>>
        %dma_wait3A_325 = arith.constant 0 : i32
        %dma_wait3A_326 = arith.constant 0 : i32
        %dma_wait3A_327 = tpu.memref_slice %arg10[%dma_wait3A_325, %dma_wait3A_326] : memref<10240x64xf32, #tpu.memory_space<vmem_shared>> -> memref<10240x64xf32, #tpu.memory_space<vmem_shared>>
        tpu.wait_indirect_dma semaphore(%arg20 : memref<!tpu.dma_semaphore, #tpu.memory_space<semaphore_mem>>) src(%dma_wait3A_321 : memref<128x64xf32, #tpu.memory_space<vmem>>) dst(%dma_wait3A_327 : memref<10240x64xf32, #tpu.memory_space<vmem_shared>>)
      } else {
      }
      %mul3A_153 = arith.constant 2 : i32
      %mul3A_154 = arith.muli %add3A_140, %mul3A_153 : i32
      %mul3A_155 = arith.constant 4 : i32
      %mul3A_156 = arith.muli %mul3A_154, %mul3A_155 : i32
      %add3A_157 = arith.addi %mul3A_8, %mul3A_156 : i32
      "tpu.region"() ({
        %run_scoped3A = tpu.sem_alloc : memref<!tpu.dma_semaphore, #tpu.memory_space<semaphore_mem>>
        %dma_start3A_288 = arith.constant 0 : i32
        %dma_start3A_289 = tpu.memref_slice %arg3[%add3A_157, %dma_start3A_288] : memref<5120x128xi32, #tpu.memory_space<hbm>> -> memref<8x128xi32, #tpu.memory_space<hbm>>
        %dma_start3A_290 = arith.constant 0 : i32
        %dma_start3A_291 = tpu.memref_slice %arg3[%add3A_157, %dma_start3A_290] : memref<5120x128xi32, #tpu.memory_space<hbm>> -> memref<8x128xi32, #tpu.memory_space<hbm>>
        tpu.enqueue_dma source(%dma_start3A_291 : memref<8x128xi32, #tpu.memory_space<hbm>>) target(%arg7 : memref<8x128xi32, #tpu.memory_space<vmem>>) target_semaphore(%run_scoped3A : memref<!tpu.dma_semaphore, #tpu.memory_space<semaphore_mem>>)
        %dma_wait3A_292 = arith.constant 0 : i32
        %dma_wait3A_293 = tpu.memref_slice %arg3[%add3A_157, %dma_wait3A_292] : memref<5120x128xi32, #tpu.memory_space<hbm>> -> memref<8x128xi32, #tpu.memory_space<hbm>>
        %dma_wait3A_294 = arith.constant 0 : i32
        %dma_wait3A_295 = tpu.memref_slice %arg3[%add3A_157, %dma_wait3A_294] : memref<5120x128xi32, #tpu.memory_space<hbm>> -> memref<8x128xi32, #tpu.memory_space<hbm>>
        tpu.wait_dma2 semaphore(%run_scoped3A : memref<!tpu.dma_semaphore, #tpu.memory_space<semaphore_mem>>) src(%dma_wait3A_295 : memref<8x128xi32, #tpu.memory_space<hbm>>) dst(%arg7 : memref<8x128xi32, #tpu.memory_space<vmem>>)
        tpu.yield
      }) : () -> ()
      %dma_start3A_158 = arith.constant 0 : i32
      %dma_start3A_159 = arith.constant 0 : i32
      %dma_start3A_160 = arith.constant 0 : i32
      %dma_start3A_161 = tpu.memref_slice %arg9[%dma_start3A_159, %dma_start3A_160] : memref<512x64xf32, #tpu.memory_space<vmem>> -> memref<128x64xf32, #tpu.memory_space<vmem>>
      %dma_start3A_162 = arith.constant 0 : i32
      %dma_start3A_163 = tpu.memref_slice %arg7[%dma_start3A_158, %dma_start3A_162] : memref<8x128xi32, #tpu.memory_space<vmem>> -> memref<1x128xi32, #tpu.memory_space<vmem>>
      %dma_start3A_164 = tpu.memref_squeeze %dma_start3A_163 : memref<1x128xi32, #tpu.memory_space<vmem>> -> memref<128xi32, #tpu.memory_space<vmem>>
      %dma_start3A_165 = arith.constant 0 : i32
      %dma_start3A_166 = arith.constant 0 : i32
      %dma_start3A_167 = tpu.memref_slice %arg2[%dma_start3A_165, %dma_start3A_166] : memref<10240x64xf32, #tpu.memory_space<hbm>> -> memref<10240x64xf32, #tpu.memory_space<hbm>>
      tpu.enqueue_indirect_dma source(%dma_start3A_167 : memref<10240x64xf32, #tpu.memory_space<hbm>>) target(%dma_start3A_161 : memref<128x64xf32, #tpu.memory_space<vmem>>) offsets(%dma_start3A_164 : memref<128xi32, #tpu.memory_space<vmem>>) semaphore(%arg12 : memref<!tpu.dma_semaphore, #tpu.memory_space<semaphore_mem>>)
      %dma_start3A_168 = arith.constant 1 : i32
      %dma_start3A_169 = arith.constant 128 : i32
      %dma_start3A_170 = arith.constant 0 : i32
      %dma_start3A_171 = tpu.memref_slice %arg9[%dma_start3A_169, %dma_start3A_170] : memref<512x64xf32, #tpu.memory_space<vmem>> -> memref<128x64xf32, #tpu.memory_space<vmem>>
      %dma_start3A_172 = arith.constant 0 : i32
      %dma_start3A_173 = tpu.memref_slice %arg7[%dma_start3A_168, %dma_start3A_172] : memref<8x128xi32, #tpu.memory_space<vmem>> -> memref<1x128xi32, #tpu.memory_space<vmem>>
      %dma_start3A_174 = tpu.memref_squeeze %dma_start3A_173 : memref<1x128xi32, #tpu.memory_space<vmem>> -> memref<128xi32, #tpu.memory_space<vmem>>
      %dma_start3A_175 = arith.constant 0 : i32
      %dma_start3A_176 = arith.constant 0 : i32
      %dma_start3A_177 = tpu.memref_slice %arg2[%dma_start3A_175, %dma_start3A_176] : memref<10240x64xf32, #tpu.memory_space<hbm>> -> memref<10240x64xf32, #tpu.memory_space<hbm>>
      tpu.enqueue_indirect_dma source(%dma_start3A_177 : memref<10240x64xf32, #tpu.memory_space<hbm>>) target(%dma_start3A_171 : memref<128x64xf32, #tpu.memory_space<vmem>>) offsets(%dma_start3A_174 : memref<128xi32, #tpu.memory_space<vmem>>) semaphore(%arg12 : memref<!tpu.dma_semaphore, #tpu.memory_space<semaphore_mem>>)
      %dma_start3A_178 = arith.constant 2 : i32
      %dma_start3A_179 = arith.constant 256 : i32
      %dma_start3A_180 = arith.constant 0 : i32
      %dma_start3A_181 = tpu.memref_slice %arg9[%dma_start3A_179, %dma_start3A_180] : memref<512x64xf32, #tpu.memory_space<vmem>> -> memref<128x64xf32, #tpu.memory_space<vmem>>
      %dma_start3A_182 = arith.constant 0 : i32
      %dma_start3A_183 = tpu.memref_slice %arg7[%dma_start3A_178, %dma_start3A_182] : memref<8x128xi32, #tpu.memory_space<vmem>> -> memref<1x128xi32, #tpu.memory_space<vmem>>
      %dma_start3A_184 = tpu.memref_squeeze %dma_start3A_183 : memref<1x128xi32, #tpu.memory_space<vmem>> -> memref<128xi32, #tpu.memory_space<vmem>>
      %dma_start3A_185 = arith.constant 0 : i32
      %dma_start3A_186 = arith.constant 0 : i32
      %dma_start3A_187 = tpu.memref_slice %arg2[%dma_start3A_185, %dma_start3A_186] : memref<10240x64xf32, #tpu.memory_space<hbm>> -> memref<10240x64xf32, #tpu.memory_space<hbm>>
      tpu.enqueue_indirect_dma source(%dma_start3A_187 : memref<10240x64xf32, #tpu.memory_space<hbm>>) target(%dma_start3A_181 : memref<128x64xf32, #tpu.memory_space<vmem>>) offsets(%dma_start3A_184 : memref<128xi32, #tpu.memory_space<vmem>>) semaphore(%arg12 : memref<!tpu.dma_semaphore, #tpu.memory_space<semaphore_mem>>)
      %dma_start3A_188 = arith.constant 3 : i32
      %dma_start3A_189 = arith.constant 384 : i32
      %dma_start3A_190 = arith.constant 0 : i32
      %dma_start3A_191 = tpu.memref_slice %arg9[%dma_start3A_189, %dma_start3A_190] : memref<512x64xf32, #tpu.memory_space<vmem>> -> memref<128x64xf32, #tpu.memory_space<vmem>>
      %dma_start3A_192 = arith.constant 0 : i32
      %dma_start3A_193 = tpu.memref_slice %arg7[%dma_start3A_188, %dma_start3A_192] : memref<8x128xi32, #tpu.memory_space<vmem>> -> memref<1x128xi32, #tpu.memory_space<vmem>>
      %dma_start3A_194 = tpu.memref_squeeze %dma_start3A_193 : memref<1x128xi32, #tpu.memory_space<vmem>> -> memref<128xi32, #tpu.memory_space<vmem>>
      %dma_start3A_195 = arith.constant 0 : i32
      %dma_start3A_196 = arith.constant 0 : i32
      %dma_start3A_197 = tpu.memref_slice %arg2[%dma_start3A_195, %dma_start3A_196] : memref<10240x64xf32, #tpu.memory_space<hbm>> -> memref<10240x64xf32, #tpu.memory_space<hbm>>
      tpu.enqueue_indirect_dma source(%dma_start3A_197 : memref<10240x64xf32, #tpu.memory_space<hbm>>) target(%dma_start3A_191 : memref<128x64xf32, #tpu.memory_space<vmem>>) offsets(%dma_start3A_194 : memref<128xi32, #tpu.memory_space<vmem>>) semaphore(%arg12 : memref<!tpu.dma_semaphore, #tpu.memory_space<semaphore_mem>>)
      %dma_start3A_198 = arith.constant 4 : i32
      %dma_start3A_199 = arith.constant 0 : i32
      %dma_start3A_200 = arith.constant 0 : i32
      %dma_start3A_201 = tpu.memref_slice %arg8[%dma_start3A_199, %dma_start3A_200] : memref<512x64xf32, #tpu.memory_space<vmem>> -> memref<128x64xf32, #tpu.memory_space<vmem>>
      %dma_start3A_202 = arith.constant 0 : i32
      %dma_start3A_203 = tpu.memref_slice %arg6[%dma_start3A_198, %dma_start3A_202] : memref<8x128xi32, #tpu.memory_space<vmem>> -> memref<1x128xi32, #tpu.memory_space<vmem>>
      %dma_start3A_204 = tpu.memref_squeeze %dma_start3A_203 : memref<1x128xi32, #tpu.memory_space<vmem>> -> memref<128xi32, #tpu.memory_space<vmem>>
      %dma_start3A_205 = arith.constant 0 : i32
      %dma_start3A_206 = arith.constant 0 : i32
      %dma_start3A_207 = tpu.memref_slice %arg10[%dma_start3A_205, %dma_start3A_206] : memref<10240x64xf32, #tpu.memory_space<vmem_shared>> -> memref<10240x64xf32, #tpu.memory_space<vmem_shared>>
      tpu.enqueue_indirect_dma source(%dma_start3A_201 : memref<128x64xf32, #tpu.memory_space<vmem>>) target(%dma_start3A_207 : memref<10240x64xf32, #tpu.memory_space<vmem_shared>>) offsets(%dma_start3A_204 : memref<128xi32, #tpu.memory_space<vmem>>) semaphore(%arg13 : memref<!tpu.dma_semaphore, #tpu.memory_space<semaphore_mem>>) {add = true}
      %dma_start3A_208 = arith.constant 5 : i32
      %dma_start3A_209 = arith.constant 128 : i32
      %dma_start3A_210 = arith.constant 0 : i32
      %dma_start3A_211 = tpu.memref_slice %arg8[%dma_start3A_209, %dma_start3A_210] : memref<512x64xf32, #tpu.memory_space<vmem>> -> memref<128x64xf32, #tpu.memory_space<vmem>>
      %dma_start3A_212 = arith.constant 0 : i32
      %dma_start3A_213 = tpu.memref_slice %arg6[%dma_start3A_208, %dma_start3A_212] : memref<8x128xi32, #tpu.memory_space<vmem>> -> memref<1x128xi32, #tpu.memory_space<vmem>>
      %dma_start3A_214 = tpu.memref_squeeze %dma_start3A_213 : memref<1x128xi32, #tpu.memory_space<vmem>> -> memref<128xi32, #tpu.memory_space<vmem>>
      %dma_start3A_215 = arith.constant 0 : i32
      %dma_start3A_216 = arith.constant 0 : i32
      %dma_start3A_217 = tpu.memref_slice %arg10[%dma_start3A_215, %dma_start3A_216] : memref<10240x64xf32, #tpu.memory_space<vmem_shared>> -> memref<10240x64xf32, #tpu.memory_space<vmem_shared>>
      tpu.enqueue_indirect_dma source(%dma_start3A_211 : memref<128x64xf32, #tpu.memory_space<vmem>>) target(%dma_start3A_217 : memref<10240x64xf32, #tpu.memory_space<vmem_shared>>) offsets(%dma_start3A_214 : memref<128xi32, #tpu.memory_space<vmem>>) semaphore(%arg14 : memref<!tpu.dma_semaphore, #tpu.memory_space<semaphore_mem>>) {add = true}
      %dma_start3A_218 = arith.constant 6 : i32
      %dma_start3A_219 = arith.constant 256 : i32
      %dma_start3A_220 = arith.constant 0 : i32
      %dma_start3A_221 = tpu.memref_slice %arg8[%dma_start3A_219, %dma_start3A_220] : memref<512x64xf32, #tpu.memory_space<vmem>> -> memref<128x64xf32, #tpu.memory_space<vmem>>
      %dma_start3A_222 = arith.constant 0 : i32
      %dma_start3A_223 = tpu.memref_slice %arg6[%dma_start3A_218, %dma_start3A_222] : memref<8x128xi32, #tpu.memory_space<vmem>> -> memref<1x128xi32, #tpu.memory_space<vmem>>
      %dma_start3A_224 = tpu.memref_squeeze %dma_start3A_223 : memref<1x128xi32, #tpu.memory_space<vmem>> -> memref<128xi32, #tpu.memory_space<vmem>>
      %dma_start3A_225 = arith.constant 0 : i32
      %dma_start3A_226 = arith.constant 0 : i32
      %dma_start3A_227 = tpu.memref_slice %arg10[%dma_start3A_225, %dma_start3A_226] : memref<10240x64xf32, #tpu.memory_space<vmem_shared>> -> memref<10240x64xf32, #tpu.memory_space<vmem_shared>>
      tpu.enqueue_indirect_dma source(%dma_start3A_221 : memref<128x64xf32, #tpu.memory_space<vmem>>) target(%dma_start3A_227 : memref<10240x64xf32, #tpu.memory_space<vmem_shared>>) offsets(%dma_start3A_224 : memref<128xi32, #tpu.memory_space<vmem>>) semaphore(%arg15 : memref<!tpu.dma_semaphore, #tpu.memory_space<semaphore_mem>>) {add = true}
      %dma_start3A_228 = arith.constant 7 : i32
      %dma_start3A_229 = arith.constant 384 : i32
      %dma_start3A_230 = arith.constant 0 : i32
      %dma_start3A_231 = tpu.memref_slice %arg8[%dma_start3A_229, %dma_start3A_230] : memref<512x64xf32, #tpu.memory_space<vmem>> -> memref<128x64xf32, #tpu.memory_space<vmem>>
      %dma_start3A_232 = arith.constant 0 : i32
      %dma_start3A_233 = tpu.memref_slice %arg6[%dma_start3A_228, %dma_start3A_232] : memref<8x128xi32, #tpu.memory_space<vmem>> -> memref<1x128xi32, #tpu.memory_space<vmem>>
      %dma_start3A_234 = tpu.memref_squeeze %dma_start3A_233 : memref<1x128xi32, #tpu.memory_space<vmem>> -> memref<128xi32, #tpu.memory_space<vmem>>
      %dma_start3A_235 = arith.constant 0 : i32
      %dma_start3A_236 = arith.constant 0 : i32
      %dma_start3A_237 = tpu.memref_slice %arg10[%dma_start3A_235, %dma_start3A_236] : memref<10240x64xf32, #tpu.memory_space<vmem_shared>> -> memref<10240x64xf32, #tpu.memory_space<vmem_shared>>
      tpu.enqueue_indirect_dma source(%dma_start3A_231 : memref<128x64xf32, #tpu.memory_space<vmem>>) target(%dma_start3A_237 : memref<10240x64xf32, #tpu.memory_space<vmem_shared>>) offsets(%dma_start3A_234 : memref<128xi32, #tpu.memory_space<vmem>>) semaphore(%arg16 : memref<!tpu.dma_semaphore, #tpu.memory_space<semaphore_mem>>) {add = true}
      %dma_wait3A_238 = arith.constant 0 : i32
      %dma_wait3A_239 = arith.constant 0 : i32
      %dma_wait3A_240 = tpu.memref_slice %arg2[%dma_wait3A_238, %dma_wait3A_239] : memref<10240x64xf32, #tpu.memory_space<hbm>> -> memref<512x64xf32, #tpu.memory_space<hbm>>
      %dma_wait3A_241 = arith.constant 0 : i32
      %dma_wait3A_242 = arith.constant 0 : i32
      %dma_wait3A_243 = tpu.memref_slice %arg2[%dma_wait3A_241, %dma_wait3A_242] : memref<10240x64xf32, #tpu.memory_space<hbm>> -> memref<512x64xf32, #tpu.memory_space<hbm>>
      tpu.wait_dma2 semaphore(%arg12 : memref<!tpu.dma_semaphore, #tpu.memory_space<semaphore_mem>>) src(%dma_wait3A_243 : memref<512x64xf32, #tpu.memory_space<hbm>>) dst(%arg9 : memref<512x64xf32, #tpu.memory_space<vmem>>)
      %lt3A = arith.constant 20 : i32
      %lt3A_244 = arith.cmpi slt, %add3A_144, %lt3A : i32
      %convert_element_type3A_245 = arith.extui %lt3A_244 : i1 to i32
      %cond3A_246 = arith.constant 0 : i32
      %cond3A_247 = arith.cmpi ne, %convert_element_type3A_245, %cond3A_246 : i32
      scf.if %cond3A_247 {
        %dma_wait3A_288 = arith.constant 4 : i32
        %dma_wait3A_289 = arith.constant 0 : i32
        %dma_wait3A_290 = arith.constant 0 : i32
        %dma_wait3A_291 = tpu.memref_slice %arg8[%dma_wait3A_289, %dma_wait3A_290] : memref<512x64xf32, #tpu.memory_space<vmem>> -> memref<128x64xf32, #tpu.memory_space<vmem>>
        %dma_wait3A_292 = arith.constant 0 : i32
        %dma_wait3A_293 = tpu.memref_slice %arg6[%dma_wait3A_288, %dma_wait3A_292] : memref<8x128xi32, #tpu.memory_space<vmem>> -> memref<1x128xi32, #tpu.memory_space<vmem>>
        %dma_wait3A_294 = tpu.memref_squeeze %dma_wait3A_293 : memref<1x128xi32, #tpu.memory_space<vmem>> -> memref<128xi32, #tpu.memory_space<vmem>>
        %dma_wait3A_295 = arith.constant 0 : i32
        %dma_wait3A_296 = arith.constant 0 : i32
        %dma_wait3A_297 = tpu.memref_slice %arg10[%dma_wait3A_295, %dma_wait3A_296] : memref<10240x64xf32, #tpu.memory_space<vmem_shared>> -> memref<10240x64xf32, #tpu.memory_space<vmem_shared>>
        tpu.wait_indirect_dma semaphore(%arg13 : memref<!tpu.dma_semaphore, #tpu.memory_space<semaphore_mem>>) src(%dma_wait3A_291 : memref<128x64xf32, #tpu.memory_space<vmem>>) dst(%dma_wait3A_297 : memref<10240x64xf32, #tpu.memory_space<vmem_shared>>)
        %dma_wait3A_298 = arith.constant 5 : i32
        %dma_wait3A_299 = arith.constant 128 : i32
        %dma_wait3A_300 = arith.constant 0 : i32
        %dma_wait3A_301 = tpu.memref_slice %arg8[%dma_wait3A_299, %dma_wait3A_300] : memref<512x64xf32, #tpu.memory_space<vmem>> -> memref<128x64xf32, #tpu.memory_space<vmem>>
        %dma_wait3A_302 = arith.constant 0 : i32
        %dma_wait3A_303 = tpu.memref_slice %arg6[%dma_wait3A_298, %dma_wait3A_302] : memref<8x128xi32, #tpu.memory_space<vmem>> -> memref<1x128xi32, #tpu.memory_space<vmem>>
        %dma_wait3A_304 = tpu.memref_squeeze %dma_wait3A_303 : memref<1x128xi32, #tpu.memory_space<vmem>> -> memref<128xi32, #tpu.memory_space<vmem>>
        %dma_wait3A_305 = arith.constant 0 : i32
        %dma_wait3A_306 = arith.constant 0 : i32
        %dma_wait3A_307 = tpu.memref_slice %arg10[%dma_wait3A_305, %dma_wait3A_306] : memref<10240x64xf32, #tpu.memory_space<vmem_shared>> -> memref<10240x64xf32, #tpu.memory_space<vmem_shared>>
        tpu.wait_indirect_dma semaphore(%arg14 : memref<!tpu.dma_semaphore, #tpu.memory_space<semaphore_mem>>) src(%dma_wait3A_301 : memref<128x64xf32, #tpu.memory_space<vmem>>) dst(%dma_wait3A_307 : memref<10240x64xf32, #tpu.memory_space<vmem_shared>>)
        %dma_wait3A_308 = arith.constant 6 : i32
        %dma_wait3A_309 = arith.constant 256 : i32
        %dma_wait3A_310 = arith.constant 0 : i32
        %dma_wait3A_311 = tpu.memref_slice %arg8[%dma_wait3A_309, %dma_wait3A_310] : memref<512x64xf32, #tpu.memory_space<vmem>> -> memref<128x64xf32, #tpu.memory_space<vmem>>
        %dma_wait3A_312 = arith.constant 0 : i32
        %dma_wait3A_313 = tpu.memref_slice %arg6[%dma_wait3A_308, %dma_wait3A_312] : memref<8x128xi32, #tpu.memory_space<vmem>> -> memref<1x128xi32, #tpu.memory_space<vmem>>
        %dma_wait3A_314 = tpu.memref_squeeze %dma_wait3A_313 : memref<1x128xi32, #tpu.memory_space<vmem>> -> memref<128xi32, #tpu.memory_space<vmem>>
        %dma_wait3A_315 = arith.constant 0 : i32
        %dma_wait3A_316 = arith.constant 0 : i32
        %dma_wait3A_317 = tpu.memref_slice %arg10[%dma_wait3A_315, %dma_wait3A_316] : memref<10240x64xf32, #tpu.memory_space<vmem_shared>> -> memref<10240x64xf32, #tpu.memory_space<vmem_shared>>
        tpu.wait_indirect_dma semaphore(%arg15 : memref<!tpu.dma_semaphore, #tpu.memory_space<semaphore_mem>>) src(%dma_wait3A_311 : memref<128x64xf32, #tpu.memory_space<vmem>>) dst(%dma_wait3A_317 : memref<10240x64xf32, #tpu.memory_space<vmem_shared>>)
        %dma_wait3A_318 = arith.constant 7 : i32
        %dma_wait3A_319 = arith.constant 384 : i32
        %dma_wait3A_320 = arith.constant 0 : i32
        %dma_wait3A_321 = tpu.memref_slice %arg8[%dma_wait3A_319, %dma_wait3A_320] : memref<512x64xf32, #tpu.memory_space<vmem>> -> memref<128x64xf32, #tpu.memory_space<vmem>>
        %dma_wait3A_322 = arith.constant 0 : i32
        %dma_wait3A_323 = tpu.memref_slice %arg6[%dma_wait3A_318, %dma_wait3A_322] : memref<8x128xi32, #tpu.memory_space<vmem>> -> memref<1x128xi32, #tpu.memory_space<vmem>>
        %dma_wait3A_324 = tpu.memref_squeeze %dma_wait3A_323 : memref<1x128xi32, #tpu.memory_space<vmem>> -> memref<128xi32, #tpu.memory_space<vmem>>
        %dma_wait3A_325 = arith.constant 0 : i32
        %dma_wait3A_326 = arith.constant 0 : i32
        %dma_wait3A_327 = tpu.memref_slice %arg10[%dma_wait3A_325, %dma_wait3A_326] : memref<10240x64xf32, #tpu.memory_space<vmem_shared>> -> memref<10240x64xf32, #tpu.memory_space<vmem_shared>>
        tpu.wait_indirect_dma semaphore(%arg16 : memref<!tpu.dma_semaphore, #tpu.memory_space<semaphore_mem>>) src(%dma_wait3A_321 : memref<128x64xf32, #tpu.memory_space<vmem>>) dst(%dma_wait3A_327 : memref<10240x64xf32, #tpu.memory_space<vmem_shared>>)
        %mul3A_328 = arith.constant 2 : i32
        %mul3A_329 = arith.muli %add3A_144, %mul3A_328 : i32
        %mul3A_330 = arith.constant 4 : i32
        %mul3A_331 = arith.muli %mul3A_329, %mul3A_330 : i32
        %add3A_332 = arith.addi %mul3A_8, %mul3A_331 : i32
        "tpu.region"() ({
          %run_scoped3A = tpu.sem_alloc : memref<!tpu.dma_semaphore, #tpu.memory_space<semaphore_mem>>
          %dma_start3A_373 = arith.constant 0 : i32
          %dma_start3A_374 = tpu.memref_slice %arg3[%add3A_332, %dma_start3A_373] : memref<5120x128xi32, #tpu.memory_space<hbm>> -> memref<8x128xi32, #tpu.memory_space<hbm>>
          %dma_start3A_375 = arith.constant 0 : i32
          %dma_start3A_376 = tpu.memref_slice %arg3[%add3A_332, %dma_start3A_375] : memref<5120x128xi32, #tpu.memory_space<hbm>> -> memref<8x128xi32, #tpu.memory_space<hbm>>
          tpu.enqueue_dma source(%dma_start3A_376 : memref<8x128xi32, #tpu.memory_space<hbm>>) target(%arg6 : memref<8x128xi32, #tpu.memory_space<vmem>>) target_semaphore(%run_scoped3A : memref<!tpu.dma_semaphore, #tpu.memory_space<semaphore_mem>>)
          %dma_wait3A_377 = arith.constant 0 : i32
          %dma_wait3A_378 = tpu.memref_slice %arg3[%add3A_332, %dma_wait3A_377] : memref<5120x128xi32, #tpu.memory_space<hbm>> -> memref<8x128xi32, #tpu.memory_space<hbm>>
          %dma_wait3A_379 = arith.constant 0 : i32
          %dma_wait3A_380 = tpu.memref_slice %arg3[%add3A_332, %dma_wait3A_379] : memref<5120x128xi32, #tpu.memory_space<hbm>> -> memref<8x128xi32, #tpu.memory_space<hbm>>
          tpu.wait_dma2 semaphore(%run_scoped3A : memref<!tpu.dma_semaphore, #tpu.memory_space<semaphore_mem>>) src(%dma_wait3A_380 : memref<8x128xi32, #tpu.memory_space<hbm>>) dst(%arg6 : memref<8x128xi32, #tpu.memory_space<vmem>>)
          tpu.yield
        }) : () -> ()
        %dma_start3A_333 = arith.constant 0 : i32
        %dma_start3A_334 = arith.constant 0 : i32
        %dma_start3A_335 = arith.constant 0 : i32
        %dma_start3A_336 = tpu.memref_slice %arg8[%dma_start3A_334, %dma_start3A_335] : memref<512x64xf32, #tpu.memory_space<vmem>> -> memref<128x64xf32, #tpu.memory_space<vmem>>
        %dma_start3A_337 = arith.constant 0 : i32
        %dma_start3A_338 = tpu.memref_slice %arg6[%dma_start3A_333, %dma_start3A_337] : memref<8x128xi32, #tpu.memory_space<vmem>> -> memref<1x128xi32, #tpu.memory_space<vmem>>
        %dma_start3A_339 = tpu.memref_squeeze %dma_start3A_338 : memref<1x128xi32, #tpu.memory_space<vmem>> -> memref<128xi32, #tpu.memory_space<vmem>>
        %dma_start3A_340 = arith.constant 0 : i32
        %dma_start3A_341 = arith.constant 0 : i32
        %dma_start3A_342 = tpu.memref_slice %arg2[%dma_start3A_340, %dma_start3A_341] : memref<10240x64xf32, #tpu.memory_space<hbm>> -> memref<10240x64xf32, #tpu.memory_space<hbm>>
        tpu.enqueue_indirect_dma source(%dma_start3A_342 : memref<10240x64xf32, #tpu.memory_space<hbm>>) target(%dma_start3A_336 : memref<128x64xf32, #tpu.memory_space<vmem>>) offsets(%dma_start3A_339 : memref<128xi32, #tpu.memory_space<vmem>>) semaphore(%arg11 : memref<!tpu.dma_semaphore, #tpu.memory_space<semaphore_mem>>)
        %dma_start3A_343 = arith.constant 1 : i32
        %dma_start3A_344 = arith.constant 128 : i32
        %dma_start3A_345 = arith.constant 0 : i32
        %dma_start3A_346 = tpu.memref_slice %arg8[%dma_start3A_344, %dma_start3A_345] : memref<512x64xf32, #tpu.memory_space<vmem>> -> memref<128x64xf32, #tpu.memory_space<vmem>>
        %dma_start3A_347 = arith.constant 0 : i32
        %dma_start3A_348 = tpu.memref_slice %arg6[%dma_start3A_343, %dma_start3A_347] : memref<8x128xi32, #tpu.memory_space<vmem>> -> memref<1x128xi32, #tpu.memory_space<vmem>>
        %dma_start3A_349 = tpu.memref_squeeze %dma_start3A_348 : memref<1x128xi32, #tpu.memory_space<vmem>> -> memref<128xi32, #tpu.memory_space<vmem>>
        %dma_start3A_350 = arith.constant 0 : i32
        %dma_start3A_351 = arith.constant 0 : i32
        %dma_start3A_352 = tpu.memref_slice %arg2[%dma_start3A_350, %dma_start3A_351] : memref<10240x64xf32, #tpu.memory_space<hbm>> -> memref<10240x64xf32, #tpu.memory_space<hbm>>
        tpu.enqueue_indirect_dma source(%dma_start3A_352 : memref<10240x64xf32, #tpu.memory_space<hbm>>) target(%dma_start3A_346 : memref<128x64xf32, #tpu.memory_space<vmem>>) offsets(%dma_start3A_349 : memref<128xi32, #tpu.memory_space<vmem>>) semaphore(%arg11 : memref<!tpu.dma_semaphore, #tpu.memory_space<semaphore_mem>>)
        %dma_start3A_353 = arith.constant 2 : i32
        %dma_start3A_354 = arith.constant 256 : i32
        %dma_start3A_355 = arith.constant 0 : i32
        %dma_start3A_356 = tpu.memref_slice %arg8[%dma_start3A_354, %dma_start3A_355] : memref<512x64xf32, #tpu.memory_space<vmem>> -> memref<128x64xf32, #tpu.memory_space<vmem>>
        %dma_start3A_357 = arith.constant 0 : i32
        %dma_start3A_358 = tpu.memref_slice %arg6[%dma_start3A_353, %dma_start3A_357] : memref<8x128xi32, #tpu.memory_space<vmem>> -> memref<1x128xi32, #tpu.memory_space<vmem>>
        %dma_start3A_359 = tpu.memref_squeeze %dma_start3A_358 : memref<1x128xi32, #tpu.memory_space<vmem>> -> memref<128xi32, #tpu.memory_space<vmem>>
        %dma_start3A_360 = arith.constant 0 : i32
        %dma_start3A_361 = arith.constant 0 : i32
        %dma_start3A_362 = tpu.memref_slice %arg2[%dma_start3A_360, %dma_start3A_361] : memref<10240x64xf32, #tpu.memory_space<hbm>> -> memref<10240x64xf32, #tpu.memory_space<hbm>>
        tpu.enqueue_indirect_dma source(%dma_start3A_362 : memref<10240x64xf32, #tpu.memory_space<hbm>>) target(%dma_start3A_356 : memref<128x64xf32, #tpu.memory_space<vmem>>) offsets(%dma_start3A_359 : memref<128xi32, #tpu.memory_space<vmem>>) semaphore(%arg11 : memref<!tpu.dma_semaphore, #tpu.memory_space<semaphore_mem>>)
        %dma_start3A_363 = arith.constant 3 : i32
        %dma_start3A_364 = arith.constant 384 : i32
        %dma_start3A_365 = arith.constant 0 : i32
        %dma_start3A_366 = tpu.memref_slice %arg8[%dma_start3A_364, %dma_start3A_365] : memref<512x64xf32, #tpu.memory_space<vmem>> -> memref<128x64xf32, #tpu.memory_space<vmem>>
        %dma_start3A_367 = arith.constant 0 : i32
        %dma_start3A_368 = tpu.memref_slice %arg6[%dma_start3A_363, %dma_start3A_367] : memref<8x128xi32, #tpu.memory_space<vmem>> -> memref<1x128xi32, #tpu.memory_space<vmem>>
        %dma_start3A_369 = tpu.memref_squeeze %dma_start3A_368 : memref<1x128xi32, #tpu.memory_space<vmem>> -> memref<128xi32, #tpu.memory_space<vmem>>
        %dma_start3A_370 = arith.constant 0 : i32
        %dma_start3A_371 = arith.constant 0 : i32
        %dma_start3A_372 = tpu.memref_slice %arg2[%dma_start3A_370, %dma_start3A_371] : memref<10240x64xf32, #tpu.memory_space<hbm>> -> memref<10240x64xf32, #tpu.memory_space<hbm>>
        tpu.enqueue_indirect_dma source(%dma_start3A_372 : memref<10240x64xf32, #tpu.memory_space<hbm>>) target(%dma_start3A_366 : memref<128x64xf32, #tpu.memory_space<vmem>>) offsets(%dma_start3A_369 : memref<128xi32, #tpu.memory_space<vmem>>) semaphore(%arg11 : memref<!tpu.dma_semaphore, #tpu.memory_space<semaphore_mem>>)
      } else {
      }
      %dma_start3A_248 = arith.constant 4 : i32
      %dma_start3A_249 = arith.constant 0 : i32
      %dma_start3A_250 = arith.constant 0 : i32
      %dma_start3A_251 = tpu.memref_slice %arg9[%dma_start3A_249, %dma_start3A_250] : memref<512x64xf32, #tpu.memory_space<vmem>> -> memref<128x64xf32, #tpu.memory_space<vmem>>
      %dma_start3A_252 = arith.constant 0 : i32
      %dma_start3A_253 = tpu.memref_slice %arg7[%dma_start3A_248, %dma_start3A_252] : memref<8x128xi32, #tpu.memory_space<vmem>> -> memref<1x128xi32, #tpu.memory_space<vmem>>
      %dma_start3A_254 = tpu.memref_squeeze %dma_start3A_253 : memref<1x128xi32, #tpu.memory_space<vmem>> -> memref<128xi32, #tpu.memory_space<vmem>>
      %dma_start3A_255 = arith.constant 0 : i32
      %dma_start3A_256 = arith.constant 0 : i32
      %dma_start3A_257 = tpu.memref_slice %arg10[%dma_start3A_255, %dma_start3A_256] : memref<10240x64xf32, #tpu.memory_space<vmem_shared>> -> memref<10240x64xf32, #tpu.memory_space<vmem_shared>>
      tpu.enqueue_indirect_dma source(%dma_start3A_251 : memref<128x64xf32, #tpu.memory_space<vmem>>) target(%dma_start3A_257 : memref<10240x64xf32, #tpu.memory_space<vmem_shared>>) offsets(%dma_start3A_254 : memref<128xi32, #tpu.memory_space<vmem>>) semaphore(%arg17 : memref<!tpu.dma_semaphore, #tpu.memory_space<semaphore_mem>>) {add = true}
      %dma_start3A_258 = arith.constant 5 : i32
      %dma_start3A_259 = arith.constant 128 : i32
      %dma_start3A_260 = arith.constant 0 : i32
      %dma_start3A_261 = tpu.memref_slice %arg9[%dma_start3A_259, %dma_start3A_260] : memref<512x64xf32, #tpu.memory_space<vmem>> -> memref<128x64xf32, #tpu.memory_space<vmem>>
      %dma_start3A_262 = arith.constant 0 : i32
      %dma_start3A_263 = tpu.memref_slice %arg7[%dma_start3A_258, %dma_start3A_262] : memref<8x128xi32, #tpu.memory_space<vmem>> -> memref<1x128xi32, #tpu.memory_space<vmem>>
      %dma_start3A_264 = tpu.memref_squeeze %dma_start3A_263 : memref<1x128xi32, #tpu.memory_space<vmem>> -> memref<128xi32, #tpu.memory_space<vmem>>
      %dma_start3A_265 = arith.constant 0 : i32
      %dma_start3A_266 = arith.constant 0 : i32
      %dma_start3A_267 = tpu.memref_slice %arg10[%dma_start3A_265, %dma_start3A_266] : memref<10240x64xf32, #tpu.memory_space<vmem_shared>> -> memref<10240x64xf32, #tpu.memory_space<vmem_shared>>
      tpu.enqueue_indirect_dma source(%dma_start3A_261 : memref<128x64xf32, #tpu.memory_space<vmem>>) target(%dma_start3A_267 : memref<10240x64xf32, #tpu.memory_space<vmem_shared>>) offsets(%dma_start3A_264 : memref<128xi32, #tpu.memory_space<vmem>>) semaphore(%arg18 : memref<!tpu.dma_semaphore, #tpu.memory_space<semaphore_mem>>) {add = true}
      %dma_start3A_268 = arith.constant 6 : i32
      %dma_start3A_269 = arith.constant 256 : i32
      %dma_start3A_270 = arith.constant 0 : i32
      %dma_start3A_271 = tpu.memref_slice %arg9[%dma_start3A_269, %dma_start3A_270] : memref<512x64xf32, #tpu.memory_space<vmem>> -> memref<128x64xf32, #tpu.memory_space<vmem>>
      %dma_start3A_272 = arith.constant 0 : i32
      %dma_start3A_273 = tpu.memref_slice %arg7[%dma_start3A_268, %dma_start3A_272] : memref<8x128xi32, #tpu.memory_space<vmem>> -> memref<1x128xi32, #tpu.memory_space<vmem>>
      %dma_start3A_274 = tpu.memref_squeeze %dma_start3A_273 : memref<1x128xi32, #tpu.memory_space<vmem>> -> memref<128xi32, #tpu.memory_space<vmem>>
      %dma_start3A_275 = arith.constant 0 : i32
      %dma_start3A_276 = arith.constant 0 : i32
      %dma_start3A_277 = tpu.memref_slice %arg10[%dma_start3A_275, %dma_start3A_276] : memref<10240x64xf32, #tpu.memory_space<vmem_shared>> -> memref<10240x64xf32, #tpu.memory_space<vmem_shared>>
      tpu.enqueue_indirect_dma source(%dma_start3A_271 : memref<128x64xf32, #tpu.memory_space<vmem>>) target(%dma_start3A_277 : memref<10240x64xf32, #tpu.memory_space<vmem_shared>>) offsets(%dma_start3A_274 : memref<128xi32, #tpu.memory_space<vmem>>) semaphore(%arg19 : memref<!tpu.dma_semaphore, #tpu.memory_space<semaphore_mem>>) {add = true}
      %dma_start3A_278 = arith.constant 7 : i32
      %dma_start3A_279 = arith.constant 384 : i32
      %dma_start3A_280 = arith.constant 0 : i32
      %dma_start3A_281 = tpu.memref_slice %arg9[%dma_start3A_279, %dma_start3A_280] : memref<512x64xf32, #tpu.memory_space<vmem>> -> memref<128x64xf32, #tpu.memory_space<vmem>>
      %dma_start3A_282 = arith.constant 0 : i32
      %dma_start3A_283 = tpu.memref_slice %arg7[%dma_start3A_278, %dma_start3A_282] : memref<8x128xi32, #tpu.memory_space<vmem>> -> memref<1x128xi32, #tpu.memory_space<vmem>>
      %dma_start3A_284 = tpu.memref_squeeze %dma_start3A_283 : memref<1x128xi32, #tpu.memory_space<vmem>> -> memref<128xi32, #tpu.memory_space<vmem>>
      %dma_start3A_285 = arith.constant 0 : i32
      %dma_start3A_286 = arith.constant 0 : i32
      %dma_start3A_287 = tpu.memref_slice %arg10[%dma_start3A_285, %dma_start3A_286] : memref<10240x64xf32, #tpu.memory_space<vmem_shared>> -> memref<10240x64xf32, #tpu.memory_space<vmem_shared>>
      tpu.enqueue_indirect_dma source(%dma_start3A_281 : memref<128x64xf32, #tpu.memory_space<vmem>>) target(%dma_start3A_287 : memref<10240x64xf32, #tpu.memory_space<vmem_shared>>) offsets(%dma_start3A_284 : memref<128xi32, #tpu.memory_space<vmem>>) semaphore(%arg20 : memref<!tpu.dma_semaphore, #tpu.memory_space<semaphore_mem>>) {add = true}
    }
    %scan3A_51 = arith.constant 10 : i32
    %dma_wait3A = arith.constant 4 : i32
    %dma_wait3A_52 = arith.constant 0 : i32
    %dma_wait3A_53 = arith.constant 0 : i32
    %dma_wait3A_54 = tpu.memref_slice %arg8[%dma_wait3A_52, %dma_wait3A_53] : memref<512x64xf32, #tpu.memory_space<vmem>> -> memref<128x64xf32, #tpu.memory_space<vmem>>
    %dma_wait3A_55 = arith.constant 0 : i32
    %dma_wait3A_56 = tpu.memref_slice %arg6[%dma_wait3A, %dma_wait3A_55] : memref<8x128xi32, #tpu.memory_space<vmem>> -> memref<1x128xi32, #tpu.memory_space<vmem>>
    %dma_wait3A_57 = tpu.memref_squeeze %dma_wait3A_56 : memref<1x128xi32, #tpu.memory_space<vmem>> -> memref<128xi32, #tpu.memory_space<vmem>>
    %dma_wait3A_58 = arith.constant 0 : i32
    %dma_wait3A_59 = arith.constant 0 : i32
    %dma_wait3A_60 = tpu.memref_slice %arg10[%dma_wait3A_58, %dma_wait3A_59] : memref<10240x64xf32, #tpu.memory_space<vmem_shared>> -> memref<10240x64xf32, #tpu.memory_space<vmem_shared>>
    tpu.wait_indirect_dma semaphore(%arg13 : memref<!tpu.dma_semaphore, #tpu.memory_space<semaphore_mem>>) src(%dma_wait3A_54 : memref<128x64xf32, #tpu.memory_space<vmem>>) dst(%dma_wait3A_60 : memref<10240x64xf32, #tpu.memory_space<vmem_shared>>)
    %dma_wait3A_61 = arith.constant 5 : i32
    %dma_wait3A_62 = arith.constant 128 : i32
    %dma_wait3A_63 = arith.constant 0 : i32
    %dma_wait3A_64 = tpu.memref_slice %arg8[%dma_wait3A_62, %dma_wait3A_63] : memref<512x64xf32, #tpu.memory_space<vmem>> -> memref<128x64xf32, #tpu.memory_space<vmem>>
    %dma_wait3A_65 = arith.constant 0 : i32
    %dma_wait3A_66 = tpu.memref_slice %arg6[%dma_wait3A_61, %dma_wait3A_65] : memref<8x128xi32, #tpu.memory_space<vmem>> -> memref<1x128xi32, #tpu.memory_space<vmem>>
    %dma_wait3A_67 = tpu.memref_squeeze %dma_wait3A_66 : memref<1x128xi32, #tpu.memory_space<vmem>> -> memref<128xi32, #tpu.memory_space<vmem>>
    %dma_wait3A_68 = arith.constant 0 : i32
    %dma_wait3A_69 = arith.constant 0 : i32
    %dma_wait3A_70 = tpu.memref_slice %arg10[%dma_wait3A_68, %dma_wait3A_69] : memref<10240x64xf32, #tpu.memory_space<vmem_shared>> -> memref<10240x64xf32, #tpu.memory_space<vmem_shared>>
    tpu.wait_indirect_dma semaphore(%arg14 : memref<!tpu.dma_semaphore, #tpu.memory_space<semaphore_mem>>) src(%dma_wait3A_64 : memref<128x64xf32, #tpu.memory_space<vmem>>) dst(%dma_wait3A_70 : memref<10240x64xf32, #tpu.memory_space<vmem_shared>>)
    %dma_wait3A_71 = arith.constant 6 : i32
    %dma_wait3A_72 = arith.constant 256 : i32
    %dma_wait3A_73 = arith.constant 0 : i32
    %dma_wait3A_74 = tpu.memref_slice %arg8[%dma_wait3A_72, %dma_wait3A_73] : memref<512x64xf32, #tpu.memory_space<vmem>> -> memref<128x64xf32, #tpu.memory_space<vmem>>
    %dma_wait3A_75 = arith.constant 0 : i32
    %dma_wait3A_76 = tpu.memref_slice %arg6[%dma_wait3A_71, %dma_wait3A_75] : memref<8x128xi32, #tpu.memory_space<vmem>> -> memref<1x128xi32, #tpu.memory_space<vmem>>
    %dma_wait3A_77 = tpu.memref_squeeze %dma_wait3A_76 : memref<1x128xi32, #tpu.memory_space<vmem>> -> memref<128xi32, #tpu.memory_space<vmem>>
    %dma_wait3A_78 = arith.constant 0 : i32
    %dma_wait3A_79 = arith.constant 0 : i32
    %dma_wait3A_80 = tpu.memref_slice %arg10[%dma_wait3A_78, %dma_wait3A_79] : memref<10240x64xf32, #tpu.memory_space<vmem_shared>> -> memref<10240x64xf32, #tpu.memory_space<vmem_shared>>
    tpu.wait_indirect_dma semaphore(%arg15 : memref<!tpu.dma_semaphore, #tpu.memory_space<semaphore_mem>>) src(%dma_wait3A_74 : memref<128x64xf32, #tpu.memory_space<vmem>>) dst(%dma_wait3A_80 : memref<10240x64xf32, #tpu.memory_space<vmem_shared>>)
    %dma_wait3A_81 = arith.constant 7 : i32
    %dma_wait3A_82 = arith.constant 384 : i32
    %dma_wait3A_83 = arith.constant 0 : i32
    %dma_wait3A_84 = tpu.memref_slice %arg8[%dma_wait3A_82, %dma_wait3A_83] : memref<512x64xf32, #tpu.memory_space<vmem>> -> memref<128x64xf32, #tpu.memory_space<vmem>>
    %dma_wait3A_85 = arith.constant 0 : i32
    %dma_wait3A_86 = tpu.memref_slice %arg6[%dma_wait3A_81, %dma_wait3A_85] : memref<8x128xi32, #tpu.memory_space<vmem>> -> memref<1x128xi32, #tpu.memory_space<vmem>>
    %dma_wait3A_87 = tpu.memref_squeeze %dma_wait3A_86 : memref<1x128xi32, #tpu.memory_space<vmem>> -> memref<128xi32, #tpu.memory_space<vmem>>
    %dma_wait3A_88 = arith.constant 0 : i32
    %dma_wait3A_89 = arith.constant 0 : i32
    %dma_wait3A_90 = tpu.memref_slice %arg10[%dma_wait3A_88, %dma_wait3A_89] : memref<10240x64xf32, #tpu.memory_space<vmem_shared>> -> memref<10240x64xf32, #tpu.memory_space<vmem_shared>>
    tpu.wait_indirect_dma semaphore(%arg16 : memref<!tpu.dma_semaphore, #tpu.memory_space<semaphore_mem>>) src(%dma_wait3A_84 : memref<128x64xf32, #tpu.memory_space<vmem>>) dst(%dma_wait3A_90 : memref<10240x64xf32, #tpu.memory_space<vmem_shared>>)
    %dma_wait3A_91 = arith.constant 4 : i32
    %dma_wait3A_92 = arith.constant 0 : i32
    %dma_wait3A_93 = arith.constant 0 : i32
    %dma_wait3A_94 = tpu.memref_slice %arg9[%dma_wait3A_92, %dma_wait3A_93] : memref<512x64xf32, #tpu.memory_space<vmem>> -> memref<128x64xf32, #tpu.memory_space<vmem>>
    %dma_wait3A_95 = arith.constant 0 : i32
    %dma_wait3A_96 = tpu.memref_slice %arg7[%dma_wait3A_91, %dma_wait3A_95] : memref<8x128xi32, #tpu.memory_space<vmem>> -> memref<1x128xi32, #tpu.memory_space<vmem>>
    %dma_wait3A_97 = tpu.memref_squeeze %dma_wait3A_96 : memref<1x128xi32, #tpu.memory_space<vmem>> -> memref<128xi32, #tpu.memory_space<vmem>>
    %dma_wait3A_98 = arith.constant 0 : i32
    %dma_wait3A_99 = arith.constant 0 : i32
    %dma_wait3A_100 = tpu.memref_slice %arg10[%dma_wait3A_98, %dma_wait3A_99] : memref<10240x64xf32, #tpu.memory_space<vmem_shared>> -> memref<10240x64xf32, #tpu.memory_space<vmem_shared>>
    tpu.wait_indirect_dma semaphore(%arg17 : memref<!tpu.dma_semaphore, #tpu.memory_space<semaphore_mem>>) src(%dma_wait3A_94 : memref<128x64xf32, #tpu.memory_space<vmem>>) dst(%dma_wait3A_100 : memref<10240x64xf32, #tpu.memory_space<vmem_shared>>)
    %dma_wait3A_101 = arith.constant 5 : i32
    %dma_wait3A_102 = arith.constant 128 : i32
    %dma_wait3A_103 = arith.constant 0 : i32
    %dma_wait3A_104 = tpu.memref_slice %arg9[%dma_wait3A_102, %dma_wait3A_103] : memref<512x64xf32, #tpu.memory_space<vmem>> -> memref<128x64xf32, #tpu.memory_space<vmem>>
    %dma_wait3A_105 = arith.constant 0 : i32
    %dma_wait3A_106 = tpu.memref_slice %arg7[%dma_wait3A_101, %dma_wait3A_105] : memref<8x128xi32, #tpu.memory_space<vmem>> -> memref<1x128xi32, #tpu.memory_space<vmem>>
    %dma_wait3A_107 = tpu.memref_squeeze %dma_wait3A_106 : memref<1x128xi32, #tpu.memory_space<vmem>> -> memref<128xi32, #tpu.memory_space<vmem>>
    %dma_wait3A_108 = arith.constant 0 : i32
    %dma_wait3A_109 = arith.constant 0 : i32
    %dma_wait3A_110 = tpu.memref_slice %arg10[%dma_wait3A_108, %dma_wait3A_109] : memref<10240x64xf32, #tpu.memory_space<vmem_shared>> -> memref<10240x64xf32, #tpu.memory_space<vmem_shared>>
    tpu.wait_indirect_dma semaphore(%arg18 : memref<!tpu.dma_semaphore, #tpu.memory_space<semaphore_mem>>) src(%dma_wait3A_104 : memref<128x64xf32, #tpu.memory_space<vmem>>) dst(%dma_wait3A_110 : memref<10240x64xf32, #tpu.memory_space<vmem_shared>>)
    %dma_wait3A_111 = arith.constant 6 : i32
    %dma_wait3A_112 = arith.constant 256 : i32
    %dma_wait3A_113 = arith.constant 0 : i32
    %dma_wait3A_114 = tpu.memref_slice %arg9[%dma_wait3A_112, %dma_wait3A_113] : memref<512x64xf32, #tpu.memory_space<vmem>> -> memref<128x64xf32, #tpu.memory_space<vmem>>
    %dma_wait3A_115 = arith.constant 0 : i32
    %dma_wait3A_116 = tpu.memref_slice %arg7[%dma_wait3A_111, %dma_wait3A_115] : memref<8x128xi32, #tpu.memory_space<vmem>> -> memref<1x128xi32, #tpu.memory_space<vmem>>
    %dma_wait3A_117 = tpu.memref_squeeze %dma_wait3A_116 : memref<1x128xi32, #tpu.memory_space<vmem>> -> memref<128xi32, #tpu.memory_space<vmem>>
    %dma_wait3A_118 = arith.constant 0 : i32
    %dma_wait3A_119 = arith.constant 0 : i32
    %dma_wait3A_120 = tpu.memref_slice %arg10[%dma_wait3A_118, %dma_wait3A_119] : memref<10240x64xf32, #tpu.memory_space<vmem_shared>> -> memref<10240x64xf32, #tpu.memory_space<vmem_shared>>
    tpu.wait_indirect_dma semaphore(%arg19 : memref<!tpu.dma_semaphore, #tpu.memory_space<semaphore_mem>>) src(%dma_wait3A_114 : memref<128x64xf32, #tpu.memory_space<vmem>>) dst(%dma_wait3A_120 : memref<10240x64xf32, #tpu.memory_space<vmem_shared>>)
    %dma_wait3A_121 = arith.constant 7 : i32
    %dma_wait3A_122 = arith.constant 384 : i32
    %dma_wait3A_123 = arith.constant 0 : i32
    %dma_wait3A_124 = tpu.memref_slice %arg9[%dma_wait3A_122, %dma_wait3A_123] : memref<512x64xf32, #tpu.memory_space<vmem>> -> memref<128x64xf32, #tpu.memory_space<vmem>>
    %dma_wait3A_125 = arith.constant 0 : i32
    %dma_wait3A_126 = tpu.memref_slice %arg7[%dma_wait3A_121, %dma_wait3A_125] : memref<8x128xi32, #tpu.memory_space<vmem>> -> memref<1x128xi32, #tpu.memory_space<vmem>>
    %dma_wait3A_127 = tpu.memref_squeeze %dma_wait3A_126 : memref<1x128xi32, #tpu.memory_space<vmem>> -> memref<128xi32, #tpu.memory_space<vmem>>
    %dma_wait3A_128 = arith.constant 0 : i32
    %dma_wait3A_129 = arith.constant 0 : i32
    %dma_wait3A_130 = tpu.memref_slice %arg10[%dma_wait3A_128, %dma_wait3A_129] : memref<10240x64xf32, #tpu.memory_space<vmem_shared>> -> memref<10240x64xf32, #tpu.memory_space<vmem_shared>>
    tpu.wait_indirect_dma semaphore(%arg20 : memref<!tpu.dma_semaphore, #tpu.memory_space<semaphore_mem>>) src(%dma_wait3A_124 : memref<128x64xf32, #tpu.memory_space<vmem>>) dst(%dma_wait3A_130 : memref<10240x64xf32, #tpu.memory_space<vmem_shared>>)
    %barrier3A_131 = arith.constant 0 : index
    tpu.barrier barrier_id(%barrier3A_131)
    "tpu.region"() ({
      %run_scoped3A = tpu.sem_alloc : memref<!tpu.dma_semaphore, #tpu.memory_space<semaphore_mem>>
      %dma_start3A_132 = arith.constant 0 : i32
      %dma_start3A_133 = arith.constant 0 : i32
      %dma_start3A_134 = tpu.memref_slice %arg5[%arg0, %dma_start3A_132, %dma_start3A_133] : memref<2x10240x64xf32, #tpu.memory_space<hbm>> -> memref<1x10240x64xf32, #tpu.memory_space<hbm>>
      %dma_start3A_135 = tpu.memref_squeeze %dma_start3A_134 : memref<1x10240x64xf32, #tpu.memory_space<hbm>> -> memref<10240x64xf32, #tpu.memory_space<hbm>>
      %dma_start3A_136 = arith.constant 0 : i32
      %dma_start3A_137 = tpu.memref_slice %dma_start3A_135[%mul3A_2, %dma_start3A_136] : memref<10240x64xf32, #tpu.memory_space<hbm>> -> memref<640x64xf32, #tpu.memory_space<hbm>>
      %dma_start3A_138 = arith.constant 0 : i32
      %dma_start3A_139 = tpu.memref_slice %arg10[%mul3A_2, %dma_start3A_138] : memref<10240x64xf32, #tpu.memory_space<vmem_shared>> -> memref<640x64xf32, #tpu.memory_space<vmem_shared>>
      tpu.enqueue_dma source(%dma_start3A_139 : memref<640x64xf32, #tpu.memory_space<vmem_shared>>) target(%dma_start3A_137 : memref<640x64xf32, #tpu.memory_space<hbm>>) target_semaphore(%run_scoped3A : memref<!tpu.dma_semaphore, #tpu.memory_space<semaphore_mem>>)
      %dma_wait3A_140 = arith.constant 0 : i32
      %dma_wait3A_141 = arith.constant 0 : i32
      %dma_wait3A_142 = tpu.memref_slice %arg5[%arg0, %dma_wait3A_140, %dma_wait3A_141] : memref<2x10240x64xf32, #tpu.memory_space<hbm>> -> memref<1x10240x64xf32, #tpu.memory_space<hbm>>
      %dma_wait3A_143 = tpu.memref_squeeze %dma_wait3A_142 : memref<1x10240x64xf32, #tpu.memory_space<hbm>> -> memref<10240x64xf32, #tpu.memory_space<hbm>>
      %dma_wait3A_144 = arith.constant 0 : i32
      %dma_wait3A_145 = tpu.memref_slice %dma_wait3A_143[%mul3A_2, %dma_wait3A_144] : memref<10240x64xf32, #tpu.memory_space<hbm>> -> memref<640x64xf32, #tpu.memory_space<hbm>>
      %dma_wait3A_146 = arith.constant 0 : i32
      %dma_wait3A_147 = tpu.memref_slice %arg10[%mul3A_2, %dma_wait3A_146] : memref<10240x64xf32, #tpu.memory_space<vmem_shared>> -> memref<640x64xf32, #tpu.memory_space<vmem_shared>>
      tpu.wait_dma2 semaphore(%run_scoped3A : memref<!tpu.dma_semaphore, #tpu.memory_space<semaphore_mem>>) src(%dma_wait3A_147 : memref<640x64xf32, #tpu.memory_space<vmem_shared>>) dst(%dma_wait3A_145 : memref<640x64xf32, #tpu.memory_space<hbm>>)
      tpu.yield
    }) : () -> ()
    return
  }
}

#map = affine_map<(d0, d1) -> (0, 0)>
module attributes {stable_mosaic.version = 14 : i64} {
  func.func @pairsum(%arg0: i32, %arg1: i32, %arg2: memref<10240x64xf32, #tpu.memory_space<hbm>>, %arg3: memref<320x128xi32, #tpu.memory_space<hbm>>, %arg4: memref<20480x64xf32, #tpu.memory_space<hbm>>, %arg5: memref<2x128xi32, #tpu.memory_space<vmem>>, %arg6: memref<2x128xi32, #tpu.memory_space<vmem>>, %arg7: memref<256x64xf32, #tpu.memory_space<vmem>>, %arg8: memref<256x64xf32, #tpu.memory_space<vmem>>, %arg9: memref<128x64xf32, #tpu.memory_space<vmem>>, %arg10: memref<128x64xf32, #tpu.memory_space<vmem>>, %arg11: memref<!tpu.dma_semaphore, #tpu.memory_space<semaphore_mem>>, %arg12: memref<!tpu.dma_semaphore, #tpu.memory_space<semaphore_mem>>, %arg13: memref<!tpu.dma_semaphore, #tpu.memory_space<semaphore_mem>>, %arg14: memref<!tpu.dma_semaphore, #tpu.memory_space<semaphore_mem>>) attributes {dimension_semantics = [#tpu.dimension_semantics<core_parallel>, #tpu.dimension_semantics<subcore_parallel>], iteration_bounds = array<i64: 2, 16>, scalar_prefetch = 0 : i64, scratch_operands = 10 : i64, tpu.core_type = #tpu.core_type<sc_vector_subcore>, window_params = [{transform_indices = #map}, {transform_indices = #map}, {transform_indices = #map}]} {
    %mul3A = arith.constant 16 : i32
    %mul3A_0 = arith.muli %arg0, %mul3A : i32
    %add3A = arith.addi %mul3A_0, %arg1 : i32
    %mul3A_1 = arith.constant 640 : i32
    %mul3A_2 = arith.muli %add3A, %mul3A_1 : i32
    %mul3A_3 = arith.constant 5 : i32
    %mul3A_4 = arith.muli %add3A, %mul3A_3 : i32
    %mul3A_5 = arith.constant 2 : i32
    %mul3A_6 = arith.muli %mul3A_4, %mul3A_5 : i32
    %add3A_7 = arith.constant 0 : i32
    %add3A_8 = arith.addi %mul3A_6, %add3A_7 : i32
    "tpu.region"() ({
      %run_scoped3A = tpu.sem_alloc : memref<!tpu.dma_semaphore, #tpu.memory_space<semaphore_mem>>
      %dma_start3A_43 = arith.constant 0 : i32
      %dma_start3A_44 = tpu.memref_slice %arg3[%add3A_8, %dma_start3A_43] : memref<320x128xi32, #tpu.memory_space<hbm>> -> memref<2x128xi32, #tpu.memory_space<hbm>>
      %dma_start3A_45 = arith.constant 0 : i32
      %dma_start3A_46 = tpu.memref_slice %arg3[%add3A_8, %dma_start3A_45] : memref<320x128xi32, #tpu.memory_space<hbm>> -> memref<2x128xi32, #tpu.memory_space<hbm>>
      tpu.enqueue_dma source(%dma_start3A_46 : memref<2x128xi32, #tpu.memory_space<hbm>>) target(%arg5 : memref<2x128xi32, #tpu.memory_space<vmem>>) target_semaphore(%run_scoped3A : memref<!tpu.dma_semaphore, #tpu.memory_space<semaphore_mem>>)
      %dma_wait3A_47 = arith.constant 0 : i32
      %dma_wait3A_48 = tpu.memref_slice %arg3[%add3A_8, %dma_wait3A_47] : memref<320x128xi32, #tpu.memory_space<hbm>> -> memref<2x128xi32, #tpu.memory_space<hbm>>
      %dma_wait3A_49 = arith.constant 0 : i32
      %dma_wait3A_50 = tpu.memref_slice %arg3[%add3A_8, %dma_wait3A_49] : memref<320x128xi32, #tpu.memory_space<hbm>> -> memref<2x128xi32, #tpu.memory_space<hbm>>
      tpu.wait_dma2 semaphore(%run_scoped3A : memref<!tpu.dma_semaphore, #tpu.memory_space<semaphore_mem>>) src(%dma_wait3A_50 : memref<2x128xi32, #tpu.memory_space<hbm>>) dst(%arg5 : memref<2x128xi32, #tpu.memory_space<vmem>>)
      tpu.yield
    }) : () -> ()
    %dma_start3A = arith.constant 0 : i32
    %dma_start3A_9 = arith.constant 0 : i32
    %dma_start3A_10 = arith.constant 0 : i32
    %dma_start3A_11 = tpu.memref_slice %arg7[%dma_start3A_9, %dma_start3A_10] : memref<256x64xf32, #tpu.memory_space<vmem>> -> memref<128x64xf32, #tpu.memory_space<vmem>>
    %dma_start3A_12 = arith.constant 0 : i32
    %dma_start3A_13 = tpu.memref_slice %arg5[%dma_start3A, %dma_start3A_12] : memref<2x128xi32, #tpu.memory_space<vmem>> -> memref<1x128xi32, #tpu.memory_space<vmem>>
    %dma_start3A_14 = tpu.memref_squeeze %dma_start3A_13 : memref<1x128xi32, #tpu.memory_space<vmem>> -> memref<128xi32, #tpu.memory_space<vmem>>
    %dma_start3A_15 = arith.constant 0 : i32
    %dma_start3A_16 = arith.constant 0 : i32
    %dma_start3A_17 = tpu.memref_slice %arg2[%dma_start3A_15, %dma_start3A_16] : memref<10240x64xf32, #tpu.memory_space<hbm>> -> memref<10240x64xf32, #tpu.memory_space<hbm>>
    tpu.enqueue_indirect_dma source(%dma_start3A_17 : memref<10240x64xf32, #tpu.memory_space<hbm>>) target(%dma_start3A_11 : memref<128x64xf32, #tpu.memory_space<vmem>>) offsets(%dma_start3A_14 : memref<128xi32, #tpu.memory_space<vmem>>) semaphore(%arg11 : memref<!tpu.dma_semaphore, #tpu.memory_space<semaphore_mem>>)
    %dma_start3A_18 = arith.constant 1 : i32
    %dma_start3A_19 = arith.constant 128 : i32
    %dma_start3A_20 = arith.constant 0 : i32
    %dma_start3A_21 = tpu.memref_slice %arg7[%dma_start3A_19, %dma_start3A_20] : memref<256x64xf32, #tpu.memory_space<vmem>> -> memref<128x64xf32, #tpu.memory_space<vmem>>
    %dma_start3A_22 = arith.constant 0 : i32
    %dma_start3A_23 = tpu.memref_slice %arg5[%dma_start3A_18, %dma_start3A_22] : memref<2x128xi32, #tpu.memory_space<vmem>> -> memref<1x128xi32, #tpu.memory_space<vmem>>
    %dma_start3A_24 = tpu.memref_squeeze %dma_start3A_23 : memref<1x128xi32, #tpu.memory_space<vmem>> -> memref<128xi32, #tpu.memory_space<vmem>>
    %dma_start3A_25 = arith.constant 0 : i32
    %dma_start3A_26 = arith.constant 0 : i32
    %dma_start3A_27 = tpu.memref_slice %arg2[%dma_start3A_25, %dma_start3A_26] : memref<10240x64xf32, #tpu.memory_space<hbm>> -> memref<10240x64xf32, #tpu.memory_space<hbm>>
    tpu.enqueue_indirect_dma source(%dma_start3A_27 : memref<10240x64xf32, #tpu.memory_space<hbm>>) target(%dma_start3A_21 : memref<128x64xf32, #tpu.memory_space<vmem>>) offsets(%dma_start3A_24 : memref<128xi32, #tpu.memory_space<vmem>>) semaphore(%arg11 : memref<!tpu.dma_semaphore, #tpu.memory_space<semaphore_mem>>)
    %scan3A = arith.constant 0 : i32
    %scan3A_28 = arith.constant 3 : i32
    %scan3A_29 = arith.addi %scan3A, %scan3A_28 : i32
    %scan3A_30 = arith.constant 1 : i32
    scf.for %scan3A_43 = %scan3A to %scan3A_29 step %scan3A_30  : i32 {
      %mul3A_44 = arith.constant 1 : i32
      %mul3A_45 = arith.muli %scan3A_43, %mul3A_44 : i32
      %add3A_46 = arith.constant 0 : i32
      %add3A_47 = arith.addi %add3A_46, %mul3A_45 : i32
      %mul3A_48 = arith.constant 2 : i32
      %mul3A_49 = arith.muli %mul3A_48, %add3A_47 : i32
      %mul3A_50 = arith.constant 2 : i32
      %mul3A_51 = arith.muli %mul3A_50, %add3A_47 : i32
      %add3A_52 = arith.constant 1 : i32
      %add3A_53 = arith.addi %mul3A_51, %add3A_52 : i32
      %mul3A_54 = arith.constant 2 : i32
      %mul3A_55 = arith.muli %mul3A_54, %add3A_47 : i32
      %add3A_56 = arith.constant 2 : i32
      %add3A_57 = arith.addi %mul3A_55, %add3A_56 : i32
      %dma_wait3A_58 = arith.constant 0 : i32
      %dma_wait3A_59 = arith.constant 0 : i32
      %dma_wait3A_60 = tpu.memref_slice %arg2[%dma_wait3A_58, %dma_wait3A_59] : memref<10240x64xf32, #tpu.memory_space<hbm>> -> memref<256x64xf32, #tpu.memory_space<hbm>>
      %dma_wait3A_61 = arith.constant 0 : i32
      %dma_wait3A_62 = arith.constant 0 : i32
      %dma_wait3A_63 = tpu.memref_slice %arg2[%dma_wait3A_61, %dma_wait3A_62] : memref<10240x64xf32, #tpu.memory_space<hbm>> -> memref<256x64xf32, #tpu.memory_space<hbm>>
      tpu.wait_dma2 semaphore(%arg11 : memref<!tpu.dma_semaphore, #tpu.memory_space<semaphore_mem>>) src(%dma_wait3A_63 : memref<256x64xf32, #tpu.memory_space<hbm>>) dst(%arg7 : memref<256x64xf32, #tpu.memory_space<vmem>>)
      %lt3A = arith.constant 5 : i32
      %lt3A_64 = arith.cmpi slt, %add3A_53, %lt3A : i32
      %convert_element_type3A = arith.extui %lt3A_64 : i1 to i32
      %cond3A = arith.constant 0 : i32
      %cond3A_65 = arith.cmpi ne, %convert_element_type3A, %cond3A : i32
      scf.if %cond3A_65 {
        %mul3A_87 = arith.constant 2 : i32
        %mul3A_88 = arith.muli %add3A_53, %mul3A_87 : i32
        %add3A_89 = arith.addi %mul3A_6, %mul3A_88 : i32
        "tpu.region"() ({
          %run_scoped3A = tpu.sem_alloc : memref<!tpu.dma_semaphore, #tpu.memory_space<semaphore_mem>>
          %dma_start3A_110 = arith.constant 0 : i32
          %dma_start3A_111 = tpu.memref_slice %arg3[%add3A_89, %dma_start3A_110] : memref<320x128xi32, #tpu.memory_space<hbm>> -> memref<2x128xi32, #tpu.memory_space<hbm>>
          %dma_start3A_112 = arith.constant 0 : i32
          %dma_start3A_113 = tpu.memref_slice %arg3[%add3A_89, %dma_start3A_112] : memref<320x128xi32, #tpu.memory_space<hbm>> -> memref<2x128xi32, #tpu.memory_space<hbm>>
          tpu.enqueue_dma source(%dma_start3A_113 : memref<2x128xi32, #tpu.memory_space<hbm>>) target(%arg6 : memref<2x128xi32, #tpu.memory_space<vmem>>) target_semaphore(%run_scoped3A : memref<!tpu.dma_semaphore, #tpu.memory_space<semaphore_mem>>)
          %dma_wait3A_114 = arith.constant 0 : i32
          %dma_wait3A_115 = tpu.memref_slice %arg3[%add3A_89, %dma_wait3A_114] : memref<320x128xi32, #tpu.memory_space<hbm>> -> memref<2x128xi32, #tpu.memory_space<hbm>>
          %dma_wait3A_116 = arith.constant 0 : i32
          %dma_wait3A_117 = tpu.memref_slice %arg3[%add3A_89, %dma_wait3A_116] : memref<320x128xi32, #tpu.memory_space<hbm>> -> memref<2x128xi32, #tpu.memory_space<hbm>>
          tpu.wait_dma2 semaphore(%run_scoped3A : memref<!tpu.dma_semaphore, #tpu.memory_space<semaphore_mem>>) src(%dma_wait3A_117 : memref<2x128xi32, #tpu.memory_space<hbm>>) dst(%arg6 : memref<2x128xi32, #tpu.memory_space<vmem>>)
          tpu.yield
        }) : () -> ()
        %dma_start3A_90 = arith.constant 0 : i32
        %dma_start3A_91 = arith.constant 0 : i32
        %dma_start3A_92 = arith.constant 0 : i32
        %dma_start3A_93 = tpu.memref_slice %arg8[%dma_start3A_91, %dma_start3A_92] : memref<256x64xf32, #tpu.memory_space<vmem>> -> memref<128x64xf32, #tpu.memory_space<vmem>>
        %dma_start3A_94 = arith.constant 0 : i32
        %dma_start3A_95 = tpu.memref_slice %arg6[%dma_start3A_90, %dma_start3A_94] : memref<2x128xi32, #tpu.memory_space<vmem>> -> memref<1x128xi32, #tpu.memory_space<vmem>>
        %dma_start3A_96 = tpu.memref_squeeze %dma_start3A_95 : memref<1x128xi32, #tpu.memory_space<vmem>> -> memref<128xi32, #tpu.memory_space<vmem>>
        %dma_start3A_97 = arith.constant 0 : i32
        %dma_start3A_98 = arith.constant 0 : i32
        %dma_start3A_99 = tpu.memref_slice %arg2[%dma_start3A_97, %dma_start3A_98] : memref<10240x64xf32, #tpu.memory_space<hbm>> -> memref<10240x64xf32, #tpu.memory_space<hbm>>
        tpu.enqueue_indirect_dma source(%dma_start3A_99 : memref<10240x64xf32, #tpu.memory_space<hbm>>) target(%dma_start3A_93 : memref<128x64xf32, #tpu.memory_space<vmem>>) offsets(%dma_start3A_96 : memref<128xi32, #tpu.memory_space<vmem>>) semaphore(%arg12 : memref<!tpu.dma_semaphore, #tpu.memory_space<semaphore_mem>>)
        %dma_start3A_100 = arith.constant 1 : i32
        %dma_start3A_101 = arith.constant 128 : i32
        %dma_start3A_102 = arith.constant 0 : i32
        %dma_start3A_103 = tpu.memref_slice %arg8[%dma_start3A_101, %dma_start3A_102] : memref<256x64xf32, #tpu.memory_space<vmem>> -> memref<128x64xf32, #tpu.memory_space<vmem>>
        %dma_start3A_104 = arith.constant 0 : i32
        %dma_start3A_105 = tpu.memref_slice %arg6[%dma_start3A_100, %dma_start3A_104] : memref<2x128xi32, #tpu.memory_space<vmem>> -> memref<1x128xi32, #tpu.memory_space<vmem>>
        %dma_start3A_106 = tpu.memref_squeeze %dma_start3A_105 : memref<1x128xi32, #tpu.memory_space<vmem>> -> memref<128xi32, #tpu.memory_space<vmem>>
        %dma_start3A_107 = arith.constant 0 : i32
        %dma_start3A_108 = arith.constant 0 : i32
        %dma_start3A_109 = tpu.memref_slice %arg2[%dma_start3A_107, %dma_start3A_108] : memref<10240x64xf32, #tpu.memory_space<hbm>> -> memref<10240x64xf32, #tpu.memory_space<hbm>>
        tpu.enqueue_indirect_dma source(%dma_start3A_109 : memref<10240x64xf32, #tpu.memory_space<hbm>>) target(%dma_start3A_103 : memref<128x64xf32, #tpu.memory_space<vmem>>) offsets(%dma_start3A_106 : memref<128xi32, #tpu.memory_space<vmem>>) semaphore(%arg12 : memref<!tpu.dma_semaphore, #tpu.memory_space<semaphore_mem>>)
      } else {
      }
      %gt3A = arith.constant 0 : i32
      %gt3A_66 = arith.cmpi sgt, %add3A_47, %gt3A : i32
      %convert_element_type3A_67 = arith.extui %gt3A_66 : i1 to i32
      %cond3A_68 = arith.constant 0 : i32
      %cond3A_69 = arith.cmpi ne, %convert_element_type3A_67, %cond3A_68 : i32
      scf.if %cond3A_69 {
        %dma_wait3A_87 = arith.constant 0 : i32
        %dma_wait3A_88 = arith.constant 0 : i32
        %dma_wait3A_89 = tpu.memref_slice %arg2[%dma_wait3A_87, %dma_wait3A_88] : memref<10240x64xf32, #tpu.memory_space<hbm>> -> memref<128x64xf32, #tpu.memory_space<hbm>>
        %dma_wait3A_90 = arith.constant 0 : i32
        %dma_wait3A_91 = arith.constant 0 : i32
        %dma_wait3A_92 = tpu.memref_slice %arg2[%dma_wait3A_90, %dma_wait3A_91] : memref<10240x64xf32, #tpu.memory_space<hbm>> -> memref<128x64xf32, #tpu.memory_space<hbm>>
        tpu.wait_dma2 semaphore(%arg13 : memref<!tpu.dma_semaphore, #tpu.memory_space<semaphore_mem>>) src(%dma_wait3A_92 : memref<128x64xf32, #tpu.memory_space<hbm>>) dst(%arg9 : memref<128x64xf32, #tpu.memory_space<vmem>>)
      } else {
      }
      %scan3A_70 = arith.constant 0 : i32
      %scan3A_71 = arith.constant 128 : i32
      %scan3A_72 = arith.addi %scan3A_70, %scan3A_71 : i32
      %scan3A_73 = arith.constant 1 : i32
      scf.for %scan3A_87 = %scan3A_70 to %scan3A_72 step %scan3A_73  : i32 {
        %mul3A_88 = arith.constant 1 : i32
        %mul3A_89 = arith.muli %scan3A_87, %mul3A_88 : i32
        %add3A_90 = arith.constant 0 : i32
        %add3A_91 = arith.addi %add3A_90, %mul3A_89 : i32
        %mul3A_92 = arith.constant 2 : i32
        %mul3A_93 = arith.muli %mul3A_92, %add3A_91 : i32
        %get3A = arith.index_cast %mul3A_93 : i32 to index
        %get3A_94 = arith.constant 0 : index
        %get3A_95 = tpu.vector_load %arg7[%get3A, %get3A_94] {strides = array<i32>} : memref<256x64xf32, #tpu.memory_space<vmem>>, vector<1x16xf32>,
        %get3A_96 = vector.shape_cast %get3A_95 : vector<1x16xf32> to vector<16xf32>
        %mul3A_97 = arith.constant 2 : i32
        %mul3A_98 = arith.muli %mul3A_97, %add3A_91 : i32
        %add3A_99 = arith.constant 1 : i32
        %add3A_100 = arith.addi %mul3A_98, %add3A_99 : i32
        %get3A_101 = arith.index_cast %add3A_100 : i32 to index
        %get3A_102 = arith.constant 0 : index
        %get3A_103 = tpu.vector_load %arg7[%get3A_101, %get3A_102] {strides = array<i32>} : memref<256x64xf32, #tpu.memory_space<vmem>>, vector<1x16xf32>,
        %get3A_104 = vector.shape_cast %get3A_103 : vector<1x16xf32> to vector<16xf32>
        %add3A_105 = arith.addf %get3A_96, %get3A_104 : vector<16xf32>
        %swap3A = arith.index_cast %add3A_91 : i32 to index
        %swap3A_106 = arith.constant 0 : index
        %swap3A_107 = tpu.vector_load %arg9[%swap3A, %swap3A_106] {strides = array<i32>} : memref<128x64xf32, #tpu.memory_space<vmem>>, vector<1x16xf32>,
        %swap3A_108 = vector.shape_cast %swap3A_107 : vector<1x16xf32> to vector<16xf32>
        %swap3A_109 = vector.shape_cast %add3A_105 : vector<16xf32> to vector<1x16xf32>
        tpu.vector_store %arg9[%swap3A, %swap3A_106], %swap3A_109 {strides = array<i32>} : memref<128x64xf32, #tpu.memory_space<vmem>>, vector<1x16xf32>,
        %mul3A_110 = arith.constant 2 : i32
        %mul3A_111 = arith.muli %mul3A_110, %add3A_91 : i32
        %get3A_112 = arith.index_cast %mul3A_111 : i32 to index
        %get3A_113 = arith.constant 16 : index
        %get3A_114 = tpu.vector_load %arg7[%get3A_112, %get3A_113] {strides = array<i32>} : memref<256x64xf32, #tpu.memory_space<vmem>>, vector<1x16xf32>,
        %get3A_115 = vector.shape_cast %get3A_114 : vector<1x16xf32> to vector<16xf32>
        %mul3A_116 = arith.constant 2 : i32
        %mul3A_117 = arith.muli %mul3A_116, %add3A_91 : i32
        %add3A_118 = arith.constant 1 : i32
        %add3A_119 = arith.addi %mul3A_117, %add3A_118 : i32
        %get3A_120 = arith.index_cast %add3A_119 : i32 to index
        %get3A_121 = arith.constant 16 : index
        %get3A_122 = tpu.vector_load %arg7[%get3A_120, %get3A_121] {strides = array<i32>} : memref<256x64xf32, #tpu.memory_space<vmem>>, vector<1x16xf32>,
        %get3A_123 = vector.shape_cast %get3A_122 : vector<1x16xf32> to vector<16xf32>
        %add3A_124 = arith.addf %get3A_115, %get3A_123 : vector<16xf32>
        %swap3A_125 = arith.index_cast %add3A_91 : i32 to index
        %swap3A_126 = arith.constant 16 : index
        %swap3A_127 = tpu.vector_load %arg9[%swap3A_125, %swap3A_126] {strides = array<i32>} : memref<128x64xf32, #tpu.memory_space<vmem>>, vector<1x16xf32>,
        %swap3A_128 = vector.shape_cast %swap3A_127 : vector<1x16xf32> to vector<16xf32>
        %swap3A_129 = vector.shape_cast %add3A_124 : vector<16xf32> to vector<1x16xf32>
        tpu.vector_store %arg9[%swap3A_125, %swap3A_126], %swap3A_129 {strides = array<i32>} : memref<128x64xf32, #tpu.memory_space<vmem>>, vector<1x16xf32>,
        %mul3A_130 = arith.constant 2 : i32
        %mul3A_131 = arith.muli %mul3A_130, %add3A_91 : i32
        %get3A_132 = arith.index_cast %mul3A_131 : i32 to index
        %get3A_133 = arith.constant 32 : index
        %get3A_134 = tpu.vector_load %arg7[%get3A_132, %get3A_133] {strides = array<i32>} : memref<256x64xf32, #tpu.memory_space<vmem>>, vector<1x16xf32>,
        %get3A_135 = vector.shape_cast %get3A_134 : vector<1x16xf32> to vector<16xf32>
        %mul3A_136 = arith.constant 2 : i32
        %mul3A_137 = arith.muli %mul3A_136, %add3A_91 : i32
        %add3A_138 = arith.constant 1 : i32
        %add3A_139 = arith.addi %mul3A_137, %add3A_138 : i32
        %get3A_140 = arith.index_cast %add3A_139 : i32 to index
        %get3A_141 = arith.constant 32 : index
        %get3A_142 = tpu.vector_load %arg7[%get3A_140, %get3A_141] {strides = array<i32>} : memref<256x64xf32, #tpu.memory_space<vmem>>, vector<1x16xf32>,
        %get3A_143 = vector.shape_cast %get3A_142 : vector<1x16xf32> to vector<16xf32>
        %add3A_144 = arith.addf %get3A_135, %get3A_143 : vector<16xf32>
        %swap3A_145 = arith.index_cast %add3A_91 : i32 to index
        %swap3A_146 = arith.constant 32 : index
        %swap3A_147 = tpu.vector_load %arg9[%swap3A_145, %swap3A_146] {strides = array<i32>} : memref<128x64xf32, #tpu.memory_space<vmem>>, vector<1x16xf32>,
        %swap3A_148 = vector.shape_cast %swap3A_147 : vector<1x16xf32> to vector<16xf32>
        %swap3A_149 = vector.shape_cast %add3A_144 : vector<16xf32> to vector<1x16xf32>
        tpu.vector_store %arg9[%swap3A_145, %swap3A_146], %swap3A_149 {strides = array<i32>} : memref<128x64xf32, #tpu.memory_space<vmem>>, vector<1x16xf32>,
        %mul3A_150 = arith.constant 2 : i32
        %mul3A_151 = arith.muli %mul3A_150, %add3A_91 : i32
        %get3A_152 = arith.index_cast %mul3A_151 : i32 to index
        %get3A_153 = arith.constant 48 : index
        %get3A_154 = tpu.vector_load %arg7[%get3A_152, %get3A_153] {strides = array<i32>} : memref<256x64xf32, #tpu.memory_space<vmem>>, vector<1x16xf32>,
        %get3A_155 = vector.shape_cast %get3A_154 : vector<1x16xf32> to vector<16xf32>
        %mul3A_156 = arith.constant 2 : i32
        %mul3A_157 = arith.muli %mul3A_156, %add3A_91 : i32
        %add3A_158 = arith.constant 1 : i32
        %add3A_159 = arith.addi %mul3A_157, %add3A_158 : i32
        %get3A_160 = arith.index_cast %add3A_159 : i32 to index
        %get3A_161 = arith.constant 48 : index
        %get3A_162 = tpu.vector_load %arg7[%get3A_160, %get3A_161] {strides = array<i32>} : memref<256x64xf32, #tpu.memory_space<vmem>>, vector<1x16xf32>,
        %get3A_163 = vector.shape_cast %get3A_162 : vector<1x16xf32> to vector<16xf32>
        %add3A_164 = arith.addf %get3A_155, %get3A_163 : vector<16xf32>
        %swap3A_165 = arith.index_cast %add3A_91 : i32 to index
        %swap3A_166 = arith.constant 48 : index
        %swap3A_167 = tpu.vector_load %arg9[%swap3A_165, %swap3A_166] {strides = array<i32>} : memref<128x64xf32, #tpu.memory_space<vmem>>, vector<1x16xf32>,
        %swap3A_168 = vector.shape_cast %swap3A_167 : vector<1x16xf32> to vector<16xf32>
        %swap3A_169 = vector.shape_cast %add3A_164 : vector<16xf32> to vector<1x16xf32>
        tpu.vector_store %arg9[%swap3A_165, %swap3A_166], %swap3A_169 {strides = array<i32>} : memref<128x64xf32, #tpu.memory_space<vmem>>, vector<1x16xf32>,
      }
      %scan3A_74 = arith.constant 128 : i32
      %mul3A_75 = arith.constant 128 : i32
      %mul3A_76 = arith.muli %mul3A_49, %mul3A_75 : i32
      %add3A_77 = arith.addi %mul3A_2, %mul3A_76 : i32
      %dma_start3A_78 = arith.constant 0 : i32
      %dma_start3A_79 = tpu.memref_slice %arg4[%add3A_77, %dma_start3A_78] : memref<20480x64xf32, #tpu.memory_space<hbm>> -> memref<128x64xf32, #tpu.memory_space<hbm>>
      %dma_start3A_80 = arith.constant 0 : i32
      %dma_start3A_81 = tpu.memref_slice %arg4[%add3A_77, %dma_start3A_80] : memref<20480x64xf32, #tpu.memory_space<hbm>> -> memref<128x64xf32, #tpu.memory_space<hbm>>
      tpu.enqueue_dma source(%arg9 : memref<128x64xf32, #tpu.memory_space<vmem>>) target(%dma_start3A_81 : memref<128x64xf32, #tpu.memory_space<hbm>>) target_semaphore(%arg13 : memref<!tpu.dma_semaphore, #tpu.memory_space<semaphore_mem>>)
      %lt3A_82 = arith.constant 5 : i32
      %lt3A_83 = arith.cmpi slt, %add3A_53, %lt3A_82 : i32
      %convert_element_type3A_84 = arith.extui %lt3A_83 : i1 to i32
      %cond3A_85 = arith.constant 0 : i32
      %cond3A_86 = arith.cmpi ne, %convert_element_type3A_84, %cond3A_85 : i32
      scf.if %cond3A_86 {
        %dma_wait3A_87 = arith.constant 0 : i32
        %dma_wait3A_88 = arith.constant 0 : i32
        %dma_wait3A_89 = tpu.memref_slice %arg2[%dma_wait3A_87, %dma_wait3A_88] : memref<10240x64xf32, #tpu.memory_space<hbm>> -> memref<256x64xf32, #tpu.memory_space<hbm>>
        %dma_wait3A_90 = arith.constant 0 : i32
        %dma_wait3A_91 = arith.constant 0 : i32
        %dma_wait3A_92 = tpu.memref_slice %arg2[%dma_wait3A_90, %dma_wait3A_91] : memref<10240x64xf32, #tpu.memory_space<hbm>> -> memref<256x64xf32, #tpu.memory_space<hbm>>
        tpu.wait_dma2 semaphore(%arg12 : memref<!tpu.dma_semaphore, #tpu.memory_space<semaphore_mem>>) src(%dma_wait3A_92 : memref<256x64xf32, #tpu.memory_space<hbm>>) dst(%arg8 : memref<256x64xf32, #tpu.memory_space<vmem>>)
        %lt3A_93 = arith.constant 5 : i32
        %lt3A_94 = arith.cmpi slt, %add3A_57, %lt3A_93 : i32
        %convert_element_type3A_95 = arith.extui %lt3A_94 : i1 to i32
        %cond3A_96 = arith.constant 0 : i32
        %cond3A_97 = arith.cmpi ne, %convert_element_type3A_95, %cond3A_96 : i32
        scf.if %cond3A_97 {
          %mul3A_115 = arith.constant 2 : i32
          %mul3A_116 = arith.muli %add3A_57, %mul3A_115 : i32
          %add3A_117 = arith.addi %mul3A_6, %mul3A_116 : i32
          "tpu.region"() ({
            %run_scoped3A = tpu.sem_alloc : memref<!tpu.dma_semaphore, #tpu.memory_space<semaphore_mem>>
            %dma_start3A_138 = arith.constant 0 : i32
            %dma_start3A_139 = tpu.memref_slice %arg3[%add3A_117, %dma_start3A_138] : memref<320x128xi32, #tpu.memory_space<hbm>> -> memref<2x128xi32, #tpu.memory_space<hbm>>
            %dma_start3A_140 = arith.constant 0 : i32
            %dma_start3A_141 = tpu.memref_slice %arg3[%add3A_117, %dma_start3A_140] : memref<320x128xi32, #tpu.memory_space<hbm>> -> memref<2x128xi32, #tpu.memory_space<hbm>>
            tpu.enqueue_dma source(%dma_start3A_141 : memref<2x128xi32, #tpu.memory_space<hbm>>) target(%arg5 : memref<2x128xi32, #tpu.memory_space<vmem>>) target_semaphore(%run_scoped3A : memref<!tpu.dma_semaphore, #tpu.memory_space<semaphore_mem>>)
            %dma_wait3A_142 = arith.constant 0 : i32
            %dma_wait3A_143 = tpu.memref_slice %arg3[%add3A_117, %dma_wait3A_142] : memref<320x128xi32, #tpu.memory_space<hbm>> -> memref<2x128xi32, #tpu.memory_space<hbm>>
            %dma_wait3A_144 = arith.constant 0 : i32
            %dma_wait3A_145 = tpu.memref_slice %arg3[%add3A_117, %dma_wait3A_144] : memref<320x128xi32, #tpu.memory_space<hbm>> -> memref<2x128xi32, #tpu.memory_space<hbm>>
            tpu.wait_dma2 semaphore(%run_scoped3A : memref<!tpu.dma_semaphore, #tpu.memory_space<semaphore_mem>>) src(%dma_wait3A_145 : memref<2x128xi32, #tpu.memory_space<hbm>>) dst(%arg5 : memref<2x128xi32, #tpu.memory_space<vmem>>)
            tpu.yield
          }) : () -> ()
          %dma_start3A_118 = arith.constant 0 : i32
          %dma_start3A_119 = arith.constant 0 : i32
          %dma_start3A_120 = arith.constant 0 : i32
          %dma_start3A_121 = tpu.memref_slice %arg7[%dma_start3A_119, %dma_start3A_120] : memref<256x64xf32, #tpu.memory_space<vmem>> -> memref<128x64xf32, #tpu.memory_space<vmem>>
          %dma_start3A_122 = arith.constant 0 : i32
          %dma_start3A_123 = tpu.memref_slice %arg5[%dma_start3A_118, %dma_start3A_122] : memref<2x128xi32, #tpu.memory_space<vmem>> -> memref<1x128xi32, #tpu.memory_space<vmem>>
          %dma_start3A_124 = tpu.memref_squeeze %dma_start3A_123 : memref<1x128xi32, #tpu.memory_space<vmem>> -> memref<128xi32, #tpu.memory_space<vmem>>
          %dma_start3A_125 = arith.constant 0 : i32
          %dma_start3A_126 = arith.constant 0 : i32
          %dma_start3A_127 = tpu.memref_slice %arg2[%dma_start3A_125, %dma_start3A_126] : memref<10240x64xf32, #tpu.memory_space<hbm>> -> memref<10240x64xf32, #tpu.memory_space<hbm>>
          tpu.enqueue_indirect_dma source(%dma_start3A_127 : memref<10240x64xf32, #tpu.memory_space<hbm>>) target(%dma_start3A_121 : memref<128x64xf32, #tpu.memory_space<vmem>>) offsets(%dma_start3A_124 : memref<128xi32, #tpu.memory_space<vmem>>) semaphore(%arg11 : memref<!tpu.dma_semaphore, #tpu.memory_space<semaphore_mem>>)
          %dma_start3A_128 = arith.constant 1 : i32
          %dma_start3A_129 = arith.constant 128 : i32
          %dma_start3A_130 = arith.constant 0 : i32
          %dma_start3A_131 = tpu.memref_slice %arg7[%dma_start3A_129, %dma_start3A_130] : memref<256x64xf32, #tpu.memory_space<vmem>> -> memref<128x64xf32, #tpu.memory_space<vmem>>
          %dma_start3A_132 = arith.constant 0 : i32
          %dma_start3A_133 = tpu.memref_slice %arg5[%dma_start3A_128, %dma_start3A_132] : memref<2x128xi32, #tpu.memory_space<vmem>> -> memref<1x128xi32, #tpu.memory_space<vmem>>
          %dma_start3A_134 = tpu.memref_squeeze %dma_start3A_133 : memref<1x128xi32, #tpu.memory_space<vmem>> -> memref<128xi32, #tpu.memory_space<vmem>>
          %dma_start3A_135 = arith.constant 0 : i32
          %dma_start3A_136 = arith.constant 0 : i32
          %dma_start3A_137 = tpu.memref_slice %arg2[%dma_start3A_135, %dma_start3A_136] : memref<10240x64xf32, #tpu.memory_space<hbm>> -> memref<10240x64xf32, #tpu.memory_space<hbm>>
          tpu.enqueue_indirect_dma source(%dma_start3A_137 : memref<10240x64xf32, #tpu.memory_space<hbm>>) target(%dma_start3A_131 : memref<128x64xf32, #tpu.memory_space<vmem>>) offsets(%dma_start3A_134 : memref<128xi32, #tpu.memory_space<vmem>>) semaphore(%arg11 : memref<!tpu.dma_semaphore, #tpu.memory_space<semaphore_mem>>)
        } else {
        }
        %gt3A_98 = arith.constant 0 : i32
        %gt3A_99 = arith.cmpi sgt, %add3A_47, %gt3A_98 : i32
        %convert_element_type3A_100 = arith.extui %gt3A_99 : i1 to i32
        %cond3A_101 = arith.constant 0 : i32
        %cond3A_102 = arith.cmpi ne, %convert_element_type3A_100, %cond3A_101 : i32
        scf.if %cond3A_102 {
          %dma_wait3A_115 = arith.constant 0 : i32
          %dma_wait3A_116 = arith.constant 0 : i32
          %dma_wait3A_117 = tpu.memref_slice %arg2[%dma_wait3A_115, %dma_wait3A_116] : memref<10240x64xf32, #tpu.memory_space<hbm>> -> memref<128x64xf32, #tpu.memory_space<hbm>>
          %dma_wait3A_118 = arith.constant 0 : i32
          %dma_wait3A_119 = arith.constant 0 : i32
          %dma_wait3A_120 = tpu.memref_slice %arg2[%dma_wait3A_118, %dma_wait3A_119] : memref<10240x64xf32, #tpu.memory_space<hbm>> -> memref<128x64xf32, #tpu.memory_space<hbm>>
          tpu.wait_dma2 semaphore(%arg14 : memref<!tpu.dma_semaphore, #tpu.memory_space<semaphore_mem>>) src(%dma_wait3A_120 : memref<128x64xf32, #tpu.memory_space<hbm>>) dst(%arg10 : memref<128x64xf32, #tpu.memory_space<vmem>>)
        } else {
        }
        %scan3A_103 = arith.constant 0 : i32
        %scan3A_104 = arith.constant 128 : i32
        %scan3A_105 = arith.addi %scan3A_103, %scan3A_104 : i32
        %scan3A_106 = arith.constant 1 : i32
        scf.for %scan3A_115 = %scan3A_103 to %scan3A_105 step %scan3A_106  : i32 {
          %mul3A_116 = arith.constant 1 : i32
          %mul3A_117 = arith.muli %scan3A_115, %mul3A_116 : i32
          %add3A_118 = arith.constant 0 : i32
          %add3A_119 = arith.addi %add3A_118, %mul3A_117 : i32
          %mul3A_120 = arith.constant 2 : i32
          %mul3A_121 = arith.muli %mul3A_120, %add3A_119 : i32
          %get3A = arith.index_cast %mul3A_121 : i32 to index
          %get3A_122 = arith.constant 0 : index
          %get3A_123 = tpu.vector_load %arg8[%get3A, %get3A_122] {strides = array<i32>} : memref<256x64xf32, #tpu.memory_space<vmem>>, vector<1x16xf32>,
          %get3A_124 = vector.shape_cast %get3A_123 : vector<1x16xf32> to vector<16xf32>
          %mul3A_125 = arith.constant 2 : i32
          %mul3A_126 = arith.muli %mul3A_125, %add3A_119 : i32
          %add3A_127 = arith.constant 1 : i32
          %add3A_128 = arith.addi %mul3A_126, %add3A_127 : i32
          %get3A_129 = arith.index_cast %add3A_128 : i32 to index
          %get3A_130 = arith.constant 0 : index
          %get3A_131 = tpu.vector_load %arg8[%get3A_129, %get3A_130] {strides = array<i32>} : memref<256x64xf32, #tpu.memory_space<vmem>>, vector<1x16xf32>,
          %get3A_132 = vector.shape_cast %get3A_131 : vector<1x16xf32> to vector<16xf32>
          %add3A_133 = arith.addf %get3A_124, %get3A_132 : vector<16xf32>
          %swap3A = arith.index_cast %add3A_119 : i32 to index
          %swap3A_134 = arith.constant 0 : index
          %swap3A_135 = tpu.vector_load %arg10[%swap3A, %swap3A_134] {strides = array<i32>} : memref<128x64xf32, #tpu.memory_space<vmem>>, vector<1x16xf32>,
          %swap3A_136 = vector.shape_cast %swap3A_135 : vector<1x16xf32> to vector<16xf32>
          %swap3A_137 = vector.shape_cast %add3A_133 : vector<16xf32> to vector<1x16xf32>
          tpu.vector_store %arg10[%swap3A, %swap3A_134], %swap3A_137 {strides = array<i32>} : memref<128x64xf32, #tpu.memory_space<vmem>>, vector<1x16xf32>,
          %mul3A_138 = arith.constant 2 : i32
          %mul3A_139 = arith.muli %mul3A_138, %add3A_119 : i32
          %get3A_140 = arith.index_cast %mul3A_139 : i32 to index
          %get3A_141 = arith.constant 16 : index
          %get3A_142 = tpu.vector_load %arg8[%get3A_140, %get3A_141] {strides = array<i32>} : memref<256x64xf32, #tpu.memory_space<vmem>>, vector<1x16xf32>,
          %get3A_143 = vector.shape_cast %get3A_142 : vector<1x16xf32> to vector<16xf32>
          %mul3A_144 = arith.constant 2 : i32
          %mul3A_145 = arith.muli %mul3A_144, %add3A_119 : i32
          %add3A_146 = arith.constant 1 : i32
          %add3A_147 = arith.addi %mul3A_145, %add3A_146 : i32
          %get3A_148 = arith.index_cast %add3A_147 : i32 to index
          %get3A_149 = arith.constant 16 : index
          %get3A_150 = tpu.vector_load %arg8[%get3A_148, %get3A_149] {strides = array<i32>} : memref<256x64xf32, #tpu.memory_space<vmem>>, vector<1x16xf32>,
          %get3A_151 = vector.shape_cast %get3A_150 : vector<1x16xf32> to vector<16xf32>
          %add3A_152 = arith.addf %get3A_143, %get3A_151 : vector<16xf32>
          %swap3A_153 = arith.index_cast %add3A_119 : i32 to index
          %swap3A_154 = arith.constant 16 : index
          %swap3A_155 = tpu.vector_load %arg10[%swap3A_153, %swap3A_154] {strides = array<i32>} : memref<128x64xf32, #tpu.memory_space<vmem>>, vector<1x16xf32>,
          %swap3A_156 = vector.shape_cast %swap3A_155 : vector<1x16xf32> to vector<16xf32>
          %swap3A_157 = vector.shape_cast %add3A_152 : vector<16xf32> to vector<1x16xf32>
          tpu.vector_store %arg10[%swap3A_153, %swap3A_154], %swap3A_157 {strides = array<i32>} : memref<128x64xf32, #tpu.memory_space<vmem>>, vector<1x16xf32>,
          %mul3A_158 = arith.constant 2 : i32
          %mul3A_159 = arith.muli %mul3A_158, %add3A_119 : i32
          %get3A_160 = arith.index_cast %mul3A_159 : i32 to index
          %get3A_161 = arith.constant 32 : index
          %get3A_162 = tpu.vector_load %arg8[%get3A_160, %get3A_161] {strides = array<i32>} : memref<256x64xf32, #tpu.memory_space<vmem>>, vector<1x16xf32>,
          %get3A_163 = vector.shape_cast %get3A_162 : vector<1x16xf32> to vector<16xf32>
          %mul3A_164 = arith.constant 2 : i32
          %mul3A_165 = arith.muli %mul3A_164, %add3A_119 : i32
          %add3A_166 = arith.constant 1 : i32
          %add3A_167 = arith.addi %mul3A_165, %add3A_166 : i32
          %get3A_168 = arith.index_cast %add3A_167 : i32 to index
          %get3A_169 = arith.constant 32 : index
          %get3A_170 = tpu.vector_load %arg8[%get3A_168, %get3A_169] {strides = array<i32>} : memref<256x64xf32, #tpu.memory_space<vmem>>, vector<1x16xf32>,
          %get3A_171 = vector.shape_cast %get3A_170 : vector<1x16xf32> to vector<16xf32>
          %add3A_172 = arith.addf %get3A_163, %get3A_171 : vector<16xf32>
          %swap3A_173 = arith.index_cast %add3A_119 : i32 to index
          %swap3A_174 = arith.constant 32 : index
          %swap3A_175 = tpu.vector_load %arg10[%swap3A_173, %swap3A_174] {strides = array<i32>} : memref<128x64xf32, #tpu.memory_space<vmem>>, vector<1x16xf32>,
          %swap3A_176 = vector.shape_cast %swap3A_175 : vector<1x16xf32> to vector<16xf32>
          %swap3A_177 = vector.shape_cast %add3A_172 : vector<16xf32> to vector<1x16xf32>
          tpu.vector_store %arg10[%swap3A_173, %swap3A_174], %swap3A_177 {strides = array<i32>} : memref<128x64xf32, #tpu.memory_space<vmem>>, vector<1x16xf32>,
          %mul3A_178 = arith.constant 2 : i32
          %mul3A_179 = arith.muli %mul3A_178, %add3A_119 : i32
          %get3A_180 = arith.index_cast %mul3A_179 : i32 to index
          %get3A_181 = arith.constant 48 : index
          %get3A_182 = tpu.vector_load %arg8[%get3A_180, %get3A_181] {strides = array<i32>} : memref<256x64xf32, #tpu.memory_space<vmem>>, vector<1x16xf32>,
          %get3A_183 = vector.shape_cast %get3A_182 : vector<1x16xf32> to vector<16xf32>
          %mul3A_184 = arith.constant 2 : i32
          %mul3A_185 = arith.muli %mul3A_184, %add3A_119 : i32
          %add3A_186 = arith.constant 1 : i32
          %add3A_187 = arith.addi %mul3A_185, %add3A_186 : i32
          %get3A_188 = arith.index_cast %add3A_187 : i32 to index
          %get3A_189 = arith.constant 48 : index
          %get3A_190 = tpu.vector_load %arg8[%get3A_188, %get3A_189] {strides = array<i32>} : memref<256x64xf32, #tpu.memory_space<vmem>>, vector<1x16xf32>,
          %get3A_191 = vector.shape_cast %get3A_190 : vector<1x16xf32> to vector<16xf32>
          %add3A_192 = arith.addf %get3A_183, %get3A_191 : vector<16xf32>
          %swap3A_193 = arith.index_cast %add3A_119 : i32 to index
          %swap3A_194 = arith.constant 48 : index
          %swap3A_195 = tpu.vector_load %arg10[%swap3A_193, %swap3A_194] {strides = array<i32>} : memref<128x64xf32, #tpu.memory_space<vmem>>, vector<1x16xf32>,
          %swap3A_196 = vector.shape_cast %swap3A_195 : vector<1x16xf32> to vector<16xf32>
          %swap3A_197 = vector.shape_cast %add3A_192 : vector<16xf32> to vector<1x16xf32>
          tpu.vector_store %arg10[%swap3A_193, %swap3A_194], %swap3A_197 {strides = array<i32>} : memref<128x64xf32, #tpu.memory_space<vmem>>, vector<1x16xf32>,
        }
        %scan3A_107 = arith.constant 128 : i32
        %mul3A_108 = arith.constant 128 : i32
        %mul3A_109 = arith.muli %add3A_53, %mul3A_108 : i32
        %add3A_110 = arith.addi %mul3A_2, %mul3A_109 : i32
        %dma_start3A_111 = arith.constant 0 : i32
        %dma_start3A_112 = tpu.memref_slice %arg4[%add3A_110, %dma_start3A_111] : memref<20480x64xf32, #tpu.memory_space<hbm>> -> memref<128x64xf32, #tpu.memory_space<hbm>>
        %dma_start3A_113 = arith.constant 0 : i32
        %dma_start3A_114 = tpu.memref_slice %arg4[%add3A_110, %dma_start3A_113] : memref<20480x64xf32, #tpu.memory_space<hbm>> -> memref<128x64xf32, #tpu.memory_space<hbm>>
        tpu.enqueue_dma source(%arg10 : memref<128x64xf32, #tpu.memory_space<vmem>>) target(%dma_start3A_114 : memref<128x64xf32, #tpu.memory_space<hbm>>) target_semaphore(%arg14 : memref<!tpu.dma_semaphore, #tpu.memory_space<semaphore_mem>>)
      } else {
      }
    }
    %scan3A_31 = arith.constant 3 : i32
    %dma_wait3A = arith.constant 0 : i32
    %dma_wait3A_32 = arith.constant 0 : i32
    %dma_wait3A_33 = tpu.memref_slice %arg2[%dma_wait3A, %dma_wait3A_32] : memref<10240x64xf32, #tpu.memory_space<hbm>> -> memref<128x64xf32, #tpu.memory_space<hbm>>
    %dma_wait3A_34 = arith.constant 0 : i32
    %dma_wait3A_35 = arith.constant 0 : i32
    %dma_wait3A_36 = tpu.memref_slice %arg2[%dma_wait3A_34, %dma_wait3A_35] : memref<10240x64xf32, #tpu.memory_space<hbm>> -> memref<128x64xf32, #tpu.memory_space<hbm>>
    tpu.wait_dma2 semaphore(%arg13 : memref<!tpu.dma_semaphore, #tpu.memory_space<semaphore_mem>>) src(%dma_wait3A_36 : memref<128x64xf32, #tpu.memory_space<hbm>>) dst(%arg9 : memref<128x64xf32, #tpu.memory_space<vmem>>)
    %dma_wait3A_37 = arith.constant 0 : i32
    %dma_wait3A_38 = arith.constant 0 : i32
    %dma_wait3A_39 = tpu.memref_slice %arg2[%dma_wait3A_37, %dma_wait3A_38] : memref<10240x64xf32, #tpu.memory_space<hbm>> -> memref<128x64xf32, #tpu.memory_space<hbm>>
    %dma_wait3A_40 = arith.constant 0 : i32
    %dma_wait3A_41 = arith.constant 0 : i32
    %dma_wait3A_42 = tpu.memref_slice %arg2[%dma_wait3A_40, %dma_wait3A_41] : memref<10240x64xf32, #tpu.memory_space<hbm>> -> memref<128x64xf32, #tpu.memory_space<hbm>>
    tpu.wait_dma2 semaphore(%arg14 : memref<!tpu.dma_semaphore, #tpu.memory_space<semaphore_mem>>) src(%dma_wait3A_42 : memref<128x64xf32, #tpu.memory_space<hbm>>) dst(%arg10 : memref<128x64xf32, #tpu.memory_space<vmem>>)
    return
  }
}

#map = affine_map<(d0, d1) -> (0, 0)>
#map1 = affine_map<(d0, d1) -> (0, 0, 0)>
module attributes {stable_mosaic.version = 14 : i64} {
  func.func @segsum(%arg0: i32, %arg1: i32, %arg2: memref<20480x64xf32, #tpu.memory_space<hbm>>, %arg3: memref<10240x128xi32, #tpu.memory_space<hbm>>, %arg4: memref<1280x64xf32, #tpu.memory_space<hbm>>, %arg5: memref<2x20480x64xf32, #tpu.memory_space<hbm>>, %arg6: memref<4x128xi32, #tpu.memory_space<vmem>>, %arg7: memref<4x128xi32, #tpu.memory_space<vmem>>, %arg8: memref<256x64xf32, #tpu.memory_space<vmem>>, %arg9: memref<256x64xf32, #tpu.memory_space<vmem>>, %arg10: memref<20480x64xf32, #tpu.memory_space<vmem_shared>>, %arg11: memref<!tpu.dma_semaphore, #tpu.memory_space<semaphore_mem>>, %arg12: memref<!tpu.dma_semaphore, #tpu.memory_space<semaphore_mem>>, %arg13: memref<!tpu.dma_semaphore, #tpu.memory_space<semaphore_mem>>, %arg14: memref<!tpu.dma_semaphore, #tpu.memory_space<semaphore_mem>>, %arg15: memref<!tpu.dma_semaphore, #tpu.memory_space<semaphore_mem>>, %arg16: memref<!tpu.dma_semaphore, #tpu.memory_space<semaphore_mem>>, %arg17: memref<!tpu.dma_semaphore, #tpu.memory_space<semaphore_mem>>, %arg18: memref<!tpu.dma_semaphore, #tpu.memory_space<semaphore_mem>>, %arg19: memref<!tpu.dma_semaphore, #tpu.memory_space<semaphore_mem>>, %arg20: memref<!tpu.dma_semaphore, #tpu.memory_space<semaphore_mem>>) attributes {dimension_semantics = [#tpu.dimension_semantics<core_parallel>, #tpu.dimension_semantics<subcore_parallel>], iteration_bounds = array<i64: 2, 16>, scalar_prefetch = 0 : i64, scratch_operands = 15 : i64, tpu.core_type = #tpu.core_type<sc_vector_subcore>, window_params = [{transform_indices = #map}, {transform_indices = #map}, {transform_indices = #map}, {transform_indices = #map1}]} {
    %mul3A = arith.constant 16 : i32
    %mul3A_0 = arith.muli %arg0, %mul3A : i32
    %add3A = arith.addi %mul3A_0, %arg1 : i32
    %mul3A_1 = arith.constant 1280 : i32
    %mul3A_2 = arith.muli %arg1, %mul3A_1 : i32
    %mul3A_3 = arith.constant 80 : i32
    %mul3A_4 = arith.muli %add3A, %mul3A_3 : i32
    %mul3A_5 = arith.constant 2 : i32
    %mul3A_6 = arith.muli %mul3A_4, %mul3A_5 : i32
    %mul3A_7 = arith.constant 2 : i32
    %mul3A_8 = arith.muli %mul3A_6, %mul3A_7 : i32
    "tpu.region"() ({
      %run_scoped3A = tpu.sem_alloc : memref<!tpu.dma_semaphore, #tpu.memory_space<semaphore_mem>>
      %dma_start3A_72 = arith.constant 0 : i32
      %dma_start3A_73 = tpu.memref_slice %arg3[%mul3A_8, %dma_start3A_72] : memref<10240x128xi32, #tpu.memory_space<hbm>> -> memref<4x128xi32, #tpu.memory_space<hbm>>
      %dma_start3A_74 = arith.constant 0 : i32
      %dma_start3A_75 = tpu.memref_slice %arg3[%mul3A_8, %dma_start3A_74] : memref<10240x128xi32, #tpu.memory_space<hbm>> -> memref<4x128xi32, #tpu.memory_space<hbm>>
      tpu.enqueue_dma source(%dma_start3A_75 : memref<4x128xi32, #tpu.memory_space<hbm>>) target(%arg6 : memref<4x128xi32, #tpu.memory_space<vmem>>) target_semaphore(%run_scoped3A : memref<!tpu.dma_semaphore, #tpu.memory_space<semaphore_mem>>)
      %dma_wait3A_76 = arith.constant 0 : i32
      %dma_wait3A_77 = tpu.memref_slice %arg3[%mul3A_8, %dma_wait3A_76] : memref<10240x128xi32, #tpu.memory_space<hbm>> -> memref<4x128xi32, #tpu.memory_space<hbm>>
      %dma_wait3A_78 = arith.constant 0 : i32
      %dma_wait3A_79 = tpu.memref_slice %arg3[%mul3A_8, %dma_wait3A_78] : memref<10240x128xi32, #tpu.memory_space<hbm>> -> memref<4x128xi32, #tpu.memory_space<hbm>>
      tpu.wait_dma2 semaphore(%run_scoped3A : memref<!tpu.dma_semaphore, #tpu.memory_space<semaphore_mem>>) src(%dma_wait3A_79 : memref<4x128xi32, #tpu.memory_space<hbm>>) dst(%arg6 : memref<4x128xi32, #tpu.memory_space<vmem>>)
      tpu.yield
    }) : () -> ()
    %dma_start3A = arith.constant 0 : i32
    %dma_start3A_9 = arith.constant 0 : i32
    %dma_start3A_10 = arith.constant 0 : i32
    %dma_start3A_11 = tpu.memref_slice %arg8[%dma_start3A_9, %dma_start3A_10] : memref<256x64xf32, #tpu.memory_space<vmem>> -> memref<128x64xf32, #tpu.memory_space<vmem>>
    %dma_start3A_12 = arith.constant 0 : i32
    %dma_start3A_13 = tpu.memref_slice %arg6[%dma_start3A, %dma_start3A_12] : memref<4x128xi32, #tpu.memory_space<vmem>> -> memref<1x128xi32, #tpu.memory_space<vmem>>
    %dma_start3A_14 = tpu.memref_squeeze %dma_start3A_13 : memref<1x128xi32, #tpu.memory_space<vmem>> -> memref<128xi32, #tpu.memory_space<vmem>>
    %dma_start3A_15 = arith.constant 0 : i32
    %dma_start3A_16 = arith.constant 0 : i32
    %dma_start3A_17 = tpu.memref_slice %arg2[%dma_start3A_15, %dma_start3A_16] : memref<20480x64xf32, #tpu.memory_space<hbm>> -> memref<20480x64xf32, #tpu.memory_space<hbm>>
    tpu.enqueue_indirect_dma source(%dma_start3A_17 : memref<20480x64xf32, #tpu.memory_space<hbm>>) target(%dma_start3A_11 : memref<128x64xf32, #tpu.memory_space<vmem>>) offsets(%dma_start3A_14 : memref<128xi32, #tpu.memory_space<vmem>>) semaphore(%arg11 : memref<!tpu.dma_semaphore, #tpu.memory_space<semaphore_mem>>)
    %dma_start3A_18 = arith.constant 1 : i32
    %dma_start3A_19 = arith.constant 128 : i32
    %dma_start3A_20 = arith.constant 0 : i32
    %dma_start3A_21 = tpu.memref_slice %arg8[%dma_start3A_19, %dma_start3A_20] : memref<256x64xf32, #tpu.memory_space<vmem>> -> memref<128x64xf32, #tpu.memory_space<vmem>>
    %dma_start3A_22 = arith.constant 0 : i32
    %dma_start3A_23 = tpu.memref_slice %arg6[%dma_start3A_18, %dma_start3A_22] : memref<4x128xi32, #tpu.memory_space<vmem>> -> memref<1x128xi32, #tpu.memory_space<vmem>>
    %dma_start3A_24 = tpu.memref_squeeze %dma_start3A_23 : memref<1x128xi32, #tpu.memory_space<vmem>> -> memref<128xi32, #tpu.memory_space<vmem>>
    %dma_start3A_25 = arith.constant 0 : i32
    %dma_start3A_26 = arith.constant 0 : i32
    %dma_start3A_27 = tpu.memref_slice %arg2[%dma_start3A_25, %dma_start3A_26] : memref<20480x64xf32, #tpu.memory_space<hbm>> -> memref<20480x64xf32, #tpu.memory_space<hbm>>
    tpu.enqueue_indirect_dma source(%dma_start3A_27 : memref<20480x64xf32, #tpu.memory_space<hbm>>) target(%dma_start3A_21 : memref<128x64xf32, #tpu.memory_space<vmem>>) offsets(%dma_start3A_24 : memref<128xi32, #tpu.memory_space<vmem>>) semaphore(%arg11 : memref<!tpu.dma_semaphore, #tpu.memory_space<semaphore_mem>>)
    "tpu.region"() ({
      %run_scoped3A = tpu.sem_alloc : memref<!tpu.dma_semaphore, #tpu.memory_space<semaphore_mem>>
      %dma_start3A_72 = arith.constant 0 : i32
      %dma_start3A_73 = tpu.memref_slice %arg10[%mul3A_2, %dma_start3A_72] : memref<20480x64xf32, #tpu.memory_space<vmem_shared>> -> memref<1280x64xf32, #tpu.memory_space<vmem_shared>>
      tpu.enqueue_dma source(%arg4 : memref<1280x64xf32, #tpu.memory_space<hbm>>) target(%dma_start3A_73 : memref<1280x64xf32, #tpu.memory_space<vmem_shared>>) target_semaphore(%run_scoped3A : memref<!tpu.dma_semaphore, #tpu.memory_space<semaphore_mem>>)
      %dma_wait3A_74 = arith.constant 0 : i32
      %dma_wait3A_75 = tpu.memref_slice %arg10[%mul3A_2, %dma_wait3A_74] : memref<20480x64xf32, #tpu.memory_space<vmem_shared>> -> memref<1280x64xf32, #tpu.memory_space<vmem_shared>>
      tpu.wait_dma2 semaphore(%run_scoped3A : memref<!tpu.dma_semaphore, #tpu.memory_space<semaphore_mem>>) src(%arg4 : memref<1280x64xf32, #tpu.memory_space<hbm>>) dst(%dma_wait3A_75 : memref<1280x64xf32, #tpu.memory_space<vmem_shared>>)
      tpu.yield
    }) : () -> ()
    %barrier3A = arith.constant 0 : index
    tpu.barrier barrier_id(%barrier3A)
    %scan3A = arith.constant 0 : i32
    %scan3A_28 = arith.constant 40 : i32
    %scan3A_29 = arith.addi %scan3A, %scan3A_28 : i32
    %scan3A_30 = arith.constant 1 : i32
    scf.for %scan3A_72 = %scan3A to %scan3A_29 step %scan3A_30  : i32 {
      %mul3A_73 = arith.constant 1 : i32
      %mul3A_74 = arith.muli %scan3A_72, %mul3A_73 : i32
      %add3A_75 = arith.constant 0 : i32
      %add3A_76 = arith.addi %add3A_75, %mul3A_74 : i32
      %mul3A_77 = arith.constant 2 : i32
      %mul3A_78 = arith.muli %mul3A_77, %add3A_76 : i32
      %add3A_79 = arith.constant 1 : i32
      %add3A_80 = arith.addi %mul3A_78, %add3A_79 : i32
      %mul3A_81 = arith.constant 2 : i32
      %mul3A_82 = arith.muli %mul3A_81, %add3A_76 : i32
      %add3A_83 = arith.constant 2 : i32
      %add3A_84 = arith.addi %mul3A_82, %add3A_83 : i32
      %dma_wait3A_85 = arith.constant 0 : i32
      %dma_wait3A_86 = arith.constant 0 : i32
      %dma_wait3A_87 = tpu.memref_slice %arg2[%dma_wait3A_85, %dma_wait3A_86] : memref<20480x64xf32, #tpu.memory_space<hbm>> -> memref<256x64xf32, #tpu.memory_space<hbm>>
      %dma_wait3A_88 = arith.constant 0 : i32
      %dma_wait3A_89 = arith.constant 0 : i32
      %dma_wait3A_90 = tpu.memref_slice %arg2[%dma_wait3A_88, %dma_wait3A_89] : memref<20480x64xf32, #tpu.memory_space<hbm>> -> memref<256x64xf32, #tpu.memory_space<hbm>>
      tpu.wait_dma2 semaphore(%arg11 : memref<!tpu.dma_semaphore, #tpu.memory_space<semaphore_mem>>) src(%dma_wait3A_90 : memref<256x64xf32, #tpu.memory_space<hbm>>) dst(%arg8 : memref<256x64xf32, #tpu.memory_space<vmem>>)
      %gt3A = arith.constant 0 : i32
      %gt3A_91 = arith.cmpi sgt, %add3A_76, %gt3A : i32
      %convert_element_type3A = arith.extui %gt3A_91 : i1 to i32
      %cond3A = arith.constant 0 : i32
      %cond3A_92 = arith.cmpi ne, %convert_element_type3A, %cond3A : i32
      scf.if %cond3A_92 {
        %dma_wait3A_168 = arith.constant 2 : i32
        %dma_wait3A_169 = arith.constant 0 : i32
        %dma_wait3A_170 = arith.constant 0 : i32
        %dma_wait3A_171 = tpu.memref_slice %arg9[%dma_wait3A_169, %dma_wait3A_170] : memref<256x64xf32, #tpu.memory_space<vmem>> -> memref<128x64xf32, #tpu.memory_space<vmem>>
        %dma_wait3A_172 = arith.constant 0 : i32
        %dma_wait3A_173 = tpu.memref_slice %arg7[%dma_wait3A_168, %dma_wait3A_172] : memref<4x128xi32, #tpu.memory_space<vmem>> -> memref<1x128xi32, #tpu.memory_space<vmem>>
        %dma_wait3A_174 = tpu.memref_squeeze %dma_wait3A_173 : memref<1x128xi32, #tpu.memory_space<vmem>> -> memref<128xi32, #tpu.memory_space<vmem>>
        %dma_wait3A_175 = arith.constant 0 : i32
        %dma_wait3A_176 = arith.constant 0 : i32
        %dma_wait3A_177 = tpu.memref_slice %arg10[%dma_wait3A_175, %dma_wait3A_176] : memref<20480x64xf32, #tpu.memory_space<vmem_shared>> -> memref<20480x64xf32, #tpu.memory_space<vmem_shared>>
        tpu.wait_indirect_dma semaphore(%arg17 : memref<!tpu.dma_semaphore, #tpu.memory_space<semaphore_mem>>) src(%dma_wait3A_171 : memref<128x64xf32, #tpu.memory_space<vmem>>) dst(%dma_wait3A_177 : memref<20480x64xf32, #tpu.memory_space<vmem_shared>>)
        %dma_wait3A_178 = arith.constant 3 : i32
        %dma_wait3A_179 = arith.constant 128 : i32
        %dma_wait3A_180 = arith.constant 0 : i32
        %dma_wait3A_181 = tpu.memref_slice %arg9[%dma_wait3A_179, %dma_wait3A_180] : memref<256x64xf32, #tpu.memory_space<vmem>> -> memref<128x64xf32, #tpu.memory_space<vmem>>
        %dma_wait3A_182 = arith.constant 0 : i32
        %dma_wait3A_183 = tpu.memref_slice %arg7[%dma_wait3A_178, %dma_wait3A_182] : memref<4x128xi32, #tpu.memory_space<vmem>> -> memref<1x128xi32, #tpu.memory_space<vmem>>
        %dma_wait3A_184 = tpu.memref_squeeze %dma_wait3A_183 : memref<1x128xi32, #tpu.memory_space<vmem>> -> memref<128xi32, #tpu.memory_space<vmem>>
        %dma_wait3A_185 = arith.constant 0 : i32
        %dma_wait3A_186 = arith.constant 0 : i32
        %dma_wait3A_187 = tpu.memref_slice %arg10[%dma_wait3A_185, %dma_wait3A_186] : memref<20480x64xf32, #tpu.memory_space<vmem_shared>> -> memref<20480x64xf32, #tpu.memory_space<vmem_shared>>
        tpu.wait_indirect_dma semaphore(%arg18 : memref<!tpu.dma_semaphore, #tpu.memory_space<semaphore_mem>>) src(%dma_wait3A_181 : memref<128x64xf32, #tpu.memory_space<vmem>>) dst(%dma_wait3A_187 : memref<20480x64xf32, #tpu.memory_space<vmem_shared>>)
      } else {
      }
      %mul3A_93 = arith.constant 2 : i32
      %mul3A_94 = arith.muli %add3A_80, %mul3A_93 : i32
      %mul3A_95 = arith.constant 2 : i32
      %mul3A_96 = arith.muli %mul3A_94, %mul3A_95 : i32
      %add3A_97 = arith.addi %mul3A_8, %mul3A_96 : i32
      "tpu.region"() ({
        %run_scoped3A = tpu.sem_alloc : memref<!tpu.dma_semaphore, #tpu.memory_space<semaphore_mem>>
        %dma_start3A_168 = arith.constant 0 : i32
        %dma_start3A_169 = tpu.memref_slice %arg3[%add3A_97, %dma_start3A_168] : memref<10240x128xi32, #tpu.memory_space<hbm>> -> memref<4x128xi32, #tpu.memory_space<hbm>>
        %dma_start3A_170 = arith.constant 0 : i32
        %dma_start3A_171 = tpu.memref_slice %arg3[%add3A_97, %dma_start3A_170] : memref<10240x128xi32, #tpu.memory_space<hbm>> -> memref<4x128xi32, #tpu.memory_space<hbm>>
        tpu.enqueue_dma source(%dma_start3A_171 : memref<4x128xi32, #tpu.memory_space<hbm>>) target(%arg7 : memref<4x128xi32, #tpu.memory_space<vmem>>) target_semaphore(%run_scoped3A : memref<!tpu.dma_semaphore, #tpu.memory_space<semaphore_mem>>)
        %dma_wait3A_172 = arith.constant 0 : i32
        %dma_wait3A_173 = tpu.memref_slice %arg3[%add3A_97, %dma_wait3A_172] : memref<10240x128xi32, #tpu.memory_space<hbm>> -> memref<4x128xi32, #tpu.memory_space<hbm>>
        %dma_wait3A_174 = arith.constant 0 : i32
        %dma_wait3A_175 = tpu.memref_slice %arg3[%add3A_97, %dma_wait3A_174] : memref<10240x128xi32, #tpu.memory_space<hbm>> -> memref<4x128xi32, #tpu.memory_space<hbm>>
        tpu.wait_dma2 semaphore(%run_scoped3A : memref<!tpu.dma_semaphore, #tpu.memory_space<semaphore_mem>>) src(%dma_wait3A_175 : memref<4x128xi32, #tpu.memory_space<hbm>>) dst(%arg7 : memref<4x128xi32, #tpu.memory_space<vmem>>)
        tpu.yield
      }) : () -> ()
      %dma_start3A_98 = arith.constant 0 : i32
      %dma_start3A_99 = arith.constant 0 : i32
      %dma_start3A_100 = arith.constant 0 : i32
      %dma_start3A_101 = tpu.memref_slice %arg9[%dma_start3A_99, %dma_start3A_100] : memref<256x64xf32, #tpu.memory_space<vmem>> -> memref<128x64xf32, #tpu.memory_space<vmem>>
      %dma_start3A_102 = arith.constant 0 : i32
      %dma_start3A_103 = tpu.memref_slice %arg7[%dma_start3A_98, %dma_start3A_102] : memref<4x128xi32, #tpu.memory_space<vmem>> -> memref<1x128xi32, #tpu.memory_space<vmem>>
      %dma_start3A_104 = tpu.memref_squeeze %dma_start3A_103 : memref<1x128xi32, #tpu.memory_space<vmem>> -> memref<128xi32, #tpu.memory_space<vmem>>
      %dma_start3A_105 = arith.constant 0 : i32
      %dma_start3A_106 = arith.constant 0 : i32
      %dma_start3A_107 = tpu.memref_slice %arg2[%dma_start3A_105, %dma_start3A_106] : memref<20480x64xf32, #tpu.memory_space<hbm>> -> memref<20480x64xf32, #tpu.memory_space<hbm>>
      tpu.enqueue_indirect_dma source(%dma_start3A_107 : memref<20480x64xf32, #tpu.memory_space<hbm>>) target(%dma_start3A_101 : memref<128x64xf32, #tpu.memory_space<vmem>>) offsets(%dma_start3A_104 : memref<128xi32, #tpu.memory_space<vmem>>) semaphore(%arg12 : memref<!tpu.dma_semaphore, #tpu.memory_space<semaphore_mem>>)
      %dma_start3A_108 = arith.constant 1 : i32
      %dma_start3A_109 = arith.constant 128 : i32
      %dma_start3A_110 = arith.constant 0 : i32
      %dma_start3A_111 = tpu.memref_slice %arg9[%dma_start3A_109, %dma_start3A_110] : memref<256x64xf32, #tpu.memory_space<vmem>> -> memref<128x64xf32, #tpu.memory_space<vmem>>
      %dma_start3A_112 = arith.constant 0 : i32
      %dma_start3A_113 = tpu.memref_slice %arg7[%dma_start3A_108, %dma_start3A_112] : memref<4x128xi32, #tpu.memory_space<vmem>> -> memref<1x128xi32, #tpu.memory_space<vmem>>
      %dma_start3A_114 = tpu.memref_squeeze %dma_start3A_113 : memref<1x128xi32, #tpu.memory_space<vmem>> -> memref<128xi32, #tpu.memory_space<vmem>>
      %dma_start3A_115 = arith.constant 0 : i32
      %dma_start3A_116 = arith.constant 0 : i32
      %dma_start3A_117 = tpu.memref_slice %arg2[%dma_start3A_115, %dma_start3A_116] : memref<20480x64xf32, #tpu.memory_space<hbm>> -> memref<20480x64xf32, #tpu.memory_space<hbm>>
      tpu.enqueue_indirect_dma source(%dma_start3A_117 : memref<20480x64xf32, #tpu.memory_space<hbm>>) target(%dma_start3A_111 : memref<128x64xf32, #tpu.memory_space<vmem>>) offsets(%dma_start3A_114 : memref<128xi32, #tpu.memory_space<vmem>>) semaphore(%arg12 : memref<!tpu.dma_semaphore, #tpu.memory_space<semaphore_mem>>)
      %dma_start3A_118 = arith.constant 2 : i32
      %dma_start3A_119 = arith.constant 0 : i32
      %dma_start3A_120 = arith.constant 0 : i32
      %dma_start3A_121 = tpu.memref_slice %arg8[%dma_start3A_119, %dma_start3A_120] : memref<256x64xf32, #tpu.memory_space<vmem>> -> memref<128x64xf32, #tpu.memory_space<vmem>>
      %dma_start3A_122 = arith.constant 0 : i32
      %dma_start3A_123 = tpu.memref_slice %arg6[%dma_start3A_118, %dma_start3A_122] : memref<4x128xi32, #tpu.memory_space<vmem>> -> memref<1x128xi32, #tpu.memory_space<vmem>>
      %dma_start3A_124 = tpu.memref_squeeze %dma_start3A_123 : memref<1x128xi32, #tpu.memory_space<vmem>> -> memref<128xi32, #tpu.memory_space<vmem>>
      %dma_start3A_125 = arith.constant 0 : i32
      %dma_start3A_126 = arith.constant 0 : i32
      %dma_start3A_127 = tpu.memref_slice %arg10[%dma_start3A_125, %dma_start3A_126] : memref<20480x64xf32, #tpu.memory_space<vmem_shared>> -> memref<20480x64xf32, #tpu.memory_space<vmem_shared>>
      tpu.enqueue_indirect_dma source(%dma_start3A_121 : memref<128x64xf32, #tpu.memory_space<vmem>>) target(%dma_start3A_127 : memref<20480x64xf32, #tpu.memory_space<vmem_shared>>) offsets(%dma_start3A_124 : memref<128xi32, #tpu.memory_space<vmem>>) semaphore(%arg13 : memref<!tpu.dma_semaphore, #tpu.memory_space<semaphore_mem>>) {add = true}
      %dma_start3A_128 = arith.constant 3 : i32
      %dma_start3A_129 = arith.constant 128 : i32
      %dma_start3A_130 = arith.constant 0 : i32
      %dma_start3A_131 = tpu.memref_slice %arg8[%dma_start3A_129, %dma_start3A_130] : memref<256x64xf32, #tpu.memory_space<vmem>> -> memref<128x64xf32, #tpu.memory_space<vmem>>
      %dma_start3A_132 = arith.constant 0 : i32
      %dma_start3A_133 = tpu.memref_slice %arg6[%dma_start3A_128, %dma_start3A_132] : memref<4x128xi32, #tpu.memory_space<vmem>> -> memref<1x128xi32, #tpu.memory_space<vmem>>
      %dma_start3A_134 = tpu.memref_squeeze %dma_start3A_133 : memref<1x128xi32, #tpu.memory_space<vmem>> -> memref<128xi32, #tpu.memory_space<vmem>>
      %dma_start3A_135 = arith.constant 0 : i32
      %dma_start3A_136 = arith.constant 0 : i32
      %dma_start3A_137 = tpu.memref_slice %arg10[%dma_start3A_135, %dma_start3A_136] : memref<20480x64xf32, #tpu.memory_space<vmem_shared>> -> memref<20480x64xf32, #tpu.memory_space<vmem_shared>>
      tpu.enqueue_indirect_dma source(%dma_start3A_131 : memref<128x64xf32, #tpu.memory_space<vmem>>) target(%dma_start3A_137 : memref<20480x64xf32, #tpu.memory_space<vmem_shared>>) offsets(%dma_start3A_134 : memref<128xi32, #tpu.memory_space<vmem>>) semaphore(%arg14 : memref<!tpu.dma_semaphore, #tpu.memory_space<semaphore_mem>>) {add = true}
      %dma_wait3A_138 = arith.constant 0 : i32
      %dma_wait3A_139 = arith.constant 0 : i32
      %dma_wait3A_140 = tpu.memref_slice %arg2[%dma_wait3A_138, %dma_wait3A_139] : memref<20480x64xf32, #tpu.memory_space<hbm>> -> memref<256x64xf32, #tpu.memory_space<hbm>>
      %dma_wait3A_141 = arith.constant 0 : i32
      %dma_wait3A_142 = arith.constant 0 : i32
      %dma_wait3A_143 = tpu.memref_slice %arg2[%dma_wait3A_141, %dma_wait3A_142] : memref<20480x64xf32, #tpu.memory_space<hbm>> -> memref<256x64xf32, #tpu.memory_space<hbm>>
      tpu.wait_dma2 semaphore(%arg12 : memref<!tpu.dma_semaphore, #tpu.memory_space<semaphore_mem>>) src(%dma_wait3A_143 : memref<256x64xf32, #tpu.memory_space<hbm>>) dst(%arg9 : memref<256x64xf32, #tpu.memory_space<vmem>>)
      %lt3A = arith.constant 80 : i32
      %lt3A_144 = arith.cmpi slt, %add3A_84, %lt3A : i32
      %convert_element_type3A_145 = arith.extui %lt3A_144 : i1 to i32
      %cond3A_146 = arith.constant 0 : i32
      %cond3A_147 = arith.cmpi ne, %convert_element_type3A_145, %cond3A_146 : i32
      scf.if %cond3A_147 {
        %dma_wait3A_168 = arith.constant 2 : i32
        %dma_wait3A_169 = arith.constant 0 : i32
        %dma_wait3A_170 = arith.constant 0 : i32
        %dma_wait3A_171 = tpu.memref_slice %arg8[%dma_wait3A_169, %dma_wait3A_170] : memref<256x64xf32, #tpu.memory_space<vmem>> -> memref<128x64xf32, #tpu.memory_space<vmem>>
        %dma_wait3A_172 = arith.constant 0 : i32
        %dma_wait3A_173 = tpu.memref_slice %arg6[%dma_wait3A_168, %dma_wait3A_172] : memref<4x128xi32, #tpu.memory_space<vmem>> -> memref<1x128xi32, #tpu.memory_space<vmem>>
        %dma_wait3A_174 = tpu.memref_squeeze %dma_wait3A_173 : memref<1x128xi32, #tpu.memory_space<vmem>> -> memref<128xi32, #tpu.memory_space<vmem>>
        %dma_wait3A_175 = arith.constant 0 : i32
        %dma_wait3A_176 = arith.constant 0 : i32
        %dma_wait3A_177 = tpu.memref_slice %arg10[%dma_wait3A_175, %dma_wait3A_176] : memref<20480x64xf32, #tpu.memory_space<vmem_shared>> -> memref<20480x64xf32, #tpu.memory_space<vmem_shared>>
        tpu.wait_indirect_dma semaphore(%arg13 : memref<!tpu.dma_semaphore, #tpu.memory_space<semaphore_mem>>) src(%dma_wait3A_171 : memref<128x64xf32, #tpu.memory_space<vmem>>) dst(%dma_wait3A_177 : memref<20480x64xf32, #tpu.memory_space<vmem_shared>>)
        %dma_wait3A_178 = arith.constant 3 : i32
        %dma_wait3A_179 = arith.constant 128 : i32
        %dma_wait3A_180 = arith.constant 0 : i32
        %dma_wait3A_181 = tpu.memref_slice %arg8[%dma_wait3A_179, %dma_wait3A_180] : memref<256x64xf32, #tpu.memory_space<vmem>> -> memref<128x64xf32, #tpu.memory_space<vmem>>
        %dma_wait3A_182 = arith.constant 0 : i32
        %dma_wait3A_183 = tpu.memref_slice %arg6[%dma_wait3A_178, %dma_wait3A_182] : memref<4x128xi32, #tpu.memory_space<vmem>> -> memref<1x128xi32, #tpu.memory_space<vmem>>
        %dma_wait3A_184 = tpu.memref_squeeze %dma_wait3A_183 : memref<1x128xi32, #tpu.memory_space<vmem>> -> memref<128xi32, #tpu.memory_space<vmem>>
        %dma_wait3A_185 = arith.constant 0 : i32
        %dma_wait3A_186 = arith.constant 0 : i32
        %dma_wait3A_187 = tpu.memref_slice %arg10[%dma_wait3A_185, %dma_wait3A_186] : memref<20480x64xf32, #tpu.memory_space<vmem_shared>> -> memref<20480x64xf32, #tpu.memory_space<vmem_shared>>
        tpu.wait_indirect_dma semaphore(%arg14 : memref<!tpu.dma_semaphore, #tpu.memory_space<semaphore_mem>>) src(%dma_wait3A_181 : memref<128x64xf32, #tpu.memory_space<vmem>>) dst(%dma_wait3A_187 : memref<20480x64xf32, #tpu.memory_space<vmem_shared>>)
        %mul3A_188 = arith.constant 2 : i32
        %mul3A_189 = arith.muli %add3A_84, %mul3A_188 : i32
        %mul3A_190 = arith.constant 2 : i32
        %mul3A_191 = arith.muli %mul3A_189, %mul3A_190 : i32
        %add3A_192 = arith.addi %mul3A_8, %mul3A_191 : i32
        "tpu.region"() ({
          %run_scoped3A = tpu.sem_alloc : memref<!tpu.dma_semaphore, #tpu.memory_space<semaphore_mem>>
          %dma_start3A_213 = arith.constant 0 : i32
          %dma_start3A_214 = tpu.memref_slice %arg3[%add3A_192, %dma_start3A_213] : memref<10240x128xi32, #tpu.memory_space<hbm>> -> memref<4x128xi32, #tpu.memory_space<hbm>>
          %dma_start3A_215 = arith.constant 0 : i32
          %dma_start3A_216 = tpu.memref_slice %arg3[%add3A_192, %dma_start3A_215] : memref<10240x128xi32, #tpu.memory_space<hbm>> -> memref<4x128xi32, #tpu.memory_space<hbm>>
          tpu.enqueue_dma source(%dma_start3A_216 : memref<4x128xi32, #tpu.memory_space<hbm>>) target(%arg6 : memref<4x128xi32, #tpu.memory_space<vmem>>) target_semaphore(%run_scoped3A : memref<!tpu.dma_semaphore, #tpu.memory_space<semaphore_mem>>)
          %dma_wait3A_217 = arith.constant 0 : i32
          %dma_wait3A_218 = tpu.memref_slice %arg3[%add3A_192, %dma_wait3A_217] : memref<10240x128xi32, #tpu.memory_space<hbm>> -> memref<4x128xi32, #tpu.memory_space<hbm>>
          %dma_wait3A_219 = arith.constant 0 : i32
          %dma_wait3A_220 = tpu.memref_slice %arg3[%add3A_192, %dma_wait3A_219] : memref<10240x128xi32, #tpu.memory_space<hbm>> -> memref<4x128xi32, #tpu.memory_space<hbm>>
          tpu.wait_dma2 semaphore(%run_scoped3A : memref<!tpu.dma_semaphore, #tpu.memory_space<semaphore_mem>>) src(%dma_wait3A_220 : memref<4x128xi32, #tpu.memory_space<hbm>>) dst(%arg6 : memref<4x128xi32, #tpu.memory_space<vmem>>)
          tpu.yield
        }) : () -> ()
        %dma_start3A_193 = arith.constant 0 : i32
        %dma_start3A_194 = arith.constant 0 : i32
        %dma_start3A_195 = arith.constant 0 : i32
        %dma_start3A_196 = tpu.memref_slice %arg8[%dma_start3A_194, %dma_start3A_195] : memref<256x64xf32, #tpu.memory_space<vmem>> -> memref<128x64xf32, #tpu.memory_space<vmem>>
        %dma_start3A_197 = arith.constant 0 : i32
        %dma_start3A_198 = tpu.memref_slice %arg6[%dma_start3A_193, %dma_start3A_197] : memref<4x128xi32, #tpu.memory_space<vmem>> -> memref<1x128xi32, #tpu.memory_space<vmem>>
        %dma_start3A_199 = tpu.memref_squeeze %dma_start3A_198 : memref<1x128xi32, #tpu.memory_space<vmem>> -> memref<128xi32, #tpu.memory_space<vmem>>
        %dma_start3A_200 = arith.constant 0 : i32
        %dma_start3A_201 = arith.constant 0 : i32
        %dma_start3A_202 = tpu.memref_slice %arg2[%dma_start3A_200, %dma_start3A_201] : memref<20480x64xf32, #tpu.memory_space<hbm>> -> memref<20480x64xf32, #tpu.memory_space<hbm>>
        tpu.enqueue_indirect_dma source(%dma_start3A_202 : memref<20480x64xf32, #tpu.memory_space<hbm>>) target(%dma_start3A_196 : memref<128x64xf32, #tpu.memory_space<vmem>>) offsets(%dma_start3A_199 : memref<128xi32, #tpu.memory_space<vmem>>) semaphore(%arg11 : memref<!tpu.dma_semaphore, #tpu.memory_space<semaphore_mem>>)
        %dma_start3A_203 = arith.constant 1 : i32
        %dma_start3A_204 = arith.constant 128 : i32
        %dma_start3A_205 = arith.constant 0 : i32
        %dma_start3A_206 = tpu.memref_slice %arg8[%dma_start3A_204, %dma_start3A_205] : memref<256x64xf32, #tpu.memory_space<vmem>> -> memref<128x64xf32, #tpu.memory_space<vmem>>
        %dma_start3A_207 = arith.constant 0 : i32
        %dma_start3A_208 = tpu.memref_slice %arg6[%dma_start3A_203, %dma_start3A_207] : memref<4x128xi32, #tpu.memory_space<vmem>> -> memref<1x128xi32, #tpu.memory_space<vmem>>
        %dma_start3A_209 = tpu.memref_squeeze %dma_start3A_208 : memref<1x128xi32, #tpu.memory_space<vmem>> -> memref<128xi32, #tpu.memory_space<vmem>>
        %dma_start3A_210 = arith.constant 0 : i32
        %dma_start3A_211 = arith.constant 0 : i32
        %dma_start3A_212 = tpu.memref_slice %arg2[%dma_start3A_210, %dma_start3A_211] : memref<20480x64xf32, #tpu.memory_space<hbm>> -> memref<20480x64xf32, #tpu.memory_space<hbm>>
        tpu.enqueue_indirect_dma source(%dma_start3A_212 : memref<20480x64xf32, #tpu.memory_space<hbm>>) target(%dma_start3A_206 : memref<128x64xf32, #tpu.memory_space<vmem>>) offsets(%dma_start3A_209 : memref<128xi32, #tpu.memory_space<vmem>>) semaphore(%arg11 : memref<!tpu.dma_semaphore, #tpu.memory_space<semaphore_mem>>)
      } else {
      }
      %dma_start3A_148 = arith.constant 2 : i32
      %dma_start3A_149 = arith.constant 0 : i32
      %dma_start3A_150 = arith.constant 0 : i32
      %dma_start3A_151 = tpu.memref_slice %arg9[%dma_start3A_149, %dma_start3A_150] : memref<256x64xf32, #tpu.memory_space<vmem>> -> memref<128x64xf32, #tpu.memory_space<vmem>>
      %dma_start3A_152 = arith.constant 0 : i32
      %dma_start3A_153 = tpu.memref_slice %arg7[%dma_start3A_148, %dma_start3A_152] : memref<4x128xi32, #tpu.memory_space<vmem>> -> memref<1x128xi32, #tpu.memory_space<vmem>>
      %dma_start3A_154 = tpu.memref_squeeze %dma_start3A_153 : memref<1x128xi32, #tpu.memory_space<vmem>> -> memref<128xi32, #tpu.memory_space<vmem>>
      %dma_start3A_155 = arith.constant 0 : i32
      %dma_start3A_156 = arith.constant 0 : i32
      %dma_start3A_157 = tpu.memref_slice %arg10[%dma_start3A_155, %dma_start3A_156] : memref<20480x64xf32, #tpu.memory_space<vmem_shared>> -> memref<20480x64xf32, #tpu.memory_space<vmem_shared>>
      tpu.enqueue_indirect_dma source(%dma_start3A_151 : memref<128x64xf32, #tpu.memory_space<vmem>>) target(%dma_start3A_157 : memref<20480x64xf32, #tpu.memory_space<vmem_shared>>) offsets(%dma_start3A_154 : memref<128xi32, #tpu.memory_space<vmem>>) semaphore(%arg17 : memref<!tpu.dma_semaphore, #tpu.memory_space<semaphore_mem>>) {add = true}
      %dma_start3A_158 = arith.constant 3 : i32
      %dma_start3A_159 = arith.constant 128 : i32
      %dma_start3A_160 = arith.constant 0 : i32
      %dma_start3A_161 = tpu.memref_slice %arg9[%dma_start3A_159, %dma_start3A_160] : memref<256x64xf32, #tpu.memory_space<vmem>> -> memref<128x64xf32, #tpu.memory_space<vmem>>
      %dma_start3A_162 = arith.constant 0 : i32
      %dma_start3A_163 = tpu.memref_slice %arg7[%dma_start3A_158, %dma_start3A_162] : memref<4x128xi32, #tpu.memory_space<vmem>> -> memref<1x128xi32, #tpu.memory_space<vmem>>
      %dma_start3A_164 = tpu.memref_squeeze %dma_start3A_163 : memref<1x128xi32, #tpu.memory_space<vmem>> -> memref<128xi32, #tpu.memory_space<vmem>>
      %dma_start3A_165 = arith.constant 0 : i32
      %dma_start3A_166 = arith.constant 0 : i32
      %dma_start3A_167 = tpu.memref_slice %arg10[%dma_start3A_165, %dma_start3A_166] : memref<20480x64xf32, #tpu.memory_space<vmem_shared>> -> memref<20480x64xf32, #tpu.memory_space<vmem_shared>>
      tpu.enqueue_indirect_dma source(%dma_start3A_161 : memref<128x64xf32, #tpu.memory_space<vmem>>) target(%dma_start3A_167 : memref<20480x64xf32, #tpu.memory_space<vmem_shared>>) offsets(%dma_start3A_164 : memref<128xi32, #tpu.memory_space<vmem>>) semaphore(%arg18 : memref<!tpu.dma_semaphore, #tpu.memory_space<semaphore_mem>>) {add = true}
    }
    %scan3A_31 = arith.constant 40 : i32
    %dma_wait3A = arith.constant 2 : i32
    %dma_wait3A_32 = arith.constant 0 : i32
    %dma_wait3A_33 = arith.constant 0 : i32
    %dma_wait3A_34 = tpu.memref_slice %arg8[%dma_wait3A_32, %dma_wait3A_33] : memref<256x64xf32, #tpu.memory_space<vmem>> -> memref<128x64xf32, #tpu.memory_space<vmem>>
    %dma_wait3A_35 = arith.constant 0 : i32
    %dma_wait3A_36 = tpu.memref_slice %arg6[%dma_wait3A, %dma_wait3A_35] : memref<4x128xi32, #tpu.memory_space<vmem>> -> memref<1x128xi32, #tpu.memory_space<vmem>>
    %dma_wait3A_37 = tpu.memref_squeeze %dma_wait3A_36 : memref<1x128xi32, #tpu.memory_space<vmem>> -> memref<128xi32, #tpu.memory_space<vmem>>
    %dma_wait3A_38 = arith.constant 0 : i32
    %dma_wait3A_39 = arith.constant 0 : i32
    %dma_wait3A_40 = tpu.memref_slice %arg10[%dma_wait3A_38, %dma_wait3A_39] : memref<20480x64xf32, #tpu.memory_space<vmem_shared>> -> memref<20480x64xf32, #tpu.memory_space<vmem_shared>>
    tpu.wait_indirect_dma semaphore(%arg13 : memref<!tpu.dma_semaphore, #tpu.memory_space<semaphore_mem>>) src(%dma_wait3A_34 : memref<128x64xf32, #tpu.memory_space<vmem>>) dst(%dma_wait3A_40 : memref<20480x64xf32, #tpu.memory_space<vmem_shared>>)
    %dma_wait3A_41 = arith.constant 3 : i32
    %dma_wait3A_42 = arith.constant 128 : i32
    %dma_wait3A_43 = arith.constant 0 : i32
    %dma_wait3A_44 = tpu.memref_slice %arg8[%dma_wait3A_42, %dma_wait3A_43] : memref<256x64xf32, #tpu.memory_space<vmem>> -> memref<128x64xf32, #tpu.memory_space<vmem>>
    %dma_wait3A_45 = arith.constant 0 : i32
    %dma_wait3A_46 = tpu.memref_slice %arg6[%dma_wait3A_41, %dma_wait3A_45] : memref<4x128xi32, #tpu.memory_space<vmem>> -> memref<1x128xi32, #tpu.memory_space<vmem>>
    %dma_wait3A_47 = tpu.memref_squeeze %dma_wait3A_46 : memref<1x128xi32, #tpu.memory_space<vmem>> -> memref<128xi32, #tpu.memory_space<vmem>>
    %dma_wait3A_48 = arith.constant 0 : i32
    %dma_wait3A_49 = arith.constant 0 : i32
    %dma_wait3A_50 = tpu.memref_slice %arg10[%dma_wait3A_48, %dma_wait3A_49] : memref<20480x64xf32, #tpu.memory_space<vmem_shared>> -> memref<20480x64xf32, #tpu.memory_space<vmem_shared>>
    tpu.wait_indirect_dma semaphore(%arg14 : memref<!tpu.dma_semaphore, #tpu.memory_space<semaphore_mem>>) src(%dma_wait3A_44 : memref<128x64xf32, #tpu.memory_space<vmem>>) dst(%dma_wait3A_50 : memref<20480x64xf32, #tpu.memory_space<vmem_shared>>)
    %dma_wait3A_51 = arith.constant 2 : i32
    %dma_wait3A_52 = arith.constant 0 : i32
    %dma_wait3A_53 = arith.constant 0 : i32
    %dma_wait3A_54 = tpu.memref_slice %arg9[%dma_wait3A_52, %dma_wait3A_53] : memref<256x64xf32, #tpu.memory_space<vmem>> -> memref<128x64xf32, #tpu.memory_space<vmem>>
    %dma_wait3A_55 = arith.constant 0 : i32
    %dma_wait3A_56 = tpu.memref_slice %arg7[%dma_wait3A_51, %dma_wait3A_55] : memref<4x128xi32, #tpu.memory_space<vmem>> -> memref<1x128xi32, #tpu.memory_space<vmem>>
    %dma_wait3A_57 = tpu.memref_squeeze %dma_wait3A_56 : memref<1x128xi32, #tpu.memory_space<vmem>> -> memref<128xi32, #tpu.memory_space<vmem>>
    %dma_wait3A_58 = arith.constant 0 : i32
    %dma_wait3A_59 = arith.constant 0 : i32
    %dma_wait3A_60 = tpu.memref_slice %arg10[%dma_wait3A_58, %dma_wait3A_59] : memref<20480x64xf32, #tpu.memory_space<vmem_shared>> -> memref<20480x64xf32, #tpu.memory_space<vmem_shared>>
    tpu.wait_indirect_dma semaphore(%arg17 : memref<!tpu.dma_semaphore, #tpu.memory_space<semaphore_mem>>) src(%dma_wait3A_54 : memref<128x64xf32, #tpu.memory_space<vmem>>) dst(%dma_wait3A_60 : memref<20480x64xf32, #tpu.memory_space<vmem_shared>>)
    %dma_wait3A_61 = arith.constant 3 : i32
    %dma_wait3A_62 = arith.constant 128 : i32
    %dma_wait3A_63 = arith.constant 0 : i32
    %dma_wait3A_64 = tpu.memref_slice %arg9[%dma_wait3A_62, %dma_wait3A_63] : memref<256x64xf32, #tpu.memory_space<vmem>> -> memref<128x64xf32, #tpu.memory_space<vmem>>
    %dma_wait3A_65 = arith.constant 0 : i32
    %dma_wait3A_66 = tpu.memref_slice %arg7[%dma_wait3A_61, %dma_wait3A_65] : memref<4x128xi32, #tpu.memory_space<vmem>> -> memref<1x128xi32, #tpu.memory_space<vmem>>
    %dma_wait3A_67 = tpu.memref_squeeze %dma_wait3A_66 : memref<1x128xi32, #tpu.memory_space<vmem>> -> memref<128xi32, #tpu.memory_space<vmem>>
    %dma_wait3A_68 = arith.constant 0 : i32
    %dma_wait3A_69 = arith.constant 0 : i32
    %dma_wait3A_70 = tpu.memref_slice %arg10[%dma_wait3A_68, %dma_wait3A_69] : memref<20480x64xf32, #tpu.memory_space<vmem_shared>> -> memref<20480x64xf32, #tpu.memory_space<vmem_shared>>
    tpu.wait_indirect_dma semaphore(%arg18 : memref<!tpu.dma_semaphore, #tpu.memory_space<semaphore_mem>>) src(%dma_wait3A_64 : memref<128x64xf32, #tpu.memory_space<vmem>>) dst(%dma_wait3A_70 : memref<20480x64xf32, #tpu.memory_space<vmem_shared>>)
    %barrier3A_71 = arith.constant 0 : index
    tpu.barrier barrier_id(%barrier3A_71)
    "tpu.region"() ({
      %run_scoped3A = tpu.sem_alloc : memref<!tpu.dma_semaphore, #tpu.memory_space<semaphore_mem>>
      %dma_start3A_72 = arith.constant 0 : i32
      %dma_start3A_73 = arith.constant 0 : i32
      %dma_start3A_74 = tpu.memref_slice %arg5[%arg0, %dma_start3A_72, %dma_start3A_73] : memref<2x20480x64xf32, #tpu.memory_space<hbm>> -> memref<1x20480x64xf32, #tpu.memory_space<hbm>>
      %dma_start3A_75 = tpu.memref_squeeze %dma_start3A_74 : memref<1x20480x64xf32, #tpu.memory_space<hbm>> -> memref<20480x64xf32, #tpu.memory_space<hbm>>
      %dma_start3A_76 = arith.constant 0 : i32
      %dma_start3A_77 = tpu.memref_slice %dma_start3A_75[%mul3A_2, %dma_start3A_76] : memref<20480x64xf32, #tpu.memory_space<hbm>> -> memref<1280x64xf32, #tpu.memory_space<hbm>>
      %dma_start3A_78 = arith.constant 0 : i32
      %dma_start3A_79 = tpu.memref_slice %arg10[%mul3A_2, %dma_start3A_78] : memref<20480x64xf32, #tpu.memory_space<vmem_shared>> -> memref<1280x64xf32, #tpu.memory_space<vmem_shared>>
      tpu.enqueue_dma source(%dma_start3A_79 : memref<1280x64xf32, #tpu.memory_space<vmem_shared>>) target(%dma_start3A_77 : memref<1280x64xf32, #tpu.memory_space<hbm>>) target_semaphore(%run_scoped3A : memref<!tpu.dma_semaphore, #tpu.memory_space<semaphore_mem>>)
      %dma_wait3A_80 = arith.constant 0 : i32
      %dma_wait3A_81 = arith.constant 0 : i32
      %dma_wait3A_82 = tpu.memref_slice %arg5[%arg0, %dma_wait3A_80, %dma_wait3A_81] : memref<2x20480x64xf32, #tpu.memory_space<hbm>> -> memref<1x20480x64xf32, #tpu.memory_space<hbm>>
      %dma_wait3A_83 = tpu.memref_squeeze %dma_wait3A_82 : memref<1x20480x64xf32, #tpu.memory_space<hbm>> -> memref<20480x64xf32, #tpu.memory_space<hbm>>
      %dma_wait3A_84 = arith.constant 0 : i32
      %dma_wait3A_85 = tpu.memref_slice %dma_wait3A_83[%mul3A_2, %dma_wait3A_84] : memref<20480x64xf32, #tpu.memory_space<hbm>> -> memref<1280x64xf32, #tpu.memory_space<hbm>>
      %dma_wait3A_86 = arith.constant 0 : i32
      %dma_wait3A_87 = tpu.memref_slice %arg10[%mul3A_2, %dma_wait3A_86] : memref<20480x64xf32, #tpu.memory_space<vmem_shared>> -> memref<1280x64xf32, #tpu.memory_space<vmem_shared>>
      tpu.wait_dma2 semaphore(%run_scoped3A : memref<!tpu.dma_semaphore, #tpu.memory_space<semaphore_mem>>) src(%dma_wait3A_87 : memref<1280x64xf32, #tpu.memory_space<vmem_shared>>) dst(%dma_wait3A_85 : memref<1280x64xf32, #tpu.memory_space<hbm>>)
      tpu.yield
    }) : () -> ()
    return
  }
}

#map = affine_map<(d0, d1) -> (0, 0)>
#map1 = affine_map<(d0, d1) -> (0, 0, 0)>
module attributes {stable_mosaic.version = 14 : i64} {
  func.func @segsum(%arg0: i32, %arg1: i32, %arg2: memref<20480x64xf32, #tpu.memory_space<hbm>>, %arg3: memref<10240x128xi32, #tpu.memory_space<hbm>>, %arg4: memref<1280x64xf32, #tpu.memory_space<hbm>>, %arg5: memref<2x20480x64xf32, #tpu.memory_space<hbm>>, %arg6: memref<4x128xi32, #tpu.memory_space<vmem>>, %arg7: memref<4x128xi32, #tpu.memory_space<vmem>>, %arg8: memref<256x64xf32, #tpu.memory_space<vmem>>, %arg9: memref<256x64xf32, #tpu.memory_space<vmem>>, %arg10: memref<20480x64xf32, #tpu.memory_space<vmem_shared>>, %arg11: memref<!tpu.dma_semaphore, #tpu.memory_space<semaphore_mem>>, %arg12: memref<!tpu.dma_semaphore, #tpu.memory_space<semaphore_mem>>, %arg13: memref<!tpu.dma_semaphore, #tpu.memory_space<semaphore_mem>>, %arg14: memref<!tpu.dma_semaphore, #tpu.memory_space<semaphore_mem>>, %arg15: memref<!tpu.dma_semaphore, #tpu.memory_space<semaphore_mem>>, %arg16: memref<!tpu.dma_semaphore, #tpu.memory_space<semaphore_mem>>, %arg17: memref<!tpu.dma_semaphore, #tpu.memory_space<semaphore_mem>>, %arg18: memref<!tpu.dma_semaphore, #tpu.memory_space<semaphore_mem>>, %arg19: memref<!tpu.dma_semaphore, #tpu.memory_space<semaphore_mem>>, %arg20: memref<!tpu.dma_semaphore, #tpu.memory_space<semaphore_mem>>) attributes {dimension_semantics = [#tpu.dimension_semantics<core_parallel>, #tpu.dimension_semantics<subcore_parallel>], iteration_bounds = array<i64: 2, 16>, scalar_prefetch = 0 : i64, scratch_operands = 15 : i64, tpu.core_type = #tpu.core_type<sc_vector_subcore>, window_params = [{transform_indices = #map}, {transform_indices = #map}, {transform_indices = #map}, {transform_indices = #map1}]} {
    %mul3A = arith.constant 16 : i32
    %mul3A_0 = arith.muli %arg0, %mul3A : i32
    %add3A = arith.addi %mul3A_0, %arg1 : i32
    %mul3A_1 = arith.constant 1280 : i32
    %mul3A_2 = arith.muli %arg1, %mul3A_1 : i32
    %mul3A_3 = arith.constant 80 : i32
    %mul3A_4 = arith.muli %add3A, %mul3A_3 : i32
    %mul3A_5 = arith.constant 2 : i32
    %mul3A_6 = arith.muli %mul3A_4, %mul3A_5 : i32
    %mul3A_7 = arith.constant 2 : i32
    %mul3A_8 = arith.muli %mul3A_6, %mul3A_7 : i32
    "tpu.region"() ({
      %run_scoped3A = tpu.sem_alloc : memref<!tpu.dma_semaphore, #tpu.memory_space<semaphore_mem>>
      %dma_start3A_72 = arith.constant 0 : i32
      %dma_start3A_73 = tpu.memref_slice %arg3[%mul3A_8, %dma_start3A_72] : memref<10240x128xi32, #tpu.memory_space<hbm>> -> memref<4x128xi32, #tpu.memory_space<hbm>>
      %dma_start3A_74 = arith.constant 0 : i32
      %dma_start3A_75 = tpu.memref_slice %arg3[%mul3A_8, %dma_start3A_74] : memref<10240x128xi32, #tpu.memory_space<hbm>> -> memref<4x128xi32, #tpu.memory_space<hbm>>
      tpu.enqueue_dma source(%dma_start3A_75 : memref<4x128xi32, #tpu.memory_space<hbm>>) target(%arg6 : memref<4x128xi32, #tpu.memory_space<vmem>>) target_semaphore(%run_scoped3A : memref<!tpu.dma_semaphore, #tpu.memory_space<semaphore_mem>>)
      %dma_wait3A_76 = arith.constant 0 : i32
      %dma_wait3A_77 = tpu.memref_slice %arg3[%mul3A_8, %dma_wait3A_76] : memref<10240x128xi32, #tpu.memory_space<hbm>> -> memref<4x128xi32, #tpu.memory_space<hbm>>
      %dma_wait3A_78 = arith.constant 0 : i32
      %dma_wait3A_79 = tpu.memref_slice %arg3[%mul3A_8, %dma_wait3A_78] : memref<10240x128xi32, #tpu.memory_space<hbm>> -> memref<4x128xi32, #tpu.memory_space<hbm>>
      tpu.wait_dma2 semaphore(%run_scoped3A : memref<!tpu.dma_semaphore, #tpu.memory_space<semaphore_mem>>) src(%dma_wait3A_79 : memref<4x128xi32, #tpu.memory_space<hbm>>) dst(%arg6 : memref<4x128xi32, #tpu.memory_space<vmem>>)
      tpu.yield
    }) : () -> ()
    %dma_start3A = arith.constant 0 : i32
    %dma_start3A_9 = arith.constant 0 : i32
    %dma_start3A_10 = arith.constant 0 : i32
    %dma_start3A_11 = tpu.memref_slice %arg8[%dma_start3A_9, %dma_start3A_10] : memref<256x64xf32, #tpu.memory_space<vmem>> -> memref<128x64xf32, #tpu.memory_space<vmem>>
    %dma_start3A_12 = arith.constant 0 : i32
    %dma_start3A_13 = tpu.memref_slice %arg6[%dma_start3A, %dma_start3A_12] : memref<4x128xi32, #tpu.memory_space<vmem>> -> memref<1x128xi32, #tpu.memory_space<vmem>>
    %dma_start3A_14 = tpu.memref_squeeze %dma_start3A_13 : memref<1x128xi32, #tpu.memory_space<vmem>> -> memref<128xi32, #tpu.memory_space<vmem>>
    %dma_start3A_15 = arith.constant 0 : i32
    %dma_start3A_16 = arith.constant 0 : i32
    %dma_start3A_17 = tpu.memref_slice %arg2[%dma_start3A_15, %dma_start3A_16] : memref<20480x64xf32, #tpu.memory_space<hbm>> -> memref<20480x64xf32, #tpu.memory_space<hbm>>
    tpu.enqueue_indirect_dma source(%dma_start3A_17 : memref<20480x64xf32, #tpu.memory_space<hbm>>) target(%dma_start3A_11 : memref<128x64xf32, #tpu.memory_space<vmem>>) offsets(%dma_start3A_14 : memref<128xi32, #tpu.memory_space<vmem>>) semaphore(%arg11 : memref<!tpu.dma_semaphore, #tpu.memory_space<semaphore_mem>>)
    %dma_start3A_18 = arith.constant 1 : i32
    %dma_start3A_19 = arith.constant 128 : i32
    %dma_start3A_20 = arith.constant 0 : i32
    %dma_start3A_21 = tpu.memref_slice %arg8[%dma_start3A_19, %dma_start3A_20] : memref<256x64xf32, #tpu.memory_space<vmem>> -> memref<128x64xf32, #tpu.memory_space<vmem>>
    %dma_start3A_22 = arith.constant 0 : i32
    %dma_start3A_23 = tpu.memref_slice %arg6[%dma_start3A_18, %dma_start3A_22] : memref<4x128xi32, #tpu.memory_space<vmem>> -> memref<1x128xi32, #tpu.memory_space<vmem>>
    %dma_start3A_24 = tpu.memref_squeeze %dma_start3A_23 : memref<1x128xi32, #tpu.memory_space<vmem>> -> memref<128xi32, #tpu.memory_space<vmem>>
    %dma_start3A_25 = arith.constant 0 : i32
    %dma_start3A_26 = arith.constant 0 : i32
    %dma_start3A_27 = tpu.memref_slice %arg2[%dma_start3A_25, %dma_start3A_26] : memref<20480x64xf32, #tpu.memory_space<hbm>> -> memref<20480x64xf32, #tpu.memory_space<hbm>>
    tpu.enqueue_indirect_dma source(%dma_start3A_27 : memref<20480x64xf32, #tpu.memory_space<hbm>>) target(%dma_start3A_21 : memref<128x64xf32, #tpu.memory_space<vmem>>) offsets(%dma_start3A_24 : memref<128xi32, #tpu.memory_space<vmem>>) semaphore(%arg11 : memref<!tpu.dma_semaphore, #tpu.memory_space<semaphore_mem>>)
    "tpu.region"() ({
      %run_scoped3A = tpu.sem_alloc : memref<!tpu.dma_semaphore, #tpu.memory_space<semaphore_mem>>
      %dma_start3A_72 = arith.constant 0 : i32
      %dma_start3A_73 = tpu.memref_slice %arg10[%mul3A_2, %dma_start3A_72] : memref<20480x64xf32, #tpu.memory_space<vmem_shared>> -> memref<1280x64xf32, #tpu.memory_space<vmem_shared>>
      tpu.enqueue_dma source(%arg4 : memref<1280x64xf32, #tpu.memory_space<hbm>>) target(%dma_start3A_73 : memref<1280x64xf32, #tpu.memory_space<vmem_shared>>) target_semaphore(%run_scoped3A : memref<!tpu.dma_semaphore, #tpu.memory_space<semaphore_mem>>)
      %dma_wait3A_74 = arith.constant 0 : i32
      %dma_wait3A_75 = tpu.memref_slice %arg10[%mul3A_2, %dma_wait3A_74] : memref<20480x64xf32, #tpu.memory_space<vmem_shared>> -> memref<1280x64xf32, #tpu.memory_space<vmem_shared>>
      tpu.wait_dma2 semaphore(%run_scoped3A : memref<!tpu.dma_semaphore, #tpu.memory_space<semaphore_mem>>) src(%arg4 : memref<1280x64xf32, #tpu.memory_space<hbm>>) dst(%dma_wait3A_75 : memref<1280x64xf32, #tpu.memory_space<vmem_shared>>)
      tpu.yield
    }) : () -> ()
    %barrier3A = arith.constant 0 : index
    tpu.barrier barrier_id(%barrier3A)
    %scan3A = arith.constant 0 : i32
    %scan3A_28 = arith.constant 40 : i32
    %scan3A_29 = arith.addi %scan3A, %scan3A_28 : i32
    %scan3A_30 = arith.constant 1 : i32
    scf.for %scan3A_72 = %scan3A to %scan3A_29 step %scan3A_30  : i32 {
      %mul3A_73 = arith.constant 1 : i32
      %mul3A_74 = arith.muli %scan3A_72, %mul3A_73 : i32
      %add3A_75 = arith.constant 0 : i32
      %add3A_76 = arith.addi %add3A_75, %mul3A_74 : i32
      %mul3A_77 = arith.constant 2 : i32
      %mul3A_78 = arith.muli %mul3A_77, %add3A_76 : i32
      %add3A_79 = arith.constant 1 : i32
      %add3A_80 = arith.addi %mul3A_78, %add3A_79 : i32
      %mul3A_81 = arith.constant 2 : i32
      %mul3A_82 = arith.muli %mul3A_81, %add3A_76 : i32
      %add3A_83 = arith.constant 2 : i32
      %add3A_84 = arith.addi %mul3A_82, %add3A_83 : i32
      %dma_wait3A_85 = arith.constant 0 : i32
      %dma_wait3A_86 = arith.constant 0 : i32
      %dma_wait3A_87 = tpu.memref_slice %arg2[%dma_wait3A_85, %dma_wait3A_86] : memref<20480x64xf32, #tpu.memory_space<hbm>> -> memref<256x64xf32, #tpu.memory_space<hbm>>
      %dma_wait3A_88 = arith.constant 0 : i32
      %dma_wait3A_89 = arith.constant 0 : i32
      %dma_wait3A_90 = tpu.memref_slice %arg2[%dma_wait3A_88, %dma_wait3A_89] : memref<20480x64xf32, #tpu.memory_space<hbm>> -> memref<256x64xf32, #tpu.memory_space<hbm>>
      tpu.wait_dma2 semaphore(%arg11 : memref<!tpu.dma_semaphore, #tpu.memory_space<semaphore_mem>>) src(%dma_wait3A_90 : memref<256x64xf32, #tpu.memory_space<hbm>>) dst(%arg8 : memref<256x64xf32, #tpu.memory_space<vmem>>)
      %gt3A = arith.constant 0 : i32
      %gt3A_91 = arith.cmpi sgt, %add3A_76, %gt3A : i32
      %convert_element_type3A = arith.extui %gt3A_91 : i1 to i32
      %cond3A = arith.constant 0 : i32
      %cond3A_92 = arith.cmpi ne, %convert_element_type3A, %cond3A : i32
      scf.if %cond3A_92 {
        %dma_wait3A_168 = arith.constant 2 : i32
        %dma_wait3A_169 = arith.constant 0 : i32
        %dma_wait3A_170 = arith.constant 0 : i32
        %dma_wait3A_171 = tpu.memref_slice %arg9[%dma_wait3A_169, %dma_wait3A_170] : memref<256x64xf32, #tpu.memory_space<vmem>> -> memref<128x64xf32, #tpu.memory_space<vmem>>
        %dma_wait3A_172 = arith.constant 0 : i32
        %dma_wait3A_173 = tpu.memref_slice %arg7[%dma_wait3A_168, %dma_wait3A_172] : memref<4x128xi32, #tpu.memory_space<vmem>> -> memref<1x128xi32, #tpu.memory_space<vmem>>
        %dma_wait3A_174 = tpu.memref_squeeze %dma_wait3A_173 : memref<1x128xi32, #tpu.memory_space<vmem>> -> memref<128xi32, #tpu.memory_space<vmem>>
        %dma_wait3A_175 = arith.constant 0 : i32
        %dma_wait3A_176 = arith.constant 0 : i32
        %dma_wait3A_177 = tpu.memref_slice %arg10[%dma_wait3A_175, %dma_wait3A_176] : memref<20480x64xf32, #tpu.memory_space<vmem_shared>> -> memref<20480x64xf32, #tpu.memory_space<vmem_shared>>
        tpu.wait_indirect_dma semaphore(%arg17 : memref<!tpu.dma_semaphore, #tpu.memory_space<semaphore_mem>>) src(%dma_wait3A_171 : memref<128x64xf32, #tpu.memory_space<vmem>>) dst(%dma_wait3A_177 : memref<20480x64xf32, #tpu.memory_space<vmem_shared>>)
        %dma_wait3A_178 = arith.constant 3 : i32
        %dma_wait3A_179 = arith.constant 128 : i32
        %dma_wait3A_180 = arith.constant 0 : i32
        %dma_wait3A_181 = tpu.memref_slice %arg9[%dma_wait3A_179, %dma_wait3A_180] : memref<256x64xf32, #tpu.memory_space<vmem>> -> memref<128x64xf32, #tpu.memory_space<vmem>>
        %dma_wait3A_182 = arith.constant 0 : i32
        %dma_wait3A_183 = tpu.memref_slice %arg7[%dma_wait3A_178, %dma_wait3A_182] : memref<4x128xi32, #tpu.memory_space<vmem>> -> memref<1x128xi32, #tpu.memory_space<vmem>>
        %dma_wait3A_184 = tpu.memref_squeeze %dma_wait3A_183 : memref<1x128xi32, #tpu.memory_space<vmem>> -> memref<128xi32, #tpu.memory_space<vmem>>
        %dma_wait3A_185 = arith.constant 0 : i32
        %dma_wait3A_186 = arith.constant 0 : i32
        %dma_wait3A_187 = tpu.memref_slice %arg10[%dma_wait3A_185, %dma_wait3A_186] : memref<20480x64xf32, #tpu.memory_space<vmem_shared>> -> memref<20480x64xf32, #tpu.memory_space<vmem_shared>>
        tpu.wait_indirect_dma semaphore(%arg18 : memref<!tpu.dma_semaphore, #tpu.memory_space<semaphore_mem>>) src(%dma_wait3A_181 : memref<128x64xf32, #tpu.memory_space<vmem>>) dst(%dma_wait3A_187 : memref<20480x64xf32, #tpu.memory_space<vmem_shared>>)
      } else {
      }
      %mul3A_93 = arith.constant 2 : i32
      %mul3A_94 = arith.muli %add3A_80, %mul3A_93 : i32
      %mul3A_95 = arith.constant 2 : i32
      %mul3A_96 = arith.muli %mul3A_94, %mul3A_95 : i32
      %add3A_97 = arith.addi %mul3A_8, %mul3A_96 : i32
      "tpu.region"() ({
        %run_scoped3A = tpu.sem_alloc : memref<!tpu.dma_semaphore, #tpu.memory_space<semaphore_mem>>
        %dma_start3A_168 = arith.constant 0 : i32
        %dma_start3A_169 = tpu.memref_slice %arg3[%add3A_97, %dma_start3A_168] : memref<10240x128xi32, #tpu.memory_space<hbm>> -> memref<4x128xi32, #tpu.memory_space<hbm>>
        %dma_start3A_170 = arith.constant 0 : i32
        %dma_start3A_171 = tpu.memref_slice %arg3[%add3A_97, %dma_start3A_170] : memref<10240x128xi32, #tpu.memory_space<hbm>> -> memref<4x128xi32, #tpu.memory_space<hbm>>
        tpu.enqueue_dma source(%dma_start3A_171 : memref<4x128xi32, #tpu.memory_space<hbm>>) target(%arg7 : memref<4x128xi32, #tpu.memory_space<vmem>>) target_semaphore(%run_scoped3A : memref<!tpu.dma_semaphore, #tpu.memory_space<semaphore_mem>>)
        %dma_wait3A_172 = arith.constant 0 : i32
        %dma_wait3A_173 = tpu.memref_slice %arg3[%add3A_97, %dma_wait3A_172] : memref<10240x128xi32, #tpu.memory_space<hbm>> -> memref<4x128xi32, #tpu.memory_space<hbm>>
        %dma_wait3A_174 = arith.constant 0 : i32
        %dma_wait3A_175 = tpu.memref_slice %arg3[%add3A_97, %dma_wait3A_174] : memref<10240x128xi32, #tpu.memory_space<hbm>> -> memref<4x128xi32, #tpu.memory_space<hbm>>
        tpu.wait_dma2 semaphore(%run_scoped3A : memref<!tpu.dma_semaphore, #tpu.memory_space<semaphore_mem>>) src(%dma_wait3A_175 : memref<4x128xi32, #tpu.memory_space<hbm>>) dst(%arg7 : memref<4x128xi32, #tpu.memory_space<vmem>>)
        tpu.yield
      }) : () -> ()
      %dma_start3A_98 = arith.constant 0 : i32
      %dma_start3A_99 = arith.constant 0 : i32
      %dma_start3A_100 = arith.constant 0 : i32
      %dma_start3A_101 = tpu.memref_slice %arg9[%dma_start3A_99, %dma_start3A_100] : memref<256x64xf32, #tpu.memory_space<vmem>> -> memref<128x64xf32, #tpu.memory_space<vmem>>
      %dma_start3A_102 = arith.constant 0 : i32
      %dma_start3A_103 = tpu.memref_slice %arg7[%dma_start3A_98, %dma_start3A_102] : memref<4x128xi32, #tpu.memory_space<vmem>> -> memref<1x128xi32, #tpu.memory_space<vmem>>
      %dma_start3A_104 = tpu.memref_squeeze %dma_start3A_103 : memref<1x128xi32, #tpu.memory_space<vmem>> -> memref<128xi32, #tpu.memory_space<vmem>>
      %dma_start3A_105 = arith.constant 0 : i32
      %dma_start3A_106 = arith.constant 0 : i32
      %dma_start3A_107 = tpu.memref_slice %arg2[%dma_start3A_105, %dma_start3A_106] : memref<20480x64xf32, #tpu.memory_space<hbm>> -> memref<20480x64xf32, #tpu.memory_space<hbm>>
      tpu.enqueue_indirect_dma source(%dma_start3A_107 : memref<20480x64xf32, #tpu.memory_space<hbm>>) target(%dma_start3A_101 : memref<128x64xf32, #tpu.memory_space<vmem>>) offsets(%dma_start3A_104 : memref<128xi32, #tpu.memory_space<vmem>>) semaphore(%arg12 : memref<!tpu.dma_semaphore, #tpu.memory_space<semaphore_mem>>)
      %dma_start3A_108 = arith.constant 1 : i32
      %dma_start3A_109 = arith.constant 128 : i32
      %dma_start3A_110 = arith.constant 0 : i32
      %dma_start3A_111 = tpu.memref_slice %arg9[%dma_start3A_109, %dma_start3A_110] : memref<256x64xf32, #tpu.memory_space<vmem>> -> memref<128x64xf32, #tpu.memory_space<vmem>>
      %dma_start3A_112 = arith.constant 0 : i32
      %dma_start3A_113 = tpu.memref_slice %arg7[%dma_start3A_108, %dma_start3A_112] : memref<4x128xi32, #tpu.memory_space<vmem>> -> memref<1x128xi32, #tpu.memory_space<vmem>>
      %dma_start3A_114 = tpu.memref_squeeze %dma_start3A_113 : memref<1x128xi32, #tpu.memory_space<vmem>> -> memref<128xi32, #tpu.memory_space<vmem>>
      %dma_start3A_115 = arith.constant 0 : i32
      %dma_start3A_116 = arith.constant 0 : i32
      %dma_start3A_117 = tpu.memref_slice %arg2[%dma_start3A_115, %dma_start3A_116] : memref<20480x64xf32, #tpu.memory_space<hbm>> -> memref<20480x64xf32, #tpu.memory_space<hbm>>
      tpu.enqueue_indirect_dma source(%dma_start3A_117 : memref<20480x64xf32, #tpu.memory_space<hbm>>) target(%dma_start3A_111 : memref<128x64xf32, #tpu.memory_space<vmem>>) offsets(%dma_start3A_114 : memref<128xi32, #tpu.memory_space<vmem>>) semaphore(%arg12 : memref<!tpu.dma_semaphore, #tpu.memory_space<semaphore_mem>>)
      %dma_start3A_118 = arith.constant 2 : i32
      %dma_start3A_119 = arith.constant 0 : i32
      %dma_start3A_120 = arith.constant 0 : i32
      %dma_start3A_121 = tpu.memref_slice %arg8[%dma_start3A_119, %dma_start3A_120] : memref<256x64xf32, #tpu.memory_space<vmem>> -> memref<128x64xf32, #tpu.memory_space<vmem>>
      %dma_start3A_122 = arith.constant 0 : i32
      %dma_start3A_123 = tpu.memref_slice %arg6[%dma_start3A_118, %dma_start3A_122] : memref<4x128xi32, #tpu.memory_space<vmem>> -> memref<1x128xi32, #tpu.memory_space<vmem>>
      %dma_start3A_124 = tpu.memref_squeeze %dma_start3A_123 : memref<1x128xi32, #tpu.memory_space<vmem>> -> memref<128xi32, #tpu.memory_space<vmem>>
      %dma_start3A_125 = arith.constant 0 : i32
      %dma_start3A_126 = arith.constant 0 : i32
      %dma_start3A_127 = tpu.memref_slice %arg10[%dma_start3A_125, %dma_start3A_126] : memref<20480x64xf32, #tpu.memory_space<vmem_shared>> -> memref<20480x64xf32, #tpu.memory_space<vmem_shared>>
      tpu.enqueue_indirect_dma source(%dma_start3A_121 : memref<128x64xf32, #tpu.memory_space<vmem>>) target(%dma_start3A_127 : memref<20480x64xf32, #tpu.memory_space<vmem_shared>>) offsets(%dma_start3A_124 : memref<128xi32, #tpu.memory_space<vmem>>) semaphore(%arg13 : memref<!tpu.dma_semaphore, #tpu.memory_space<semaphore_mem>>) {add = true}
      %dma_start3A_128 = arith.constant 3 : i32
      %dma_start3A_129 = arith.constant 128 : i32
      %dma_start3A_130 = arith.constant 0 : i32
      %dma_start3A_131 = tpu.memref_slice %arg8[%dma_start3A_129, %dma_start3A_130] : memref<256x64xf32, #tpu.memory_space<vmem>> -> memref<128x64xf32, #tpu.memory_space<vmem>>
      %dma_start3A_132 = arith.constant 0 : i32
      %dma_start3A_133 = tpu.memref_slice %arg6[%dma_start3A_128, %dma_start3A_132] : memref<4x128xi32, #tpu.memory_space<vmem>> -> memref<1x128xi32, #tpu.memory_space<vmem>>
      %dma_start3A_134 = tpu.memref_squeeze %dma_start3A_133 : memref<1x128xi32, #tpu.memory_space<vmem>> -> memref<128xi32, #tpu.memory_space<vmem>>
      %dma_start3A_135 = arith.constant 0 : i32
      %dma_start3A_136 = arith.constant 0 : i32
      %dma_start3A_137 = tpu.memref_slice %arg10[%dma_start3A_135, %dma_start3A_136] : memref<20480x64xf32, #tpu.memory_space<vmem_shared>> -> memref<20480x64xf32, #tpu.memory_space<vmem_shared>>
      tpu.enqueue_indirect_dma source(%dma_start3A_131 : memref<128x64xf32, #tpu.memory_space<vmem>>) target(%dma_start3A_137 : memref<20480x64xf32, #tpu.memory_space<vmem_shared>>) offsets(%dma_start3A_134 : memref<128xi32, #tpu.memory_space<vmem>>) semaphore(%arg14 : memref<!tpu.dma_semaphore, #tpu.memory_space<semaphore_mem>>) {add = true}
      %dma_wait3A_138 = arith.constant 0 : i32
      %dma_wait3A_139 = arith.constant 0 : i32
      %dma_wait3A_140 = tpu.memref_slice %arg2[%dma_wait3A_138, %dma_wait3A_139] : memref<20480x64xf32, #tpu.memory_space<hbm>> -> memref<256x64xf32, #tpu.memory_space<hbm>>
      %dma_wait3A_141 = arith.constant 0 : i32
      %dma_wait3A_142 = arith.constant 0 : i32
      %dma_wait3A_143 = tpu.memref_slice %arg2[%dma_wait3A_141, %dma_wait3A_142] : memref<20480x64xf32, #tpu.memory_space<hbm>> -> memref<256x64xf32, #tpu.memory_space<hbm>>
      tpu.wait_dma2 semaphore(%arg12 : memref<!tpu.dma_semaphore, #tpu.memory_space<semaphore_mem>>) src(%dma_wait3A_143 : memref<256x64xf32, #tpu.memory_space<hbm>>) dst(%arg9 : memref<256x64xf32, #tpu.memory_space<vmem>>)
      %lt3A = arith.constant 80 : i32
      %lt3A_144 = arith.cmpi slt, %add3A_84, %lt3A : i32
      %convert_element_type3A_145 = arith.extui %lt3A_144 : i1 to i32
      %cond3A_146 = arith.constant 0 : i32
      %cond3A_147 = arith.cmpi ne, %convert_element_type3A_145, %cond3A_146 : i32
      scf.if %cond3A_147 {
        %dma_wait3A_168 = arith.constant 2 : i32
        %dma_wait3A_169 = arith.constant 0 : i32
        %dma_wait3A_170 = arith.constant 0 : i32
        %dma_wait3A_171 = tpu.memref_slice %arg8[%dma_wait3A_169, %dma_wait3A_170] : memref<256x64xf32, #tpu.memory_space<vmem>> -> memref<128x64xf32, #tpu.memory_space<vmem>>
        %dma_wait3A_172 = arith.constant 0 : i32
        %dma_wait3A_173 = tpu.memref_slice %arg6[%dma_wait3A_168, %dma_wait3A_172] : memref<4x128xi32, #tpu.memory_space<vmem>> -> memref<1x128xi32, #tpu.memory_space<vmem>>
        %dma_wait3A_174 = tpu.memref_squeeze %dma_wait3A_173 : memref<1x128xi32, #tpu.memory_space<vmem>> -> memref<128xi32, #tpu.memory_space<vmem>>
        %dma_wait3A_175 = arith.constant 0 : i32
        %dma_wait3A_176 = arith.constant 0 : i32
        %dma_wait3A_177 = tpu.memref_slice %arg10[%dma_wait3A_175, %dma_wait3A_176] : memref<20480x64xf32, #tpu.memory_space<vmem_shared>> -> memref<20480x64xf32, #tpu.memory_space<vmem_shared>>
        tpu.wait_indirect_dma semaphore(%arg13 : memref<!tpu.dma_semaphore, #tpu.memory_space<semaphore_mem>>) src(%dma_wait3A_171 : memref<128x64xf32, #tpu.memory_space<vmem>>) dst(%dma_wait3A_177 : memref<20480x64xf32, #tpu.memory_space<vmem_shared>>)
        %dma_wait3A_178 = arith.constant 3 : i32
        %dma_wait3A_179 = arith.constant 128 : i32
        %dma_wait3A_180 = arith.constant 0 : i32
        %dma_wait3A_181 = tpu.memref_slice %arg8[%dma_wait3A_179, %dma_wait3A_180] : memref<256x64xf32, #tpu.memory_space<vmem>> -> memref<128x64xf32, #tpu.memory_space<vmem>>
        %dma_wait3A_182 = arith.constant 0 : i32
        %dma_wait3A_183 = tpu.memref_slice %arg6[%dma_wait3A_178, %dma_wait3A_182] : memref<4x128xi32, #tpu.memory_space<vmem>> -> memref<1x128xi32, #tpu.memory_space<vmem>>
        %dma_wait3A_184 = tpu.memref_squeeze %dma_wait3A_183 : memref<1x128xi32, #tpu.memory_space<vmem>> -> memref<128xi32, #tpu.memory_space<vmem>>
        %dma_wait3A_185 = arith.constant 0 : i32
        %dma_wait3A_186 = arith.constant 0 : i32
        %dma_wait3A_187 = tpu.memref_slice %arg10[%dma_wait3A_185, %dma_wait3A_186] : memref<20480x64xf32, #tpu.memory_space<vmem_shared>> -> memref<20480x64xf32, #tpu.memory_space<vmem_shared>>
        tpu.wait_indirect_dma semaphore(%arg14 : memref<!tpu.dma_semaphore, #tpu.memory_space<semaphore_mem>>) src(%dma_wait3A_181 : memref<128x64xf32, #tpu.memory_space<vmem>>) dst(%dma_wait3A_187 : memref<20480x64xf32, #tpu.memory_space<vmem_shared>>)
        %mul3A_188 = arith.constant 2 : i32
        %mul3A_189 = arith.muli %add3A_84, %mul3A_188 : i32
        %mul3A_190 = arith.constant 2 : i32
        %mul3A_191 = arith.muli %mul3A_189, %mul3A_190 : i32
        %add3A_192 = arith.addi %mul3A_8, %mul3A_191 : i32
        "tpu.region"() ({
          %run_scoped3A = tpu.sem_alloc : memref<!tpu.dma_semaphore, #tpu.memory_space<semaphore_mem>>
          %dma_start3A_213 = arith.constant 0 : i32
          %dma_start3A_214 = tpu.memref_slice %arg3[%add3A_192, %dma_start3A_213] : memref<10240x128xi32, #tpu.memory_space<hbm>> -> memref<4x128xi32, #tpu.memory_space<hbm>>
          %dma_start3A_215 = arith.constant 0 : i32
          %dma_start3A_216 = tpu.memref_slice %arg3[%add3A_192, %dma_start3A_215] : memref<10240x128xi32, #tpu.memory_space<hbm>> -> memref<4x128xi32, #tpu.memory_space<hbm>>
          tpu.enqueue_dma source(%dma_start3A_216 : memref<4x128xi32, #tpu.memory_space<hbm>>) target(%arg6 : memref<4x128xi32, #tpu.memory_space<vmem>>) target_semaphore(%run_scoped3A : memref<!tpu.dma_semaphore, #tpu.memory_space<semaphore_mem>>)
          %dma_wait3A_217 = arith.constant 0 : i32
          %dma_wait3A_218 = tpu.memref_slice %arg3[%add3A_192, %dma_wait3A_217] : memref<10240x128xi32, #tpu.memory_space<hbm>> -> memref<4x128xi32, #tpu.memory_space<hbm>>
          %dma_wait3A_219 = arith.constant 0 : i32
          %dma_wait3A_220 = tpu.memref_slice %arg3[%add3A_192, %dma_wait3A_219] : memref<10240x128xi32, #tpu.memory_space<hbm>> -> memref<4x128xi32, #tpu.memory_space<hbm>>
          tpu.wait_dma2 semaphore(%run_scoped3A : memref<!tpu.dma_semaphore, #tpu.memory_space<semaphore_mem>>) src(%dma_wait3A_220 : memref<4x128xi32, #tpu.memory_space<hbm>>) dst(%arg6 : memref<4x128xi32, #tpu.memory_space<vmem>>)
          tpu.yield
        }) : () -> ()
        %dma_start3A_193 = arith.constant 0 : i32
        %dma_start3A_194 = arith.constant 0 : i32
        %dma_start3A_195 = arith.constant 0 : i32
        %dma_start3A_196 = tpu.memref_slice %arg8[%dma_start3A_194, %dma_start3A_195] : memref<256x64xf32, #tpu.memory_space<vmem>> -> memref<128x64xf32, #tpu.memory_space<vmem>>
        %dma_start3A_197 = arith.constant 0 : i32
        %dma_start3A_198 = tpu.memref_slice %arg6[%dma_start3A_193, %dma_start3A_197] : memref<4x128xi32, #tpu.memory_space<vmem>> -> memref<1x128xi32, #tpu.memory_space<vmem>>
        %dma_start3A_199 = tpu.memref_squeeze %dma_start3A_198 : memref<1x128xi32, #tpu.memory_space<vmem>> -> memref<128xi32, #tpu.memory_space<vmem>>
        %dma_start3A_200 = arith.constant 0 : i32
        %dma_start3A_201 = arith.constant 0 : i32
        %dma_start3A_202 = tpu.memref_slice %arg2[%dma_start3A_200, %dma_start3A_201] : memref<20480x64xf32, #tpu.memory_space<hbm>> -> memref<20480x64xf32, #tpu.memory_space<hbm>>
        tpu.enqueue_indirect_dma source(%dma_start3A_202 : memref<20480x64xf32, #tpu.memory_space<hbm>>) target(%dma_start3A_196 : memref<128x64xf32, #tpu.memory_space<vmem>>) offsets(%dma_start3A_199 : memref<128xi32, #tpu.memory_space<vmem>>) semaphore(%arg11 : memref<!tpu.dma_semaphore, #tpu.memory_space<semaphore_mem>>)
        %dma_start3A_203 = arith.constant 1 : i32
        %dma_start3A_204 = arith.constant 128 : i32
        %dma_start3A_205 = arith.constant 0 : i32
        %dma_start3A_206 = tpu.memref_slice %arg8[%dma_start3A_204, %dma_start3A_205] : memref<256x64xf32, #tpu.memory_space<vmem>> -> memref<128x64xf32, #tpu.memory_space<vmem>>
        %dma_start3A_207 = arith.constant 0 : i32
        %dma_start3A_208 = tpu.memref_slice %arg6[%dma_start3A_203, %dma_start3A_207] : memref<4x128xi32, #tpu.memory_space<vmem>> -> memref<1x128xi32, #tpu.memory_space<vmem>>
        %dma_start3A_209 = tpu.memref_squeeze %dma_start3A_208 : memref<1x128xi32, #tpu.memory_space<vmem>> -> memref<128xi32, #tpu.memory_space<vmem>>
        %dma_start3A_210 = arith.constant 0 : i32
        %dma_start3A_211 = arith.constant 0 : i32
        %dma_start3A_212 = tpu.memref_slice %arg2[%dma_start3A_210, %dma_start3A_211] : memref<20480x64xf32, #tpu.memory_space<hbm>> -> memref<20480x64xf32, #tpu.memory_space<hbm>>
        tpu.enqueue_indirect_dma source(%dma_start3A_212 : memref<20480x64xf32, #tpu.memory_space<hbm>>) target(%dma_start3A_206 : memref<128x64xf32, #tpu.memory_space<vmem>>) offsets(%dma_start3A_209 : memref<128xi32, #tpu.memory_space<vmem>>) semaphore(%arg11 : memref<!tpu.dma_semaphore, #tpu.memory_space<semaphore_mem>>)
      } else {
      }
      %dma_start3A_148 = arith.constant 2 : i32
      %dma_start3A_149 = arith.constant 0 : i32
      %dma_start3A_150 = arith.constant 0 : i32
      %dma_start3A_151 = tpu.memref_slice %arg9[%dma_start3A_149, %dma_start3A_150] : memref<256x64xf32, #tpu.memory_space<vmem>> -> memref<128x64xf32, #tpu.memory_space<vmem>>
      %dma_start3A_152 = arith.constant 0 : i32
      %dma_start3A_153 = tpu.memref_slice %arg7[%dma_start3A_148, %dma_start3A_152] : memref<4x128xi32, #tpu.memory_space<vmem>> -> memref<1x128xi32, #tpu.memory_space<vmem>>
      %dma_start3A_154 = tpu.memref_squeeze %dma_start3A_153 : memref<1x128xi32, #tpu.memory_space<vmem>> -> memref<128xi32, #tpu.memory_space<vmem>>
      %dma_start3A_155 = arith.constant 0 : i32
      %dma_start3A_156 = arith.constant 0 : i32
      %dma_start3A_157 = tpu.memref_slice %arg10[%dma_start3A_155, %dma_start3A_156] : memref<20480x64xf32, #tpu.memory_space<vmem_shared>> -> memref<20480x64xf32, #tpu.memory_space<vmem_shared>>
      tpu.enqueue_indirect_dma source(%dma_start3A_151 : memref<128x64xf32, #tpu.memory_space<vmem>>) target(%dma_start3A_157 : memref<20480x64xf32, #tpu.memory_space<vmem_shared>>) offsets(%dma_start3A_154 : memref<128xi32, #tpu.memory_space<vmem>>) semaphore(%arg17 : memref<!tpu.dma_semaphore, #tpu.memory_space<semaphore_mem>>) {add = true}
      %dma_start3A_158 = arith.constant 3 : i32
      %dma_start3A_159 = arith.constant 128 : i32
      %dma_start3A_160 = arith.constant 0 : i32
      %dma_start3A_161 = tpu.memref_slice %arg9[%dma_start3A_159, %dma_start3A_160] : memref<256x64xf32, #tpu.memory_space<vmem>> -> memref<128x64xf32, #tpu.memory_space<vmem>>
      %dma_start3A_162 = arith.constant 0 : i32
      %dma_start3A_163 = tpu.memref_slice %arg7[%dma_start3A_158, %dma_start3A_162] : memref<4x128xi32, #tpu.memory_space<vmem>> -> memref<1x128xi32, #tpu.memory_space<vmem>>
      %dma_start3A_164 = tpu.memref_squeeze %dma_start3A_163 : memref<1x128xi32, #tpu.memory_space<vmem>> -> memref<128xi32, #tpu.memory_space<vmem>>
      %dma_start3A_165 = arith.constant 0 : i32
      %dma_start3A_166 = arith.constant 0 : i32
      %dma_start3A_167 = tpu.memref_slice %arg10[%dma_start3A_165, %dma_start3A_166] : memref<20480x64xf32, #tpu.memory_space<vmem_shared>> -> memref<20480x64xf32, #tpu.memory_space<vmem_shared>>
      tpu.enqueue_indirect_dma source(%dma_start3A_161 : memref<128x64xf32, #tpu.memory_space<vmem>>) target(%dma_start3A_167 : memref<20480x64xf32, #tpu.memory_space<vmem_shared>>) offsets(%dma_start3A_164 : memref<128xi32, #tpu.memory_space<vmem>>) semaphore(%arg18 : memref<!tpu.dma_semaphore, #tpu.memory_space<semaphore_mem>>) {add = true}
    }
    %scan3A_31 = arith.constant 40 : i32
    %dma_wait3A = arith.constant 2 : i32
    %dma_wait3A_32 = arith.constant 0 : i32
    %dma_wait3A_33 = arith.constant 0 : i32
    %dma_wait3A_34 = tpu.memref_slice %arg8[%dma_wait3A_32, %dma_wait3A_33] : memref<256x64xf32, #tpu.memory_space<vmem>> -> memref<128x64xf32, #tpu.memory_space<vmem>>
    %dma_wait3A_35 = arith.constant 0 : i32
    %dma_wait3A_36 = tpu.memref_slice %arg6[%dma_wait3A, %dma_wait3A_35] : memref<4x128xi32, #tpu.memory_space<vmem>> -> memref<1x128xi32, #tpu.memory_space<vmem>>
    %dma_wait3A_37 = tpu.memref_squeeze %dma_wait3A_36 : memref<1x128xi32, #tpu.memory_space<vmem>> -> memref<128xi32, #tpu.memory_space<vmem>>
    %dma_wait3A_38 = arith.constant 0 : i32
    %dma_wait3A_39 = arith.constant 0 : i32
    %dma_wait3A_40 = tpu.memref_slice %arg10[%dma_wait3A_38, %dma_wait3A_39] : memref<20480x64xf32, #tpu.memory_space<vmem_shared>> -> memref<20480x64xf32, #tpu.memory_space<vmem_shared>>
    tpu.wait_indirect_dma semaphore(%arg13 : memref<!tpu.dma_semaphore, #tpu.memory_space<semaphore_mem>>) src(%dma_wait3A_34 : memref<128x64xf32, #tpu.memory_space<vmem>>) dst(%dma_wait3A_40 : memref<20480x64xf32, #tpu.memory_space<vmem_shared>>)
    %dma_wait3A_41 = arith.constant 3 : i32
    %dma_wait3A_42 = arith.constant 128 : i32
    %dma_wait3A_43 = arith.constant 0 : i32
    %dma_wait3A_44 = tpu.memref_slice %arg8[%dma_wait3A_42, %dma_wait3A_43] : memref<256x64xf32, #tpu.memory_space<vmem>> -> memref<128x64xf32, #tpu.memory_space<vmem>>
    %dma_wait3A_45 = arith.constant 0 : i32
    %dma_wait3A_46 = tpu.memref_slice %arg6[%dma_wait3A_41, %dma_wait3A_45] : memref<4x128xi32, #tpu.memory_space<vmem>> -> memref<1x128xi32, #tpu.memory_space<vmem>>
    %dma_wait3A_47 = tpu.memref_squeeze %dma_wait3A_46 : memref<1x128xi32, #tpu.memory_space<vmem>> -> memref<128xi32, #tpu.memory_space<vmem>>
    %dma_wait3A_48 = arith.constant 0 : i32
    %dma_wait3A_49 = arith.constant 0 : i32
    %dma_wait3A_50 = tpu.memref_slice %arg10[%dma_wait3A_48, %dma_wait3A_49] : memref<20480x64xf32, #tpu.memory_space<vmem_shared>> -> memref<20480x64xf32, #tpu.memory_space<vmem_shared>>
    tpu.wait_indirect_dma semaphore(%arg14 : memref<!tpu.dma_semaphore, #tpu.memory_space<semaphore_mem>>) src(%dma_wait3A_44 : memref<128x64xf32, #tpu.memory_space<vmem>>) dst(%dma_wait3A_50 : memref<20480x64xf32, #tpu.memory_space<vmem_shared>>)
    %dma_wait3A_51 = arith.constant 2 : i32
    %dma_wait3A_52 = arith.constant 0 : i32
    %dma_wait3A_53 = arith.constant 0 : i32
    %dma_wait3A_54 = tpu.memref_slice %arg9[%dma_wait3A_52, %dma_wait3A_53] : memref<256x64xf32, #tpu.memory_space<vmem>> -> memref<128x64xf32, #tpu.memory_space<vmem>>
    %dma_wait3A_55 = arith.constant 0 : i32
    %dma_wait3A_56 = tpu.memref_slice %arg7[%dma_wait3A_51, %dma_wait3A_55] : memref<4x128xi32, #tpu.memory_space<vmem>> -> memref<1x128xi32, #tpu.memory_space<vmem>>
    %dma_wait3A_57 = tpu.memref_squeeze %dma_wait3A_56 : memref<1x128xi32, #tpu.memory_space<vmem>> -> memref<128xi32, #tpu.memory_space<vmem>>
    %dma_wait3A_58 = arith.constant 0 : i32
    %dma_wait3A_59 = arith.constant 0 : i32
    %dma_wait3A_60 = tpu.memref_slice %arg10[%dma_wait3A_58, %dma_wait3A_59] : memref<20480x64xf32, #tpu.memory_space<vmem_shared>> -> memref<20480x64xf32, #tpu.memory_space<vmem_shared>>
    tpu.wait_indirect_dma semaphore(%arg17 : memref<!tpu.dma_semaphore, #tpu.memory_space<semaphore_mem>>) src(%dma_wait3A_54 : memref<128x64xf32, #tpu.memory_space<vmem>>) dst(%dma_wait3A_60 : memref<20480x64xf32, #tpu.memory_space<vmem_shared>>)
    %dma_wait3A_61 = arith.constant 3 : i32
    %dma_wait3A_62 = arith.constant 128 : i32
    %dma_wait3A_63 = arith.constant 0 : i32
    %dma_wait3A_64 = tpu.memref_slice %arg9[%dma_wait3A_62, %dma_wait3A_63] : memref<256x64xf32, #tpu.memory_space<vmem>> -> memref<128x64xf32, #tpu.memory_space<vmem>>
    %dma_wait3A_65 = arith.constant 0 : i32
    %dma_wait3A_66 = tpu.memref_slice %arg7[%dma_wait3A_61, %dma_wait3A_65] : memref<4x128xi32, #tpu.memory_space<vmem>> -> memref<1x128xi32, #tpu.memory_space<vmem>>
    %dma_wait3A_67 = tpu.memref_squeeze %dma_wait3A_66 : memref<1x128xi32, #tpu.memory_space<vmem>> -> memref<128xi32, #tpu.memory_space<vmem>>
    %dma_wait3A_68 = arith.constant 0 : i32
    %dma_wait3A_69 = arith.constant 0 : i32
    %dma_wait3A_70 = tpu.memref_slice %arg10[%dma_wait3A_68, %dma_wait3A_69] : memref<20480x64xf32, #tpu.memory_space<vmem_shared>> -> memref<20480x64xf32, #tpu.memory_space<vmem_shared>>
    tpu.wait_indirect_dma semaphore(%arg18 : memref<!tpu.dma_semaphore, #tpu.memory_space<semaphore_mem>>) src(%dma_wait3A_64 : memref<128x64xf32, #tpu.memory_space<vmem>>) dst(%dma_wait3A_70 : memref<20480x64xf32, #tpu.memory_space<vmem_shared>>)
    %barrier3A_71 = arith.constant 0 : index
    tpu.barrier barrier_id(%barrier3A_71)
    "tpu.region"() ({
      %run_scoped3A = tpu.sem_alloc : memref<!tpu.dma_semaphore, #tpu.memory_space<semaphore_mem>>
      %dma_start3A_72 = arith.constant 0 : i32
      %dma_start3A_73 = arith.constant 0 : i32
      %dma_start3A_74 = tpu.memref_slice %arg5[%arg0, %dma_start3A_72, %dma_start3A_73] : memref<2x20480x64xf32, #tpu.memory_space<hbm>> -> memref<1x20480x64xf32, #tpu.memory_space<hbm>>
      %dma_start3A_75 = tpu.memref_squeeze %dma_start3A_74 : memref<1x20480x64xf32, #tpu.memory_space<hbm>> -> memref<20480x64xf32, #tpu.memory_space<hbm>>
      %dma_start3A_76 = arith.constant 0 : i32
      %dma_start3A_77 = tpu.memref_slice %dma_start3A_75[%mul3A_2, %dma_start3A_76] : memref<20480x64xf32, #tpu.memory_space<hbm>> -> memref<1280x64xf32, #tpu.memory_space<hbm>>
      %dma_start3A_78 = arith.constant 0 : i32
      %dma_start3A_79 = tpu.memref_slice %arg10[%mul3A_2, %dma_start3A_78] : memref<20480x64xf32, #tpu.memory_space<vmem_shared>> -> memref<1280x64xf32, #tpu.memory_space<vmem_shared>>
      tpu.enqueue_dma source(%dma_start3A_79 : memref<1280x64xf32, #tpu.memory_space<vmem_shared>>) target(%dma_start3A_77 : memref<1280x64xf32, #tpu.memory_space<hbm>>) target_semaphore(%run_scoped3A : memref<!tpu.dma_semaphore, #tpu.memory_space<semaphore_mem>>)
      %dma_wait3A_80 = arith.constant 0 : i32
      %dma_wait3A_81 = arith.constant 0 : i32
      %dma_wait3A_82 = tpu.memref_slice %arg5[%arg0, %dma_wait3A_80, %dma_wait3A_81] : memref<2x20480x64xf32, #tpu.memory_space<hbm>> -> memref<1x20480x64xf32, #tpu.memory_space<hbm>>
      %dma_wait3A_83 = tpu.memref_squeeze %dma_wait3A_82 : memref<1x20480x64xf32, #tpu.memory_space<hbm>> -> memref<20480x64xf32, #tpu.memory_space<hbm>>
      %dma_wait3A_84 = arith.constant 0 : i32
      %dma_wait3A_85 = tpu.memref_slice %dma_wait3A_83[%mul3A_2, %dma_wait3A_84] : memref<20480x64xf32, #tpu.memory_space<hbm>> -> memref<1280x64xf32, #tpu.memory_space<hbm>>
      %dma_wait3A_86 = arith.constant 0 : i32
      %dma_wait3A_87 = tpu.memref_slice %arg10[%mul3A_2, %dma_wait3A_86] : memref<20480x64xf32, #tpu.memory_space<vmem_shared>> -> memref<1280x64xf32, #tpu.memory_space<vmem_shared>>
      tpu.wait_dma2 semaphore(%run_scoped3A : memref<!tpu.dma_semaphore, #tpu.memory_space<semaphore_mem>>) src(%dma_wait3A_87 : memref<1280x64xf32, #tpu.memory_space<vmem_shared>>) dst(%dma_wait3A_85 : memref<1280x64xf32, #tpu.memory_space<hbm>>)
      tpu.yield
    }) : () -> ()
    return
  }
}

module attributes {stable_mosaic.version = 14 : i64} {
  func.func @body(%arg0: i32, %arg1: memref<1024x128xf32, #tpu.memory_space<vmem>>, %arg2: memref<128x128xf32, #tpu.memory_space<vmem>>, %arg3: memref<1x128xf32, #tpu.memory_space<vmem>>, %arg4: memref<1024x128xf32, #tpu.memory_space<vmem>>) attributes {dimension_semantics = [#tpu.dimension_semantics<arbitrary>], iteration_bounds = array<i64: 10>, scalar_prefetch = 0 : i64, scratch_operands = 0 : i64, tpu.core_type = #tpu.core_type<tc>, window_params = [{transform_indices = @transform_0, window_bounds = array<i64: 1024, 128>}, {pipeline_mode = #tpu.pipeline_mode<synchronous>, transform_indices = @transform_1, window_bounds = array<i64: 128, 128>}, {pipeline_mode = #tpu.pipeline_mode<synchronous>, transform_indices = @transform_2, window_bounds = array<i64: 1, 128>}, {transform_indices = @transform_3, window_bounds = array<i64: 1024, 128>}]} {
    %get3A = arith.constant 0 : index
    %get3A_0 = arith.constant 0 : index
    %get3A_1 = vector.load %arg1[%get3A, %get3A_0] : memref<1024x128xf32, #tpu.memory_space<vmem>>, vector<1024x128xf32>
    %get3A_2 = arith.constant 0 : index
    %get3A_3 = arith.constant 0 : index
    %get3A_4 = vector.load %arg2[%get3A_2, %get3A_3] : memref<128x128xf32, #tpu.memory_space<vmem>>, vector<128x128xf32>
    %dot_general3A = arith.constant dense<0.000000e+00> : vector<1024x128xf32>
    %dot_general3A_5 = tpu.matmul %get3A_1, %get3A_4, %dot_general3A {dimension_numbers = #tpu.dot_dimension_numbers<[1], [0], [0], [1], [0, 0, 1, 1], [], []>, transpose_lhs_hint = false} : vector<1024x128xf32>, vector<128x128xf32>, vector<1024x128xf32> -> vector<1024x128xf32>
    %get3A_6 = arith.constant 0 : index
    %get3A_7 = arith.constant 0 : index
    %get3A_8 = vector.load %arg3[%get3A_6, %get3A_7] : memref<1x128xf32, #tpu.memory_space<vmem>>, vector<1x128xf32>
    %add3A = vector.broadcast %get3A_8 : vector<1x128xf32> to vector<1024x128xf32>
    %add3A_9 = arith.addf %dot_general3A_5, %add3A : vector<1024x128xf32>
    %swap3A = arith.constant 0 : index
    %swap3A_10 = arith.constant 0 : index
    %swap3A_11 = vector.load %arg4[%swap3A, %swap3A_10] : memref<1024x128xf32, #tpu.memory_space<vmem>>, vector<1024x128xf32>
    tpu.vector_store %arg4[%swap3A, %swap3A_10], %add3A_9 {strides = array<i32>} : memref<1024x128xf32, #tpu.memory_space<vmem>>, vector<1024x128xf32>,
    return
  }
  func.func @transform_0(%arg0: i32) -> (i32, i32) {
    %c0_i32 = arith.constant 0 : i32
    %c0_i32_0 = arith.constant 0 : i32
    return %arg0, %c0_i32 : i32, i32
  }
  func.func @transform_1(%arg0: i32) -> (i32, i32) {
    %c0_i32 = arith.constant 0 : i32
    %c0_i32_0 = arith.constant 0 : i32
    %c0_i32_1 = arith.constant 0 : i32
    return %c0_i32, %c0_i32_0 : i32, i32
  }
  func.func @transform_2(%arg0: i32) -> (i32, i32) {
    %c0_i32 = arith.constant 0 : i32
    %c0_i32_0 = arith.constant 0 : i32
    %c0_i32_1 = arith.constant 0 : i32
    return %c0_i32, %c0_i32_0 : i32, i32
  }
  func.func @transform_3(%arg0: i32) -> (i32, i32) {
    %c0_i32 = arith.constant 0 : i32
    %c0_i32_0 = arith.constant 0 : i32
    return %arg0, %c0_i32 : i32, i32
  }
}

module attributes {stable_mosaic.version = 14 : i64} {
  func.func @body(%arg0: i32, %arg1: memref<2x1024x64xf32, #tpu.memory_space<vmem>>, %arg2: memref<1024x64xf32, #tpu.memory_space<vmem>>, %arg3: memref<64x128xf32, #tpu.memory_space<vmem>>, %arg4: memref<1x128xf32, #tpu.memory_space<vmem>>, %arg5: memref<1024x128xf32, #tpu.memory_space<vmem>>) attributes {dimension_semantics = [#tpu.dimension_semantics<arbitrary>], iteration_bounds = array<i64: 10>, scalar_prefetch = 0 : i64, scratch_operands = 0 : i64, tpu.core_type = #tpu.core_type<tc>, window_params = [{transform_indices = @transform_0, window_bounds = array<i64: 2, 1024, 64>}, {transform_indices = @transform_1, window_bounds = array<i64: 1024, 64>}, {pipeline_mode = #tpu.pipeline_mode<synchronous>, transform_indices = @transform_2, window_bounds = array<i64: 64, 128>}, {pipeline_mode = #tpu.pipeline_mode<synchronous>, transform_indices = @transform_3, window_bounds = array<i64: 1, 128>}, {transform_indices = @transform_4, window_bounds = array<i64: 1024, 128>}]} {
    %get3A = arith.constant 0 : index
    %get3A_0 = arith.constant 0 : index
    %get3A_1 = arith.constant 0 : index
    %get3A_2 = vector.load %arg1[%get3A, %get3A_0, %get3A_1] : memref<2x1024x64xf32, #tpu.memory_space<vmem>>, vector<1x1024x64xf32>
    %get3A_3 = vector.shape_cast %get3A_2 : vector<1x1024x64xf32> to vector<1024x64xf32>
    %get3A_4 = arith.constant 1 : index
    %get3A_5 = arith.constant 0 : index
    %get3A_6 = arith.constant 0 : index
    %get3A_7 = vector.load %arg1[%get3A_4, %get3A_5, %get3A_6] : memref<2x1024x64xf32, #tpu.memory_space<vmem>>, vector<1x1024x64xf32>
    %get3A_8 = vector.shape_cast %get3A_7 : vector<1x1024x64xf32> to vector<1024x64xf32>
    %add3A = arith.addf %get3A_3, %get3A_8 : vector<1024x64xf32>
    %get3A_9 = arith.constant 0 : index
    %get3A_10 = arith.constant 0 : index
    %get3A_11 = vector.load %arg2[%get3A_9, %get3A_10] : memref<1024x64xf32, #tpu.memory_space<vmem>>, vector<1024x64xf32>
    %add3A_12 = arith.addf %add3A, %get3A_11 : vector<1024x64xf32>
    %max3A = arith.constant 0.000000e+00 : f32
    %max3A_13 = vector.broadcast %max3A : f32 to vector<1024x64xf32>
    %max3A_14 = arith.maximumf %add3A_12, %max3A_13 : vector<1024x64xf32>
    %get3A_15 = arith.constant 0 : index
    %get3A_16 = arith.constant 0 : index
    %get3A_17 = vector.load %arg3[%get3A_15, %get3A_16] : memref<64x128xf32, #tpu.memory_space<vmem>>, vector<64x128xf32>
    %dot_general3A = arith.constant dense<0.000000e+00> : vector<1024x128xf32>
    %dot_general3A_18 = tpu.matmul %max3A_14, %get3A_17, %dot_general3A {dimension_numbers = #tpu.dot_dimension_numbers<[1], [0], [0], [1], [0, 0, 1, 1], [], []>, transpose_lhs_hint = false} : vector<1024x64xf32>, vector<64x128xf32>, vector<1024x128xf32> -> vector<1024x128xf32>
    %get3A_19 = arith.constant 0 : index
    %get3A_20 = arith.constant 0 : index
    %get3A_21 = vector.load %arg4[%get3A_19, %get3A_20] : memref<1x128xf32, #tpu.memory_space<vmem>>, vector<1x128xf32>
    %add3A_22 = vector.broadcast %get3A_21 : vector<1x128xf32> to vector<1024x128xf32>
    %add3A_23 = arith.addf %dot_general3A_18, %add3A_22 : vector<1024x128xf32>
    %swap3A = arith.constant 0 : index
    %swap3A_24 = arith.constant 0 : index
    %swap3A_25 = vector.load %arg5[%swap3A, %swap3A_24] : memref<1024x128xf32, #tpu.memory_space<vmem>>, vector<1024x128xf32>
    tpu.vector_store %arg5[%swap3A, %swap3A_24], %add3A_23 {strides = array<i32>} : memref<1024x128xf32, #tpu.memory_space<vmem>>, vector<1024x128xf32>,
    return
  }
  func.func @transform_0(%arg0: i32) -> (i32, i32, i32) {
    %c0_i32 = arith.constant 0 : i32
    %c0_i32_0 = arith.constant 0 : i32
    %c0_i32_1 = arith.constant 0 : i32
    return %c0_i32, %arg0, %c0_i32_0 : i32, i32, i32
  }
  func.func @transform_1(%arg0: i32) -> (i32, i32) {
    %c0_i32 = arith.constant 0 : i32
    %c0_i32_0 = arith.constant 0 : i32
    return %arg0, %c0_i32 : i32, i32
  }
  func.func @transform_2(%arg0: i32) -> (i32, i32) {
    %c0_i32 = arith.constant 0 : i32
    %c0_i32_0 = arith.constant 0 : i32
    %c0_i32_1 = arith.constant 0 : i32
    return %c0_i32, %c0_i32_0 : i32, i32
  }
  func.func @transform_3(%arg0: i32) -> (i32, i32) {
    %c0_i32 = arith.constant 0 : i32
    %c0_i32_0 = arith.constant 0 : i32
    %c0_i32_1 = arith.constant 0 : i32
    return %c0_i32, %c0_i32_0 : i32, i32
  }
  func.func @transform_4(%arg0: i32) -> (i32, i32) {
    %c0_i32 = arith.constant 0 : i32
    %c0_i32_0 = arith.constant 0 : i32
    return %arg0, %c0_i32 : i32, i32
  }
}

module attributes {stable_mosaic.version = 14 : i64} {
  func.func @body(%arg0: i32, %arg1: memref<2x1024x64xf32, #tpu.memory_space<vmem>>, %arg2: memref<1024x64xf32, #tpu.memory_space<vmem>>, %arg3: memref<1x1x1024xi32, #tpu.memory_space<vmem>>, %arg4: memref<1024x64xf32, #tpu.memory_space<vmem>>, %arg5: memref<256x64xf32, #tpu.memory_space<vmem>>, %arg6: memref<256x1xf32, #tpu.memory_space<vmem>>) attributes {dimension_semantics = [#tpu.dimension_semantics<arbitrary>], iteration_bounds = array<i64: 10>, scalar_prefetch = 0 : i64, scratch_operands = 0 : i64, tpu.core_type = #tpu.core_type<tc>, window_params = [{transform_indices = @transform_0, window_bounds = array<i64: 2, 1024, 64>}, {transform_indices = @transform_1, window_bounds = array<i64: 1024, 64>}, {transform_indices = @transform_2, window_bounds = array<i64: 1, 1, 1024>}, {transform_indices = @transform_3, window_bounds = array<i64: 1024, 64>}, {pipeline_mode = #tpu.pipeline_mode<synchronous>, transform_indices = @transform_4, window_bounds = array<i64: 256, 64>}, {pipeline_mode = #tpu.pipeline_mode<synchronous>, transform_indices = @transform_5, window_bounds = array<i64: 256, 1>}]} {
    %get3A = arith.constant 0 : index
    %get3A_0 = arith.constant 0 : index
    %get3A_1 = arith.constant 0 : index
    %get3A_2 = vector.load %arg1[%get3A, %get3A_0, %get3A_1] : memref<2x1024x64xf32, #tpu.memory_space<vmem>>, vector<1x1024x64xf32>
    %get3A_3 = vector.shape_cast %get3A_2 : vector<1x1024x64xf32> to vector<1024x64xf32>
    %get3A_4 = arith.constant 1 : index
    %get3A_5 = arith.constant 0 : index
    %get3A_6 = arith.constant 0 : index
    %get3A_7 = vector.load %arg1[%get3A_4, %get3A_5, %get3A_6] : memref<2x1024x64xf32, #tpu.memory_space<vmem>>, vector<1x1024x64xf32>
    %get3A_8 = vector.shape_cast %get3A_7 : vector<1x1024x64xf32> to vector<1024x64xf32>
    %add3A = arith.addf %get3A_3, %get3A_8 : vector<1024x64xf32>
    %get3A_9 = arith.constant 0 : index
    %get3A_10 = arith.constant 0 : index
    %get3A_11 = vector.load %arg2[%get3A_9, %get3A_10] : memref<1024x64xf32, #tpu.memory_space<vmem>>, vector<1024x64xf32>
    %add3A_12 = arith.addf %add3A, %get3A_11 : vector<1024x64xf32>
    %max3A = arith.constant 0.000000e+00 : f32
    %max3A_13 = vector.broadcast %max3A : f32 to vector<1024x64xf32>
    %max3A_14 = arith.maximumf %add3A_12, %max3A_13 : vector<1024x64xf32>
    %swap3A = arith.constant 0 : index
    %swap3A_15 = arith.constant 0 : index
    %swap3A_16 = vector.load %arg4[%swap3A, %swap3A_15] : memref<1024x64xf32, #tpu.memory_space<vmem>>, vector<1024x64xf32>
    tpu.vector_store %arg4[%swap3A, %swap3A_15], %max3A_14 {strides = array<i32>} : memref<1024x64xf32, #tpu.memory_space<vmem>>, vector<1024x64xf32>,
    %get3A_17 = arith.constant 0 : index
    %get3A_18 = arith.constant 0 : index
    %get3A_19 = arith.constant 0 : index
    %get3A_20 = vector.load %arg3[%get3A_17, %get3A_18, %get3A_19] : memref<1x1x1024xi32, #tpu.memory_space<vmem>>, vector<1x1x1024xi32>
    %get3A_21 = vector.shape_cast %get3A_20 : vector<1x1x1024xi32> to vector<1024xi32>
    %iota3A = tpu.iota {dimensions = array<i32: 0>} : vector<256x1024xi32>
    %broadcast_in_dim3A = vector.shape_cast %get3A_21 : vector<1024xi32> to vector<1x1024xi32>
    %eq3A = vector.broadcast %broadcast_in_dim3A : vector<1x1024xi32> to vector<256x1024xi32>
    %eq3A_22 = arith.cmpi eq, %iota3A, %eq3A : vector<256x1024xi32>
    %convert_element_type3A = arith.extui %eq3A_22 : vector<256x1024xi1> to vector<256x1024xi32>
    %convert_element_type3A_23 = arith.sitofp %convert_element_type3A : vector<256x1024xi32> to vector<256x1024xf32>
    %eq3A_24 = arith.constant 0 : i32
    %eq3A_25 = arith.cmpi eq, %arg0, %eq3A_24 : i32
    %convert_element_type3A_26 = arith.extui %eq3A_25 : i1 to i32
    %cond3A = arith.constant 0 : i32
    %cond3A_27 = arith.cmpi ne, %convert_element_type3A_26, %cond3A : i32
    scf.if %cond3A_27 {
      %broadcast_in_dim3A_45 = arith.constant 0.000000e+00 : f32
      %broadcast_in_dim3A_46 = vector.broadcast %broadcast_in_dim3A_45 : f32 to vector<256x64xf32>
      %swap3A_47 = arith.constant 0 : index
      %swap3A_48 = arith.constant 0 : index
      %swap3A_49 = vector.load %arg5[%swap3A_47, %swap3A_48] : memref<256x64xf32, #tpu.memory_space<vmem>>, vector<256x64xf32>
      tpu.vector_store %arg5[%swap3A_47, %swap3A_48], %broadcast_in_dim3A_46 {strides = array<i32>} : memref<256x64xf32, #tpu.memory_space<vmem>>, vector<256x64xf32>,
      %broadcast_in_dim3A_50 = arith.constant 0.000000e+00 : f32
      %broadcast_in_dim3A_51 = vector.broadcast %broadcast_in_dim3A_50 : f32 to vector<256x1xf32>
      %swap3A_52 = arith.constant 0 : index
      %swap3A_53 = arith.constant 0 : index
      %swap3A_54 = vector.load %arg6[%swap3A_52, %swap3A_53] : memref<256x1xf32, #tpu.memory_space<vmem>>, vector<256x1xf32>
      tpu.vector_store %arg6[%swap3A_52, %swap3A_53], %broadcast_in_dim3A_51 {strides = array<i32>} : memref<256x1xf32, #tpu.memory_space<vmem>>, vector<256x1xf32>,
    } else {
    }
    %get3A_28 = arith.constant 0 : index
    %get3A_29 = arith.constant 0 : index
    %get3A_30 = vector.load %arg5[%get3A_28, %get3A_29] : memref<256x64xf32, #tpu.memory_space<vmem>>, vector<256x64xf32>
    %dot_general3A = arith.constant dense<0.000000e+00> : vector<256x64xf32>
    %dot_general3A_31 = tpu.matmul %convert_element_type3A_23, %max3A_14, %dot_general3A {dimension_numbers = #tpu.dot_dimension_numbers<[1], [0], [0], [1], [0, 0, 1, 1], [], []>, transpose_lhs_hint = false} : vector<256x1024xf32>, vector<1024x64xf32>, vector<256x64xf32> -> vector<256x64xf32>
    %add3A_32 = arith.addf %get3A_30, %dot_general3A_31 : vector<256x64xf32>
    %swap3A_33 = arith.constant 0 : index
    %swap3A_34 = arith.constant 0 : index
    %swap3A_35 = vector.load %arg5[%swap3A_33, %swap3A_34] : memref<256x64xf32, #tpu.memory_space<vmem>>, vector<256x64xf32>
    tpu.vector_store %arg5[%swap3A_33, %swap3A_34], %add3A_32 {strides = array<i32>} : memref<256x64xf32, #tpu.memory_space<vmem>>, vector<256x64xf32>,
    %get3A_36 = arith.constant 0 : index
    %get3A_37 = arith.constant 0 : index
    %get3A_38 = vector.load %arg6[%get3A_36, %get3A_37] : memref<256x1xf32, #tpu.memory_space<vmem>>, vector<256x1xf32>
    %reduce_sum3A = arith.constant dense<0.000000e+00> : vector<256xf32>
    %reduce_sum3A_39 = vector.multi_reduction <add>, %convert_element_type3A_23, %reduce_sum3A [1] : vector<256x1024xf32> to vector<256xf32>
    %broadcast_in_dim3A_40 = vector.shape_cast %reduce_sum3A_39 : vector<256xf32> to vector<256x1xf32>
    %add3A_41 = arith.addf %get3A_38, %broadcast_in_dim3A_40 : vector<256x1xf32>
    %swap3A_42 = arith.constant 0 : index
    %swap3A_43 = arith.constant 0 : index
    %swap3A_44 = vector.load %arg6[%swap3A_42, %swap3A_43] : memref<256x1xf32, #tpu.memory_space<vmem>>, vector<256x1xf32>
    tpu.vector_store %arg6[%swap3A_42, %swap3A_43], %add3A_41 {strides = array<i32>} : memref<256x1xf32, #tpu.memory_space<vmem>>, vector<256x1xf32>,
    return
  }
  func.func @transform_0(%arg0: i32) -> (i32, i32, i32) {
    %c0_i32 = arith.constant 0 : i32
    %c0_i32_0 = arith.constant 0 : i32
    %c0_i32_1 = arith.constant 0 : i32
    return %c0_i32, %arg0, %c0_i32_0 : i32, i32, i32
  }
  func.func @transform_1(%arg0: i32) -> (i32, i32) {
    %c0_i32 = arith.constant 0 : i32
    %c0_i32_0 = arith.constant 0 : i32
    return %arg0, %c0_i32 : i32, i32
  }
  func.func @transform_2(%arg0: i32) -> (i32, i32, i32) {
    %c0_i32 = arith.constant 0 : i32
    %c0_i32_0 = arith.constant 0 : i32
    %c0_i32_1 = arith.constant 0 : i32
    return %arg0, %c0_i32, %c0_i32_0 : i32, i32, i32
  }
  func.func @transform_3(%arg0: i32) -> (i32, i32) {
    %c0_i32 = arith.constant 0 : i32
    %c0_i32_0 = arith.constant 0 : i32
    return %arg0, %c0_i32 : i32, i32
  }
  func.func @transform_4(%arg0: i32) -> (i32, i32) {
    %c0_i32 = arith.constant 0 : i32
    %c0_i32_0 = arith.constant 0 : i32
    %c0_i32_1 = arith.constant 0 : i32
    return %c0_i32, %c0_i32_0 : i32, i32
  }
  func.func @transform_5(%arg0: i32) -> (i32, i32) {
    %c0_i32 = arith.constant 0 : i32
    %c0_i32_0 = arith.constant 0 : i32
    %c0_i32_1 = arith.constant 0 : i32
    return %c0_i32, %c0_i32_0 : i32, i32
  }
}

module attributes {stable_mosaic.version = 14 : i64} {
  func.func @body(%arg0: i32, %arg1: memref<1024x64xf32, #tpu.memory_space<vmem>>, %arg2: memref<1024x16xf32, #tpu.memory_space<vmem>>, %arg3: memref<64x128xf32, #tpu.memory_space<vmem>>, %arg4: memref<16x128xf32, #tpu.memory_space<vmem>>, %arg5: memref<1x128xf32, #tpu.memory_space<vmem>>, %arg6: memref<1024x128xf32, #tpu.memory_space<vmem>>) attributes {dimension_semantics = [#tpu.dimension_semantics<arbitrary>], iteration_bounds = array<i64: 20>, scalar_prefetch = 0 : i64, scratch_operands = 0 : i64, tpu.core_type = #tpu.core_type<tc>, window_params = [{transform_indices = @transform_0, window_bounds = array<i64: 1024, 64>}, {transform_indices = @transform_1, window_bounds = array<i64: 1024, 16>}, {pipeline_mode = #tpu.pipeline_mode<synchronous>, transform_indices = @transform_2, window_bounds = array<i64: 64, 128>}, {pipeline_mode = #tpu.pipeline_mode<synchronous>, transform_indices = @transform_3, window_bounds = array<i64: 16, 128>}, {pipeline_mode = #tpu.pipeline_mode<synchronous>, transform_indices = @transform_4, window_bounds = array<i64: 1, 128>}, {transform_indices = @transform_5, window_bounds = array<i64: 1024, 128>}]} {
    %get3A = arith.constant 0 : index
    %get3A_0 = arith.constant 0 : index
    %get3A_1 = vector.load %arg1[%get3A, %get3A_0] : memref<1024x64xf32, #tpu.memory_space<vmem>>, vector<1024x64xf32>
    %mul3A = arith.constant 5.000000e-01 : f32
    %mul3A_2 = vector.broadcast %mul3A : f32 to vector<1024x64xf32>
    %mul3A_3 = arith.mulf %get3A_1, %mul3A_2 : vector<1024x64xf32>
    %get3A_4 = arith.constant 0 : index
    %get3A_5 = arith.constant 0 : index
    %get3A_6 = vector.load %arg3[%get3A_4, %get3A_5] : memref<64x128xf32, #tpu.memory_space<vmem>>, vector<64x128xf32>
    %dot_general3A = arith.constant dense<0.000000e+00> : vector<1024x128xf32>
    %dot_general3A_7 = tpu.matmul %mul3A_3, %get3A_6, %dot_general3A {dimension_numbers = #tpu.dot_dimension_numbers<[1], [0], [0], [1], [0, 0, 1, 1], [], []>, transpose_lhs_hint = false} : vector<1024x64xf32>, vector<64x128xf32>, vector<1024x128xf32> -> vector<1024x128xf32>
    %get3A_8 = arith.constant 0 : index
    %get3A_9 = arith.constant 0 : index
    %get3A_10 = vector.load %arg2[%get3A_8, %get3A_9] : memref<1024x16xf32, #tpu.memory_space<vmem>>, vector<1024x16xf32>
    %get3A_11 = arith.constant 0 : index
    %get3A_12 = arith.constant 0 : index
    %get3A_13 = vector.load %arg4[%get3A_11, %get3A_12] : memref<16x128xf32, #tpu.memory_space<vmem>>, vector<16x128xf32>
    %dot_general3A_14 = arith.constant dense<0.000000e+00> : vector<1024x128xf32>
    %dot_general3A_15 = tpu.matmul %get3A_10, %get3A_13, %dot_general3A_14 {dimension_numbers = #tpu.dot_dimension_numbers<[1], [0], [0], [1], [0, 0, 1, 1], [], []>, transpose_lhs_hint = false} : vector<1024x16xf32>, vector<16x128xf32>, vector<1024x128xf32> -> vector<1024x128xf32>
    %add3A = arith.addf %dot_general3A_7, %dot_general3A_15 : vector<1024x128xf32>
    %get3A_16 = arith.constant 0 : index
    %get3A_17 = arith.constant 0 : index
    %get3A_18 = vector.load %arg5[%get3A_16, %get3A_17] : memref<1x128xf32, #tpu.memory_space<vmem>>, vector<1x128xf32>
    %add3A_19 = vector.broadcast %get3A_18 : vector<1x128xf32> to vector<1024x128xf32>
    %add3A_20 = arith.addf %add3A, %add3A_19 : vector<1024x128xf32>
    %swap3A = arith.constant 0 : index
    %swap3A_21 = arith.constant 0 : index
    %swap3A_22 = vector.load %arg6[%swap3A, %swap3A_21] : memref<1024x128xf32, #tpu.memory_space<vmem>>, vector<1024x128xf32>
    tpu.vector_store %arg6[%swap3A, %swap3A_21], %add3A_20 {strides = array<i32>} : memref<1024x128xf32, #tpu.memory_space<vmem>>, vector<1024x128xf32>,
    return
  }
  func.func @transform_0(%arg0: i32) -> (i32, i32) {
    %c0_i32 = arith.constant 0 : i32
    %c0_i32_0 = arith.constant 0 : i32
    return %arg0, %c0_i32 : i32, i32
  }
  func.func @transform_1(%arg0: i32) -> (i32, i32) {
    %c0_i32 = arith.constant 0 : i32
    %c0_i32_0 = arith.constant 0 : i32
    return %arg0, %c0_i32 : i32, i32
  }
  func.func @transform_2(%arg0: i32) -> (i32, i32) {
    %c0_i32 = arith.constant 0 : i32
    %c0_i32_0 = arith.constant 0 : i32
    %c0_i32_1 = arith.constant 0 : i32
    return %c0_i32, %c0_i32_0 : i32, i32
  }
  func.func @transform_3(%arg0: i32) -> (i32, i32) {
    %c0_i32 = arith.constant 0 : i32
    %c0_i32_0 = arith.constant 0 : i32
    %c0_i32_1 = arith.constant 0 : i32
    return %c0_i32, %c0_i32_0 : i32, i32
  }
  func.func @transform_4(%arg0: i32) -> (i32, i32) {
    %c0_i32 = arith.constant 0 : i32
    %c0_i32_0 = arith.constant 0 : i32
    %c0_i32_1 = arith.constant 0 : i32
    return %c0_i32, %c0_i32_0 : i32, i32
  }
  func.func @transform_5(%arg0: i32) -> (i32, i32) {
    %c0_i32 = arith.constant 0 : i32
    %c0_i32_0 = arith.constant 0 : i32
    return %arg0, %c0_i32 : i32, i32
  }
}

module attributes {stable_mosaic.version = 14 : i64} {
  func.func @body(%arg0: i32, %arg1: memref<2x1024x64xf32, #tpu.memory_space<vmem>>, %arg2: memref<1024x64xf32, #tpu.memory_space<vmem>>, %arg3: memref<64x128xf32, #tpu.memory_space<vmem>>, %arg4: memref<1x128xf32, #tpu.memory_space<vmem>>, %arg5: memref<1024x128xf32, #tpu.memory_space<vmem>>) attributes {dimension_semantics = [#tpu.dimension_semantics<arbitrary>], iteration_bounds = array<i64: 20>, scalar_prefetch = 0 : i64, scratch_operands = 0 : i64, tpu.core_type = #tpu.core_type<tc>, window_params = [{transform_indices = @transform_0, window_bounds = array<i64: 2, 1024, 64>}, {transform_indices = @transform_1, window_bounds = array<i64: 1024, 64>}, {pipeline_mode = #tpu.pipeline_mode<synchronous>, transform_indices = @transform_2, window_bounds = array<i64: 64, 128>}, {pipeline_mode = #tpu.pipeline_mode<synchronous>, transform_indices = @transform_3, window_bounds = array<i64: 1, 128>}, {transform_indices = @transform_4, window_bounds = array<i64: 1024, 128>}]} {
    %get3A = arith.constant 0 : index
    %get3A_0 = arith.constant 0 : index
    %get3A_1 = arith.constant 0 : index
    %get3A_2 = vector.load %arg1[%get3A, %get3A_0, %get3A_1] : memref<2x1024x64xf32, #tpu.memory_space<vmem>>, vector<1x1024x64xf32>
    %get3A_3 = vector.shape_cast %get3A_2 : vector<1x1024x64xf32> to vector<1024x64xf32>
    %get3A_4 = arith.constant 1 : index
    %get3A_5 = arith.constant 0 : index
    %get3A_6 = arith.constant 0 : index
    %get3A_7 = vector.load %arg1[%get3A_4, %get3A_5, %get3A_6] : memref<2x1024x64xf32, #tpu.memory_space<vmem>>, vector<1x1024x64xf32>
    %get3A_8 = vector.shape_cast %get3A_7 : vector<1x1024x64xf32> to vector<1024x64xf32>
    %add3A = arith.addf %get3A_3, %get3A_8 : vector<1024x64xf32>
    %get3A_9 = arith.constant 0 : index
    %get3A_10 = arith.constant 0 : index
    %get3A_11 = vector.load %arg2[%get3A_9, %get3A_10] : memref<1024x64xf32, #tpu.memory_space<vmem>>, vector<1024x64xf32>
    %add3A_12 = arith.addf %add3A, %get3A_11 : vector<1024x64xf32>
    %max3A = arith.constant 0.000000e+00 : f32
    %max3A_13 = vector.broadcast %max3A : f32 to vector<1024x64xf32>
    %max3A_14 = arith.maximumf %add3A_12, %max3A_13 : vector<1024x64xf32>
    %get3A_15 = arith.constant 0 : index
    %get3A_16 = arith.constant 0 : index
    %get3A_17 = vector.load %arg3[%get3A_15, %get3A_16] : memref<64x128xf32, #tpu.memory_space<vmem>>, vector<64x128xf32>
    %dot_general3A = arith.constant dense<0.000000e+00> : vector<1024x128xf32>
    %dot_general3A_18 = tpu.matmul %max3A_14, %get3A_17, %dot_general3A {dimension_numbers = #tpu.dot_dimension_numbers<[1], [0], [0], [1], [0, 0, 1, 1], [], []>, transpose_lhs_hint = false} : vector<1024x64xf32>, vector<64x128xf32>, vector<1024x128xf32> -> vector<1024x128xf32>
    %get3A_19 = arith.constant 0 : index
    %get3A_20 = arith.constant 0 : index
    %get3A_21 = vector.load %arg4[%get3A_19, %get3A_20] : memref<1x128xf32, #tpu.memory_space<vmem>>, vector<1x128xf32>
    %add3A_22 = vector.broadcast %get3A_21 : vector<1x128xf32> to vector<1024x128xf32>
    %add3A_23 = arith.addf %dot_general3A_18, %add3A_22 : vector<1024x128xf32>
    %swap3A = arith.constant 0 : index
    %swap3A_24 = arith.constant 0 : index
    %swap3A_25 = vector.load %arg5[%swap3A, %swap3A_24] : memref<1024x128xf32, #tpu.memory_space<vmem>>, vector<1024x128xf32>
    tpu.vector_store %arg5[%swap3A, %swap3A_24], %add3A_23 {strides = array<i32>} : memref<1024x128xf32, #tpu.memory_space<vmem>>, vector<1024x128xf32>,
    return
  }
  func.func @transform_0(%arg0: i32) -> (i32, i32, i32) {
    %c0_i32 = arith.constant 0 : i32
    %c0_i32_0 = arith.constant 0 : i32
    %c0_i32_1 = arith.constant 0 : i32
    return %c0_i32, %arg0, %c0_i32_0 : i32, i32, i32
  }
  func.func @transform_1(%arg0: i32) -> (i32, i32) {
    %c0_i32 = arith.constant 0 : i32
    %c0_i32_0 = arith.constant 0 : i32
    return %arg0, %c0_i32 : i32, i32
  }
  func.func @transform_2(%arg0: i32) -> (i32, i32) {
    %c0_i32 = arith.constant 0 : i32
    %c0_i32_0 = arith.constant 0 : i32
    %c0_i32_1 = arith.constant 0 : i32
    return %c0_i32, %c0_i32_0 : i32, i32
  }
  func.func @transform_3(%arg0: i32) -> (i32, i32) {
    %c0_i32 = arith.constant 0 : i32
    %c0_i32_0 = arith.constant 0 : i32
    %c0_i32_1 = arith.constant 0 : i32
    return %c0_i32, %c0_i32_0 : i32, i32
  }
  func.func @transform_4(%arg0: i32) -> (i32, i32) {
    %c0_i32 = arith.constant 0 : i32
    %c0_i32_0 = arith.constant 0 : i32
    return %arg0, %c0_i32 : i32, i32
  }
}

module attributes {stable_mosaic.version = 14 : i64} {
  func.func @body(%arg0: i32, %arg1: memref<2x1024x64xf32, #tpu.memory_space<vmem>>, %arg2: memref<1024x64xf32, #tpu.memory_space<vmem>>, %arg3: memref<1x1x1024xi32, #tpu.memory_space<vmem>>, %arg4: memref<1024x64xf32, #tpu.memory_space<vmem>>, %arg5: memref<256x64xf32, #tpu.memory_space<vmem>>, %arg6: memref<256x1xf32, #tpu.memory_space<vmem>>) attributes {dimension_semantics = [#tpu.dimension_semantics<arbitrary>], iteration_bounds = array<i64: 20>, scalar_prefetch = 0 : i64, scratch_operands = 0 : i64, tpu.core_type = #tpu.core_type<tc>, window_params = [{transform_indices = @transform_0, window_bounds = array<i64: 2, 1024, 64>}, {transform_indices = @transform_1, window_bounds = array<i64: 1024, 64>}, {transform_indices = @transform_2, window_bounds = array<i64: 1, 1, 1024>}, {transform_indices = @transform_3, window_bounds = array<i64: 1024, 64>}, {pipeline_mode = #tpu.pipeline_mode<synchronous>, transform_indices = @transform_4, window_bounds = array<i64: 256, 64>}, {pipeline_mode = #tpu.pipeline_mode<synchronous>, transform_indices = @transform_5, window_bounds = array<i64: 256, 1>}]} {
    %get3A = arith.constant 0 : index
    %get3A_0 = arith.constant 0 : index
    %get3A_1 = arith.constant 0 : index
    %get3A_2 = vector.load %arg1[%get3A, %get3A_0, %get3A_1] : memref<2x1024x64xf32, #tpu.memory_space<vmem>>, vector<1x1024x64xf32>
    %get3A_3 = vector.shape_cast %get3A_2 : vector<1x1024x64xf32> to vector<1024x64xf32>
    %get3A_4 = arith.constant 1 : index
    %get3A_5 = arith.constant 0 : index
    %get3A_6 = arith.constant 0 : index
    %get3A_7 = vector.load %arg1[%get3A_4, %get3A_5, %get3A_6] : memref<2x1024x64xf32, #tpu.memory_space<vmem>>, vector<1x1024x64xf32>
    %get3A_8 = vector.shape_cast %get3A_7 : vector<1x1024x64xf32> to vector<1024x64xf32>
    %add3A = arith.addf %get3A_3, %get3A_8 : vector<1024x64xf32>
    %get3A_9 = arith.constant 0 : index
    %get3A_10 = arith.constant 0 : index
    %get3A_11 = vector.load %arg2[%get3A_9, %get3A_10] : memref<1024x64xf32, #tpu.memory_space<vmem>>, vector<1024x64xf32>
    %add3A_12 = arith.addf %add3A, %get3A_11 : vector<1024x64xf32>
    %max3A = arith.constant 0.000000e+00 : f32
    %max3A_13 = vector.broadcast %max3A : f32 to vector<1024x64xf32>
    %max3A_14 = arith.maximumf %add3A_12, %max3A_13 : vector<1024x64xf32>
    %swap3A = arith.constant 0 : index
    %swap3A_15 = arith.constant 0 : index
    %swap3A_16 = vector.load %arg4[%swap3A, %swap3A_15] : memref<1024x64xf32, #tpu.memory_space<vmem>>, vector<1024x64xf32>
    tpu.vector_store %arg4[%swap3A, %swap3A_15], %max3A_14 {strides = array<i32>} : memref<1024x64xf32, #tpu.memory_space<vmem>>, vector<1024x64xf32>,
    %get3A_17 = arith.constant 0 : index
    %get3A_18 = arith.constant 0 : index
    %get3A_19 = arith.constant 0 : index
    %get3A_20 = vector.load %arg3[%get3A_17, %get3A_18, %get3A_19] : memref<1x1x1024xi32, #tpu.memory_space<vmem>>, vector<1x1x1024xi32>
    %get3A_21 = vector.shape_cast %get3A_20 : vector<1x1x1024xi32> to vector<1024xi32>
    %iota3A = tpu.iota {dimensions = array<i32: 0>} : vector<256x1024xi32>
    %broadcast_in_dim3A = vector.shape_cast %get3A_21 : vector<1024xi32> to vector<1x1024xi32>
    %eq3A = vector.broadcast %broadcast_in_dim3A : vector<1x1024xi32> to vector<256x1024xi32>
    %eq3A_22 = arith.cmpi eq, %iota3A, %eq3A : vector<256x1024xi32>
    %convert_element_type3A = arith.extui %eq3A_22 : vector<256x1024xi1> to vector<256x1024xi32>
    %convert_element_type3A_23 = arith.sitofp %convert_element_type3A : vector<256x1024xi32> to vector<256x1024xf32>
    %eq3A_24 = arith.constant 0 : i32
    %eq3A_25 = arith.cmpi eq, %arg0, %eq3A_24 : i32
    %convert_element_type3A_26 = arith.extui %eq3A_25 : i1 to i32
    %cond3A = arith.constant 0 : i32
    %cond3A_27 = arith.cmpi ne, %convert_element_type3A_26, %cond3A : i32
    scf.if %cond3A_27 {
      %broadcast_in_dim3A_45 = arith.constant 0.000000e+00 : f32
      %broadcast_in_dim3A_46 = vector.broadcast %broadcast_in_dim3A_45 : f32 to vector<256x64xf32>
      %swap3A_47 = arith.constant 0 : index
      %swap3A_48 = arith.constant 0 : index
      %swap3A_49 = vector.load %arg5[%swap3A_47, %swap3A_48] : memref<256x64xf32, #tpu.memory_space<vmem>>, vector<256x64xf32>
      tpu.vector_store %arg5[%swap3A_47, %swap3A_48], %broadcast_in_dim3A_46 {strides = array<i32>} : memref<256x64xf32, #tpu.memory_space<vmem>>, vector<256x64xf32>,
      %broadcast_in_dim3A_50 = arith.constant 0.000000e+00 : f32
      %broadcast_in_dim3A_51 = vector.broadcast %broadcast_in_dim3A_50 : f32 to vector<256x1xf32>
      %swap3A_52 = arith.constant 0 : index
      %swap3A_53 = arith.constant 0 : index
      %swap3A_54 = vector.load %arg6[%swap3A_52, %swap3A_53] : memref<256x1xf32, #tpu.memory_space<vmem>>, vector<256x1xf32>
      tpu.vector_store %arg6[%swap3A_52, %swap3A_53], %broadcast_in_dim3A_51 {strides = array<i32>} : memref<256x1xf32, #tpu.memory_space<vmem>>, vector<256x1xf32>,
    } else {
    }
    %get3A_28 = arith.constant 0 : index
    %get3A_29 = arith.constant 0 : index
    %get3A_30 = vector.load %arg5[%get3A_28, %get3A_29] : memref<256x64xf32, #tpu.memory_space<vmem>>, vector<256x64xf32>
    %dot_general3A = arith.constant dense<0.000000e+00> : vector<256x64xf32>
    %dot_general3A_31 = tpu.matmul %convert_element_type3A_23, %max3A_14, %dot_general3A {dimension_numbers = #tpu.dot_dimension_numbers<[1], [0], [0], [1], [0, 0, 1, 1], [], []>, transpose_lhs_hint = false} : vector<256x1024xf32>, vector<1024x64xf32>, vector<256x64xf32> -> vector<256x64xf32>
    %add3A_32 = arith.addf %get3A_30, %dot_general3A_31 : vector<256x64xf32>
    %swap3A_33 = arith.constant 0 : index
    %swap3A_34 = arith.constant 0 : index
    %swap3A_35 = vector.load %arg5[%swap3A_33, %swap3A_34] : memref<256x64xf32, #tpu.memory_space<vmem>>, vector<256x64xf32>
    tpu.vector_store %arg5[%swap3A_33, %swap3A_34], %add3A_32 {strides = array<i32>} : memref<256x64xf32, #tpu.memory_space<vmem>>, vector<256x64xf32>,
    %get3A_36 = arith.constant 0 : index
    %get3A_37 = arith.constant 0 : index
    %get3A_38 = vector.load %arg6[%get3A_36, %get3A_37] : memref<256x1xf32, #tpu.memory_space<vmem>>, vector<256x1xf32>
    %reduce_sum3A = arith.constant dense<0.000000e+00> : vector<256xf32>
    %reduce_sum3A_39 = vector.multi_reduction <add>, %convert_element_type3A_23, %reduce_sum3A [1] : vector<256x1024xf32> to vector<256xf32>
    %broadcast_in_dim3A_40 = vector.shape_cast %reduce_sum3A_39 : vector<256xf32> to vector<256x1xf32>
    %add3A_41 = arith.addf %get3A_38, %broadcast_in_dim3A_40 : vector<256x1xf32>
    %swap3A_42 = arith.constant 0 : index
    %swap3A_43 = arith.constant 0 : index
    %swap3A_44 = vector.load %arg6[%swap3A_42, %swap3A_43] : memref<256x1xf32, #tpu.memory_space<vmem>>, vector<256x1xf32>
    tpu.vector_store %arg6[%swap3A_42, %swap3A_43], %add3A_41 {strides = array<i32>} : memref<256x1xf32, #tpu.memory_space<vmem>>, vector<256x1xf32>,
    return
  }
  func.func @transform_0(%arg0: i32) -> (i32, i32, i32) {
    %c0_i32 = arith.constant 0 : i32
    %c0_i32_0 = arith.constant 0 : i32
    %c0_i32_1 = arith.constant 0 : i32
    return %c0_i32, %arg0, %c0_i32_0 : i32, i32, i32
  }
  func.func @transform_1(%arg0: i32) -> (i32, i32) {
    %c0_i32 = arith.constant 0 : i32
    %c0_i32_0 = arith.constant 0 : i32
    return %arg0, %c0_i32 : i32, i32
  }
  func.func @transform_2(%arg0: i32) -> (i32, i32, i32) {
    %c0_i32 = arith.constant 0 : i32
    %c0_i32_0 = arith.constant 0 : i32
    %c0_i32_1 = arith.constant 0 : i32
    return %arg0, %c0_i32, %c0_i32_0 : i32, i32, i32
  }
  func.func @transform_3(%arg0: i32) -> (i32, i32) {
    %c0_i32 = arith.constant 0 : i32
    %c0_i32_0 = arith.constant 0 : i32
    return %arg0, %c0_i32 : i32, i32
  }
  func.func @transform_4(%arg0: i32) -> (i32, i32) {
    %c0_i32 = arith.constant 0 : i32
    %c0_i32_0 = arith.constant 0 : i32
    %c0_i32_1 = arith.constant 0 : i32
    return %c0_i32, %c0_i32_0 : i32, i32
  }
  func.func @transform_5(%arg0: i32) -> (i32, i32) {
    %c0_i32 = arith.constant 0 : i32
    %c0_i32_0 = arith.constant 0 : i32
    %c0_i32_1 = arith.constant 0 : i32
    return %c0_i32, %c0_i32_0 : i32, i32
  }
}

module attributes {stable_mosaic.version = 14 : i64} {
  func.func @body(%arg0: memref<256x64xf32, #tpu.memory_space<vmem>>, %arg1: memref<256x1xf32, #tpu.memory_space<vmem>>, %arg2: memref<256x64xf32, #tpu.memory_space<vmem>>, %arg3: memref<256x1xf32, #tpu.memory_space<vmem>>, %arg4: memref<128x64xf32, #tpu.memory_space<vmem>>, %arg5: memref<1x64xf32, #tpu.memory_space<vmem>>, %arg6: memref<64x32xf32, #tpu.memory_space<vmem>>, %arg7: memref<1x32xf32, #tpu.memory_space<vmem>>, %arg8: memref<32x10xf32, #tpu.memory_space<vmem>>, %arg9: memref<1x10xf32, #tpu.memory_space<vmem>>, %arg10: memref<256x10xf32, #tpu.memory_space<vmem>>) attributes {dimension_semantics = [], scalar_prefetch = 0 : i64, scratch_operands = 0 : i64, tpu.core_type = #tpu.core_type<tc>} {
    %get3A = arith.constant 0 : index
    %get3A_0 = arith.constant 0 : index
    %get3A_1 = vector.load %arg0[%get3A, %get3A_0] : memref<256x64xf32, #tpu.memory_space<vmem>>, vector<256x64xf32>
    %get3A_2 = arith.constant 0 : index
    %get3A_3 = arith.constant 0 : index
    %get3A_4 = vector.load %arg1[%get3A_2, %get3A_3] : memref<256x1xf32, #tpu.memory_space<vmem>>, vector<256x1xf32>
    %max3A = arith.constant 1.000000e+00 : f32
    %max3A_5 = vector.broadcast %max3A : f32 to vector<256x1xf32>
    %max3A_6 = arith.maximumf %get3A_4, %max3A_5 : vector<256x1xf32>
    %div3A = vector.broadcast %max3A_6 : vector<256x1xf32> to vector<256x64xf32>
    %div3A_7 = arith.divf %get3A_1, %div3A : vector<256x64xf32>
    %get3A_8 = arith.constant 0 : index
    %get3A_9 = arith.constant 0 : index
    %get3A_10 = vector.load %arg2[%get3A_8, %get3A_9] : memref<256x64xf32, #tpu.memory_space<vmem>>, vector<256x64xf32>
    %get3A_11 = arith.constant 0 : index
    %get3A_12 = arith.constant 0 : index
    %get3A_13 = vector.load %arg3[%get3A_11, %get3A_12] : memref<256x1xf32, #tpu.memory_space<vmem>>, vector<256x1xf32>
    %max3A_14 = arith.constant 1.000000e+00 : f32
    %max3A_15 = vector.broadcast %max3A_14 : f32 to vector<256x1xf32>
    %max3A_16 = arith.maximumf %get3A_13, %max3A_15 : vector<256x1xf32>
    %div3A_17 = vector.broadcast %max3A_16 : vector<256x1xf32> to vector<256x64xf32>
    %div3A_18 = arith.divf %get3A_10, %div3A_17 : vector<256x64xf32>
    %get3A_19 = arith.constant 0 : index
    %get3A_20 = arith.constant 0 : index
    %get3A_21 = vector.load %arg4[%get3A_19, %get3A_20] : memref<128x64xf32, #tpu.memory_space<vmem>>, vector<64x64xf32>
    %dot_general3A = arith.constant dense<0.000000e+00> : vector<256x64xf32>
    %dot_general3A_22 = tpu.matmul %div3A_7, %get3A_21, %dot_general3A {dimension_numbers = #tpu.dot_dimension_numbers<[1], [0], [0], [1], [0, 0, 1, 1], [], []>, transpose_lhs_hint = false} : vector<256x64xf32>, vector<64x64xf32>, vector<256x64xf32> -> vector<256x64xf32>
    %get3A_23 = arith.constant 64 : index
    %get3A_24 = arith.constant 0 : index
    %get3A_25 = vector.load %arg4[%get3A_23, %get3A_24] : memref<128x64xf32, #tpu.memory_space<vmem>>, vector<64x64xf32>
    %dot_general3A_26 = arith.constant dense<0.000000e+00> : vector<256x64xf32>
    %dot_general3A_27 = tpu.matmul %div3A_18, %get3A_25, %dot_general3A_26 {dimension_numbers = #tpu.dot_dimension_numbers<[1], [0], [0], [1], [0, 0, 1, 1], [], []>, transpose_lhs_hint = false} : vector<256x64xf32>, vector<64x64xf32>, vector<256x64xf32> -> vector<256x64xf32>
    %add3A = arith.addf %dot_general3A_22, %dot_general3A_27 : vector<256x64xf32>
    %get3A_28 = arith.constant 0 : index
    %get3A_29 = arith.constant 0 : index
    %get3A_30 = vector.load %arg5[%get3A_28, %get3A_29] : memref<1x64xf32, #tpu.memory_space<vmem>>, vector<1x64xf32>
    %add3A_31 = vector.broadcast %get3A_30 : vector<1x64xf32> to vector<256x64xf32>
    %add3A_32 = arith.addf %add3A, %add3A_31 : vector<256x64xf32>
    %max3A_33 = arith.constant 0.000000e+00 : f32
    %max3A_34 = vector.broadcast %max3A_33 : f32 to vector<256x64xf32>
    %max3A_35 = arith.maximumf %add3A_32, %max3A_34 : vector<256x64xf32>
    %get3A_36 = arith.constant 0 : index
    %get3A_37 = arith.constant 0 : index
    %get3A_38 = vector.load %arg6[%get3A_36, %get3A_37] : memref<64x32xf32, #tpu.memory_space<vmem>>, vector<64x32xf32>
    %dot_general3A_39 = arith.constant dense<0.000000e+00> : vector<256x32xf32>
    %dot_general3A_40 = tpu.matmul %max3A_35, %get3A_38, %dot_general3A_39 {dimension_numbers = #tpu.dot_dimension_numbers<[1], [0], [0], [1], [0, 0, 1, 1], [], []>, transpose_lhs_hint = false} : vector<256x64xf32>, vector<64x32xf32>, vector<256x32xf32> -> vector<256x32xf32>
    %get3A_41 = arith.constant 0 : index
    %get3A_42 = arith.constant 0 : index
    %get3A_43 = vector.load %arg7[%get3A_41, %get3A_42] : memref<1x32xf32, #tpu.memory_space<vmem>>, vector<1x32xf32>
    %add3A_44 = vector.broadcast %get3A_43 : vector<1x32xf32> to vector<256x32xf32>
    %add3A_45 = arith.addf %dot_general3A_40, %add3A_44 : vector<256x32xf32>
    %max3A_46 = arith.constant 0.000000e+00 : f32
    %max3A_47 = vector.broadcast %max3A_46 : f32 to vector<256x32xf32>
    %max3A_48 = arith.maximumf %add3A_45, %max3A_47 : vector<256x32xf32>
    %get3A_49 = arith.constant 0 : index
    %get3A_50 = arith.constant 0 : index
    %get3A_51 = vector.load %arg8[%get3A_49, %get3A_50] : memref<32x10xf32, #tpu.memory_space<vmem>>, vector<32x10xf32>
    %dot_general3A_52 = arith.constant dense<0.000000e+00> : vector<256x10xf32>
    %dot_general3A_53 = tpu.matmul %max3A_48, %get3A_51, %dot_general3A_52 {dimension_numbers = #tpu.dot_dimension_numbers<[1], [0], [0], [1], [0, 0, 1, 1], [], []>, transpose_lhs_hint = false} : vector<256x32xf32>, vector<32x10xf32>, vector<256x10xf32> -> vector<256x10xf32>
    %get3A_54 = arith.constant 0 : index
    %get3A_55 = arith.constant 0 : index
    %get3A_56 = vector.load %arg9[%get3A_54, %get3A_55] : memref<1x10xf32, #tpu.memory_space<vmem>>, vector<1x10xf32>
    %add3A_57 = vector.broadcast %get3A_56 : vector<1x10xf32> to vector<256x10xf32>
    %add3A_58 = arith.addf %dot_general3A_53, %add3A_57 : vector<256x10xf32>
    %reduce_max3A = arith.constant dense<0xFF800000> : vector<256xf32>
    %reduce_max3A_59 = vector.multi_reduction <maximumf>, %add3A_58, %reduce_max3A [1] : vector<256x10xf32> to vector<256xf32>
    %broadcast_in_dim3A = vector.shape_cast %reduce_max3A_59 : vector<256xf32> to vector<256x1xf32>
    %sub3A = vector.broadcast %broadcast_in_dim3A : vector<256x1xf32> to vector<256x10xf32>
    %sub3A_60 = arith.subf %add3A_58, %sub3A : vector<256x10xf32>
    %exp3A = math.exp %sub3A_60 : vector<256x10xf32>
    %reduce_sum3A = arith.constant dense<0.000000e+00> : vector<256xf32>
    %reduce_sum3A_61 = vector.multi_reduction <add>, %exp3A, %reduce_sum3A [1] : vector<256x10xf32> to vector<256xf32>
    %broadcast_in_dim3A_62 = vector.shape_cast %reduce_sum3A_61 : vector<256xf32> to vector<256x1xf32>
    %log3A = math.log %broadcast_in_dim3A_62 : vector<256x1xf32>
    %sub3A_63 = vector.broadcast %log3A : vector<256x1xf32> to vector<256x10xf32>
    %sub3A_64 = arith.subf %sub3A_60, %sub3A_63 : vector<256x10xf32>
    %swap3A = arith.constant 0 : index
    %swap3A_65 = arith.constant 0 : index
    %swap3A_66 = vector.load %arg10[%swap3A, %swap3A_65] : memref<256x10xf32, #tpu.memory_space<vmem>>, vector<256x10xf32>
    tpu.vector_store %arg10[%swap3A, %swap3A_65], %sub3A_64 {strides = array<i32>} : memref<256x10xf32, #tpu.memory_space<vmem>>, vector<256x10xf32>,
    return
  }
}

</mosaic_0001>

<sc_bundles>
// kernel: kernel.16.cloned.1.call-start
scs
__scs_entry_jumppad:
0x0: {  	(pc) =	sbr.rel $0x88, $3  }
0x1: {  	(tag) =	ssettag $0x0;
	lr =	simm.s32 $0x1  }
0x2: {  	[smem:$0x3F85] =	sst lr;
	_ =	strace $0xD0000000  }
0x3: {  	_ = 	snop  }
0x4: {  	_ = 	snop  }
0x5: {  	_ = 	snop  }
0x6: {  	_ = 	snop  }
0x7: {  	_ = 	snop  }
__scs_overlays_trampoline_lowered:
0x8: {  	[smem:$0x3F94] =	sst s0  }
0x9: {  	[smem:$0x3F95] =	sst s1  }
0xa: {  	[smem:$0x3F96] =	sst s2  }
0xb: {  	[smem:$0x3F97] =	sst s3  }
0xc: {  	[smem:$0x3F98] =	sst s4  }
0xd: {  	[smem:$0x3F99] =	sst s5  }
0xe: {  	[smem:$0x3F9A] =	sst s6  }
0xf: {  	[smem:$0x3F9B] =	sst s7  }
0x10: {  	[smem:$0x3F9C] =	sst s8  }
0x11: {  	[smem:$0x3F9D] =	sst s9;
	s0 =	simm.s32 @!p0 $0x0  }
0x12: {  	s1 =	sld [smem:$0x3F83];
	s0 =	simm.s32 @p0 $0x1  }
0x13: {  	[smem:$0x3F9E] =	sst s0;
	s0 =	simm.s32 @!p1 $0x0  }
0x14: {  	s2 =	sld [smem:$0x3F82];
	s0 =	simm.s32 @p1 $0x1  }
0x15: {  	[smem:$0x3F9F] =	sst s0;
	s0 =	simm.s32 @!p2 $0x0  }
0x16: {  	s3 =	sld [smem:$0x3FDB];
	s0 =	simm.s32 @p2 $0x1  }
0x17: {  	s4 =	simm.s32 $0x1BF5;
	[smem:$0x3FA1] =	sst s0  }
0x18: {  	s0 =	sld [smem:$0x3F84];
	_ =	swait.ge [sflag:s4], $0x0  }
0x19: {  	s7 =	sld [smem:$0x3F85]  }
0x1a: {  	s8 =	sadd.s32 $0xFFFFE003, lr  }
0x1b: {  	s9 =	sadd.s32 $0xFFFFFEF7, lr;
	s5 =	simm.s32 $0xFFFFFFFF;
	p2 =	slt.u32 s8, $0xFFFFF086  }
0x1c: {  	p1 =	slt.u32 s9, $0xF7A;
	s5 =	simm.s32 @!p2 $0x0  }
0x1d: {  	s5 =	simm.s32 @p1 $0x1;
	p0 =	seq.s32 s7, s2  }
0x1e: {  	s7 =	smul.u32 @!p0 $0xF7A, s2;
	p2 =	seq.s32 @!p0 s5, $0x0  }
0x1f: {  	s9 =	smul.u32 $0xF7A, s1;
	s8 =	simm.s32 @!p0 $0x1BF5;
	p2 =	por !p2, p0  }
0x20: {  	[sflag:s8] =	ssyncset.s32 @!p0 $0xFFFFF086;
	s6 =	sadd.s32 @!p0 s3, s7;
	s7 =	simm.s32 @!p0 $0x108  }
0x21: {  	s3 =	sadd.s32 s3, s9;
	s6 =	sadd.s32 @!p0 $0x88, s6;
	s7 =	simm.s32 @p2 $0x1082  }
0x22: {  	[simem:s7], [sflag:s8] =	dma.local @!p0 [hbm:s6], $0xF7A  }
0x23: {  	s9 =	sor.u32 $0xD0000000, s2;
	s6 =	simm.s32 $0x108;
	_ =	swait.ge @!p0 [sflag:s8], $0x0  }
0x24: {  	s3 =	sadd.s32 $0x88, s3;
	s6 =	simm.s32 @!p1 $0x1082;
	[sflag:s4] =	ssyncset.s32 $0xFFFFF086  }
0x25: {  	[simem:s6], [sflag:s4] =	dma.local [hbm:s3], $0xF7A  }
0x26: {  	[smem:$0x3F85] =	sst s1;
	(tag) =	ssettag s2;
	_ =	strace s9  }
0x27: {  	s1 =	sld [smem:$0x3F95]  }
0x28: {  	s2 =	sld [smem:$0x3F96]  }
0x29: {  	s4 =	sld [smem:$0x3F98]  }
0x2a: {  	p0 =	seq.s32 s5, $0x0;
	s5 =	sld [smem:$0x3F99]  }
0x2b: {  	s6 =	sld [smem:$0x3F9A]  }
0x2c: {  	s7 =	sld [smem:$0x3F9B]  }
0x2d: {  	s3 =	simm.s32 $0x108;
	s8 =	sld [smem:$0x3F9C]  }
0x2e: {  	s3 =	simm.s32 @!p0 $0x1082;
	s9 =	sld [smem:$0x3F9D]  }
0x2f: {  	lr =	sadd.s32 s0, s3;
	s0 =	sld [smem:$0x3F94]  }
0x30: {  	s3 =	sld [smem:$0x3F97]  }
0x31: {  	[smem:$0x3FA0] =	sst s10  }
0x32: {  	s10 =	sld [smem:$0x3F9E];
	_ =	sdelay $0x3  }
0x33: {  	p0 =	seq.s32 s10, $0x1;
	s10 =	sld [smem:$0x3FA0];
	_ =	sdelay $0x3  }
0x34: {  	[smem:$0x3FA0] =	sst s10  }
0x35: {  	s10 =	sld [smem:$0x3F9F];
	_ =	sdelay $0x3  }
0x36: {  	p1 =	seq.s32 s10, $0x1;
	s10 =	sld [smem:$0x3FA0];
	_ =	sdelay $0x3  }
0x37: {  	[smem:$0x3FA0] =	sst s10  }
0x38: {  	s10 =	sld [smem:$0x3FA1]  }
0x39: {  	_ = 	snop;
	(pc) =	sbr.ind lr, $3  }
0x3a: {  	_ = 	snop  }
0x3b: {  	_ = 	snop  }
0x3c: {  	p2 =	seq.s32 s10, $0x1;
	s10 =	sld [smem:$0x3FA0]  }
0x3d: {  	_ =	shalt  }
0x3e: {  	_ =	shalt  }
0x3f: {  	_ =	shalt  }
0x40: {  	_ =	shalt  }
0x41: {  	_ =	shalt  }
0x42: {  	_ =	shalt  }
0x43: {  	_ =	shalt  }
0x44: {  	_ =	shalt  }
0x45: {  	_ =	shalt  }
0x46: {  	_ =	shalt  }
0x47: {  	_ =	shalt  }
0x48: {  	_ =	shalt  }
0x49: {  	_ =	shalt  }
0x4a: {  	_ =	shalt  }
0x4b: {  	_ =	shalt  }
0x4c: {  	_ =	shalt  }
0x4d: {  	_ =	shalt  }
0x4e: {  	_ =	shalt  }
0x4f: {  	_ =	shalt  }
0x50: {  	_ =	shalt  }
0x51: {  	_ =	shalt  }
0x52: {  	_ =	shalt  }
0x53: {  	_ =	shalt  }
0x54: {  	_ =	shalt  }
0x55: {  	_ =	shalt  }
0x56: {  	_ =	shalt  }
0x57: {  	_ =	shalt  }
0x58: {  	_ =	shalt  }
0x59: {  	_ =	shalt  }
0x5a: {  	_ =	shalt  }
0x5b: {  	_ =	shalt  }
0x5c: {  	_ =	shalt  }
0x5d: {  	_ =	shalt  }
0x5e: {  	_ =	shalt  }
0x5f: {  	_ =	shalt  }
0x60: {  	_ =	shalt  }
0x61: {  	_ =	shalt  }
0x62: {  	_ =	shalt  }
0x63: {  	_ =	shalt  }
0x64: {  	_ =	shalt  }
0x65: {  	_ =	shalt  }
0x66: {  	_ =	shalt  }
0x67: {  	_ =	shalt  }
0x68: {  	_ =	shalt  }
0x69: {  	_ =	shalt  }
0x6a: {  	_ =	shalt  }
0x6b: {  	_ =	shalt  }
0x6c: {  	_ =	shalt  }
0x6d: {  	_ =	shalt  }
0x6e: {  	_ =	shalt  }
0x6f: {  	_ =	shalt  }
0x70: {  	_ =	shalt  }
0x71: {  	_ =	shalt  }
0x72: {  	_ =	shalt  }
0x73: {  	_ =	shalt  }
0x74: {  	_ =	shalt  }
0x75: {  	_ =	shalt  }
0x76: {  	_ =	shalt  }
0x77: {  	_ =	shalt  }
0x78: {  	_ =	shalt  }
0x79: {  	_ =	shalt  }
0x7a: {  	_ =	shalt  }
0x7b: {  	_ =	shalt  }
0x7c: {  	_ =	shalt  }
0x7d: {  	_ =	shalt  }
0x7e: {  	_ =	shalt  }
0x7f: {  	_ =	shalt  }
0x80: {  	_ =	shalt  }
0x81: {  	_ =	shalt  }
0x82: {  	_ =	shalt  }
0x83: {  	_ =	shalt  }
0x84: {  	_ =	shalt  }
0x85: {  	_ =	shalt  }
0x86: {  	_ =	shalt  }
0x87: {  	_ =	shalt  }
.Lfunc_end0:
.L_simem_size_0:
called_computation_lowered:
.L_overlay_start_0:
0x88: {  	s2 =	sld [smem:$0x3FD9]  }
0x89: {  	s3 =	sld [smem:$0x3FFE];
	_ =	sdelay $0x1  }
0x8a: {  	s1 =	srdreg.scid  }
0x8b: {  	s0 =	sand.u32 $0x1, s1  }
0x8c: {  	s16 =	sshll.u32 s0, $0xA;
	s2 =	sadd.s32 s3, s2  }
0x8d: {  	s2 =	sadd.s32 s2, s16  }
0x8e: {  	[smem:$0x3FAC] =	sst s2  }
0x8f: {  	_ = 	snop  }
0x90: {  	(tm) =	ssettm $0x1  }
0x91: {  	s17 =	sld [smem:$0x3FFB];
	_ =	sdelay $0x3  }
0x92: {  	_ =	strace s17  }
0x93: {  	s2 =	sld [smem:$0x3FFC];
	_ =	sdelay $0x3  }
0x94: {  	_ =	strace s2  }
0x95: {  	s2 =	sld [smem:$0x3FFD];
	_ =	sdelay $0x3  }
0x96: {  	_ =	strace s2  }
0x97: {  	_ =	strace $0x8FFFFFFF  }
0x98: {  	s18 =	sld [smem:$0x3FDB];
	_ =	sdelay $0x1  }
0x99: {  	s19 =	simm.s32 $_scs_section_size  }
0x9a: {  	s4 =	simm.s32 $_size__tile_overlayer_lowered;
	s5 =	simm.s32 $_tile_overlayer_lowered  }
0x9b: {  	s22 =	simm.s32 $0x1BFF;
	s21 =	sshll.u32 s5, $0x1;
	s2 =	sadd.s32 s19, s18  }
0x9c: {  	s6 =	simm.s32 $0x0;
	s20 =	sshll.u32 s4, $0x1;
	s4 =	sadd.s32 s21, s2  }
0x9d: {  	[timem:s6], [sflag:s22] =	dma.local [hbm:s4], s20  }
0x9e: {  	_ =	swait.ge [sflag:s22], s20  }
0x9f: {  	s3 =	ssub.s32 $0x0, s20;
	[sflag:s22] =	ssyncset.done $0x0  }
0xa0: {  	[sflag:s22] =	ssyncadd.s32 s3;
	_ =	sdelay $0x1  }
0xa1: {  	s23 =	simm.s32 $0x1B8B  }
0xa2: {  	_ =	swait.ge [sflag:s23], $0x1  }
0xa3: {  	[sflag:s23] =	ssyncset.done $0x0  }
0xa4: {  	s25 =	simm.s32 $0x1B8E;
	s24 =	sld [smem:$0x3FFE];
	[sflag:s23] =	ssyncadd.s32 $0xFFFFFFFF  }
0xa5: {  	s26 =	simm.s32 $execute0_lowered;
	[smem:$0x3FD2] =	sst s25  }
0xa6: {  	s4 =	sshll.u32 s26, $0x1;
	_ =	strace $0x80000046;
	[dreg:$0x1] =	wrdreg $0xFFFFFFFF  }
0xa7: {  	s28 =	simm.s32 $_size_execute0_lowered;
	s2 =	sadd.s32 s2, s4;
	[dreg:$0x0] =	wrdreg $0x0  }
0xa8: {  	s4 =	sshll.u32 s28, $0x1;
	[dreg:$0x2] =	wrdreg s2  }
0xa9: {  	[dreg:$0x3] =	wrdreg s4  }
0xaa: {  	[dreg:$0x4] =	wrdreg $0xC0  }
0xab: {  	_ =	task [dreg:s6], $0x5FFFF  }
0xac: {  	[dreg:$0x1] =	wrdreg $0xFFFFFFFF  }
0xad: {  	[dreg:$0x0] =	wrdreg $0x60  }
0xae: {  	[dreg:$0x2] =	wrdreg s24  }
0xaf: {  	[dreg:$0x3] =	wrdreg $0x108000  }
0xb0: {  	[dreg:$0x4] =	wrdreg $0x9  }
0xb1: {  	_ =	task.clear_ibuf [dreg:s6], $0x5FFFF;
	_ =	strace $0x90000046  }
0xb2: {  	s29 =	simm.s32 $0x9;
	_ =	strace $0x80000048  }
0xb3: {  	_ =	swait.ge [sflag:s29], $0x1  }
0xb4: {  	[sflag:s29] =	ssyncadd.s32 $0xFFFFFFFF  }
0xb5: {  	_ =	strace $0x90000048  }
0xb6: {  	_ =	sfence  }
0xb7: {  	s30 =	sld [smem:$0x0];
	_ =	sdelay $0x2  }
0xb8: {  	s31 =	sshll.u32 s1, $0xD;
	s1 =	sshrl.u32 s1, $0x2  }
0xb9: {  	s3 =	sand.u32 $0x4000, s31;
	s1 =	sadd.s32 s1, s30  }
0xba: {  	s0 =	sor.u32 s3, s0;
	s1 =	sshll.u32 s1, $0x11  }
0xbb: {  	s0 =	sor.u32 s1, s0  }
0xbc: {  	s0 =	sadd.s32 $0x8F2B, s0  }
0xbd: {  	[sflag:s0] =	ssyncadd.remote.s32 $0x1  }
0xbe: {  	_ =	sfence.sel $0xFFFF  }
0xbf: {  	[dreg:$0x0] =	wrdreg $0xFFFFFFFF;
	(pc) =	sbr.abs _section_cstart, $3  }
0xc0: {  	[dreg:$0x1] =	wrdreg $0xFFFFFFFF  }
0xc1: {  	_ =	task.clear_ibuf [dreg:s6], $0x2FFFF;
	_ =	strace $0x9FFFFFFF  }
0xc2: {  	(tm) =	ssettm $0x7FFFFFFF  }
0xc3: {  	_ =	shalt  }
tec
execute0_lowered:
.L_overlay_start_1:
0x0: {  	(tag) =	ssettag $0x1  }
0x1: {  	s0 =	rddreg [dreg:$0x0]  }
0x2: {  	s1 =	srdreg.scid;
	s2 =	rddreg [dreg:$0x1]  }
0x3: {  	s12 =	stileid.u32;
	s15 =	simm.s32 $0x0;
	s17 =	simm.s32 $0x800  }
0x4: {  	s23 =	simm.s32 $0x4800;
	s28 =	simm.s32 $0xC800;
	s30 =	simm.s32 $0xE800  }
0x5: {  	s14 =	simm.s32 $0xA;
	s1 =	sand.u32 $0x1, s1;
	s7 =	smul.u32 $0xA000, s12  }
0x6: {  	[smem:$0x7FF] =	sst s15;
	s4 =	sadd.s32 $0x5800, s0;
	s21 =	smul.u32 $0x5000, s12  }
0x7: {  	s8 =	sadd.s32 $0x19800, s0;
	s9 =	sadd.s32 $0x2D800, s0;
	s11 =	smul.u32 $0xA00, s12  }
0x8: {  	s31 =	sshll.u32 s12, $0x6;
	s3 =	sshll.u32 s1, $0x4;
	s5 =	smul.u32 $0x14000, s1  }
0x9: {  	_ =	strace $0x80000047;
	[dreg:$0x5] =	wrdreg s9;
	s10 =	smul.u32 $0xA000, s1  }
0xa: {  	s19 =	ssub.s32 $0x2, s1;
	s1 =	smul.u32 $0x50000, s1;
	s9 =	simm.s32 $0x9  }
0xb: {  	s3 =	sor.u32 s12, s3;
	s20 =	sshrl.u32 s19, $0x1;
	s22 =	sadd.s32 s7, s2  }
0xc: {  	s24 =	sshrl.u32 s7, $0x3;
	s12 =	sor.u32 $0x1C0B, s31;
	s6 =	smul.u32 $0xA00, s3  }
0xd: {  	s7 =	simm.s32 $0x2;
	s3 =	smul.u32 $0x5000, s3;
	s0 =	sadd.s32 s5, s0  }
0xe: {  	s5 =	ssub.s32 s19, s20;
	s10 =	sadd.s32 s10, s8;
	s1 =	sadd.s32 s21, s1  }
0xf: {  	s20 =	simm.s32 $0x1;
	s21 =	simm.s32 $0x400;
	[dreg:$0xa] =	wrdreg s12  }
0x10: {  	s0 =	sadd.s32 $0x2EC00, s0;
	s25 =	sadd.s32 s11, s10;
	s1 =	sadd.s32 $0x1000, s1  }
0x11: {  	s5 =	smax.u32 s5, $0x1;
	s10 =	simm.s32 $0xB;
	s11 =	simm.s32 $0x80  }
0x12: {  	s13 =	sadd.s32 s8, s6;
	[dreg:$0x7] =	wrdreg s5;
	s26 =	sadd.s32 $0x180, s25  }
0x13: {  	s3 =	sor.u32 $0x800, s3;
	s1 =	sshrl.u32 s1, $0x3;
	[dreg:$0x3] =	wrdreg s26  }
0x14: {  	s0 =	sadd.s32 s24, s0;
	s25 =	simm.s32 $0xA800;
	[dreg:$0x6] =	wrdreg s13  }
0x15: {  	s6 =	simm.s32 $0x7;
	s29 =	sadd.s32 $0x80, s13;
	[dreg:$0xc] =	wrdreg s0  }
0x16: {  	s3 =	sshrl.u32 s3, $0x3;
	s1 =	sadd.s32 s1, s8;
	[dreg:$0x8] =	wrdreg s29  }
0x17: {  	s13 =	simm.s32 $0x2800;
	s26 =	sshrl.u32 s22, $0x3;
	[dreg:$0x4] =	wrdreg s1  }
0x18: {  	s22 =	simm.s32 $0x8800;
	s3 =	sadd.s32 s8, s3;
	[dreg:$0xb] =	wrdreg s26  }
0x19: {  	s0 =	simm.s32 $0x0;
	s8 =	simm.s32 $0x8;
	[dreg:$0x9] =	wrdreg s3  }
.LBB2_1:
0x1a: {  	[dreg:$0xd] =	wrdreg s0  }
0x1b: {  	s3 =	rddreg [dreg:$0x6]  }
0x1c: {  	[tilespmem:s15], [sflag:$0xB] =	stream.linear.gather [hbm4b:s3+s15], $0x400, $0x38;
	[tilespmem:$0x1A800] =	vst v63  }
0x1d: {  	_ =	swait.ge [sflag:s10], $0x400  }
0x1e: {  	[sflag:s10] =	ssyncset.done $0x0  }
0x1f: {  	[sflag:s10] =	ssyncadd.s32 $0xFFFFFC00  }
0x20: {  	[tilespmem:s17], [sflag:$0x1] =	stream.indirect.gather [hbm4b:s4+s11], $0x40, s15, s11, $0xb8;
	[tilespmem:$0x1A800] =	vst v63  }
0x21: {  	_ = 	snop  }
0x22: {  	[tilespmem:s13], [sflag:$0x1] =	stream.indirect.gather [hbm4b:s4+s11], $0x40, s11, s11, $0xb8;
	[tilespmem:$0x1A800] =	vst v63  }
0x23: {  	s24 =	simm.s32 $0x100  }
0x24: {  	[tilespmem:s23], [sflag:$0x1] =	stream.indirect.gather [hbm4b:s4+s11], $0x40, s24, s11, $0xb8;
	[tilespmem:$0x1A800] =	vst v63  }
0x25: {  	s19 =	simm.s32 $0x180;
	s1 =	simm.s32 $0x6800;
	s0 =	rddreg [dreg:$0x5]  }
0x26: {  	[tilespmem:s1], [sflag:$0x1] =	stream.indirect.gather [hbm4b:s4+s11], $0x40, s19, s11, $0xb8;
	[tilespmem:$0x1A800] =	vst v63  }
0x27: {  	[spmem:s26], [sflag:s12] =	dma.local [hbm:s0], $0x1400  }
0x28: {  	_ =	swait.ge [sflag:s10], $0x1400  }
0x29: {  	[sflag:s10] =	ssyncset.done $0x0  }
0x2a: {  	[sflag:s10] =	ssyncadd.s32 $0xFFFFEC00  }
0x2b: {  	[bflag:$0x0] =	sbarrier.arrive $0xFFFF  }
0x2c: {  	_ =	swait.ge [sflag:s20], $0x8000  }
0x2d: {  	[sflag:s20] =	ssyncset.done $0x0  }
0x2e: {  	s5 =	rddreg [dreg:$0x8];
	[sflag:s20] =	ssyncadd.s32 $0xFFFF8000  }
0x2f: {  	[tilespmem:s21], [sflag:$0xB] =	stream.linear.gather [hbm4b:s5+s15], $0x400, $0x38;
	[tilespmem:$0x1A800] =	vst v63  }
0x30: {  	_ =	swait.ge [sflag:s10], $0x400  }
0x31: {  	[sflag:s10] =	ssyncset.done $0x0  }
0x32: {  	[sflag:s10] =	ssyncadd.s32 $0xFFFFFC00  }
0x33: {  	[tilespmem:s22], [sflag:$0x2] =	stream.indirect.gather [hbm4b:s4+s11], $0x40, s21, s11, $0xb8;
	[tilespmem:$0x1A800] =	vst v63  }
0x34: {  	s5 =	simm.s32 $0x480  }
0x35: {  	[tilespmem:s25], [sflag:$0x2] =	stream.indirect.gather [hbm4b:s4+s11], $0x40, s5, s11, $0xb8;
	[tilespmem:$0x1A800] =	vst v63  }
0x36: {  	s0 =	simm.s32 $0x500  }
0x37: {  	[tilespmem:s28], [sflag:$0x2] =	stream.indirect.gather [hbm4b:s4+s11], $0x40, s0, s11, $0xb8;
	[tilespmem:$0x1A800] =	vst v63  }
0x38: {  	s18 =	simm.s32 $0x580  }
0x39: {  	[tilespmem:s30], [sflag:$0x2] =	stream.indirect.gather [hbm4b:s4+s11], $0x40, s18, s11, $0xb8;
	[tilespmem:$0x1A800] =	vst v63  }
0x3a: {  	s19 =	simm.s32 $0x200  }
0x3b: {  	[spmem:s2] =	stream.indirect.scatter.add.f32 [tilespmem:s17], [sflag:$0x3], $0x40, s19, s11, $0xb8;
	[tilespmem:$0x1A800] =	vst v63  }
0x3c: {  	s29 =	simm.s32 $0x280  }
0x3d: {  	[spmem:s2] =	stream.indirect.scatter.add.f32 [tilespmem:s13], [sflag:$0x4], $0x40, s29, s11, $0xb8;
	[tilespmem:$0x1A800] =	vst v63  }
0x3e: {  	s31 =	simm.s32 $0x300  }
0x3f: {  	[spmem:s2] =	stream.indirect.scatter.add.f32 [tilespmem:s23], [sflag:$0x5], $0x40, s31, s11, $0xb8;
	[tilespmem:$0x1A800] =	vst v63  }
0x40: {  	s16 =	simm.s32 $0x380  }
0x41: {  	[spmem:s2] =	stream.indirect.scatter.add.f32 [tilespmem:s1], [sflag:$0x6], $0x40, s16, s11, $0xb8;
	[tilespmem:$0x1A800] =	vst v63  }
0x42: {  	_ =	swait.ge [sflag:s7], $0x8000  }
0x43: {  	[sflag:s7] =	ssyncset.done $0x0  }
0x44: {  	s3 =	simm.s32 $0x3;
	[sflag:s7] =	ssyncadd.s32 $0xFFFF8000  }
0x45: {  	_ =	swait.ge [sflag:s3], $0x2000  }
0x46: {  	[sflag:s3] =	ssyncset.done $0x0  }
0x47: {  	s12 =	simm.s32 $0x4;
	[sflag:s3] =	ssyncadd.s32 $0xFFFFE000  }
0x48: {  	_ =	swait.ge [sflag:s12], $0x2000  }
0x49: {  	[sflag:s12] =	ssyncset.done $0x0  }
0x4a: {  	s26 =	simm.s32 $0x5;
	[sflag:s12] =	ssyncadd.s32 $0xFFFFE000  }
0x4b: {  	_ =	swait.ge [sflag:s26], $0x2000  }
0x4c: {  	[sflag:s26] =	ssyncset.done $0x0  }
0x4d: {  	s12 =	simm.s32 $0x6;
	[sflag:s26] =	ssyncadd.s32 $0xFFFFE000  }
0x4e: {  	_ =	swait.ge [sflag:s12], $0x2000  }
0x4f: {  	[sflag:s12] =	ssyncset.done $0x0  }
0x50: {  	s16 =	rddreg [dreg:$0x9];
	[sflag:s12] =	ssyncadd.s32 $0xFFFFE000  }
0x51: {  	[tilespmem:s15], [sflag:$0xB] =	stream.linear.gather [hbm4b:s16+s15], $0x400, $0x38;
	[tilespmem:$0x1A800] =	vst v63  }
0x52: {  	_ =	swait.ge [sflag:s10], $0x400  }
0x53: {  	[sflag:s10] =	ssyncset.done $0x0  }
0x54: {  	[sflag:s10] =	ssyncadd.s32 $0xFFFFFC00  }
0x55: {  	[tilespmem:s17], [sflag:$0x1] =	stream.indirect.gather [hbm4b:s4+s11], $0x40, s15, s11, $0xb8;
	[tilespmem:$0x1A800] =	vst v63  }
0x56: {  	_ = 	snop  }
0x57: {  	[tilespmem:s13], [sflag:$0x1] =	stream.indirect.gather [hbm4b:s4+s11], $0x40, s11, s11, $0xb8;
	[tilespmem:$0x1A800] =	vst v63  }
0x58: {  	_ = 	snop  }
0x59: {  	[tilespmem:s23], [sflag:$0x1] =	stream.indirect.gather [hbm4b:s4+s11], $0x40, s24, s11, $0xb8;
	[tilespmem:$0x1A800] =	vst v63  }
0x5a: {  	s26 =	simm.s32 $0x180  }
0x5b: {  	[tilespmem:s1], [sflag:$0x1] =	stream.indirect.gather [hbm4b:s4+s11], $0x40, s26, s11, $0xb8;
	[tilespmem:$0x1A800] =	vst v63  }
0x5c: {  	s26 =	simm.s32 $0x600  }
0x5d: {  	[spmem:s2] =	stream.indirect.scatter.add.f32 [tilespmem:s22], [sflag:$0x7], $0x40, s26, s11, $0xb8;
	[tilespmem:$0x1A800] =	vst v63  }
0x5e: {  	s12 =	simm.s32 $0x680  }
0x5f: {  	[spmem:s2] =	stream.indirect.scatter.add.f32 [tilespmem:s25], [sflag:$0x8], $0x40, s12, s11, $0xb8;
	[tilespmem:$0x1A800] =	vst v63  }
0x60: {  	s16 =	simm.s32 $0x700  }
0x61: {  	[spmem:s2] =	stream.indirect.scatter.add.f32 [tilespmem:s28], [sflag:$0x9], $0x40, s16, s11, $0xb8;
	[tilespmem:$0x1A800] =	vst v63  }
0x62: {  	s24 =	simm.s32 $0x780  }
0x63: {  	[spmem:s2] =	stream.indirect.scatter.add.f32 [tilespmem:s30], [sflag:$0xA], $0x40, s24, s11, $0xb8;
	[tilespmem:$0x1A800] =	vst v63  }
0x64: {  	_ =	swait.ge [sflag:s20], $0x8000  }
0x65: {  	[sflag:s20] =	ssyncset.done $0x0  }
0x66: {  	[sflag:s20] =	ssyncadd.s32 $0xFFFF8000  }
0x67: {  	_ =	swait.ge [sflag:s6], $0x2000  }
0x68: {  	[sflag:s6] =	ssyncset.done $0x0  }
0x69: {  	[sflag:s6] =	ssyncadd.s32 $0xFFFFE000  }
0x6a: {  	_ =	swait.ge [sflag:s8], $0x2000  }
0x6b: {  	[sflag:s8] =	ssyncset.done $0x0  }
0x6c: {  	[sflag:s8] =	ssyncadd.s32 $0xFFFFE000  }
0x6d: {  	_ =	swait.ge [sflag:s9], $0x2000  }
0x6e: {  	[sflag:s9] =	ssyncset.done $0x0  }
0x6f: {  	[sflag:s9] =	ssyncadd.s32 $0xFFFFE000  }
0x70: {  	_ =	swait.ge [sflag:s14], $0x2000  }
0x71: {  	s12 =	rddreg [dreg:$0x3];
	[sflag:s14] =	ssyncset.done $0x0  }
0x72: {  	[sflag:s14] =	ssyncadd.s32 $0xFFFFE000;
	s3 =	sadd.s32 $0x0, s12  }
0x73: {  	[tilespmem:s21], [sflag:$0xB] =	stream.linear.gather [hbm4b:s3+s15], $0x400, $0x38;
	[tilespmem:$0x1A800] =	vst v63  }
0x74: {  	_ =	swait.ge [sflag:s10], $0x400  }
0x75: {  	[sflag:s10] =	ssyncset.done $0x0  }
0x76: {  	[sflag:s10] =	ssyncadd.s32 $0xFFFFFC00  }
0x77: {  	[tilespmem:s22], [sflag:$0x2] =	stream.indirect.gather [hbm4b:s4+s11], $0x40, s21, s11, $0xb8;
	[tilespmem:$0x1A800] =	vst v63  }
0x78: {  	_ = 	snop  }
0x79: {  	[tilespmem:s25], [sflag:$0x2] =	stream.indirect.gather [hbm4b:s4+s11], $0x40, s5, s11, $0xb8;
	[tilespmem:$0x1A800] =	vst v63  }
0x7a: {  	_ = 	snop  }
0x7b: {  	[tilespmem:s28], [sflag:$0x2] =	stream.indirect.gather [hbm4b:s4+s11], $0x40, s0, s11, $0xb8;
	[tilespmem:$0x1A800] =	vst v63  }
0x7c: {  	_ = 	snop  }
0x7d: {  	[tilespmem:s30], [sflag:$0x2] =	stream.indirect.gather [hbm4b:s4+s11], $0x40, s18, s11, $0xb8;
	[tilespmem:$0x1A800] =	vst v63  }
0x7e: {  	_ = 	snop  }
0x7f: {  	[spmem:s2] =	stream.indirect.scatter.add.f32 [tilespmem:s17], [sflag:$0x3], $0x40, s19, s11, $0xb8;
	[tilespmem:$0x1A800] =	vst v63  }
0x80: {  	_ = 	snop  }
0x81: {  	[spmem:s2] =	stream.indirect.scatter.add.f32 [tilespmem:s13], [sflag:$0x4], $0x40, s29, s11, $0xb8;
	[tilespmem:$0x1A800] =	vst v63  }
0x82: {  	_ = 	snop  }
0x83: {  	[spmem:s2] =	stream.indirect.scatter.add.f32 [tilespmem:s23], [sflag:$0x5], $0x40, s31, s11, $0xb8;
	[tilespmem:$0x1A800] =	vst v63  }
0x84: {  	s13 =	simm.s32 $0x380  }
0x85: {  	[spmem:s2] =	stream.indirect.scatter.add.f32 [tilespmem:s1], [sflag:$0x6], $0x40, s13, s11, $0xb8;
	[tilespmem:$0x1A800] =	vst v63  }
0x86: {  	_ =	swait.ge [sflag:s7], $0x8000  }
0x87: {  	p0 =	por $0x0, $0x0;
	[sflag:s7] =	ssyncset.done $0x0  }
0x88: {  	s3 =	simm.s32 @!p0 $0x3;
	[sflag:s7] =	ssyncadd.s32 $0xFFFF8000  }
0x89: {  	_ =	swait.ge @!p0 [sflag:s3], $0x2000  }
0x8a: {  	[sflag:s3] =	ssyncset.done @!p0 $0x0  }
0x8b: {  	[sflag:s3] =	ssyncadd.s32 @!p0 $0xFFFFE000;
	s3 =	simm.s32 @!p0 $0x4  }
0x8c: {  	_ =	swait.ge @!p0 [sflag:s3], $0x2000  }
0x8d: {  	[sflag:s3] =	ssyncset.done @!p0 $0x0  }
0x8e: {  	[sflag:s3] =	ssyncadd.s32 @!p0 $0xFFFFE000;
	s3 =	simm.s32 @!p0 $0x5  }
0x8f: {  	_ =	swait.ge @!p0 [sflag:s3], $0x2000  }
0x90: {  	[sflag:s3] =	ssyncset.done @!p0 $0x0  }
0x91: {  	[sflag:s3] =	ssyncadd.s32 @!p0 $0xFFFFE000;
	s3 =	simm.s32 @!p0 $0x6  }
0x92: {  	_ =	swait.ge @!p0 [sflag:s3], $0x2000  }
0x93: {  	s5 =	simm.s32 @!p0 $0x0;
	s12 =	rddreg [dreg:$0x4];
	[sflag:s3] =	ssyncset.done @!p0 $0x0  }
0x94: {  	s1 =	simm.s32 @!p0 $0xB;
	[sflag:s3] =	ssyncadd.s32 @!p0 $0xFFFFE000;
	s3 =	sadd.s32 @!p0 $0x0, s12  }
0x95: {  	[tilespmem:s5], [sflag:$0xB] =	stream.linear.gather @!p0 [hbm4b:s3+s5], $0x400, $0x38;
	[tilespmem:$0x1A800] =	vst v63  }
0x96: {  	_ =	swait.ge @!p0 [sflag:s1], $0x400  }
0x97: {  	[sflag:s1] =	ssyncset.done @!p0 $0x0  }
0x98: {  	s12 =	simm.s32 @!p0 $0x800;
	s3 =	simm.s32 @!p0 $0x80;
	[sflag:s1] =	ssyncadd.s32 @!p0 $0xFFFFFC00  }
0x99: {  	[tilespmem:s12], [sflag:$0x1] =	stream.indirect.gather @!p0 [hbm4b:s4+s3], $0x40, s5, s3, $0xb8;
	[tilespmem:$0x1A800] =	vst v63  }
0x9a: {  	s12 =	simm.s32 @!p0 $0x2800  }
0x9b: {  	[tilespmem:s12], [sflag:$0x1] =	stream.indirect.gather @!p0 [hbm4b:s4+s3], $0x40, s3, s3, $0xb8;
	[tilespmem:$0x1A800] =	vst v63  }
0x9c: {  	s16 =	simm.s32 $0x580;
	s1 =	simm.s32 @!p0 $0x100;
	s12 =	simm.s32 @!p0 $0x4800  }
0x9d: {  	[tilespmem:s12], [sflag:$0x1] =	stream.indirect.gather @!p0 [hbm4b:s4+s3], $0x40, s1, s3, $0xb8;
	[tilespmem:$0x1A800] =	vst v63  }
0x9e: {  	s24 =	simm.s32 $0x200;
	s1 =	simm.s32 @!p0 $0x180;
	s12 =	simm.s32 @!p0 $0x6800  }
0x9f: {  	[tilespmem:s12], [sflag:$0x1] =	stream.indirect.gather @!p0 [hbm4b:s4+s3], $0x40, s1, s3, $0xb8;
	[tilespmem:$0x1A800] =	vst v63  }
0xa0: {  	s0 =	simm.s32 $0x6800;
	s18 =	simm.s32 $0x280;
	s19 =	simm.s32 $0x300  }
0xa1: {  	[spmem:s2] =	stream.indirect.scatter.add.f32 [tilespmem:s22], [sflag:$0x7], $0x40, s26, s11, $0xb8;
	[tilespmem:$0x1A800] =	vst v63  }
0xa2: {  	s29 =	simm.s32 $0x380;
	s31 =	simm.s32 $0x600;
	s23 =	simm.s32 $0x680  }
0xa3: {  	[spmem:s2] =	stream.indirect.scatter.add.f32 [tilespmem:s25], [sflag:$0x8], $0x40, s23, s11, $0xb8;
	[tilespmem:$0x1A800] =	vst v63  }
0xa4: {  	s5 =	simm.s32 $0x700;
	s1 =	simm.s32 $0x680;
	s26 =	simm.s32 $0x700  }
0xa5: {  	[spmem:s2] =	stream.indirect.scatter.add.f32 [tilespmem:s28], [sflag:$0x9], $0x40, s26, s11, $0xb8;
	[tilespmem:$0x1A800] =	vst v63  }
0xa6: {  	s3 =	simm.s32 $0x100;
	s23 =	simm.s32 $0x2800;
	s26 =	simm.s32 $0x4800  }
.LBB2_2:
0xa7: {  	s12 =	simm.s32 $0x780  }
0xa8: {  	[spmem:s2] =	stream.indirect.scatter.add.f32 [tilespmem:s30], [sflag:$0xA], $0x40, s12, s11, $0xb8;
	[tilespmem:$0x1A800] =	vst v63  }
0xa9: {  	_ =	swait.ge [sflag:s20], $0x8000  }
0xaa: {  	[sflag:s20] =	ssyncset.done $0x0  }
0xab: {  	[sflag:s20] =	ssyncadd.s32 $0xFFFF8000  }
0xac: {  	_ =	swait.ge [sflag:s6], $0x2000  }
0xad: {  	[sflag:s6] =	ssyncset.done $0x0  }
0xae: {  	[sflag:s6] =	ssyncadd.s32 $0xFFFFE000  }
0xaf: {  	_ =	swait.ge [sflag:s8], $0x2000  }
0xb0: {  	[sflag:s8] =	ssyncset.done $0x0  }
0xb1: {  	[sflag:s8] =	ssyncadd.s32 $0xFFFFE000  }
0xb2: {  	_ =	swait.ge [sflag:s9], $0x2000  }
0xb3: {  	[sflag:s9] =	ssyncset.done $0x0  }
0xb4: {  	[sflag:s9] =	ssyncadd.s32 $0xFFFFE000  }
0xb5: {  	_ =	swait.ge [sflag:s14], $0x2000  }
0xb6: {  	s12 =	smov.u32 s3;
	s13 =	rddreg [dreg:$0x3];
	[sflag:s14] =	ssyncset.done $0x0  }
0xb7: {  	[sflag:s14] =	ssyncadd.s32 $0xFFFFE000;
	s13 =	sadd.s32 s12, s13  }
0xb8: {  	[tilespmem:s21], [sflag:$0xB] =	stream.linear.gather [hbm4b:s13+s15], $0x400, $0x38;
	[tilespmem:$0x1A800] =	vst v63  }
0xb9: {  	_ =	swait.ge [sflag:s10], $0x400  }
0xba: {  	[sflag:s10] =	ssyncset.done $0x0  }
0xbb: {  	[sflag:s10] =	ssyncadd.s32 $0xFFFFFC00  }
0xbc: {  	[tilespmem:s22], [sflag:$0x2] =	stream.indirect.gather [hbm4b:s4+s11], $0x40, s21, s11, $0xb8;
	[tilespmem:$0x1A800] =	vst v63  }
0xbd: {  	s15 =	simm.s32 $0x480  }
0xbe: {  	[tilespmem:s25], [sflag:$0x2] =	stream.indirect.gather [hbm4b:s4+s11], $0x40, s15, s11, $0xb8;
	[tilespmem:$0x1A800] =	vst v63  }
0xbf: {  	s15 =	simm.s32 $0x500  }
0xc0: {  	[tilespmem:s28], [sflag:$0x2] =	stream.indirect.gather [hbm4b:s4+s11], $0x40, s15, s11, $0xb8;
	[tilespmem:$0x1A800] =	vst v63  }
0xc1: {  	_ = 	snop  }
0xc2: {  	[tilespmem:s30], [sflag:$0x2] =	stream.indirect.gather [hbm4b:s4+s11], $0x40, s16, s11, $0xb8;
	[tilespmem:$0x1A800] =	vst v63  }
0xc3: {  	_ = 	snop  }
0xc4: {  	[spmem:s2] =	stream.indirect.scatter.add.f32 [tilespmem:s17], [sflag:$0x3], $0x40, s24, s11, $0xb8;
	[tilespmem:$0x1A800] =	vst v63  }
0xc5: {  	_ = 	snop  }
0xc6: {  	[spmem:s2] =	stream.indirect.scatter.add.f32 [tilespmem:s23], [sflag:$0x4], $0x40, s18, s11, $0xb8;
	[tilespmem:$0x1A800] =	vst v63  }
0xc7: {  	_ = 	snop  }
0xc8: {  	[spmem:s2] =	stream.indirect.scatter.add.f32 [tilespmem:s26], [sflag:$0x5], $0x40, s19, s11, $0xb8;
	[tilespmem:$0x1A800] =	vst v63  }
0xc9: {  	_ = 	snop  }
0xca: {  	[spmem:s2] =	stream.indirect.scatter.add.f32 [tilespmem:s0], [sflag:$0x6], $0x40, s29, s11, $0xb8;
	[tilespmem:$0x1A800] =	vst v63  }
0xcb: {  	_ =	swait.ge [sflag:s7], $0x8000  }
0xcc: {  	p1 =	seq.s32 s12, $0x800;
	[sflag:s7] =	ssyncset.done $0x0  }
0xcd: {  	s13 =	simm.s32 @!p1 $0x3;
	[sflag:s7] =	ssyncadd.s32 $0xFFFF8000  }
0xce: {  	_ =	swait.ge @!p1 [sflag:s13], $0x2000  }
0xcf: {  	[sflag:s13] =	ssyncset.done @!p1 $0x0  }
0xd0: {  	[sflag:s13] =	ssyncadd.s32 @!p1 $0xFFFFE000;
	s13 =	simm.s32 @!p1 $0x4  }
0xd1: {  	_ =	swait.ge @!p1 [sflag:s13], $0x2000  }
0xd2: {  	[sflag:s13] =	ssyncset.done @!p1 $0x0  }
0xd3: {  	[sflag:s13] =	ssyncadd.s32 @!p1 $0xFFFFE000;
	s13 =	simm.s32 @!p1 $0x5  }
0xd4: {  	_ =	swait.ge @!p1 [sflag:s13], $0x2000  }
0xd5: {  	[sflag:s13] =	ssyncset.done @!p1 $0x0  }
0xd6: {  	[sflag:s13] =	ssyncadd.s32 @!p1 $0xFFFFE000;
	s13 =	simm.s32 @!p1 $0x6  }
0xd7: {  	_ =	swait.ge @!p1 [sflag:s13], $0x2000  }
0xd8: {  	s17 =	simm.s32 @!p1 $0xB;
	s15 =	rddreg [dreg:$0x4];
	[sflag:s13] =	ssyncset.done @!p1 $0x0  }
0xd9: {  	[sflag:s13] =	ssyncadd.s32 @!p1 $0xFFFFE000;
	s12 =	sadd.s32 @!p1 s12, s15;
	s13 =	simm.s32 @!p1 $0x0  }
0xda: {  	[tilespmem:s13], [sflag:$0xB] =	stream.linear.gather @!p1 [hbm4b:s12+s13], $0x400, $0x38;
	[tilespmem:$0x1A800] =	vst v63  }
0xdb: {  	_ =	swait.ge @!p1 [sflag:s17], $0x400  }
0xdc: {  	[sflag:s17] =	ssyncset.done @!p1 $0x0  }
0xdd: {  	s15 =	simm.s32 @!p1 $0x800;
	s12 =	simm.s32 @!p1 $0x80;
	[sflag:s17] =	ssyncadd.s32 @!p1 $0xFFFFFC00  }
0xde: {  	[tilespmem:s15], [sflag:$0x1] =	stream.indirect.gather @!p1 [hbm4b:s4+s12], $0x40, s13, s12, $0xb8;
	[tilespmem:$0x1A800] =	vst v63  }
0xdf: {  	s13 =	simm.s32 @!p1 $0x2800  }
0xe0: {  	[tilespmem:s13], [sflag:$0x1] =	stream.indirect.gather @!p1 [hbm4b:s4+s12], $0x40, s12, s12, $0xb8;
	[tilespmem:$0x1A800] =	vst v63  }
0xe1: {  	s15 =	simm.s32 @!p1 $0x4800;
	s13 =	simm.s32 @!p1 $0x100  }
0xe2: {  	[tilespmem:s15], [sflag:$0x1] =	stream.indirect.gather @!p1 [hbm4b:s4+s12], $0x40, s13, s12, $0xb8;
	[tilespmem:$0x1A800] =	vst v63  }
0xe3: {  	s3 =	sadd.s32 $0x100, s3;
	s13 =	simm.s32 @!p1 $0x180;
	s15 =	simm.s32 @!p1 $0x6800  }
0xe4: {  	[tilespmem:s15], [sflag:$0x1] =	stream.indirect.gather @!p1 [hbm4b:s4+s12], $0x40, s13, s12, $0xb8;
	[tilespmem:$0x1A800] =	vst v63  }
0xe5: {  	p0 =	sne.s32 s3, $0x900  }
0xe6: {  	[spmem:s2] =	stream.indirect.scatter.add.f32 [tilespmem:s22], [sflag:$0x7], $0x40, s31, s11, $0xb8;
	[tilespmem:$0x1A800] =	vst v63  }
.Ltmp0:
0xe7: {  	_ = 	snop;
	(pc) =	sbr.rel @p0 .LBB2_2-.Ltmp0, $4  }
0xe8: {  	_ = 	snop  }
0xe9: {  	[spmem:s2] =	stream.indirect.scatter.add.f32 [tilespmem:s25], [sflag:$0x8], $0x40, s1, s11, $0xb8;
	[tilespmem:$0x1A800] =	vst v63  }
0xea: {  	s17 =	simm.s32 $0x800;
	s15 =	simm.s32 $0x0  }
0xeb: {  	[spmem:s2] =	stream.indirect.scatter.add.f32 [tilespmem:s28], [sflag:$0x9], $0x40, s5, s11, $0xb8;
	[tilespmem:$0x1A800] =	vst v63  }
0xec: {  	s0 =	simm.s32 $0x780;
	s19 =	simm.s32 $0x3  }
0xed: {  	[spmem:s2] =	stream.indirect.scatter.add.f32 [tilespmem:s30], [sflag:$0xA], $0x40, s0, s11, $0xb8;
	[tilespmem:$0x1A800] =	vst v63  }
0xee: {  	_ =	swait.ge [sflag:s19], $0x2000  }
0xef: {  	[sflag:s19] =	ssyncset.done $0x0  }
0xf0: {  	s23 =	simm.s32 $0x4;
	[sflag:s19] =	ssyncadd.s32 $0xFFFFE000  }
0xf1: {  	_ =	swait.ge [sflag:s23], $0x2000  }
0xf2: {  	[sflag:s23] =	ssyncset.done $0x0  }
0xf3: {  	s24 =	simm.s32 $0x5;
	[sflag:s23] =	ssyncadd.s32 $0xFFFFE000  }
0xf4: {  	_ =	swait.ge [sflag:s24], $0x2000  }
0xf5: {  	[sflag:s24] =	ssyncset.done $0x0  }
0xf6: {  	s26 =	simm.s32 $0x6;
	[sflag:s24] =	ssyncadd.s32 $0xFFFFE000  }
0xf7: {  	_ =	swait.ge [sflag:s26], $0x2000  }
0xf8: {  	[sflag:s26] =	ssyncset.done $0x0  }
0xf9: {  	[sflag:s26] =	ssyncadd.s32 $0xFFFFE000  }
0xfa: {  	_ =	swait.ge [sflag:s6], $0x2000  }
0xfb: {  	[sflag:s6] =	ssyncset.done $0x0  }
0xfc: {  	[sflag:s6] =	ssyncadd.s32 $0xFFFFE000  }
0xfd: {  	_ =	swait.ge [sflag:s8], $0x2000  }
0xfe: {  	[sflag:s8] =	ssyncset.done $0x0  }
0xff: {  	[sflag:s8] =	ssyncadd.s32 $0xFFFFE000  }
0x100: {  	_ =	swait.ge [sflag:s9], $0x2000  }
0x101: {  	[sflag:s9] =	ssyncset.done $0x0  }
0x102: {  	[sflag:s9] =	ssyncadd.s32 $0xFFFFE000  }
0x103: {  	_ =	swait.ge [sflag:s14], $0x2000  }
0x104: {  	[sflag:s14] =	ssyncset.done $0x0  }
0x105: {  	[sflag:s14] =	ssyncadd.s32 $0xFFFFE000  }
0x106: {  	[bflag:$0x0] =	sbarrier.arrive $0xFFFF  }
0x107: {  	s12 =	rddreg [dreg:$0xa]  }
0x108: {  	s26 =	rddreg [dreg:$0xb]  }
0x109: {  	s3 =	rddreg [dreg:$0xc]  }
0x10a: {  	[hbm:s3], [sflag:s12] =	dma.local [spmem:s26], $0x1400  }
0x10b: {  	_ =	swait.ge [sflag:s10], $0x1400  }
0x10c: {  	s29 =	rddreg [dreg:$0xd]  }
0x10d: {  	s31 =	rddreg [dreg:$0x7];
	s0 =	sadd.s32 $0x1, s29  }
0x10e: {  	p0 =	sne.s32 s0, s31  }
.Ltmp1:
0x10f: {  	_ = 	snop;
	(pc) =	sbr.rel @p0 .LBB2_1-.Ltmp1, $3  }
0x110: {  	_ =	sdelay $0x1  }
0x111: {  	[sflag:s10] =	ssyncset.done $0x0  }
0x112: {  	s13 =	simm.s32 $0x2800;
	s23 =	simm.s32 $0x4800;
	[sflag:s10] =	ssyncadd.s32 $0xFFFFEC00  }
0x113: {  	_ =	sfence.sel $0x180000  }
0x114: {  	[bflag:$0x0] =	sbarrier.arrive $0xFFFF  }
0x115: {  	_ =	strace $0x90000047  }
0x116: {  	s0 =	stileid.u32;
	[bflag:$0x2] =	sbarrier.arrive $0xFFFF  }
0x117: {  	p0 =	sne.s32 s0, $0x0;
	s0 =	rddreg [dreg:$0x2]  }
0x118: {  	s0 =	sadd.s32 @!p0 $0x100000, s0  }
0x119: {  	[sflag:s0] =	ssyncadd.tile.s32 @!p0 $0x1;
	_ =	shalt  }
.Lfunc_end2:
_tile_overlayer_lowered:
.L_overlay_start_2:
0x11a: {  	(tag) =	ssettag $0x2  }
0x11b: {  	s0 =	rddreg [dreg:$0x0];
	s2 =	stileid.u32  }
0x11c: {  	s1 =	rddreg [dreg:$0x1];
	p0 =	sne.s32 s2, $0x0  }
0x11d: {  	s3 =	rddreg [dreg:$0x2];
	[bflag:$0x3] =	sbarrier.arrive $0xFFFF;
	s2 =	simm.s32 @!p0 $0x1C0B  }
0x11e: {  	[timem:s3], [sflag:s2] =	dma.local @!p0 [hbm:s0], s1  }
0x11f: {  	s0 =	simm.s32 @!p0 $0xB  }
0x120: {  	_ =	swait.ge @!p0 [sflag:s0], s1  }
0x121: {  	s1 =	ssub.s32 @!p0 $0x0, s1;
	[sflag:s0] =	ssyncset.done @!p0 $0x0  }
0x122: {  	[sflag:s0] =	ssyncadd.s32 @!p0 s1  }
0x123: {  	[bflag:$0x3] =	sbarrier.arrive $0xFFFF  }
0x124: {  	_ =	shalt  }

// kernel: kernel.19.cloned.1.call-start
scs
__scs_entry_jumppad:
0x0: {  	(pc) =	sbr.rel $0x88, $3  }
0x1: {  	(tag) =	ssettag $0x0;
	lr =	simm.s32 $0x1  }
0x2: {  	[smem:$0x3F85] =	sst lr;
	_ =	strace $0xD0000000  }
0x3: {  	_ = 	snop  }
0x4: {  	_ = 	snop  }
0x5: {  	_ = 	snop  }
0x6: {  	_ = 	snop  }
0x7: {  	_ = 	snop  }
__scs_overlays_trampoline_lowered:
0x8: {  	[smem:$0x3F94] =	sst s0  }
0x9: {  	[smem:$0x3F95] =	sst s1  }
0xa: {  	[smem:$0x3F96] =	sst s2  }
0xb: {  	[smem:$0x3F97] =	sst s3  }
0xc: {  	[smem:$0x3F98] =	sst s4  }
0xd: {  	[smem:$0x3F99] =	sst s5  }
0xe: {  	[smem:$0x3F9A] =	sst s6  }
0xf: {  	[smem:$0x3F9B] =	sst s7  }
0x10: {  	[smem:$0x3F9C] =	sst s8  }
0x11: {  	[smem:$0x3F9D] =	sst s9;
	s0 =	simm.s32 @!p0 $0x0  }
0x12: {  	s1 =	sld [smem:$0x3F83];
	s0 =	simm.s32 @p0 $0x1  }
0x13: {  	[smem:$0x3F9E] =	sst s0;
	s0 =	simm.s32 @!p1 $0x0  }
0x14: {  	s2 =	sld [smem:$0x3F82];
	s0 =	simm.s32 @p1 $0x1  }
0x15: {  	[smem:$0x3F9F] =	sst s0;
	s0 =	simm.s32 @!p2 $0x0  }
0x16: {  	s3 =	sld [smem:$0x3FDB];
	s0 =	simm.s32 @p2 $0x1  }
0x17: {  	s4 =	simm.s32 $0x1BF5;
	[smem:$0x3FA1] =	sst s0  }
0x18: {  	s0 =	sld [smem:$0x3F84];
	_ =	swait.ge [sflag:s4], $0x0  }
0x19: {  	s7 =	sld [smem:$0x3F85]  }
0x1a: {  	s8 =	sadd.s32 $0xFFFFE003, lr  }
0x1b: {  	s9 =	sadd.s32 $0xFFFFFEF7, lr;
	s5 =	simm.s32 $0xFFFFFFFF;
	p2 =	slt.u32 s8, $0xFFFFF086  }
0x1c: {  	p1 =	slt.u32 s9, $0xF7A;
	s5 =	simm.s32 @!p2 $0x0  }
0x1d: {  	s5 =	simm.s32 @p1 $0x1;
	p0 =	seq.s32 s7, s2  }
0x1e: {  	s7 =	smul.u32 @!p0 $0xF7A, s2;
	p2 =	seq.s32 @!p0 s5, $0x0  }
0x1f: {  	s9 =	smul.u32 $0xF7A, s1;
	s8 =	simm.s32 @!p0 $0x1BF5;
	p2 =	por !p2, p0  }
0x20: {  	[sflag:s8] =	ssyncset.s32 @!p0 $0xFFFFF086;
	s6 =	sadd.s32 @!p0 s3, s7;
	s7 =	simm.s32 @!p0 $0x108  }
0x21: {  	s3 =	sadd.s32 s3, s9;
	s6 =	sadd.s32 @!p0 $0x88, s6;
	s7 =	simm.s32 @p2 $0x1082  }
0x22: {  	[simem:s7], [sflag:s8] =	dma.local @!p0 [hbm:s6], $0xF7A  }
0x23: {  	s9 =	sor.u32 $0xD0000000, s2;
	s6 =	simm.s32 $0x108;
	_ =	swait.ge @!p0 [sflag:s8], $0x0  }
0x24: {  	s3 =	sadd.s32 $0x88, s3;
	s6 =	simm.s32 @!p1 $0x1082;
	[sflag:s4] =	ssyncset.s32 $0xFFFFF086  }
0x25: {  	[simem:s6], [sflag:s4] =	dma.local [hbm:s3], $0xF7A  }
0x26: {  	[smem:$0x3F85] =	sst s1;
	(tag) =	ssettag s2;
	_ =	strace s9  }
0x27: {  	s1 =	sld [smem:$0x3F95]  }
0x28: {  	s2 =	sld [smem:$0x3F96]  }
0x29: {  	s4 =	sld [smem:$0x3F98]  }
0x2a: {  	p0 =	seq.s32 s5, $0x0;
	s5 =	sld [smem:$0x3F99]  }
0x2b: {  	s6 =	sld [smem:$0x3F9A]  }
0x2c: {  	s7 =	sld [smem:$0x3F9B]  }
0x2d: {  	s3 =	simm.s32 $0x108;
	s8 =	sld [smem:$0x3F9C]  }
0x2e: {  	s3 =	simm.s32 @!p0 $0x1082;
	s9 =	sld [smem:$0x3F9D]  }
0x2f: {  	lr =	sadd.s32 s0, s3;
	s0 =	sld [smem:$0x3F94]  }
0x30: {  	s3 =	sld [smem:$0x3F97]  }
0x31: {  	[smem:$0x3FA0] =	sst s10  }
0x32: {  	s10 =	sld [smem:$0x3F9E];
	_ =	sdelay $0x3  }
0x33: {  	p0 =	seq.s32 s10, $0x1;
	s10 =	sld [smem:$0x3FA0];
	_ =	sdelay $0x3  }
0x34: {  	[smem:$0x3FA0] =	sst s10  }
0x35: {  	s10 =	sld [smem:$0x3F9F];
	_ =	sdelay $0x3  }
0x36: {  	p1 =	seq.s32 s10, $0x1;
	s10 =	sld [smem:$0x3FA0];
	_ =	sdelay $0x3  }
0x37: {  	[smem:$0x3FA0] =	sst s10  }
0x38: {  	s10 =	sld [smem:$0x3FA1]  }
0x39: {  	_ = 	snop;
	(pc) =	sbr.ind lr, $3  }
0x3a: {  	_ = 	snop  }
0x3b: {  	_ = 	snop  }
0x3c: {  	p2 =	seq.s32 s10, $0x1;
	s10 =	sld [smem:$0x3FA0]  }
0x3d: {  	_ =	shalt  }
0x3e: {  	_ =	shalt  }
0x3f: {  	_ =	shalt  }
0x40: {  	_ =	shalt  }
0x41: {  	_ =	shalt  }
0x42: {  	_ =	shalt  }
0x43: {  	_ =	shalt  }
0x44: {  	_ =	shalt  }
0x45: {  	_ =	shalt  }
0x46: {  	_ =	shalt  }
0x47: {  	_ =	shalt  }
0x48: {  	_ =	shalt  }
0x49: {  	_ =	shalt  }
0x4a: {  	_ =	shalt  }
0x4b: {  	_ =	shalt  }
0x4c: {  	_ =	shalt  }
0x4d: {  	_ =	shalt  }
0x4e: {  	_ =	shalt  }
0x4f: {  	_ =	shalt  }
0x50: {  	_ =	shalt  }
0x51: {  	_ =	shalt  }
0x52: {  	_ =	shalt  }
0x53: {  	_ =	shalt  }
0x54: {  	_ =	shalt  }
0x55: {  	_ =	shalt  }
0x56: {  	_ =	shalt  }
0x57: {  	_ =	shalt  }
0x58: {  	_ =	shalt  }
0x59: {  	_ =	shalt  }
0x5a: {  	_ =	shalt  }
0x5b: {  	_ =	shalt  }
0x5c: {  	_ =	shalt  }
0x5d: {  	_ =	shalt  }
0x5e: {  	_ =	shalt  }
0x5f: {  	_ =	shalt  }
0x60: {  	_ =	shalt  }
0x61: {  	_ =	shalt  }
0x62: {  	_ =	shalt  }
0x63: {  	_ =	shalt  }
0x64: {  	_ =	shalt  }
0x65: {  	_ =	shalt  }
0x66: {  	_ =	shalt  }
0x67: {  	_ =	shalt  }
0x68: {  	_ =	shalt  }
0x69: {  	_ =	shalt  }
0x6a: {  	_ =	shalt  }
0x6b: {  	_ =	shalt  }
0x6c: {  	_ =	shalt  }
0x6d: {  	_ =	shalt  }
0x6e: {  	_ =	shalt  }
0x6f: {  	_ =	shalt  }
0x70: {  	_ =	shalt  }
0x71: {  	_ =	shalt  }
0x72: {  	_ =	shalt  }
0x73: {  	_ =	shalt  }
0x74: {  	_ =	shalt  }
0x75: {  	_ =	shalt  }
0x76: {  	_ =	shalt  }
0x77: {  	_ =	shalt  }
0x78: {  	_ =	shalt  }
0x79: {  	_ =	shalt  }
0x7a: {  	_ =	shalt  }
0x7b: {  	_ =	shalt  }
0x7c: {  	_ =	shalt  }
0x7d: {  	_ =	shalt  }
0x7e: {  	_ =	shalt  }
0x7f: {  	_ =	shalt  }
0x80: {  	_ =	shalt  }
0x81: {  	_ =	shalt  }
0x82: {  	_ =	shalt  }
0x83: {  	_ =	shalt  }
0x84: {  	_ =	shalt  }
0x85: {  	_ =	shalt  }
0x86: {  	_ =	shalt  }
0x87: {  	_ =	shalt  }
.Lfunc_end0:
.L_simem_size_0:
called_computation.1_lowered:
.L_overlay_start_0:
0x88: {  	s2 =	sld [smem:$0x3FD9]  }
0x89: {  	s3 =	sld [smem:$0x3FFE];
	_ =	sdelay $0x1  }
0x8a: {  	s1 =	srdreg.scid  }
0x8b: {  	s0 =	sand.u32 $0x1, s1  }
0x8c: {  	s16 =	sshll.u32 s0, $0xA;
	s2 =	sadd.s32 s3, s2  }
0x8d: {  	s2 =	sadd.s32 s2, s16  }
0x8e: {  	[smem:$0x3FAC] =	sst s2  }
0x8f: {  	_ = 	snop  }
0x90: {  	(tm) =	ssettm $0x1  }
0x91: {  	s17 =	sld [smem:$0x3FFB];
	_ =	sdelay $0x3  }
0x92: {  	_ =	strace s17  }
0x93: {  	s2 =	sld [smem:$0x3FFC];
	_ =	sdelay $0x3  }
0x94: {  	_ =	strace s2  }
0x95: {  	s2 =	sld [smem:$0x3FFD];
	_ =	sdelay $0x3  }
0x96: {  	_ =	strace s2  }
0x97: {  	_ =	strace $0x8FFFFFFF  }
0x98: {  	s18 =	sld [smem:$0x3FDB];
	_ =	sdelay $0x1  }
0x99: {  	s19 =	simm.s32 $_scs_section_size  }
0x9a: {  	s4 =	simm.s32 $_size__tile_overlayer_lowered;
	s5 =	simm.s32 $_tile_overlayer_lowered  }
0x9b: {  	s22 =	simm.s32 $0x1BFF;
	s21 =	sshll.u32 s5, $0x1;
	s2 =	sadd.s32 s19, s18  }
0x9c: {  	s6 =	simm.s32 $0x0;
	s20 =	sshll.u32 s4, $0x1;
	s4 =	sadd.s32 s21, s2  }
0x9d: {  	[timem:s6], [sflag:s22] =	dma.local [hbm:s4], s20  }
0x9e: {  	_ =	swait.ge [sflag:s22], s20  }
0x9f: {  	s3 =	ssub.s32 $0x0, s20;
	[sflag:s22] =	ssyncset.done $0x0  }
0xa0: {  	[sflag:s22] =	ssyncadd.s32 s3;
	_ =	sdelay $0x1  }
0xa1: {  	s23 =	simm.s32 $0x1B8B  }
0xa2: {  	_ =	swait.ge [sflag:s23], $0x1  }
0xa3: {  	[sflag:s23] =	ssyncset.done $0x0  }
0xa4: {  	s25 =	simm.s32 $0x1B8E;
	s24 =	sld [smem:$0x3FFE];
	[sflag:s23] =	ssyncadd.s32 $0xFFFFFFFF  }
0xa5: {  	s26 =	simm.s32 $execute0_lowered;
	[smem:$0x3FD2] =	sst s25  }
0xa6: {  	s4 =	sshll.u32 s26, $0x1;
	_ =	strace $0x80000049;
	[dreg:$0x1] =	wrdreg $0xFFFFFFFF  }
0xa7: {  	s28 =	simm.s32 $_size_execute0_lowered;
	s2 =	sadd.s32 s2, s4;
	[dreg:$0x0] =	wrdreg $0x0  }
0xa8: {  	s4 =	sshll.u32 s28, $0x1;
	[dreg:$0x2] =	wrdreg s2  }
0xa9: {  	[dreg:$0x3] =	wrdreg s4  }
0xaa: {  	[dreg:$0x4] =	wrdreg $0xC0  }
0xab: {  	_ =	task [dreg:s6], $0x5FFFF  }
0xac: {  	[dreg:$0x1] =	wrdreg $0xFFFFFFFF  }
0xad: {  	[dreg:$0x0] =	wrdreg $0x60  }
0xae: {  	[dreg:$0x2] =	wrdreg s24  }
0xaf: {  	[dreg:$0x3] =	wrdreg $0x108000  }
0xb0: {  	[dreg:$0x4] =	wrdreg $0x9  }
0xb1: {  	_ =	task.clear_ibuf [dreg:s6], $0x5FFFF;
	_ =	strace $0x90000049  }
0xb2: {  	s29 =	simm.s32 $0x9;
	_ =	strace $0x8000004B  }
0xb3: {  	_ =	swait.ge [sflag:s29], $0x1  }
0xb4: {  	[sflag:s29] =	ssyncadd.s32 $0xFFFFFFFF  }
0xb5: {  	_ =	strace $0x9000004B  }
0xb6: {  	_ =	sfence  }
0xb7: {  	s30 =	sld [smem:$0x0];
	_ =	sdelay $0x2  }
0xb8: {  	s31 =	sshll.u32 s1, $0xD;
	s1 =	sshrl.u32 s1, $0x2  }
0xb9: {  	s3 =	sand.u32 $0x4000, s31;
	s1 =	sadd.s32 s1, s30  }
0xba: {  	s0 =	sor.u32 s3, s0;
	s1 =	sshll.u32 s1, $0x11  }
0xbb: {  	s0 =	sor.u32 s1, s0  }
0xbc: {  	s0 =	sadd.s32 $0x8F2B, s0  }
0xbd: {  	[sflag:s0] =	ssyncadd.remote.s32 $0x1  }
0xbe: {  	_ =	sfence.sel $0xFFFF  }
0xbf: {  	[dreg:$0x0] =	wrdreg $0xFFFFFFFF;
	(pc) =	sbr.abs _section_cstart, $3  }
0xc0: {  	[dreg:$0x1] =	wrdreg $0xFFFFFFFF  }
0xc1: {  	_ =	task.clear_ibuf [dreg:s6], $0x2FFFF;
	_ =	strace $0x9FFFFFFF  }
0xc2: {  	(tm) =	ssettm $0x7FFFFFFF  }
0xc3: {  	_ =	shalt  }
tec
execute0_lowered:
.L_overlay_start_1:
0x0: {  	(tag) =	ssettag $0x1  }
0x1: {  	s0 =	rddreg [dreg:$0x0]  }
0x2: {  	s1 =	srdreg.scid;
	s2 =	rddreg [dreg:$0x1]  }
0x3: {  	s12 =	stileid.u32;
	s15 =	simm.s32 $0x0;
	s17 =	simm.s32 $0x800  }
0x4: {  	s23 =	simm.s32 $0x4800;
	s28 =	simm.s32 $0xC800;
	s30 =	simm.s32 $0xE800  }
0x5: {  	s14 =	simm.s32 $0xA;
	s1 =	sand.u32 $0x1, s1;
	s7 =	smul.u32 $0xA000, s12  }
0x6: {  	[smem:$0x7FF] =	sst s15;
	s4 =	sadd.s32 $0x5800, s0;
	s21 =	smul.u32 $0x5000, s12  }
0x7: {  	s8 =	sadd.s32 $0x19800, s0;
	s9 =	sadd.s32 $0x2D800, s0;
	s11 =	smul.u32 $0xA00, s12  }
0x8: {  	s31 =	sshll.u32 s12, $0x6;
	s3 =	sshll.u32 s1, $0x4;
	s5 =	smul.u32 $0x14000, s1  }
0x9: {  	_ =	strace $0x8000004A;
	[dreg:$0x5] =	wrdreg s9;
	s10 =	smul.u32 $0xA000, s1  }
0xa: {  	s19 =	ssub.s32 $0x2, s1;
	s1 =	smul.u32 $0x50000, s1;
	s9 =	simm.s32 $0x9  }
0xb: {  	s3 =	sor.u32 s12, s3;
	s20 =	sshrl.u32 s19, $0x1;
	s22 =	sadd.s32 s7, s2  }
0xc: {  	s24 =	sshrl.u32 s7, $0x3;
	s12 =	sor.u32 $0x1C0B, s31;
	s6 =	smul.u32 $0xA00, s3  }
0xd: {  	s7 =	simm.s32 $0x2;
	s3 =	smul.u32 $0x5000, s3;
	s0 =	sadd.s32 s5, s0  }
0xe: {  	s5 =	ssub.s32 s19, s20;
	s10 =	sadd.s32 s10, s8;
	s1 =	sadd.s32 s21, s1  }
0xf: {  	s20 =	simm.s32 $0x1;
	s21 =	simm.s32 $0x400;
	[dreg:$0xa] =	wrdreg s12  }
0x10: {  	s0 =	sadd.s32 $0x2EC00, s0;
	s25 =	sadd.s32 s11, s10;
	s1 =	sadd.s32 $0x1000, s1  }
0x11: {  	s5 =	smax.u32 s5, $0x1;
	s10 =	simm.s32 $0xB;
	s11 =	simm.s32 $0x80  }
0x12: {  	s13 =	sadd.s32 s8, s6;
	[dreg:$0x7] =	wrdreg s5;
	s26 =	sadd.s32 $0x180, s25  }
0x13: {  	s3 =	sor.u32 $0x800, s3;
	s1 =	sshrl.u32 s1, $0x3;
	[dreg:$0x3] =	wrdreg s26  }
0x14: {  	s0 =	sadd.s32 s24, s0;
	s25 =	simm.s32 $0xA800;
	[dreg:$0x6] =	wrdreg s13  }
0x15: {  	s6 =	simm.s32 $0x7;
	s29 =	sadd.s32 $0x80, s13;
	[dreg:$0xc] =	wrdreg s0  }
0x16: {  	s3 =	sshrl.u32 s3, $0x3;
	s1 =	sadd.s32 s1, s8;
	[dreg:$0x8] =	wrdreg s29  }
0x17: {  	s13 =	simm.s32 $0x2800;
	s26 =	sshrl.u32 s22, $0x3;
	[dreg:$0x4] =	wrdreg s1  }
0x18: {  	s22 =	simm.s32 $0x8800;
	s3 =	sadd.s32 s8, s3;
	[dreg:$0xb] =	wrdreg s26  }
0x19: {  	s0 =	simm.s32 $0x0;
	s8 =	simm.s32 $0x8;
	[dreg:$0x9] =	wrdreg s3  }
.LBB2_1:
0x1a: {  	[dreg:$0xd] =	wrdreg s0  }
0x1b: {  	s3 =	rddreg [dreg:$0x6]  }
0x1c: {  	[tilespmem:s15], [sflag:$0xB] =	stream.linear.gather [hbm4b:s3+s15], $0x400, $0x38;
	[tilespmem:$0x1A800] =	vst v63  }
0x1d: {  	_ =	swait.ge [sflag:s10], $0x400  }
0x1e: {  	[sflag:s10] =	ssyncset.done $0x0  }
0x1f: {  	[sflag:s10] =	ssyncadd.s32 $0xFFFFFC00  }
0x20: {  	[tilespmem:s17], [sflag:$0x1] =	stream.indirect.gather [hbm4b:s4+s11], $0x40, s15, s11, $0xb8;
	[tilespmem:$0x1A800] =	vst v63  }
0x21: {  	_ = 	snop  }
0x22: {  	[tilespmem:s13], [sflag:$0x1] =	stream.indirect.gather [hbm4b:s4+s11], $0x40, s11, s11, $0xb8;
	[tilespmem:$0x1A800] =	vst v63  }
0x23: {  	s24 =	simm.s32 $0x100  }
0x24: {  	[tilespmem:s23], [sflag:$0x1] =	stream.indirect.gather [hbm4b:s4+s11], $0x40, s24, s11, $0xb8;
	[tilespmem:$0x1A800] =	vst v63  }
0x25: {  	s19 =	simm.s32 $0x180;
	s1 =	simm.s32 $0x6800;
	s0 =	rddreg [dreg:$0x5]  }
0x26: {  	[tilespmem:s1], [sflag:$0x1] =	stream.indirect.gather [hbm4b:s4+s11], $0x40, s19, s11, $0xb8;
	[tilespmem:$0x1A800] =	vst v63  }
0x27: {  	[spmem:s26], [sflag:s12] =	dma.local [hbm:s0], $0x1400  }
0x28: {  	_ =	swait.ge [sflag:s10], $0x1400  }
0x29: {  	[sflag:s10] =	ssyncset.done $0x0  }
0x2a: {  	[sflag:s10] =	ssyncadd.s32 $0xFFFFEC00  }
0x2b: {  	[bflag:$0x0] =	sbarrier.arrive $0xFFFF  }
0x2c: {  	_ =	swait.ge [sflag:s20], $0x8000  }
0x2d: {  	[sflag:s20] =	ssyncset.done $0x0  }
0x2e: {  	s5 =	rddreg [dreg:$0x8];
	[sflag:s20] =	ssyncadd.s32 $0xFFFF8000  }
0x2f: {  	[tilespmem:s21], [sflag:$0xB] =	stream.linear.gather [hbm4b:s5+s15], $0x400, $0x38;
	[tilespmem:$0x1A800] =	vst v63  }
0x30: {  	_ =	swait.ge [sflag:s10], $0x400  }
0x31: {  	[sflag:s10] =	ssyncset.done $0x0  }
0x32: {  	[sflag:s10] =	ssyncadd.s32 $0xFFFFFC00  }
0x33: {  	[tilespmem:s22], [sflag:$0x2] =	stream.indirect.gather [hbm4b:s4+s11], $0x40, s21, s11, $0xb8;
	[tilespmem:$0x1A800] =	vst v63  }
0x34: {  	s5 =	simm.s32 $0x480  }
0x35: {  	[tilespmem:s25], [sflag:$0x2] =	stream.indirect.gather [hbm4b:s4+s11], $0x40, s5, s11, $0xb8;
	[tilespmem:$0x1A800] =	vst v63  }
0x36: {  	s0 =	simm.s32 $0x500  }
0x37: {  	[tilespmem:s28], [sflag:$0x2] =	stream.indirect.gather [hbm4b:s4+s11], $0x40, s0, s11, $0xb8;
	[tilespmem:$0x1A800] =	vst v63  }
0x38: {  	s18 =	simm.s32 $0x580  }
0x39: {  	[tilespmem:s30], [sflag:$0x2] =	stream.indirect.gather [hbm4b:s4+s11], $0x40, s18, s11, $0xb8;
	[tilespmem:$0x1A800] =	vst v63  }
0x3a: {  	s19 =	simm.s32 $0x200  }
0x3b: {  	[spmem:s2] =	stream.indirect.scatter.add.f32 [tilespmem:s17], [sflag:$0x3], $0x40, s19, s11, $0xb8;
	[tilespmem:$0x1A800] =	vst v63  }
0x3c: {  	s29 =	simm.s32 $0x280  }
0x3d: {  	[spmem:s2] =	stream.indirect.scatter.add.f32 [tilespmem:s13], [sflag:$0x4], $0x40, s29, s11, $0xb8;
	[tilespmem:$0x1A800] =	vst v63  }
0x3e: {  	s31 =	simm.s32 $0x300  }
0x3f: {  	[spmem:s2] =	stream.indirect.scatter.add.f32 [tilespmem:s23], [sflag:$0x5], $0x40, s31, s11, $0xb8;
	[tilespmem:$0x1A800] =	vst v63  }
0x40: {  	s16 =	simm.s32 $0x380  }
0x41: {  	[spmem:s2] =	stream.indirect.scatter.add.f32 [tilespmem:s1], [sflag:$0x6], $0x40, s16, s11, $0xb8;
	[tilespmem:$0x1A800] =	vst v63  }
0x42: {  	_ =	swait.ge [sflag:s7], $0x8000  }
0x43: {  	[sflag:s7] =	ssyncset.done $0x0  }
0x44: {  	s3 =	simm.s32 $0x3;
	[sflag:s7] =	ssyncadd.s32 $0xFFFF8000  }
0x45: {  	_ =	swait.ge [sflag:s3], $0x2000  }
0x46: {  	[sflag:s3] =	ssyncset.done $0x0  }
0x47: {  	s12 =	simm.s32 $0x4;
	[sflag:s3] =	ssyncadd.s32 $0xFFFFE000  }
0x48: {  	_ =	swait.ge [sflag:s12], $0x2000  }
0x49: {  	[sflag:s12] =	ssyncset.done $0x0  }
0x4a: {  	s26 =	simm.s32 $0x5;
	[sflag:s12] =	ssyncadd.s32 $0xFFFFE000  }
0x4b: {  	_ =	swait.ge [sflag:s26], $0x2000  }
0x4c: {  	[sflag:s26] =	ssyncset.done $0x0  }
0x4d: {  	s12 =	simm.s32 $0x6;
	[sflag:s26] =	ssyncadd.s32 $0xFFFFE000  }
0x4e: {  	_ =	swait.ge [sflag:s12], $0x2000  }
0x4f: {  	[sflag:s12] =	ssyncset.done $0x0  }
0x50: {  	s16 =	rddreg [dreg:$0x9];
	[sflag:s12] =	ssyncadd.s32 $0xFFFFE000  }
0x51: {  	[tilespmem:s15], [sflag:$0xB] =	stream.linear.gather [hbm4b:s16+s15], $0x400, $0x38;
	[tilespmem:$0x1A800] =	vst v63  }
0x52: {  	_ =	swait.ge [sflag:s10], $0x400  }
0x53: {  	[sflag:s10] =	ssyncset.done $0x0  }
0x54: {  	[sflag:s10] =	ssyncadd.s32 $0xFFFFFC00  }
0x55: {  	[tilespmem:s17], [sflag:$0x1] =	stream.indirect.gather [hbm4b:s4+s11], $0x40, s15, s11, $0xb8;
	[tilespmem:$0x1A800] =	vst v63  }
0x56: {  	_ = 	snop  }
0x57: {  	[tilespmem:s13], [sflag:$0x1] =	stream.indirect.gather [hbm4b:s4+s11], $0x40, s11, s11, $0xb8;
	[tilespmem:$0x1A800] =	vst v63  }
0x58: {  	_ = 	snop  }
0x59: {  	[tilespmem:s23], [sflag:$0x1] =	stream.indirect.gather [hbm4b:s4+s11], $0x40, s24, s11, $0xb8;
	[tilespmem:$0x1A800] =	vst v63  }
0x5a: {  	s26 =	simm.s32 $0x180  }
0x5b: {  	[tilespmem:s1], [sflag:$0x1] =	stream.indirect.gather [hbm4b:s4+s11], $0x40, s26, s11, $0xb8;
	[tilespmem:$0x1A800] =	vst v63  }
0x5c: {  	s26 =	simm.s32 $0x600  }
0x5d: {  	[spmem:s2] =	stream.indirect.scatter.add.f32 [tilespmem:s22], [sflag:$0x7], $0x40, s26, s11, $0xb8;
	[tilespmem:$0x1A800] =	vst v63  }
0x5e: {  	s12 =	simm.s32 $0x680  }
0x5f: {  	[spmem:s2] =	stream.indirect.scatter.add.f32 [tilespmem:s25], [sflag:$0x8], $0x40, s12, s11, $0xb8;
	[tilespmem:$0x1A800] =	vst v63  }
0x60: {  	s16 =	simm.s32 $0x700  }
0x61: {  	[spmem:s2] =	stream.indirect.scatter.add.f32 [tilespmem:s28], [sflag:$0x9], $0x40, s16, s11, $0xb8;
	[tilespmem:$0x1A800] =	vst v63  }
0x62: {  	s24 =	simm.s32 $0x780  }
0x63: {  	[spmem:s2] =	stream.indirect.scatter.add.f32 [tilespmem:s30], [sflag:$0xA], $0x40, s24, s11, $0xb8;
	[tilespmem:$0x1A800] =	vst v63  }
0x64: {  	_ =	swait.ge [sflag:s20], $0x8000  }
0x65: {  	[sflag:s20] =	ssyncset.done $0x0  }
0x66: {  	[sflag:s20] =	ssyncadd.s32 $0xFFFF8000  }
0x67: {  	_ =	swait.ge [sflag:s6], $0x2000  }
0x68: {  	[sflag:s6] =	ssyncset.done $0x0  }
0x69: {  	[sflag:s6] =	ssyncadd.s32 $0xFFFFE000  }
0x6a: {  	_ =	swait.ge [sflag:s8], $0x2000  }
0x6b: {  	[sflag:s8] =	ssyncset.done $0x0  }
0x6c: {  	[sflag:s8] =	ssyncadd.s32 $0xFFFFE000  }
0x6d: {  	_ =	swait.ge [sflag:s9], $0x2000  }
0x6e: {  	[sflag:s9] =	ssyncset.done $0x0  }
0x6f: {  	[sflag:s9] =	ssyncadd.s32 $0xFFFFE000  }
0x70: {  	_ =	swait.ge [sflag:s14], $0x2000  }
0x71: {  	s12 =	rddreg [dreg:$0x3];
	[sflag:s14] =	ssyncset.done $0x0  }
0x72: {  	[sflag:s14] =	ssyncadd.s32 $0xFFFFE000;
	s3 =	sadd.s32 $0x0, s12  }
0x73: {  	[tilespmem:s21], [sflag:$0xB] =	stream.linear.gather [hbm4b:s3+s15], $0x400, $0x38;
	[tilespmem:$0x1A800] =	vst v63  }
0x74: {  	_ =	swait.ge [sflag:s10], $0x400  }
0x75: {  	[sflag:s10] =	ssyncset.done $0x0  }
0x76: {  	[sflag:s10] =	ssyncadd.s32 $0xFFFFFC00  }
0x77: {  	[tilespmem:s22], [sflag:$0x2] =	stream.indirect.gather [hbm4b:s4+s11], $0x40, s21, s11, $0xb8;
	[tilespmem:$0x1A800] =	vst v63  }
0x78: {  	_ = 	snop  }
0x79: {  	[tilespmem:s25], [sflag:$0x2] =	stream.indirect.gather [hbm4b:s4+s11], $0x40, s5, s11, $0xb8;
	[tilespmem:$0x1A800] =	vst v63  }
0x7a: {  	_ = 	snop  }
0x7b: {  	[tilespmem:s28], [sflag:$0x2] =	stream.indirect.gather [hbm4b:s4+s11], $0x40, s0, s11, $0xb8;
	[tilespmem:$0x1A800] =	vst v63  }
0x7c: {  	_ = 	snop  }
0x7d: {  	[tilespmem:s30], [sflag:$0x2] =	stream.indirect.gather [hbm4b:s4+s11], $0x40, s18, s11, $0xb8;
	[tilespmem:$0x1A800] =	vst v63  }
0x7e: {  	_ = 	snop  }
0x7f: {  	[spmem:s2] =	stream.indirect.scatter.add.f32 [tilespmem:s17], [sflag:$0x3], $0x40, s19, s11, $0xb8;
	[tilespmem:$0x1A800] =	vst v63  }
0x80: {  	_ = 	snop  }
0x81: {  	[spmem:s2] =	stream.indirect.scatter.add.f32 [tilespmem:s13], [sflag:$0x4], $0x40, s29, s11, $0xb8;
	[tilespmem:$0x1A800] =	vst v63  }
0x82: {  	_ = 	snop  }
0x83: {  	[spmem:s2] =	stream.indirect.scatter.add.f32 [tilespmem:s23], [sflag:$0x5], $0x40, s31, s11, $0xb8;
	[tilespmem:$0x1A800] =	vst v63  }
0x84: {  	s13 =	simm.s32 $0x380  }
0x85: {  	[spmem:s2] =	stream.indirect.scatter.add.f32 [tilespmem:s1], [sflag:$0x6], $0x40, s13, s11, $0xb8;
	[tilespmem:$0x1A800] =	vst v63  }
0x86: {  	_ =	swait.ge [sflag:s7], $0x8000  }
0x87: {  	p0 =	por $0x0, $0x0;
	[sflag:s7] =	ssyncset.done $0x0  }
0x88: {  	s3 =	simm.s32 @!p0 $0x3;
	[sflag:s7] =	ssyncadd.s32 $0xFFFF8000  }
0x89: {  	_ =	swait.ge @!p0 [sflag:s3], $0x2000  }
0x8a: {  	[sflag:s3] =	ssyncset.done @!p0 $0x0  }
0x8b: {  	[sflag:s3] =	ssyncadd.s32 @!p0 $0xFFFFE000;
	s3 =	simm.s32 @!p0 $0x4  }
0x8c: {  	_ =	swait.ge @!p0 [sflag:s3], $0x2000  }
0x8d: {  	[sflag:s3] =	ssyncset.done @!p0 $0x0  }
0x8e: {  	[sflag:s3] =	ssyncadd.s32 @!p0 $0xFFFFE000;
	s3 =	simm.s32 @!p0 $0x5  }
0x8f: {  	_ =	swait.ge @!p0 [sflag:s3], $0x2000  }
0x90: {  	[sflag:s3] =	ssyncset.done @!p0 $0x0  }
0x91: {  	[sflag:s3] =	ssyncadd.s32 @!p0 $0xFFFFE000;
	s3 =	simm.s32 @!p0 $0x6  }
0x92: {  	_ =	swait.ge @!p0 [sflag:s3], $0x2000  }
0x93: {  	s5 =	simm.s32 @!p0 $0x0;
	s12 =	rddreg [dreg:$0x4];
	[sflag:s3] =	ssyncset.done @!p0 $0x0  }
0x94: {  	s1 =	simm.s32 @!p0 $0xB;
	[sflag:s3] =	ssyncadd.s32 @!p0 $0xFFFFE000;
	s3 =	sadd.s32 @!p0 $0x0, s12  }
0x95: {  	[tilespmem:s5], [sflag:$0xB] =	stream.linear.gather @!p0 [hbm4b:s3+s5], $0x400, $0x38;
	[tilespmem:$0x1A800] =	vst v63  }
0x96: {  	_ =	swait.ge @!p0 [sflag:s1], $0x400  }
0x97: {  	[sflag:s1] =	ssyncset.done @!p0 $0x0  }
0x98: {  	s12 =	simm.s32 @!p0 $0x800;
	s3 =	simm.s32 @!p0 $0x80;
	[sflag:s1] =	ssyncadd.s32 @!p0 $0xFFFFFC00  }
0x99: {  	[tilespmem:s12], [sflag:$0x1] =	stream.indirect.gather @!p0 [hbm4b:s4+s3], $0x40, s5, s3, $0xb8;
	[tilespmem:$0x1A800] =	vst v63  }
0x9a: {  	s12 =	simm.s32 @!p0 $0x2800  }
0x9b: {  	[tilespmem:s12], [sflag:$0x1] =	stream.indirect.gather @!p0 [hbm4b:s4+s3], $0x40, s3, s3, $0xb8;
	[tilespmem:$0x1A800] =	vst v63  }
0x9c: {  	s16 =	simm.s32 $0x580;
	s1 =	simm.s32 @!p0 $0x100;
	s12 =	simm.s32 @!p0 $0x4800  }
0x9d: {  	[tilespmem:s12], [sflag:$0x1] =	stream.indirect.gather @!p0 [hbm4b:s4+s3], $0x40, s1, s3, $0xb8;
	[tilespmem:$0x1A800] =	vst v63  }
0x9e: {  	s24 =	simm.s32 $0x200;
	s1 =	simm.s32 @!p0 $0x180;
	s12 =	simm.s32 @!p0 $0x6800  }
0x9f: {  	[tilespmem:s12], [sflag:$0x1] =	stream.indirect.gather @!p0 [hbm4b:s4+s3], $0x40, s1, s3, $0xb8;
	[tilespmem:$0x1A800] =	vst v63  }
0xa0: {  	s0 =	simm.s32 $0x6800;
	s18 =	simm.s32 $0x280;
	s19 =	simm.s32 $0x300  }
0xa1: {  	[spmem:s2] =	stream.indirect.scatter.add.f32 [tilespmem:s22], [sflag:$0x7], $0x40, s26, s11, $0xb8;
	[tilespmem:$0x1A800] =	vst v63  }
0xa2: {  	s29 =	simm.s32 $0x380;
	s31 =	simm.s32 $0x600;
	s23 =	simm.s32 $0x680  }
0xa3: {  	[spmem:s2] =	stream.indirect.scatter.add.f32 [tilespmem:s25], [sflag:$0x8], $0x40, s23, s11, $0xb8;
	[tilespmem:$0x1A800] =	vst v63  }
0xa4: {  	s5 =	simm.s32 $0x700;
	s1 =	simm.s32 $0x680;
	s26 =	simm.s32 $0x700  }
0xa5: {  	[spmem:s2] =	stream.indirect.scatter.add.f32 [tilespmem:s28], [sflag:$0x9], $0x40, s26, s11, $0xb8;
	[tilespmem:$0x1A800] =	vst v63  }
0xa6: {  	s3 =	simm.s32 $0x100;
	s23 =	simm.s32 $0x2800;
	s26 =	simm.s32 $0x4800  }
.LBB2_2:
0xa7: {  	s12 =	simm.s32 $0x780  }
0xa8: {  	[spmem:s2] =	stream.indirect.scatter.add.f32 [tilespmem:s30], [sflag:$0xA], $0x40, s12, s11, $0xb8;
	[tilespmem:$0x1A800] =	vst v63  }
0xa9: {  	_ =	swait.ge [sflag:s20], $0x8000  }
0xaa: {  	[sflag:s20] =	ssyncset.done $0x0  }
0xab: {  	[sflag:s20] =	ssyncadd.s32 $0xFFFF8000  }
0xac: {  	_ =	swait.ge [sflag:s6], $0x2000  }
0xad: {  	[sflag:s6] =	ssyncset.done $0x0  }
0xae: {  	[sflag:s6] =	ssyncadd.s32 $0xFFFFE000  }
0xaf: {  	_ =	swait.ge [sflag:s8], $0x2000  }
0xb0: {  	[sflag:s8] =	ssyncset.done $0x0  }
0xb1: {  	[sflag:s8] =	ssyncadd.s32 $0xFFFFE000  }
0xb2: {  	_ =	swait.ge [sflag:s9], $0x2000  }
0xb3: {  	[sflag:s9] =	ssyncset.done $0x0  }
0xb4: {  	[sflag:s9] =	ssyncadd.s32 $0xFFFFE000  }
0xb5: {  	_ =	swait.ge [sflag:s14], $0x2000  }
0xb6: {  	s12 =	smov.u32 s3;
	s13 =	rddreg [dreg:$0x3];
	[sflag:s14] =	ssyncset.done $0x0  }
0xb7: {  	[sflag:s14] =	ssyncadd.s32 $0xFFFFE000;
	s13 =	sadd.s32 s12, s13  }
0xb8: {  	[tilespmem:s21], [sflag:$0xB] =	stream.linear.gather [hbm4b:s13+s15], $0x400, $0x38;
	[tilespmem:$0x1A800] =	vst v63  }
0xb9: {  	_ =	swait.ge [sflag:s10], $0x400  }
0xba: {  	[sflag:s10] =	ssyncset.done $0x0  }
0xbb: {  	[sflag:s10] =	ssyncadd.s32 $0xFFFFFC00  }
0xbc: {  	[tilespmem:s22], [sflag:$0x2] =	stream.indirect.gather [hbm4b:s4+s11], $0x40, s21, s11, $0xb8;
	[tilespmem:$0x1A800] =	vst v63  }
0xbd: {  	s15 =	simm.s32 $0x480  }
0xbe: {  	[tilespmem:s25], [sflag:$0x2] =	stream.indirect.gather [hbm4b:s4+s11], $0x40, s15, s11, $0xb8;
	[tilespmem:$0x1A800] =	vst v63  }
0xbf: {  	s15 =	simm.s32 $0x500  }
0xc0: {  	[tilespmem:s28], [sflag:$0x2] =	stream.indirect.gather [hbm4b:s4+s11], $0x40, s15, s11, $0xb8;
	[tilespmem:$0x1A800] =	vst v63  }
0xc1: {  	_ = 	snop  }
0xc2: {  	[tilespmem:s30], [sflag:$0x2] =	stream.indirect.gather [hbm4b:s4+s11], $0x40, s16, s11, $0xb8;
	[tilespmem:$0x1A800] =	vst v63  }
0xc3: {  	_ = 	snop  }
0xc4: {  	[spmem:s2] =	stream.indirect.scatter.add.f32 [tilespmem:s17], [sflag:$0x3], $0x40, s24, s11, $0xb8;
	[tilespmem:$0x1A800] =	vst v63  }
0xc5: {  	_ = 	snop  }
0xc6: {  	[spmem:s2] =	stream.indirect.scatter.add.f32 [tilespmem:s23], [sflag:$0x4], $0x40, s18, s11, $0xb8;
	[tilespmem:$0x1A800] =	vst v63  }
0xc7: {  	_ = 	snop  }
0xc8: {  	[spmem:s2] =	stream.indirect.scatter.add.f32 [tilespmem:s26], [sflag:$0x5], $0x40, s19, s11, $0xb8;
	[tilespmem:$0x1A800] =	vst v63  }
0xc9: {  	_ = 	snop  }
0xca: {  	[spmem:s2] =	stream.indirect.scatter.add.f32 [tilespmem:s0], [sflag:$0x6], $0x40, s29, s11, $0xb8;
	[tilespmem:$0x1A800] =	vst v63  }
0xcb: {  	_ =	swait.ge [sflag:s7], $0x8000  }
0xcc: {  	p1 =	seq.s32 s12, $0x800;
	[sflag:s7] =	ssyncset.done $0x0  }
0xcd: {  	s13 =	simm.s32 @!p1 $0x3;
	[sflag:s7] =	ssyncadd.s32 $0xFFFF8000  }
0xce: {  	_ =	swait.ge @!p1 [sflag:s13], $0x2000  }
0xcf: {  	[sflag:s13] =	ssyncset.done @!p1 $0x0  }
0xd0: {  	[sflag:s13] =	ssyncadd.s32 @!p1 $0xFFFFE000;
	s13 =	simm.s32 @!p1 $0x4  }
0xd1: {  	_ =	swait.ge @!p1 [sflag:s13], $0x2000  }
0xd2: {  	[sflag:s13] =	ssyncset.done @!p1 $0x0  }
0xd3: {  	[sflag:s13] =	ssyncadd.s32 @!p1 $0xFFFFE000;
	s13 =	simm.s32 @!p1 $0x5  }
0xd4: {  	_ =	swait.ge @!p1 [sflag:s13], $0x2000  }
0xd5: {  	[sflag:s13] =	ssyncset.done @!p1 $0x0  }
0xd6: {  	[sflag:s13] =	ssyncadd.s32 @!p1 $0xFFFFE000;
	s13 =	simm.s32 @!p1 $0x6  }
0xd7: {  	_ =	swait.ge @!p1 [sflag:s13], $0x2000  }
0xd8: {  	s17 =	simm.s32 @!p1 $0xB;
	s15 =	rddreg [dreg:$0x4];
	[sflag:s13] =	ssyncset.done @!p1 $0x0  }
0xd9: {  	[sflag:s13] =	ssyncadd.s32 @!p1 $0xFFFFE000;
	s12 =	sadd.s32 @!p1 s12, s15;
	s13 =	simm.s32 @!p1 $0x0  }
0xda: {  	[tilespmem:s13], [sflag:$0xB] =	stream.linear.gather @!p1 [hbm4b:s12+s13], $0x400, $0x38;
	[tilespmem:$0x1A800] =	vst v63  }
0xdb: {  	_ =	swait.ge @!p1 [sflag:s17], $0x400  }
0xdc: {  	[sflag:s17] =	ssyncset.done @!p1 $0x0  }
0xdd: {  	s15 =	simm.s32 @!p1 $0x800;
	s12 =	simm.s32 @!p1 $0x80;
	[sflag:s17] =	ssyncadd.s32 @!p1 $0xFFFFFC00  }
0xde: {  	[tilespmem:s15], [sflag:$0x1] =	stream.indirect.gather @!p1 [hbm4b:s4+s12], $0x40, s13, s12, $0xb8;
	[tilespmem:$0x1A800] =	vst v63  }
0xdf: {  	s13 =	simm.s32 @!p1 $0x2800  }
0xe0: {  	[tilespmem:s13], [sflag:$0x1] =	stream.indirect.gather @!p1 [hbm4b:s4+s12], $0x40, s12, s12, $0xb8;
	[tilespmem:$0x1A800] =	vst v63  }
0xe1: {  	s15 =	simm.s32 @!p1 $0x4800;
	s13 =	simm.s32 @!p1 $0x100  }
0xe2: {  	[tilespmem:s15], [sflag:$0x1] =	stream.indirect.gather @!p1 [hbm4b:s4+s12], $0x40, s13, s12, $0xb8;
	[tilespmem:$0x1A800] =	vst v63  }
0xe3: {  	s3 =	sadd.s32 $0x100, s3;
	s13 =	simm.s32 @!p1 $0x180;
	s15 =	simm.s32 @!p1 $0x6800  }
0xe4: {  	[tilespmem:s15], [sflag:$0x1] =	stream.indirect.gather @!p1 [hbm4b:s4+s12], $0x40, s13, s12, $0xb8;
	[tilespmem:$0x1A800] =	vst v63  }
0xe5: {  	p0 =	sne.s32 s3, $0x900  }
0xe6: {  	[spmem:s2] =	stream.indirect.scatter.add.f32 [tilespmem:s22], [sflag:$0x7], $0x40, s31, s11, $0xb8;
	[tilespmem:$0x1A800] =	vst v63  }
.Ltmp0:
0xe7: {  	_ = 	snop;
	(pc) =	sbr.rel @p0 .LBB2_2-.Ltmp0, $4  }
0xe8: {  	_ = 	snop  }
0xe9: {  	[spmem:s2] =	stream.indirect.scatter.add.f32 [tilespmem:s25], [sflag:$0x8], $0x40, s1, s11, $0xb8;
	[tilespmem:$0x1A800] =	vst v63  }
0xea: {  	s17 =	simm.s32 $0x800;
	s15 =	simm.s32 $0x0  }
0xeb: {  	[spmem:s2] =	stream.indirect.scatter.add.f32 [tilespmem:s28], [sflag:$0x9], $0x40, s5, s11, $0xb8;
	[tilespmem:$0x1A800] =	vst v63  }
0xec: {  	s0 =	simm.s32 $0x780;
	s19 =	simm.s32 $0x3  }
0xed: {  	[spmem:s2] =	stream.indirect.scatter.add.f32 [tilespmem:s30], [sflag:$0xA], $0x40, s0, s11, $0xb8;
	[tilespmem:$0x1A800] =	vst v63  }
0xee: {  	_ =	swait.ge [sflag:s19], $0x2000  }
0xef: {  	[sflag:s19] =	ssyncset.done $0x0  }
0xf0: {  	s23 =	simm.s32 $0x4;
	[sflag:s19] =	ssyncadd.s32 $0xFFFFE000  }
0xf1: {  	_ =	swait.ge [sflag:s23], $0x2000  }
0xf2: {  	[sflag:s23] =	ssyncset.done $0x0  }
0xf3: {  	s24 =	simm.s32 $0x5;
	[sflag:s23] =	ssyncadd.s32 $0xFFFFE000  }
0xf4: {  	_ =	swait.ge [sflag:s24], $0x2000  }
0xf5: {  	[sflag:s24] =	ssyncset.done $0x0  }
0xf6: {  	s26 =	simm.s32 $0x6;
	[sflag:s24] =	ssyncadd.s32 $0xFFFFE000  }
0xf7: {  	_ =	swait.ge [sflag:s26], $0x2000  }
0xf8: {  	[sflag:s26] =	ssyncset.done $0x0  }
0xf9: {  	[sflag:s26] =	ssyncadd.s32 $0xFFFFE000  }
0xfa: {  	_ =	swait.ge [sflag:s6], $0x2000  }
0xfb: {  	[sflag:s6] =	ssyncset.done $0x0  }
0xfc: {  	[sflag:s6] =	ssyncadd.s32 $0xFFFFE000  }
0xfd: {  	_ =	swait.ge [sflag:s8], $0x2000  }
0xfe: {  	[sflag:s8] =	ssyncset.done $0x0  }
0xff: {  	[sflag:s8] =	ssyncadd.s32 $0xFFFFE000  }
0x100: {  	_ =	swait.ge [sflag:s9], $0x2000  }
0x101: {  	[sflag:s9] =	ssyncset.done $0x0  }
0x102: {  	[sflag:s9] =	ssyncadd.s32 $0xFFFFE000  }
0x103: {  	_ =	swait.ge [sflag:s14], $0x2000  }
0x104: {  	[sflag:s14] =	ssyncset.done $0x0  }
0x105: {  	[sflag:s14] =	ssyncadd.s32 $0xFFFFE000  }
0x106: {  	[bflag:$0x0] =	sbarrier.arrive $0xFFFF  }
0x107: {  	s12 =	rddreg [dreg:$0xa]  }
0x108: {  	s26 =	rddreg [dreg:$0xb]  }
0x109: {  	s3 =	rddreg [dreg:$0xc]  }
0x10a: {  	[hbm:s3], [sflag:s12] =	dma.local [spmem:s26], $0x1400  }
0x10b: {  	_ =	swait.ge [sflag:s10], $0x1400  }
0x10c: {  	s29 =	rddreg [dreg:$0xd]  }
0x10d: {  	s31 =	rddreg [dreg:$0x7];
	s0 =	sadd.s32 $0x1, s29  }
0x10e: {  	p0 =	sne.s32 s0, s31  }
.Ltmp1:
0x10f: {  	_ = 	snop;
	(pc) =	sbr.rel @p0 .LBB2_1-.Ltmp1, $3  }
0x110: {  	_ =	sdelay $0x1  }
0x111: {  	[sflag:s10] =	ssyncset.done $0x0  }
0x112: {  	s13 =	simm.s32 $0x2800;
	s23 =	simm.s32 $0x4800;
	[sflag:s10] =	ssyncadd.s32 $0xFFFFEC00  }
0x113: {  	_ =	sfence.sel $0x180000  }
0x114: {  	[bflag:$0x0] =	sbarrier.arrive $0xFFFF  }
0x115: {  	_ =	strace $0x9000004A  }
0x116: {  	s0 =	stileid.u32;
	[bflag:$0x2] =	sbarrier.arrive $0xFFFF  }
0x117: {  	p0 =	sne.s32 s0, $0x0;
	s0 =	rddreg [dreg:$0x2]  }
0x118: {  	s0 =	sadd.s32 @!p0 $0x100000, s0  }
0x119: {  	[sflag:s0] =	ssyncadd.tile.s32 @!p0 $0x1;
	_ =	shalt  }
.Lfunc_end2:
_tile_overlayer_lowered:
.L_overlay_start_2:
0x11a: {  	(tag) =	ssettag $0x2  }
0x11b: {  	s0 =	rddreg [dreg:$0x0];
	s2 =	stileid.u32  }
0x11c: {  	s1 =	rddreg [dreg:$0x1];
	p0 =	sne.s32 s2, $0x0  }
0x11d: {  	s3 =	rddreg [dreg:$0x2];
	[bflag:$0x3] =	sbarrier.arrive $0xFFFF;
	s2 =	simm.s32 @!p0 $0x1C0B  }
0x11e: {  	[timem:s3], [sflag:s2] =	dma.local @!p0 [hbm:s0], s1  }
0x11f: {  	s0 =	simm.s32 @!p0 $0xB  }
0x120: {  	_ =	swait.ge @!p0 [sflag:s0], s1  }
0x121: {  	s1 =	ssub.s32 @!p0 $0x0, s1;
	[sflag:s0] =	ssyncset.done @!p0 $0x0  }
0x122: {  	[sflag:s0] =	ssyncadd.s32 @!p0 s1  }
0x123: {  	[bflag:$0x3] =	sbarrier.arrive $0xFFFF  }
0x124: {  	_ =	shalt  }

// kernel: kernel.22.cloned.1.call-start
scs
__scs_entry_jumppad:
0x0: {  	(pc) =	sbr.rel $0x88, $3  }
0x1: {  	(tag) =	ssettag $0x0;
	lr =	simm.s32 $0x1  }
0x2: {  	[smem:$0x3F85] =	sst lr;
	_ =	strace $0xD0000000  }
0x3: {  	_ = 	snop  }
0x4: {  	_ = 	snop  }
0x5: {  	_ = 	snop  }
0x6: {  	_ = 	snop  }
0x7: {  	_ = 	snop  }
__scs_overlays_trampoline_lowered:
0x8: {  	[smem:$0x3F94] =	sst s0  }
0x9: {  	[smem:$0x3F95] =	sst s1  }
0xa: {  	[smem:$0x3F96] =	sst s2  }
0xb: {  	[smem:$0x3F97] =	sst s3  }
0xc: {  	[smem:$0x3F98] =	sst s4  }
0xd: {  	[smem:$0x3F99] =	sst s5  }
0xe: {  	[smem:$0x3F9A] =	sst s6  }
0xf: {  	[smem:$0x3F9B] =	sst s7  }
0x10: {  	[smem:$0x3F9C] =	sst s8  }
0x11: {  	[smem:$0x3F9D] =	sst s9;
	s0 =	simm.s32 @!p0 $0x0  }
0x12: {  	s1 =	sld [smem:$0x3F83];
	s0 =	simm.s32 @p0 $0x1  }
0x13: {  	[smem:$0x3F9E] =	sst s0;
	s0 =	simm.s32 @!p1 $0x0  }
0x14: {  	s2 =	sld [smem:$0x3F82];
	s0 =	simm.s32 @p1 $0x1  }
0x15: {  	[smem:$0x3F9F] =	sst s0;
	s0 =	simm.s32 @!p2 $0x0  }
0x16: {  	s3 =	sld [smem:$0x3FDB];
	s0 =	simm.s32 @p2 $0x1  }
0x17: {  	s4 =	simm.s32 $0x1BF5;
	[smem:$0x3FA1] =	sst s0  }
0x18: {  	s0 =	sld [smem:$0x3F84];
	_ =	swait.ge [sflag:s4], $0x0  }
0x19: {  	s7 =	sld [smem:$0x3F85]  }
0x1a: {  	s8 =	sadd.s32 $0xFFFFE003, lr  }
0x1b: {  	s9 =	sadd.s32 $0xFFFFFEF7, lr;
	s5 =	simm.s32 $0xFFFFFFFF;
	p2 =	slt.u32 s8, $0xFFFFF086  }
0x1c: {  	p1 =	slt.u32 s9, $0xF7A;
	s5 =	simm.s32 @!p2 $0x0  }
0x1d: {  	s5 =	simm.s32 @p1 $0x1;
	p0 =	seq.s32 s7, s2  }
0x1e: {  	s7 =	smul.u32 @!p0 $0xF7A, s2;
	p2 =	seq.s32 @!p0 s5, $0x0  }
0x1f: {  	s9 =	smul.u32 $0xF7A, s1;
	s8 =	simm.s32 @!p0 $0x1BF5;
	p2 =	por !p2, p0  }
0x20: {  	[sflag:s8] =	ssyncset.s32 @!p0 $0xFFFFF086;
	s6 =	sadd.s32 @!p0 s3, s7;
	s7 =	simm.s32 @!p0 $0x108  }
0x21: {  	s3 =	sadd.s32 s3, s9;
	s6 =	sadd.s32 @!p0 $0x88, s6;
	s7 =	simm.s32 @p2 $0x1082  }
0x22: {  	[simem:s7], [sflag:s8] =	dma.local @!p0 [hbm:s6], $0xF7A  }
0x23: {  	s9 =	sor.u32 $0xD0000000, s2;
	s6 =	simm.s32 $0x108;
	_ =	swait.ge @!p0 [sflag:s8], $0x0  }
0x24: {  	s3 =	sadd.s32 $0x88, s3;
	s6 =	simm.s32 @!p1 $0x1082;
	[sflag:s4] =	ssyncset.s32 $0xFFFFF086  }
0x25: {  	[simem:s6], [sflag:s4] =	dma.local [hbm:s3], $0xF7A  }
0x26: {  	[smem:$0x3F85] =	sst s1;
	(tag) =	ssettag s2;
	_ =	strace s9  }
0x27: {  	s1 =	sld [smem:$0x3F95]  }
0x28: {  	s2 =	sld [smem:$0x3F96]  }
0x29: {  	s4 =	sld [smem:$0x3F98]  }
0x2a: {  	p0 =	seq.s32 s5, $0x0;
	s5 =	sld [smem:$0x3F99]  }
0x2b: {  	s6 =	sld [smem:$0x3F9A]  }
0x2c: {  	s7 =	sld [smem:$0x3F9B]  }
0x2d: {  	s3 =	simm.s32 $0x108;
	s8 =	sld [smem:$0x3F9C]  }
0x2e: {  	s3 =	simm.s32 @!p0 $0x1082;
	s9 =	sld [smem:$0x3F9D]  }
0x2f: {  	lr =	sadd.s32 s0, s3;
	s0 =	sld [smem:$0x3F94]  }
0x30: {  	s3 =	sld [smem:$0x3F97]  }
0x31: {  	[smem:$0x3FA0] =	sst s10  }
0x32: {  	s10 =	sld [smem:$0x3F9E];
	_ =	sdelay $0x3  }
0x33: {  	p0 =	seq.s32 s10, $0x1;
	s10 =	sld [smem:$0x3FA0];
	_ =	sdelay $0x3  }
0x34: {  	[smem:$0x3FA0] =	sst s10  }
0x35: {  	s10 =	sld [smem:$0x3F9F];
	_ =	sdelay $0x3  }
0x36: {  	p1 =	seq.s32 s10, $0x1;
	s10 =	sld [smem:$0x3FA0];
	_ =	sdelay $0x3  }
0x37: {  	[smem:$0x3FA0] =	sst s10  }
0x38: {  	s10 =	sld [smem:$0x3FA1]  }
0x39: {  	_ = 	snop;
	(pc) =	sbr.ind lr, $3  }
0x3a: {  	_ = 	snop  }
0x3b: {  	_ = 	snop  }
0x3c: {  	p2 =	seq.s32 s10, $0x1;
	s10 =	sld [smem:$0x3FA0]  }
0x3d: {  	_ =	shalt  }
0x3e: {  	_ =	shalt  }
0x3f: {  	_ =	shalt  }
0x40: {  	_ =	shalt  }
0x41: {  	_ =	shalt  }
0x42: {  	_ =	shalt  }
0x43: {  	_ =	shalt  }
0x44: {  	_ =	shalt  }
0x45: {  	_ =	shalt  }
0x46: {  	_ =	shalt  }
0x47: {  	_ =	shalt  }
0x48: {  	_ =	shalt  }
0x49: {  	_ =	shalt  }
0x4a: {  	_ =	shalt  }
0x4b: {  	_ =	shalt  }
0x4c: {  	_ =	shalt  }
0x4d: {  	_ =	shalt  }
0x4e: {  	_ =	shalt  }
0x4f: {  	_ =	shalt  }
0x50: {  	_ =	shalt  }
0x51: {  	_ =	shalt  }
0x52: {  	_ =	shalt  }
0x53: {  	_ =	shalt  }
0x54: {  	_ =	shalt  }
0x55: {  	_ =	shalt  }
0x56: {  	_ =	shalt  }
0x57: {  	_ =	shalt  }
0x58: {  	_ =	shalt  }
0x59: {  	_ =	shalt  }
0x5a: {  	_ =	shalt  }
0x5b: {  	_ =	shalt  }
0x5c: {  	_ =	shalt  }
0x5d: {  	_ =	shalt  }
0x5e: {  	_ =	shalt  }
0x5f: {  	_ =	shalt  }
0x60: {  	_ =	shalt  }
0x61: {  	_ =	shalt  }
0x62: {  	_ =	shalt  }
0x63: {  	_ =	shalt  }
0x64: {  	_ =	shalt  }
0x65: {  	_ =	shalt  }
0x66: {  	_ =	shalt  }
0x67: {  	_ =	shalt  }
0x68: {  	_ =	shalt  }
0x69: {  	_ =	shalt  }
0x6a: {  	_ =	shalt  }
0x6b: {  	_ =	shalt  }
0x6c: {  	_ =	shalt  }
0x6d: {  	_ =	shalt  }
0x6e: {  	_ =	shalt  }
0x6f: {  	_ =	shalt  }
0x70: {  	_ =	shalt  }
0x71: {  	_ =	shalt  }
0x72: {  	_ =	shalt  }
0x73: {  	_ =	shalt  }
0x74: {  	_ =	shalt  }
0x75: {  	_ =	shalt  }
0x76: {  	_ =	shalt  }
0x77: {  	_ =	shalt  }
0x78: {  	_ =	shalt  }
0x79: {  	_ =	shalt  }
0x7a: {  	_ =	shalt  }
0x7b: {  	_ =	shalt  }
0x7c: {  	_ =	shalt  }
0x7d: {  	_ =	shalt  }
0x7e: {  	_ =	shalt  }
0x7f: {  	_ =	shalt  }
0x80: {  	_ =	shalt  }
0x81: {  	_ =	shalt  }
0x82: {  	_ =	shalt  }
0x83: {  	_ =	shalt  }
0x84: {  	_ =	shalt  }
0x85: {  	_ =	shalt  }
0x86: {  	_ =	shalt  }
0x87: {  	_ =	shalt  }
.Lfunc_end0:
.L_simem_size_0:
called_computation.2_lowered:
.L_overlay_start_0:
0x88: {  	s2 =	sld [smem:$0x3FD9]  }
0x89: {  	s3 =	sld [smem:$0x3FFE];
	_ =	sdelay $0x1  }
0x8a: {  	s1 =	srdreg.scid  }
0x8b: {  	s0 =	sand.u32 $0x1, s1  }
0x8c: {  	s16 =	sshll.u32 s0, $0xA;
	s2 =	sadd.s32 s3, s2  }
0x8d: {  	s2 =	sadd.s32 s2, s16  }
0x8e: {  	[smem:$0x3FAC] =	sst s2  }
0x8f: {  	_ = 	snop  }
0x90: {  	(tm) =	ssettm $0x1  }
0x91: {  	s17 =	sld [smem:$0x3FFB];
	_ =	sdelay $0x3  }
0x92: {  	_ =	strace s17  }
0x93: {  	s2 =	sld [smem:$0x3FFC];
	_ =	sdelay $0x3  }
0x94: {  	_ =	strace s2  }
0x95: {  	s2 =	sld [smem:$0x3FFD];
	_ =	sdelay $0x3  }
0x96: {  	_ =	strace s2  }
0x97: {  	_ =	strace $0x8FFFFFFF  }
0x98: {  	s18 =	sld [smem:$0x3FDB];
	_ =	sdelay $0x1  }
0x99: {  	s19 =	simm.s32 $_scs_section_size  }
0x9a: {  	s4 =	simm.s32 $_size__tile_overlayer_lowered;
	s5 =	simm.s32 $_tile_overlayer_lowered  }
0x9b: {  	s22 =	simm.s32 $0x1BFF;
	s21 =	sshll.u32 s5, $0x1;
	s2 =	sadd.s32 s19, s18  }
0x9c: {  	s6 =	simm.s32 $0x0;
	s20 =	sshll.u32 s4, $0x1;
	s4 =	sadd.s32 s21, s2  }
0x9d: {  	[timem:s6], [sflag:s22] =	dma.local [hbm:s4], s20  }
0x9e: {  	_ =	swait.ge [sflag:s22], s20  }
0x9f: {  	s3 =	ssub.s32 $0x0, s20;
	[sflag:s22] =	ssyncset.done $0x0  }
0xa0: {  	[sflag:s22] =	ssyncadd.s32 s3;
	_ =	sdelay $0x1  }
0xa1: {  	s23 =	simm.s32 $0x1B8B  }
0xa2: {  	_ =	swait.ge [sflag:s23], $0x1  }
0xa3: {  	[sflag:s23] =	ssyncset.done $0x0  }
0xa4: {  	s25 =	simm.s32 $0x1B8E;
	s24 =	sld [smem:$0x3FFE];
	[sflag:s23] =	ssyncadd.s32 $0xFFFFFFFF  }
0xa5: {  	s26 =	simm.s32 $execute0_lowered;
	[smem:$0x3FD2] =	sst s25  }
0xa6: {  	s4 =	sshll.u32 s26, $0x1;
	_ =	strace $0x8000004C;
	[dreg:$0x1] =	wrdreg $0xFFFFFFFF  }
0xa7: {  	s28 =	simm.s32 $_size_execute0_lowered;
	s2 =	sadd.s32 s2, s4;
	[dreg:$0x0] =	wrdreg $0x0  }
0xa8: {  	s4 =	sshll.u32 s28, $0x1;
	[dreg:$0x2] =	wrdreg s2  }
0xa9: {  	[dreg:$0x3] =	wrdreg s4  }
0xaa: {  	[dreg:$0x4] =	wrdreg $0xC0  }
0xab: {  	_ =	task [dreg:s6], $0x5FFFF  }
0xac: {  	[dreg:$0x1] =	wrdreg $0xFFFFFFFF  }
0xad: {  	[dreg:$0x0] =	wrdreg $0x60  }
0xae: {  	[dreg:$0x2] =	wrdreg s24  }
0xaf: {  	[dreg:$0x3] =	wrdreg $0x108000  }
0xb0: {  	[dreg:$0x4] =	wrdreg $0x9  }
0xb1: {  	_ =	task.clear_ibuf [dreg:s6], $0x5FFFF;
	_ =	strace $0x9000004C  }
0xb2: {  	s29 =	simm.s32 $0x9;
	_ =	strace $0x8000004E  }
0xb3: {  	_ =	swait.ge [sflag:s29], $0x1  }
0xb4: {  	[sflag:s29] =	ssyncadd.s32 $0xFFFFFFFF  }
0xb5: {  	_ =	strace $0x9000004E  }
0xb6: {  	_ =	sfence  }
0xb7: {  	s30 =	sld [smem:$0x0];
	_ =	sdelay $0x2  }
0xb8: {  	s31 =	sshll.u32 s1, $0xD;
	s1 =	sshrl.u32 s1, $0x2  }
0xb9: {  	s3 =	sand.u32 $0x4000, s31;
	s1 =	sadd.s32 s1, s30  }
0xba: {  	s0 =	sor.u32 s3, s0;
	s1 =	sshll.u32 s1, $0x11  }
0xbb: {  	s0 =	sor.u32 s1, s0  }
0xbc: {  	s0 =	sadd.s32 $0x8F2B, s0  }
0xbd: {  	[sflag:s0] =	ssyncadd.remote.s32 $0x1  }
0xbe: {  	_ =	sfence.sel $0xFFFF  }
0xbf: {  	[dreg:$0x0] =	wrdreg $0xFFFFFFFF;
	(pc) =	sbr.abs _section_cstart, $3  }
0xc0: {  	[dreg:$0x1] =	wrdreg $0xFFFFFFFF  }
0xc1: {  	_ =	task.clear_ibuf [dreg:s6], $0x2FFFF;
	_ =	strace $0x9FFFFFFF  }
0xc2: {  	(tm) =	ssettm $0x7FFFFFFF  }
0xc3: {  	_ =	shalt  }
tec
execute0_lowered:
.L_overlay_start_1:
0x0: {  	(tag) =	ssettag $0x1  }
0x1: {  	s0 =	rddreg [dreg:$0x0]  }
0x2: {  	s1 =	srdreg.scid;
	s2 =	rddreg [dreg:$0x1]  }
0x3: {  	s12 =	stileid.u32;
	s15 =	simm.s32 $0x0;
	s17 =	simm.s32 $0x800  }
0x4: {  	s23 =	simm.s32 $0x4800;
	s28 =	simm.s32 $0xC800;
	s30 =	simm.s32 $0xE800  }
0x5: {  	s14 =	simm.s32 $0xA;
	s1 =	sand.u32 $0x1, s1;
	s7 =	smul.u32 $0xA000, s12  }
0x6: {  	[smem:$0x7FF] =	sst s15;
	s4 =	sadd.s32 $0x5800, s0;
	s21 =	smul.u32 $0x5000, s12  }
0x7: {  	s8 =	sadd.s32 $0x19800, s0;
	s9 =	sadd.s32 $0x2D800, s0;
	s11 =	smul.u32 $0xA00, s12  }
0x8: {  	s31 =	sshll.u32 s12, $0x6;
	s3 =	sshll.u32 s1, $0x4;
	s5 =	smul.u32 $0x14000, s1  }
0x9: {  	_ =	strace $0x8000004D;
	[dreg:$0x5] =	wrdreg s9;
	s10 =	smul.u32 $0xA000, s1  }
0xa: {  	s19 =	ssub.s32 $0x2, s1;
	s1 =	smul.u32 $0x50000, s1;
	s9 =	simm.s32 $0x9  }
0xb: {  	s3 =	sor.u32 s12, s3;
	s20 =	sshrl.u32 s19, $0x1;
	s22 =	sadd.s32 s7, s2  }
0xc: {  	s24 =	sshrl.u32 s7, $0x3;
	s12 =	sor.u32 $0x1C0B, s31;
	s6 =	smul.u32 $0xA00, s3  }
0xd: {  	s7 =	simm.s32 $0x2;
	s3 =	smul.u32 $0x5000, s3;
	s0 =	sadd.s32 s5, s0  }
0xe: {  	s5 =	ssub.s32 s19, s20;
	s10 =	sadd.s32 s10, s8;
	s1 =	sadd.s32 s21, s1  }
0xf: {  	s20 =	simm.s32 $0x1;
	s21 =	simm.s32 $0x400;
	[dreg:$0xa] =	wrdreg s12  }
0x10: {  	s0 =	sadd.s32 $0x2EC00, s0;
	s25 =	sadd.s32 s11, s10;
	s1 =	sadd.s32 $0x1000, s1  }
0x11: {  	s5 =	smax.u32 s5, $0x1;
	s10 =	simm.s32 $0xB;
	s11 =	simm.s32 $0x80  }
0x12: {  	s13 =	sadd.s32 s8, s6;
	[dreg:$0x7] =	wrdreg s5;
	s26 =	sadd.s32 $0x180, s25  }
0x13: {  	s3 =	sor.u32 $0x800, s3;
	s1 =	sshrl.u32 s1, $0x3;
	[dreg:$0x3] =	wrdreg s26  }
0x14: {  	s0 =	sadd.s32 s24, s0;
	s25 =	simm.s32 $0xA800;
	[dreg:$0x6] =	wrdreg s13  }
0x15: {  	s6 =	simm.s32 $0x7;
	s29 =	sadd.s32 $0x80, s13;
	[dreg:$0xc] =	wrdreg s0  }
0x16: {  	s3 =	sshrl.u32 s3, $0x3;
	s1 =	sadd.s32 s1, s8;
	[dreg:$0x8] =	wrdreg s29  }
0x17: {  	s13 =	simm.s32 $0x2800;
	s26 =	sshrl.u32 s22, $0x3;
	[dreg:$0x4] =	wrdreg s1  }
0x18: {  	s22 =	simm.s32 $0x8800;
	s3 =	sadd.s32 s8, s3;
	[dreg:$0xb] =	wrdreg s26  }
0x19: {  	s0 =	simm.s32 $0x0;
	s8 =	simm.s32 $0x8;
	[dreg:$0x9] =	wrdreg s3  }
.LBB2_1:
0x1a: {  	[dreg:$0xd] =	wrdreg s0  }
0x1b: {  	s3 =	rddreg [dreg:$0x6]  }
0x1c: {  	[tilespmem:s15], [sflag:$0xB] =	stream.linear.gather [hbm4b:s3+s15], $0x400, $0x38;
	[tilespmem:$0x1A800] =	vst v63  }
0x1d: {  	_ =	swait.ge [sflag:s10], $0x400  }
0x1e: {  	[sflag:s10] =	ssyncset.done $0x0  }
0x1f: {  	[sflag:s10] =	ssyncadd.s32 $0xFFFFFC00  }
0x20: {  	[tilespmem:s17], [sflag:$0x1] =	stream.indirect.gather [hbm4b:s4+s11], $0x40, s15, s11, $0xb8;
	[tilespmem:$0x1A800] =	vst v63  }
0x21: {  	_ = 	snop  }
0x22: {  	[tilespmem:s13], [sflag:$0x1] =	stream.indirect.gather [hbm4b:s4+s11], $0x40, s11, s11, $0xb8;
	[tilespmem:$0x1A800] =	vst v63  }
0x23: {  	s24 =	simm.s32 $0x100  }
0x24: {  	[tilespmem:s23], [sflag:$0x1] =	stream.indirect.gather [hbm4b:s4+s11], $0x40, s24, s11, $0xb8;
	[tilespmem:$0x1A800] =	vst v63  }
0x25: {  	s19 =	simm.s32 $0x180;
	s1 =	simm.s32 $0x6800;
	s0 =	rddreg [dreg:$0x5]  }
0x26: {  	[tilespmem:s1], [sflag:$0x1] =	stream.indirect.gather [hbm4b:s4+s11], $0x40, s19, s11, $0xb8;
	[tilespmem:$0x1A800] =	vst v63  }
0x27: {  	[spmem:s26], [sflag:s12] =	dma.local [hbm:s0], $0x1400  }
0x28: {  	_ =	swait.ge [sflag:s10], $0x1400  }
0x29: {  	[sflag:s10] =	ssyncset.done $0x0  }
0x2a: {  	[sflag:s10] =	ssyncadd.s32 $0xFFFFEC00  }
0x2b: {  	[bflag:$0x0] =	sbarrier.arrive $0xFFFF  }
0x2c: {  	_ =	swait.ge [sflag:s20], $0x8000  }
0x2d: {  	[sflag:s20] =	ssyncset.done $0x0  }
0x2e: {  	s5 =	rddreg [dreg:$0x8];
	[sflag:s20] =	ssyncadd.s32 $0xFFFF8000  }
0x2f: {  	[tilespmem:s21], [sflag:$0xB] =	stream.linear.gather [hbm4b:s5+s15], $0x400, $0x38;
	[tilespmem:$0x1A800] =	vst v63  }
0x30: {  	_ =	swait.ge [sflag:s10], $0x400  }
0x31: {  	[sflag:s10] =	ssyncset.done $0x0  }
0x32: {  	[sflag:s10] =	ssyncadd.s32 $0xFFFFFC00  }
0x33: {  	[tilespmem:s22], [sflag:$0x2] =	stream.indirect.gather [hbm4b:s4+s11], $0x40, s21, s11, $0xb8;
	[tilespmem:$0x1A800] =	vst v63  }
0x34: {  	s5 =	simm.s32 $0x480  }
0x35: {  	[tilespmem:s25], [sflag:$0x2] =	stream.indirect.gather [hbm4b:s4+s11], $0x40, s5, s11, $0xb8;
	[tilespmem:$0x1A800] =	vst v63  }
0x36: {  	s0 =	simm.s32 $0x500  }
0x37: {  	[tilespmem:s28], [sflag:$0x2] =	stream.indirect.gather [hbm4b:s4+s11], $0x40, s0, s11, $0xb8;
	[tilespmem:$0x1A800] =	vst v63  }
0x38: {  	s18 =	simm.s32 $0x580  }
0x39: {  	[tilespmem:s30], [sflag:$0x2] =	stream.indirect.gather [hbm4b:s4+s11], $0x40, s18, s11, $0xb8;
	[tilespmem:$0x1A800] =	vst v63  }
0x3a: {  	s19 =	simm.s32 $0x200  }
0x3b: {  	[spmem:s2] =	stream.indirect.scatter.add.f32 [tilespmem:s17], [sflag:$0x3], $0x40, s19, s11, $0xb8;
	[tilespmem:$0x1A800] =	vst v63  }
0x3c: {  	s29 =	simm.s32 $0x280  }
0x3d: {  	[spmem:s2] =	stream.indirect.scatter.add.f32 [tilespmem:s13], [sflag:$0x4], $0x40, s29, s11, $0xb8;
	[tilespmem:$0x1A800] =	vst v63  }
0x3e: {  	s31 =	simm.s32 $0x300  }
0x3f: {  	[spmem:s2] =	stream.indirect.scatter.add.f32 [tilespmem:s23], [sflag:$0x5], $0x40, s31, s11, $0xb8;
	[tilespmem:$0x1A800] =	vst v63  }
0x40: {  	s16 =	simm.s32 $0x380  }
0x41: {  	[spmem:s2] =	stream.indirect.scatter.add.f32 [tilespmem:s1], [sflag:$0x6], $0x40, s16, s11, $0xb8;
	[tilespmem:$0x1A800] =	vst v63  }
0x42: {  	_ =	swait.ge [sflag:s7], $0x8000  }
0x43: {  	[sflag:s7] =	ssyncset.done $0x0  }
0x44: {  	s3 =	simm.s32 $0x3;
	[sflag:s7] =	ssyncadd.s32 $0xFFFF8000  }
0x45: {  	_ =	swait.ge [sflag:s3], $0x2000  }
0x46: {  	[sflag:s3] =	ssyncset.done $0x0  }
0x47: {  	s12 =	simm.s32 $0x4;
	[sflag:s3] =	ssyncadd.s32 $0xFFFFE000  }
0x48: {  	_ =	swait.ge [sflag:s12], $0x2000  }
0x49: {  	[sflag:s12] =	ssyncset.done $0x0  }
0x4a: {  	s26 =	simm.s32 $0x5;
	[sflag:s12] =	ssyncadd.s32 $0xFFFFE000  }
0x4b: {  	_ =	swait.ge [sflag:s26], $0x2000  }
0x4c: {  	[sflag:s26] =	ssyncset.done $0x0  }
0x4d: {  	s12 =	simm.s32 $0x6;
	[sflag:s26] =	ssyncadd.s32 $0xFFFFE000  }
0x4e: {  	_ =	swait.ge [sflag:s12], $0x2000  }
0x4f: {  	[sflag:s12] =	ssyncset.done $0x0  }
0x50: {  	s16 =	rddreg [dreg:$0x9];
	[sflag:s12] =	ssyncadd.s32 $0xFFFFE000  }
0x51: {  	[tilespmem:s15], [sflag:$0xB] =	stream.linear.gather [hbm4b:s16+s15], $0x400, $0x38;
	[tilespmem:$0x1A800] =	vst v63  }
0x52: {  	_ =	swait.ge [sflag:s10], $0x400  }
0x53: {  	[sflag:s10] =	ssyncset.done $0x0  }
0x54: {  	[sflag:s10] =	ssyncadd.s32 $0xFFFFFC00  }
0x55: {  	[tilespmem:s17], [sflag:$0x1] =	stream.indirect.gather [hbm4b:s4+s11], $0x40, s15, s11, $0xb8;
	[tilespmem:$0x1A800] =	vst v63  }
0x56: {  	_ = 	snop  }
0x57: {  	[tilespmem:s13], [sflag:$0x1] =	stream.indirect.gather [hbm4b:s4+s11], $0x40, s11, s11, $0xb8;
	[tilespmem:$0x1A800] =	vst v63  }
0x58: {  	_ = 	snop  }
0x59: {  	[tilespmem:s23], [sflag:$0x1] =	stream.indirect.gather [hbm4b:s4+s11], $0x40, s24, s11, $0xb8;
	[tilespmem:$0x1A800] =	vst v63  }
0x5a: {  	s26 =	simm.s32 $0x180  }
0x5b: {  	[tilespmem:s1], [sflag:$0x1] =	stream.indirect.gather [hbm4b:s4+s11], $0x40, s26, s11, $0xb8;
	[tilespmem:$0x1A800] =	vst v63  }
0x5c: {  	s26 =	simm.s32 $0x600  }
0x5d: {  	[spmem:s2] =	stream.indirect.scatter.add.f32 [tilespmem:s22], [sflag:$0x7], $0x40, s26, s11, $0xb8;
	[tilespmem:$0x1A800] =	vst v63  }
0x5e: {  	s12 =	simm.s32 $0x680  }
0x5f: {  	[spmem:s2] =	stream.indirect.scatter.add.f32 [tilespmem:s25], [sflag:$0x8], $0x40, s12, s11, $0xb8;
	[tilespmem:$0x1A800] =	vst v63  }
0x60: {  	s16 =	simm.s32 $0x700  }
0x61: {  	[spmem:s2] =	stream.indirect.scatter.add.f32 [tilespmem:s28], [sflag:$0x9], $0x40, s16, s11, $0xb8;
	[tilespmem:$0x1A800] =	vst v63  }
0x62: {  	s24 =	simm.s32 $0x780  }
0x63: {  	[spmem:s2] =	stream.indirect.scatter.add.f32 [tilespmem:s30], [sflag:$0xA], $0x40, s24, s11, $0xb8;
	[tilespmem:$0x1A800] =	vst v63  }
0x64: {  	_ =	swait.ge [sflag:s20], $0x8000  }
0x65: {  	[sflag:s20] =	ssyncset.done $0x0  }
0x66: {  	[sflag:s20] =	ssyncadd.s32 $0xFFFF8000  }
0x67: {  	_ =	swait.ge [sflag:s6], $0x2000  }
0x68: {  	[sflag:s6] =	ssyncset.done $0x0  }
0x69: {  	[sflag:s6] =	ssyncadd.s32 $0xFFFFE000  }
0x6a: {  	_ =	swait.ge [sflag:s8], $0x2000  }
0x6b: {  	[sflag:s8] =	ssyncset.done $0x0  }
0x6c: {  	[sflag:s8] =	ssyncadd.s32 $0xFFFFE000  }
0x6d: {  	_ =	swait.ge [sflag:s9], $0x2000  }
0x6e: {  	[sflag:s9] =	ssyncset.done $0x0  }
0x6f: {  	[sflag:s9] =	ssyncadd.s32 $0xFFFFE000  }
0x70: {  	_ =	swait.ge [sflag:s14], $0x2000  }
0x71: {  	s12 =	rddreg [dreg:$0x3];
	[sflag:s14] =	ssyncset.done $0x0  }
0x72: {  	[sflag:s14] =	ssyncadd.s32 $0xFFFFE000;
	s3 =	sadd.s32 $0x0, s12  }
0x73: {  	[tilespmem:s21], [sflag:$0xB] =	stream.linear.gather [hbm4b:s3+s15], $0x400, $0x38;
	[tilespmem:$0x1A800] =	vst v63  }
0x74: {  	_ =	swait.ge [sflag:s10], $0x400  }
0x75: {  	[sflag:s10] =	ssyncset.done $0x0  }
0x76: {  	[sflag:s10] =	ssyncadd.s32 $0xFFFFFC00  }
0x77: {  	[tilespmem:s22], [sflag:$0x2] =	stream.indirect.gather [hbm4b:s4+s11], $0x40, s21, s11, $0xb8;
	[tilespmem:$0x1A800] =	vst v63  }
0x78: {  	_ = 	snop  }
0x79: {  	[tilespmem:s25], [sflag:$0x2] =	stream.indirect.gather [hbm4b:s4+s11], $0x40, s5, s11, $0xb8;
	[tilespmem:$0x1A800] =	vst v63  }
0x7a: {  	_ = 	snop  }
0x7b: {  	[tilespmem:s28], [sflag:$0x2] =	stream.indirect.gather [hbm4b:s4+s11], $0x40, s0, s11, $0xb8;
	[tilespmem:$0x1A800] =	vst v63  }
0x7c: {  	_ = 	snop  }
0x7d: {  	[tilespmem:s30], [sflag:$0x2] =	stream.indirect.gather [hbm4b:s4+s11], $0x40, s18, s11, $0xb8;
	[tilespmem:$0x1A800] =	vst v63  }
0x7e: {  	_ = 	snop  }
0x7f: {  	[spmem:s2] =	stream.indirect.scatter.add.f32 [tilespmem:s17], [sflag:$0x3], $0x40, s19, s11, $0xb8;
	[tilespmem:$0x1A800] =	vst v63  }
0x80: {  	_ = 	snop  }
0x81: {  	[spmem:s2] =	stream.indirect.scatter.add.f32 [tilespmem:s13], [sflag:$0x4], $0x40, s29, s11, $0xb8;
	[tilespmem:$0x1A800] =	vst v63  }
0x82: {  	_ = 	snop  }
0x83: {  	[spmem:s2] =	stream.indirect.scatter.add.f32 [tilespmem:s23], [sflag:$0x5], $0x40, s31, s11, $0xb8;
	[tilespmem:$0x1A800] =	vst v63  }
0x84: {  	s13 =	simm.s32 $0x380  }
0x85: {  	[spmem:s2] =	stream.indirect.scatter.add.f32 [tilespmem:s1], [sflag:$0x6], $0x40, s13, s11, $0xb8;
	[tilespmem:$0x1A800] =	vst v63  }
0x86: {  	_ =	swait.ge [sflag:s7], $0x8000  }
0x87: {  	p0 =	por $0x0, $0x0;
	[sflag:s7] =	ssyncset.done $0x0  }
0x88: {  	s3 =	simm.s32 @!p0 $0x3;
	[sflag:s7] =	ssyncadd.s32 $0xFFFF8000  }
0x89: {  	_ =	swait.ge @!p0 [sflag:s3], $0x2000  }
0x8a: {  	[sflag:s3] =	ssyncset.done @!p0 $0x0  }
0x8b: {  	[sflag:s3] =	ssyncadd.s32 @!p0 $0xFFFFE000;
	s3 =	simm.s32 @!p0 $0x4  }
0x8c: {  	_ =	swait.ge @!p0 [sflag:s3], $0x2000  }
0x8d: {  	[sflag:s3] =	ssyncset.done @!p0 $0x0  }
0x8e: {  	[sflag:s3] =	ssyncadd.s32 @!p0 $0xFFFFE000;
	s3 =	simm.s32 @!p0 $0x5  }
0x8f: {  	_ =	swait.ge @!p0 [sflag:s3], $0x2000  }
0x90: {  	[sflag:s3] =	ssyncset.done @!p0 $0x0  }
0x91: {  	[sflag:s3] =	ssyncadd.s32 @!p0 $0xFFFFE000;
	s3 =	simm.s32 @!p0 $0x6  }
0x92: {  	_ =	swait.ge @!p0 [sflag:s3], $0x2000  }
0x93: {  	s5 =	simm.s32 @!p0 $0x0;
	s12 =	rddreg [dreg:$0x4];
	[sflag:s3] =	ssyncset.done @!p0 $0x0  }
0x94: {  	s1 =	simm.s32 @!p0 $0xB;
	[sflag:s3] =	ssyncadd.s32 @!p0 $0xFFFFE000;
	s3 =	sadd.s32 @!p0 $0x0, s12  }
0x95: {  	[tilespmem:s5], [sflag:$0xB] =	stream.linear.gather @!p0 [hbm4b:s3+s5], $0x400, $0x38;
	[tilespmem:$0x1A800] =	vst v63  }
0x96: {  	_ =	swait.ge @!p0 [sflag:s1], $0x400  }
0x97: {  	[sflag:s1] =	ssyncset.done @!p0 $0x0  }
0x98: {  	s12 =	simm.s32 @!p0 $0x800;
	s3 =	simm.s32 @!p0 $0x80;
	[sflag:s1] =	ssyncadd.s32 @!p0 $0xFFFFFC00  }
0x99: {  	[tilespmem:s12], [sflag:$0x1] =	stream.indirect.gather @!p0 [hbm4b:s4+s3], $0x40, s5, s3, $0xb8;
	[tilespmem:$0x1A800] =	vst v63  }
0x9a: {  	s12 =	simm.s32 @!p0 $0x2800  }
0x9b: {  	[tilespmem:s12], [sflag:$0x1] =	stream.indirect.gather @!p0 [hbm4b:s4+s3], $0x40, s3, s3, $0xb8;
	[tilespmem:$0x1A800] =	vst v63  }
0x9c: {  	s16 =	simm.s32 $0x580;
	s1 =	simm.s32 @!p0 $0x100;
	s12 =	simm.s32 @!p0 $0x4800  }
0x9d: {  	[tilespmem:s12], [sflag:$0x1] =	stream.indirect.gather @!p0 [hbm4b:s4+s3], $0x40, s1, s3, $0xb8;
	[tilespmem:$0x1A800] =	vst v63  }
0x9e: {  	s24 =	simm.s32 $0x200;
	s1 =	simm.s32 @!p0 $0x180;
	s12 =	simm.s32 @!p0 $0x6800  }
0x9f: {  	[tilespmem:s12], [sflag:$0x1] =	stream.indirect.gather @!p0 [hbm4b:s4+s3], $0x40, s1, s3, $0xb8;
	[tilespmem:$0x1A800] =	vst v63  }
0xa0: {  	s0 =	simm.s32 $0x6800;
	s18 =	simm.s32 $0x280;
	s19 =	simm.s32 $0x300  }
0xa1: {  	[spmem:s2] =	stream.indirect.scatter.add.f32 [tilespmem:s22], [sflag:$0x7], $0x40, s26, s11, $0xb8;
	[tilespmem:$0x1A800] =	vst v63  }
0xa2: {  	s29 =	simm.s32 $0x380;
	s31 =	simm.s32 $0x600;
	s23 =	simm.s32 $0x680  }
0xa3: {  	[spmem:s2] =	stream.indirect.scatter.add.f32 [tilespmem:s25], [sflag:$0x8], $0x40, s23, s11, $0xb8;
	[tilespmem:$0x1A800] =	vst v63  }
0xa4: {  	s5 =	simm.s32 $0x700;
	s1 =	simm.s32 $0x680;
	s26 =	simm.s32 $0x700  }
0xa5: {  	[spmem:s2] =	stream.indirect.scatter.add.f32 [tilespmem:s28], [sflag:$0x9], $0x40, s26, s11, $0xb8;
	[tilespmem:$0x1A800] =	vst v63  }
0xa6: {  	s3 =	simm.s32 $0x100;
	s23 =	simm.s32 $0x2800;
	s26 =	simm.s32 $0x4800  }
.LBB2_2:
0xa7: {  	s12 =	simm.s32 $0x780  }
0xa8: {  	[spmem:s2] =	stream.indirect.scatter.add.f32 [tilespmem:s30], [sflag:$0xA], $0x40, s12, s11, $0xb8;
	[tilespmem:$0x1A800] =	vst v63  }
0xa9: {  	_ =	swait.ge [sflag:s20], $0x8000  }
0xaa: {  	[sflag:s20] =	ssyncset.done $0x0  }
0xab: {  	[sflag:s20] =	ssyncadd.s32 $0xFFFF8000  }
0xac: {  	_ =	swait.ge [sflag:s6], $0x2000  }
0xad: {  	[sflag:s6] =	ssyncset.done $0x0  }
0xae: {  	[sflag:s6] =	ssyncadd.s32 $0xFFFFE000  }
0xaf: {  	_ =	swait.ge [sflag:s8], $0x2000  }
0xb0: {  	[sflag:s8] =	ssyncset.done $0x0  }
0xb1: {  	[sflag:s8] =	ssyncadd.s32 $0xFFFFE000  }
0xb2: {  	_ =	swait.ge [sflag:s9], $0x2000  }
0xb3: {  	[sflag:s9] =	ssyncset.done $0x0  }
0xb4: {  	[sflag:s9] =	ssyncadd.s32 $0xFFFFE000  }
0xb5: {  	_ =	swait.ge [sflag:s14], $0x2000  }
0xb6: {  	s12 =	smov.u32 s3;
	s13 =	rddreg [dreg:$0x3];
	[sflag:s14] =	ssyncset.done $0x0  }
0xb7: {  	[sflag:s14] =	ssyncadd.s32 $0xFFFFE000;
	s13 =	sadd.s32 s12, s13  }
0xb8: {  	[tilespmem:s21], [sflag:$0xB] =	stream.linear.gather [hbm4b:s13+s15], $0x400, $0x38;
	[tilespmem:$0x1A800] =	vst v63  }
0xb9: {  	_ =	swait.ge [sflag:s10], $0x400  }
0xba: {  	[sflag:s10] =	ssyncset.done $0x0  }
0xbb: {  	[sflag:s10] =	ssyncadd.s32 $0xFFFFFC00  }
0xbc: {  	[tilespmem:s22], [sflag:$0x2] =	stream.indirect.gather [hbm4b:s4+s11], $0x40, s21, s11, $0xb8;
	[tilespmem:$0x1A800] =	vst v63  }
0xbd: {  	s15 =	simm.s32 $0x480  }
0xbe: {  	[tilespmem:s25], [sflag:$0x2] =	stream.indirect.gather [hbm4b:s4+s11], $0x40, s15, s11, $0xb8;
	[tilespmem:$0x1A800] =	vst v63  }
0xbf: {  	s15 =	simm.s32 $0x500  }
0xc0: {  	[tilespmem:s28], [sflag:$0x2] =	stream.indirect.gather [hbm4b:s4+s11], $0x40, s15, s11, $0xb8;
	[tilespmem:$0x1A800] =	vst v63  }
0xc1: {  	_ = 	snop  }
0xc2: {  	[tilespmem:s30], [sflag:$0x2] =	stream.indirect.gather [hbm4b:s4+s11], $0x40, s16, s11, $0xb8;
	[tilespmem:$0x1A800] =	vst v63  }
0xc3: {  	_ = 	snop  }
0xc4: {  	[spmem:s2] =	stream.indirect.scatter.add.f32 [tilespmem:s17], [sflag:$0x3], $0x40, s24, s11, $0xb8;
	[tilespmem:$0x1A800] =	vst v63  }
0xc5: {  	_ = 	snop  }
0xc6: {  	[spmem:s2] =	stream.indirect.scatter.add.f32 [tilespmem:s23], [sflag:$0x4], $0x40, s18, s11, $0xb8;
	[tilespmem:$0x1A800] =	vst v63  }
0xc7: {  	_ = 	snop  }
0xc8: {  	[spmem:s2] =	stream.indirect.scatter.add.f32 [tilespmem:s26], [sflag:$0x5], $0x40, s19, s11, $0xb8;
	[tilespmem:$0x1A800] =	vst v63  }
0xc9: {  	_ = 	snop  }
0xca: {  	[spmem:s2] =	stream.indirect.scatter.add.f32 [tilespmem:s0], [sflag:$0x6], $0x40, s29, s11, $0xb8;
	[tilespmem:$0x1A800] =	vst v63  }
0xcb: {  	_ =	swait.ge [sflag:s7], $0x8000  }
0xcc: {  	p1 =	seq.s32 s12, $0x800;
	[sflag:s7] =	ssyncset.done $0x0  }
0xcd: {  	s13 =	simm.s32 @!p1 $0x3;
	[sflag:s7] =	ssyncadd.s32 $0xFFFF8000  }
0xce: {  	_ =	swait.ge @!p1 [sflag:s13], $0x2000  }
0xcf: {  	[sflag:s13] =	ssyncset.done @!p1 $0x0  }
0xd0: {  	[sflag:s13] =	ssyncadd.s32 @!p1 $0xFFFFE000;
	s13 =	simm.s32 @!p1 $0x4  }
0xd1: {  	_ =	swait.ge @!p1 [sflag:s13], $0x2000  }
0xd2: {  	[sflag:s13] =	ssyncset.done @!p1 $0x0  }
0xd3: {  	[sflag:s13] =	ssyncadd.s32 @!p1 $0xFFFFE000;
	s13 =	simm.s32 @!p1 $0x5  }
0xd4: {  	_ =	swait.ge @!p1 [sflag:s13], $0x2000  }
0xd5: {  	[sflag:s13] =	ssyncset.done @!p1 $0x0  }
0xd6: {  	[sflag:s13] =	ssyncadd.s32 @!p1 $0xFFFFE000;
	s13 =	simm.s32 @!p1 $0x6  }
0xd7: {  	_ =	swait.ge @!p1 [sflag:s13], $0x2000  }
0xd8: {  	s17 =	simm.s32 @!p1 $0xB;
	s15 =	rddreg [dreg:$0x4];
	[sflag:s13] =	ssyncset.done @!p1 $0x0  }
0xd9: {  	[sflag:s13] =	ssyncadd.s32 @!p1 $0xFFFFE000;
	s12 =	sadd.s32 @!p1 s12, s15;
	s13 =	simm.s32 @!p1 $0x0  }
0xda: {  	[tilespmem:s13], [sflag:$0xB] =	stream.linear.gather @!p1 [hbm4b:s12+s13], $0x400, $0x38;
	[tilespmem:$0x1A800] =	vst v63  }
0xdb: {  	_ =	swait.ge @!p1 [sflag:s17], $0x400  }
0xdc: {  	[sflag:s17] =	ssyncset.done @!p1 $0x0  }
0xdd: {  	s15 =	simm.s32 @!p1 $0x800;
	s12 =	simm.s32 @!p1 $0x80;
	[sflag:s17] =	ssyncadd.s32 @!p1 $0xFFFFFC00  }
0xde: {  	[tilespmem:s15], [sflag:$0x1] =	stream.indirect.gather @!p1 [hbm4b:s4+s12], $0x40, s13, s12, $0xb8;
	[tilespmem:$0x1A800] =	vst v63  }
0xdf: {  	s13 =	simm.s32 @!p1 $0x2800  }
0xe0: {  	[tilespmem:s13], [sflag:$0x1] =	stream.indirect.gather @!p1 [hbm4b:s4+s12], $0x40, s12, s12, $0xb8;
	[tilespmem:$0x1A800] =	vst v63  }
0xe1: {  	s15 =	simm.s32 @!p1 $0x4800;
	s13 =	simm.s32 @!p1 $0x100  }
0xe2: {  	[tilespmem:s15], [sflag:$0x1] =	stream.indirect.gather @!p1 [hbm4b:s4+s12], $0x40, s13, s12, $0xb8;
	[tilespmem:$0x1A800] =	vst v63  }
0xe3: {  	s3 =	sadd.s32 $0x100, s3;
	s13 =	simm.s32 @!p1 $0x180;
	s15 =	simm.s32 @!p1 $0x6800  }
0xe4: {  	[tilespmem:s15], [sflag:$0x1] =	stream.indirect.gather @!p1 [hbm4b:s4+s12], $0x40, s13, s12, $0xb8;
	[tilespmem:$0x1A800] =	vst v63  }
0xe5: {  	p0 =	sne.s32 s3, $0x900  }
0xe6: {  	[spmem:s2] =	stream.indirect.scatter.add.f32 [tilespmem:s22], [sflag:$0x7], $0x40, s31, s11, $0xb8;
	[tilespmem:$0x1A800] =	vst v63  }
.Ltmp0:
0xe7: {  	_ = 	snop;
	(pc) =	sbr.rel @p0 .LBB2_2-.Ltmp0, $4  }
0xe8: {  	_ = 	snop  }
0xe9: {  	[spmem:s2] =	stream.indirect.scatter.add.f32 [tilespmem:s25], [sflag:$0x8], $0x40, s1, s11, $0xb8;
	[tilespmem:$0x1A800] =	vst v63  }
0xea: {  	s17 =	simm.s32 $0x800;
	s15 =	simm.s32 $0x0  }
0xeb: {  	[spmem:s2] =	stream.indirect.scatter.add.f32 [tilespmem:s28], [sflag:$0x9], $0x40, s5, s11, $0xb8;
	[tilespmem:$0x1A800] =	vst v63  }
0xec: {  	s0 =	simm.s32 $0x780;
	s19 =	simm.s32 $0x3  }
0xed: {  	[spmem:s2] =	stream.indirect.scatter.add.f32 [tilespmem:s30], [sflag:$0xA], $0x40, s0, s11, $0xb8;
	[tilespmem:$0x1A800] =	vst v63  }
0xee: {  	_ =	swait.ge [sflag:s19], $0x2000  }
0xef: {  	[sflag:s19] =	ssyncset.done $0x0  }
0xf0: {  	s23 =	simm.s32 $0x4;
	[sflag:s19] =	ssyncadd.s32 $0xFFFFE000  }
0xf1: {  	_ =	swait.ge [sflag:s23], $0x2000  }
0xf2: {  	[sflag:s23] =	ssyncset.done $0x0  }
0xf3: {  	s24 =	simm.s32 $0x5;
	[sflag:s23] =	ssyncadd.s32 $0xFFFFE000  }
0xf4: {  	_ =	swait.ge [sflag:s24], $0x2000  }
0xf5: {  	[sflag:s24] =	ssyncset.done $0x0  }
0xf6: {  	s26 =	simm.s32 $0x6;
	[sflag:s24] =	ssyncadd.s32 $0xFFFFE000  }
0xf7: {  	_ =	swait.ge [sflag:s26], $0x2000  }
0xf8: {  	[sflag:s26] =	ssyncset.done $0x0  }
0xf9: {  	[sflag:s26] =	ssyncadd.s32 $0xFFFFE000  }
0xfa: {  	_ =	swait.ge [sflag:s6], $0x2000  }
0xfb: {  	[sflag:s6] =	ssyncset.done $0x0  }
0xfc: {  	[sflag:s6] =	ssyncadd.s32 $0xFFFFE000  }
0xfd: {  	_ =	swait.ge [sflag:s8], $0x2000  }
0xfe: {  	[sflag:s8] =	ssyncset.done $0x0  }
0xff: {  	[sflag:s8] =	ssyncadd.s32 $0xFFFFE000  }
0x100: {  	_ =	swait.ge [sflag:s9], $0x2000  }
0x101: {  	[sflag:s9] =	ssyncset.done $0x0  }
0x102: {  	[sflag:s9] =	ssyncadd.s32 $0xFFFFE000  }
0x103: {  	_ =	swait.ge [sflag:s14], $0x2000  }
0x104: {  	[sflag:s14] =	ssyncset.done $0x0  }
0x105: {  	[sflag:s14] =	ssyncadd.s32 $0xFFFFE000  }
0x106: {  	[bflag:$0x0] =	sbarrier.arrive $0xFFFF  }
0x107: {  	s12 =	rddreg [dreg:$0xa]  }
0x108: {  	s26 =	rddreg [dreg:$0xb]  }
0x109: {  	s3 =	rddreg [dreg:$0xc]  }
0x10a: {  	[hbm:s3], [sflag:s12] =	dma.local [spmem:s26], $0x1400  }
0x10b: {  	_ =	swait.ge [sflag:s10], $0x1400  }
0x10c: {  	s29 =	rddreg [dreg:$0xd]  }
0x10d: {  	s31 =	rddreg [dreg:$0x7];
	s0 =	sadd.s32 $0x1, s29  }
0x10e: {  	p0 =	sne.s32 s0, s31  }
.Ltmp1:
0x10f: {  	_ = 	snop;
	(pc) =	sbr.rel @p0 .LBB2_1-.Ltmp1, $3  }
0x110: {  	_ =	sdelay $0x1  }
0x111: {  	[sflag:s10] =	ssyncset.done $0x0  }
0x112: {  	s13 =	simm.s32 $0x2800;
	s23 =	simm.s32 $0x4800;
	[sflag:s10] =	ssyncadd.s32 $0xFFFFEC00  }
0x113: {  	_ =	sfence.sel $0x180000  }
0x114: {  	[bflag:$0x0] =	sbarrier.arrive $0xFFFF  }
0x115: {  	_ =	strace $0x9000004D  }
0x116: {  	s0 =	stileid.u32;
	[bflag:$0x2] =	sbarrier.arrive $0xFFFF  }
0x117: {  	p0 =	sne.s32 s0, $0x0;
	s0 =	rddreg [dreg:$0x2]  }
0x118: {  	s0 =	sadd.s32 @!p0 $0x100000, s0  }
0x119: {  	[sflag:s0] =	ssyncadd.tile.s32 @!p0 $0x1;
	_ =	shalt  }
.Lfunc_end2:
_tile_overlayer_lowered:
.L_overlay_start_2:
0x11a: {  	(tag) =	ssettag $0x2  }
0x11b: {  	s0 =	rddreg [dreg:$0x0];
	s2 =	stileid.u32  }
0x11c: {  	s1 =	rddreg [dreg:$0x1];
	p0 =	sne.s32 s2, $0x0  }
0x11d: {  	s3 =	rddreg [dreg:$0x2];
	[bflag:$0x3] =	sbarrier.arrive $0xFFFF;
	s2 =	simm.s32 @!p0 $0x1C0B  }
0x11e: {  	[timem:s3], [sflag:s2] =	dma.local @!p0 [hbm:s0], s1  }
0x11f: {  	s0 =	simm.s32 @!p0 $0xB  }
0x120: {  	_ =	swait.ge @!p0 [sflag:s0], s1  }
0x121: {  	s1 =	ssub.s32 @!p0 $0x0, s1;
	[sflag:s0] =	ssyncset.done @!p0 $0x0  }
0x122: {  	[sflag:s0] =	ssyncadd.s32 @!p0 s1  }
0x123: {  	[bflag:$0x3] =	sbarrier.arrive $0xFFFF  }
0x124: {  	_ =	shalt  }

// kernel: kernel.25.cloned.1.call-start
scs
__scs_entry_jumppad:
0x0: {  	(pc) =	sbr.rel $0x88, $3  }
0x1: {  	(tag) =	ssettag $0x0;
	lr =	simm.s32 $0x1  }
0x2: {  	[smem:$0x3F85] =	sst lr;
	_ =	strace $0xD0000000  }
0x3: {  	_ = 	snop  }
0x4: {  	_ = 	snop  }
0x5: {  	_ = 	snop  }
0x6: {  	_ = 	snop  }
0x7: {  	_ = 	snop  }
__scs_overlays_trampoline_lowered:
0x8: {  	[smem:$0x3F94] =	sst s0  }
0x9: {  	[smem:$0x3F95] =	sst s1  }
0xa: {  	[smem:$0x3F96] =	sst s2  }
0xb: {  	[smem:$0x3F97] =	sst s3  }
0xc: {  	[smem:$0x3F98] =	sst s4  }
0xd: {  	[smem:$0x3F99] =	sst s5  }
0xe: {  	[smem:$0x3F9A] =	sst s6  }
0xf: {  	[smem:$0x3F9B] =	sst s7  }
0x10: {  	[smem:$0x3F9C] =	sst s8  }
0x11: {  	[smem:$0x3F9D] =	sst s9;
	s0 =	simm.s32 @!p0 $0x0  }
0x12: {  	s1 =	sld [smem:$0x3F83];
	s0 =	simm.s32 @p0 $0x1  }
0x13: {  	[smem:$0x3F9E] =	sst s0;
	s0 =	simm.s32 @!p1 $0x0  }
0x14: {  	s2 =	sld [smem:$0x3F82];
	s0 =	simm.s32 @p1 $0x1  }
0x15: {  	[smem:$0x3F9F] =	sst s0;
	s0 =	simm.s32 @!p2 $0x0  }
0x16: {  	s3 =	sld [smem:$0x3FDB];
	s0 =	simm.s32 @p2 $0x1  }
0x17: {  	s4 =	simm.s32 $0x1BF5;
	[smem:$0x3FA1] =	sst s0  }
0x18: {  	s0 =	sld [smem:$0x3F84];
	_ =	swait.ge [sflag:s4], $0x0  }
0x19: {  	s7 =	sld [smem:$0x3F85]  }
0x1a: {  	s8 =	sadd.s32 $0xFFFFE003, lr  }
0x1b: {  	s9 =	sadd.s32 $0xFFFFFEF7, lr;
	s5 =	simm.s32 $0xFFFFFFFF;
	p2 =	slt.u32 s8, $0xFFFFF086  }
0x1c: {  	p1 =	slt.u32 s9, $0xF7A;
	s5 =	simm.s32 @!p2 $0x0  }
0x1d: {  	s5 =	simm.s32 @p1 $0x1;
	p0 =	seq.s32 s7, s2  }
0x1e: {  	s7 =	smul.u32 @!p0 $0xF7A, s2;
	p2 =	seq.s32 @!p0 s5, $0x0  }
0x1f: {  	s9 =	smul.u32 $0xF7A, s1;
	s8 =	simm.s32 @!p0 $0x1BF5;
	p2 =	por !p2, p0  }
0x20: {  	[sflag:s8] =	ssyncset.s32 @!p0 $0xFFFFF086;
	s6 =	sadd.s32 @!p0 s3, s7;
	s7 =	simm.s32 @!p0 $0x108  }
0x21: {  	s3 =	sadd.s32 s3, s9;
	s6 =	sadd.s32 @!p0 $0x88, s6;
	s7 =	simm.s32 @p2 $0x1082  }
0x22: {  	[simem:s7], [sflag:s8] =	dma.local @!p0 [hbm:s6], $0xF7A  }
0x23: {  	s9 =	sor.u32 $0xD0000000, s2;
	s6 =	simm.s32 $0x108;
	_ =	swait.ge @!p0 [sflag:s8], $0x0  }
0x24: {  	s3 =	sadd.s32 $0x88, s3;
	s6 =	simm.s32 @!p1 $0x1082;
	[sflag:s4] =	ssyncset.s32 $0xFFFFF086  }
0x25: {  	[simem:s6], [sflag:s4] =	dma.local [hbm:s3], $0xF7A  }
0x26: {  	[smem:$0x3F85] =	sst s1;
	(tag) =	ssettag s2;
	_ =	strace s9  }
0x27: {  	s1 =	sld [smem:$0x3F95]  }
0x28: {  	s2 =	sld [smem:$0x3F96]  }
0x29: {  	s4 =	sld [smem:$0x3F98]  }
0x2a: {  	p0 =	seq.s32 s5, $0x0;
	s5 =	sld [smem:$0x3F99]  }
0x2b: {  	s6 =	sld [smem:$0x3F9A]  }
0x2c: {  	s7 =	sld [smem:$0x3F9B]  }
0x2d: {  	s3 =	simm.s32 $0x108;
	s8 =	sld [smem:$0x3F9C]  }
0x2e: {  	s3 =	simm.s32 @!p0 $0x1082;
	s9 =	sld [smem:$0x3F9D]  }
0x2f: {  	lr =	sadd.s32 s0, s3;
	s0 =	sld [smem:$0x3F94]  }
0x30: {  	s3 =	sld [smem:$0x3F97]  }
0x31: {  	[smem:$0x3FA0] =	sst s10  }
0x32: {  	s10 =	sld [smem:$0x3F9E];
	_ =	sdelay $0x3  }
0x33: {  	p0 =	seq.s32 s10, $0x1;
	s10 =	sld [smem:$0x3FA0];
	_ =	sdelay $0x3  }
0x34: {  	[smem:$0x3FA0] =	sst s10  }
0x35: {  	s10 =	sld [smem:$0x3F9F];
	_ =	sdelay $0x3  }
0x36: {  	p1 =	seq.s32 s10, $0x1;
	s10 =	sld [smem:$0x3FA0];
	_ =	sdelay $0x3  }
0x37: {  	[smem:$0x3FA0] =	sst s10  }
0x38: {  	s10 =	sld [smem:$0x3FA1]  }
0x39: {  	_ = 	snop;
	(pc) =	sbr.ind lr, $3  }
0x3a: {  	_ = 	snop  }
0x3b: {  	_ = 	snop  }
0x3c: {  	p2 =	seq.s32 s10, $0x1;
	s10 =	sld [smem:$0x3FA0]  }
0x3d: {  	_ =	shalt  }
0x3e: {  	_ =	shalt  }
0x3f: {  	_ =	shalt  }
0x40: {  	_ =	shalt  }
0x41: {  	_ =	shalt  }
0x42: {  	_ =	shalt  }
0x43: {  	_ =	shalt  }
0x44: {  	_ =	shalt  }
0x45: {  	_ =	shalt  }
0x46: {  	_ =	shalt  }
0x47: {  	_ =	shalt  }
0x48: {  	_ =	shalt  }
0x49: {  	_ =	shalt  }
0x4a: {  	_ =	shalt  }
0x4b: {  	_ =	shalt  }
0x4c: {  	_ =	shalt  }
0x4d: {  	_ =	shalt  }
0x4e: {  	_ =	shalt  }
0x4f: {  	_ =	shalt  }
0x50: {  	_ =	shalt  }
0x51: {  	_ =	shalt  }
0x52: {  	_ =	shalt  }
0x53: {  	_ =	shalt  }
0x54: {  	_ =	shalt  }
0x55: {  	_ =	shalt  }
0x56: {  	_ =	shalt  }
0x57: {  	_ =	shalt  }
0x58: {  	_ =	shalt  }
0x59: {  	_ =	shalt  }
0x5a: {  	_ =	shalt  }
0x5b: {  	_ =	shalt  }
0x5c: {  	_ =	shalt  }
0x5d: {  	_ =	shalt  }
0x5e: {  	_ =	shalt  }
0x5f: {  	_ =	shalt  }
0x60: {  	_ =	shalt  }
0x61: {  	_ =	shalt  }
0x62: {  	_ =	shalt  }
0x63: {  	_ =	shalt  }
0x64: {  	_ =	shalt  }
0x65: {  	_ =	shalt  }
0x66: {  	_ =	shalt  }
0x67: {  	_ =	shalt  }
0x68: {  	_ =	shalt  }
0x69: {  	_ =	shalt  }
0x6a: {  	_ =	shalt  }
0x6b: {  	_ =	shalt  }
0x6c: {  	_ =	shalt  }
0x6d: {  	_ =	shalt  }
0x6e: {  	_ =	shalt  }
0x6f: {  	_ =	shalt  }
0x70: {  	_ =	shalt  }
0x71: {  	_ =	shalt  }
0x72: {  	_ =	shalt  }
0x73: {  	_ =	shalt  }
0x74: {  	_ =	shalt  }
0x75: {  	_ =	shalt  }
0x76: {  	_ =	shalt  }
0x77: {  	_ =	shalt  }
0x78: {  	_ =	shalt  }
0x79: {  	_ =	shalt  }
0x7a: {  	_ =	shalt  }
0x7b: {  	_ =	shalt  }
0x7c: {  	_ =	shalt  }
0x7d: {  	_ =	shalt  }
0x7e: {  	_ =	shalt  }
0x7f: {  	_ =	shalt  }
0x80: {  	_ =	shalt  }
0x81: {  	_ =	shalt  }
0x82: {  	_ =	shalt  }
0x83: {  	_ =	shalt  }
0x84: {  	_ =	shalt  }
0x85: {  	_ =	shalt  }
0x86: {  	_ =	shalt  }
0x87: {  	_ =	shalt  }
.Lfunc_end0:
.L_simem_size_0:
called_computation.3_lowered:
.L_overlay_start_0:
0x88: {  	s2 =	sld [smem:$0x3FD9]  }
0x89: {  	s3 =	sld [smem:$0x3FFE];
	_ =	sdelay $0x1  }
0x8a: {  	s1 =	srdreg.scid  }
0x8b: {  	s0 =	sand.u32 $0x1, s1  }
0x8c: {  	s16 =	sshll.u32 s0, $0xA;
	s2 =	sadd.s32 s3, s2  }
0x8d: {  	s2 =	sadd.s32 s2, s16  }
0x8e: {  	[smem:$0x3FAC] =	sst s2  }
0x8f: {  	_ = 	snop  }
0x90: {  	(tm) =	ssettm $0x1  }
0x91: {  	s17 =	sld [smem:$0x3FFB];
	_ =	sdelay $0x3  }
0x92: {  	_ =	strace s17  }
0x93: {  	s2 =	sld [smem:$0x3FFC];
	_ =	sdelay $0x3  }
0x94: {  	_ =	strace s2  }
0x95: {  	s2 =	sld [smem:$0x3FFD];
	_ =	sdelay $0x3  }
0x96: {  	_ =	strace s2  }
0x97: {  	_ =	strace $0x8FFFFFFF  }
0x98: {  	s18 =	sld [smem:$0x3FDB];
	_ =	sdelay $0x1  }
0x99: {  	s19 =	simm.s32 $_scs_section_size  }
0x9a: {  	s4 =	simm.s32 $_size__tile_overlayer_lowered;
	s5 =	simm.s32 $_tile_overlayer_lowered  }
0x9b: {  	s22 =	simm.s32 $0x1BFF;
	s21 =	sshll.u32 s5, $0x1;
	s2 =	sadd.s32 s19, s18  }
0x9c: {  	s6 =	simm.s32 $0x0;
	s20 =	sshll.u32 s4, $0x1;
	s4 =	sadd.s32 s21, s2  }
0x9d: {  	[timem:s6], [sflag:s22] =	dma.local [hbm:s4], s20  }
0x9e: {  	_ =	swait.ge [sflag:s22], s20  }
0x9f: {  	s3 =	ssub.s32 $0x0, s20;
	[sflag:s22] =	ssyncset.done $0x0  }
0xa0: {  	[sflag:s22] =	ssyncadd.s32 s3;
	_ =	sdelay $0x1  }
0xa1: {  	s23 =	simm.s32 $0x1B8B  }
0xa2: {  	_ =	swait.ge [sflag:s23], $0x1  }
0xa3: {  	[sflag:s23] =	ssyncset.done $0x0  }
0xa4: {  	s25 =	simm.s32 $0x1B8E;
	s24 =	sld [smem:$0x3FFE];
	[sflag:s23] =	ssyncadd.s32 $0xFFFFFFFF  }
0xa5: {  	s26 =	simm.s32 $execute0_lowered;
	[smem:$0x3FD2] =	sst s25  }
0xa6: {  	s4 =	sshll.u32 s26, $0x1;
	_ =	strace $0x8000004F;
	[dreg:$0x1] =	wrdreg $0xFFFFFFFF  }
0xa7: {  	s28 =	simm.s32 $_size_execute0_lowered;
	s2 =	sadd.s32 s2, s4;
	[dreg:$0x0] =	wrdreg $0x0  }
0xa8: {  	s4 =	sshll.u32 s28, $0x1;
	[dreg:$0x2] =	wrdreg s2  }
0xa9: {  	[dreg:$0x3] =	wrdreg s4  }
0xaa: {  	[dreg:$0x4] =	wrdreg $0xC0  }
0xab: {  	_ =	task [dreg:s6], $0x5FFFF  }
0xac: {  	[dreg:$0x1] =	wrdreg $0xFFFFFFFF  }
0xad: {  	[dreg:$0x0] =	wrdreg $0x60  }
0xae: {  	[dreg:$0x2] =	wrdreg s24  }
0xaf: {  	[dreg:$0x3] =	wrdreg $0x9  }
0xb0: {  	_ =	task.clear_ibuf [dreg:s6], $0x4FFFF;
	_ =	strace $0x9000004F  }
0xb1: {  	s29 =	simm.s32 $0x9;
	_ =	strace $0x80000051  }
0xb2: {  	_ =	swait.ge [sflag:s29], $0x1  }
0xb3: {  	[sflag:s29] =	ssyncadd.s32 $0xFFFFFFFF  }
0xb4: {  	_ =	strace $0x90000051  }
0xb5: {  	_ =	sfence  }
0xb6: {  	s30 =	sld [smem:$0x0];
	_ =	sdelay $0x2  }
0xb7: {  	s31 =	sshll.u32 s1, $0xD;
	s1 =	sshrl.u32 s1, $0x2  }
0xb8: {  	s3 =	sand.u32 $0x4000, s31;
	s1 =	sadd.s32 s1, s30  }
0xb9: {  	s0 =	sor.u32 s3, s0;
	s1 =	sshll.u32 s1, $0x11  }
0xba: {  	s0 =	sor.u32 s1, s0  }
0xbb: {  	s0 =	sadd.s32 $0x8F2B, s0  }
0xbc: {  	[sflag:s0] =	ssyncadd.remote.s32 $0x1  }
0xbd: {  	_ =	sfence.sel $0xFFFF  }
0xbe: {  	[dreg:$0x0] =	wrdreg $0xFFFFFFFF;
	(pc) =	sbr.abs _section_cstart, $3  }
0xbf: {  	[dreg:$0x1] =	wrdreg $0xFFFFFFFF  }
0xc0: {  	_ =	task.clear_ibuf [dreg:s6], $0x2FFFF;
	_ =	strace $0x9FFFFFFF  }
0xc1: {  	(tm) =	ssettm $0x7FFFFFFF  }
tec
execute0_lowered:
.L_overlay_start_1:
0x0: {  	(tag) =	ssettag $0x1  }
0x1: {  	s6 =	rddreg [dreg:$0x0]  }
0x2: {  	s1 =	srdreg.scid;
	s0 =	rddreg [dreg:$0x1];
	s2 =	simm.s32 $0x0  }
0x3: {  	s11 =	simm.s32 $0x5;
	s12 =	simm.s32 $0x80;
	s13 =	simm.s32 $0x200  }
0x4: {  	s14 =	simm.s32 $0x2200;
	s15 =	simm.s32 $0x1;
	s16 =	simm.s32 $0x8200  }
0x5: {  	s17 =	simm.s32 $0x2;
	s18 =	simm.s32 $0xA200;
	s19 =	simm.s32 $0x3  }
0x6: {  	s20 =	simm.s32 $0x4;
	s21 =	simm.s32 $0x0;
	s3 =	sand.u32 $0x1, s1  }
0x7: {  	s1 =	stileid.u32;
	[smem:$0x7FF] =	sst s2;
	s4 =	sshll.u32 s3, $0x4  }
.Ltmp0:
0x8: {  	s5 =	sadd.s32 $0x56C00, s6;
	s8 =	sor.u32 s1, s4;
	(pc) =	sbr.rel .LBB2_1-.Ltmp0, $4  }
0x9: {  	_ =	strace $0x80000050;
	s7 =	ssub.s32 $0x2, s3;
	s9 =	smul.u32 $0xA0, s8  }
0xa: {  	s3 =	sadd.s32 $0x7800, s6;
	s10 =	sshrl.u32 s7, $0x1;
	s4 =	smul.u32 $0x500, s8  }
0xb: {  	s6 =	sadd.s32 $0x1B800, s6;
	s10 =	ssub.s32 s7, s10;
	s8 =	smul.u32 $0xA000, s8  }
0xc: {  	s10 =	smax.u32 s10, $0x1;
	s7 =	sadd.s32 s5, s9;
	s9 =	sadd.s32 $0x200, s4  }
.LBB2_9:
0xd: {  	s21 =	sadd.s32 $0x1, s21  }
0xe: {  	_ =	swait.ge [sflag:s19], $0x2000;
	p0 =	sne.s32 s21, s10  }
.Ltmp1:
0xf: {  	[sflag:s19] =	ssyncset.done $0x0;
	(pc) =	sbr.rel @!p0 .LBB2_10-.Ltmp1, $4  }
0x10: {  	[sflag:s19] =	ssyncadd.s32 $0xFFFFE000  }
0x11: {  	_ =	swait.ge [sflag:s20], $0x2000  }
0x12: {  	[sflag:s20] =	ssyncset.done $0x0  }
0x13: {  	[sflag:s20] =	ssyncadd.s32 $0xFFFFE000  }
.LBB2_1:
0x14: {  	[tilespmem:s2], [sflag:$0x5] =	stream.linear.gather [hbm4b:s7+s2], $0x100, $0x38;
	[tilespmem:$0xC200] =	vst v63  }
0x15: {  	_ =	swait.ge [sflag:s11], $0x100  }
.Ltmp2:
0x16: {  	[sflag:s11] =	ssyncset.done $0x0;
	(pc) =	sbr.rel .LBB2_2-.Ltmp2, $4  }
0x17: {  	[sflag:s11] =	ssyncadd.s32 $0xFFFFFF00  }
0x18: {  	[tilespmem:s13], [sflag:$0x1] =	stream.indirect.gather [hbm4b:s3+s12], $0x40, s2, s12, $0xb8;
	[tilespmem:$0xC200] =	vst v63  }
0x19: {  	s22 =	simm.s32 $0x0  }
0x1a: {  	[tilespmem:s14], [sflag:$0x1] =	stream.indirect.gather [hbm4b:s3+s12], $0x40, s12, s12, $0xb8;
	[tilespmem:$0xC200] =	vst v63  }
.LBB2_8:
0x1b: {  	s22 =	sadd.s32 $0x1, s22  }
0x1c: {  	p0 =	sne.s32 s22, $0x3  }
.Ltmp3:
0x1d: {  	_ = 	snop;
	(pc) =	sbr.rel @!p0 .LBB2_9-.Ltmp3, $1  }
0x1e: {  	_ =	sdelay $0x3  }
.LBB2_2:
0x1f: {  	s23 =	sshllo.u32 s22, $0x1  }
0x20: {  	p0 =	sgt.u32 s23, $0x4  }
0x21: {  	_ =	swait.ge [sflag:s15], $0x4000;
	s24 =	sshll.u32 @!p0 s23, $0x8  }
0x22: {  	[sflag:s15] =	ssyncset.done $0x0;
	s24 =	sadd.s32 @!p0 s4, s24  }
0x23: {  	[sflag:s15] =	ssyncadd.s32 $0xFFFFC000;
	s24 =	sshrl.u32 @!p0 s24, $0x3  }
0x24: {  	s25 =	simm.s32 @!p0 $0x0;
	s26 =	simm.s32 @!p0 $0x100;
	s24 =	sadd.s32 @!p0 s5, s24  }
0x25: {  	[tilespmem:s26], [sflag:$0x5] =	stream.linear.gather @!p0 [hbm4b:s24+s25], $0x100, $0x38;
	[tilespmem:$0xC200] =	vst v63  }
0x26: {  	s24 =	simm.s32 @!p0 $0x5  }
0x27: {  	_ =	swait.ge @!p0 [sflag:s24], $0x100  }
0x28: {  	[sflag:s24] =	ssyncset.done @!p0 $0x0  }
0x29: {  	s25 =	simm.s32 @!p0 $0x4200;
	[sflag:s24] =	ssyncadd.s32 @!p0 $0xFFFFFF00;
	s24 =	simm.s32 @!p0 $0x80  }
0x2a: {  	[tilespmem:s25], [sflag:$0x2] =	stream.indirect.gather @!p0 [hbm4b:s3+s24], $0x40, s26, s24, $0xb8;
	[tilespmem:$0xC200] =	vst v63  }
0x2b: {  	p1 =	seq.s32 s22, $0x0;
	s25 =	simm.s32 @!p0 $0x180;
	s26 =	simm.s32 @!p0 $0x6200  }
0x2c: {  	[tilespmem:s26], [sflag:$0x2] =	stream.indirect.gather @!p0 [hbm4b:s3+s24], $0x40, s25, s24, $0xb8;
	[tilespmem:$0xC200] =	vst v63  }
0x2d: {  	s24 =	simm.s32 @!p1 $0x3  }
0x2e: {  	_ =	swait.ge @!p1 [sflag:s24], $0x2000  }
0x2f: {  	[sflag:s24] =	ssyncset.done @!p1 $0x0  }
0x30: {  	[sflag:s24] =	ssyncadd.s32 @!p1 $0xFFFFE000;
	s24 =	simm.s32 $0x240  }
0x31: {  	v0 =	vld [tilespmem:s24+$0xFFFFFFC0]  }
0x32: {  	v1 =	vld [tilespmem:s24+$0x0];
	_ =	sdelay $0x4  }
0x33: {  	v0 =	vadd.f32 v1, v0  }
0x34: {  	s25 =	simm.s32 $0x0  }
0x35: {  	[tilespmem:s25+$0x8200] =	vst v0  }
0x36: {  	v0 =	vld [tilespmem:s24+$0xFFFFFFD0]  }
0x37: {  	v1 =	vld [tilespmem:s24+$0x10];
	_ =	sdelay $0x4  }
0x38: {  	v0 =	vadd.f32 v1, v0;
	_ =	sdelay $0x1  }
0x39: {  	[tilespmem:s25+$0x8210] =	vst v0  }
0x3a: {  	v0 =	vld [tilespmem:s24+$0xFFFFFFE0]  }
0x3b: {  	v1 =	vld [tilespmem:s24+$0x20];
	_ =	sdelay $0x4  }
0x3c: {  	v0 =	vadd.f32 v1, v0;
	_ =	sdelay $0x1  }
0x3d: {  	[tilespmem:s25+$0x8220] =	vst v0  }
0x3e: {  	v0 =	vld [tilespmem:s24+$0xFFFFFFF0]  }
0x3f: {  	s26 =	simm.s32 $0x100;
	v1 =	vld [tilespmem:s24+$0x30]  }
.LBB2_3:
0x40: {  	_ =	sdelay $0x1  }
0x41: {  	p2 =	sne.s32 s26, $0x7F00  }
0x42: {  	s24 =	sadd.s32 $0x80, s24;
	s28 =	smov.u32 s26;
	s26 =	sadd.s32 $0x100, s26  }
0x43: {  	v0 =	vadd.f32 v1, v0;
	_ =	sdelay $0x1  }
0x44: {  	[tilespmem:s25+$0x8230] =	vst v0  }
0x45: {  	v0 =	vld [tilespmem:s24+$0xFFFFFFC0]  }
0x46: {  	v1 =	vld [tilespmem:s24+$0x0];
	_ =	sdelay $0x4  }
0x47: {  	v0 =	vadd.f32 v1, v0  }
0x48: {  	s25 =	sshra.s32 s28, $0x2  }
0x49: {  	[tilespmem:s25+$0x8200] =	vst v0  }
0x4a: {  	v0 =	vld [tilespmem:s24+$0xFFFFFFD0]  }
0x4b: {  	v1 =	vld [tilespmem:s24+$0x10];
	_ =	sdelay $0x4  }
0x4c: {  	v0 =	vadd.f32 v1, v0;
	_ =	sdelay $0x1  }
0x4d: {  	[tilespmem:s25+$0x8210] =	vst v0  }
0x4e: {  	v0 =	vld [tilespmem:s24+$0xFFFFFFE0]  }
0x4f: {  	v1 =	vld [tilespmem:s24+$0x20];
	_ =	sdelay $0x4  }
.Ltmp4:
0x50: {  	v0 =	vadd.f32 v1, v0;
	(pc) =	sbr.rel @p2 .LBB2_3-.Ltmp4, $4  }
0x51: {  	_ = 	snop  }
0x52: {  	[tilespmem:s25+$0x8220] =	vst v0  }
0x53: {  	v0 =	vld [tilespmem:s24+$0xFFFFFFF0]  }
0x54: {  	v1 =	vld [tilespmem:s24+$0x30]  }
0x55: {  	_ =	sdelay $0x2  }
.Ltmp5:
0x56: {  	s24 =	sshll.u32 s22, $0xE;
	(pc) =	sbr.rel @p0 .LBB2_8-.Ltmp5, $4  }
0x57: {  	s24 =	sadd.s32 s8, s24;
	v0 =	vadd.f32 v1, v0  }
0x58: {  	s24 =	sshrl.u32 s24, $0x3  }
0x59: {  	s24 =	sadd.s32 s6, s24;
	[tilespmem:s25+$0x8230] =	vst v0  }
0x5a: {  	[hbm4b:s24+s2] =	stream.linear.scatter [tilespmem:s16], [sflag:$0x3], $0x2000, $0x38;
	[tilespmem:$0xC200] =	vst v63  }
0x5b: {  	s24 =	sshll.u32 s22, $0x9  }
0x5c: {  	_ =	swait.ge [sflag:s17], $0x4000;
	s24 =	sadd.s32 s24, s9  }
0x5d: {  	[sflag:s17] =	ssyncset.done $0x0;
	s24 =	sshrl.u32 s24, $0x3  }
0x5e: {  	[sflag:s17] =	ssyncadd.s32 $0xFFFFC000;
	s24 =	sadd.s32 s5, s24  }
0x5f: {  	[tilespmem:s2], [sflag:$0x5] =	stream.linear.gather [hbm4b:s24+s2], $0x100, $0x38;
	[tilespmem:$0xC200] =	vst v63  }
0x60: {  	_ =	swait.ge [sflag:s11], $0x100  }
0x61: {  	[sflag:s11] =	ssyncset.done $0x0  }
0x62: {  	[sflag:s11] =	ssyncadd.s32 $0xFFFFFF00  }
0x63: {  	[tilespmem:s13], [sflag:$0x1] =	stream.indirect.gather [hbm4b:s3+s12], $0x40, s2, s12, $0xb8;
	[tilespmem:$0xC200] =	vst v63  }
0x64: {  	s24 =	simm.s32 @!p1 $0x4  }
0x65: {  	[tilespmem:s14], [sflag:$0x1] =	stream.indirect.gather [hbm4b:s3+s12], $0x40, s12, s12, $0xb8;
	[tilespmem:$0xC200] =	vst v63  }
0x66: {  	_ =	swait.ge @!p1 [sflag:s24], $0x2000  }
0x67: {  	[sflag:s24] =	ssyncset.done @!p1 $0x0  }
0x68: {  	[sflag:s24] =	ssyncadd.s32 @!p1 $0xFFFFE000;
	s24 =	simm.s32 $0x4240  }
0x69: {  	v0 =	vld [tilespmem:s24+$0xFFFFFFC0]  }
0x6a: {  	v1 =	vld [tilespmem:s24+$0x0];
	_ =	sdelay $0x4  }
0x6b: {  	v0 =	vadd.f32 v1, v0  }
0x6c: {  	s25 =	simm.s32 $0x0  }
0x6d: {  	[tilespmem:s25+$0xA200] =	vst v0  }
0x6e: {  	v0 =	vld [tilespmem:s24+$0xFFFFFFD0]  }
0x6f: {  	v1 =	vld [tilespmem:s24+$0x10];
	_ =	sdelay $0x4  }
0x70: {  	v0 =	vadd.f32 v1, v0;
	_ =	sdelay $0x1  }
0x71: {  	[tilespmem:s25+$0xA210] =	vst v0  }
0x72: {  	v0 =	vld [tilespmem:s24+$0xFFFFFFE0]  }
0x73: {  	v1 =	vld [tilespmem:s24+$0x20];
	_ =	sdelay $0x4  }
0x74: {  	v0 =	vadd.f32 v1, v0;
	_ =	sdelay $0x1  }
0x75: {  	[tilespmem:s25+$0xA220] =	vst v0  }
0x76: {  	v0 =	vld [tilespmem:s24+$0xFFFFFFF0]  }
0x77: {  	s26 =	simm.s32 $0x100;
	v1 =	vld [tilespmem:s24+$0x30]  }
.LBB2_6:
0x78: {  	_ =	sdelay $0x1  }
0x79: {  	p0 =	sne.s32 s26, $0x7F00  }
0x7a: {  	s24 =	sadd.s32 $0x80, s24;
	s28 =	smov.u32 s26;
	s26 =	sadd.s32 $0x100, s26  }
0x7b: {  	v0 =	vadd.f32 v1, v0;
	_ =	sdelay $0x1  }
0x7c: {  	[tilespmem:s25+$0xA230] =	vst v0  }
0x7d: {  	v0 =	vld [tilespmem:s24+$0xFFFFFFC0]  }
0x7e: {  	v1 =	vld [tilespmem:s24+$0x0];
	_ =	sdelay $0x4  }
0x7f: {  	v0 =	vadd.f32 v1, v0  }
0x80: {  	s25 =	sshra.s32 s28, $0x2  }
0x81: {  	[tilespmem:s25+$0xA200] =	vst v0  }
0x82: {  	v0 =	vld [tilespmem:s24+$0xFFFFFFD0]  }
0x83: {  	v1 =	vld [tilespmem:s24+$0x10];
	_ =	sdelay $0x4  }
0x84: {  	v0 =	vadd.f32 v1, v0;
	_ =	sdelay $0x1  }
0x85: {  	[tilespmem:s25+$0xA210] =	vst v0  }
0x86: {  	v0 =	vld [tilespmem:s24+$0xFFFFFFE0]  }
0x87: {  	v1 =	vld [tilespmem:s24+$0x20];
	_ =	sdelay $0x4  }
.Ltmp6:
0x88: {  	v0 =	vadd.f32 v1, v0;
	(pc) =	sbr.rel @p0 .LBB2_6-.Ltmp6, $4  }
0x89: {  	_ = 	snop  }
0x8a: {  	[tilespmem:s25+$0xA220] =	vst v0  }
0x8b: {  	v0 =	vld [tilespmem:s24+$0xFFFFFFF0]  }
0x8c: {  	v1 =	vld [tilespmem:s24+$0x30]  }
0x8d: {  	_ =	sdelay $0x2  }
.Ltmp7:
0x8e: {  	s23 =	sshll.u32 s23, $0xD;
	(pc) =	sbr.rel .LBB2_8-.Ltmp7, $4  }
0x8f: {  	s23 =	sadd.s32 s8, s23;
	v0 =	vadd.f32 v1, v0  }
0x90: {  	s23 =	sshrl.u32 s23, $0x3  }
0x91: {  	s23 =	sadd.s32 s6, s23;
	[tilespmem:s25+$0xA230] =	vst v0  }
0x92: {  	[hbm4b:s23+s2] =	stream.linear.scatter [tilespmem:s18], [sflag:$0x4], $0x2000, $0x38;
	[tilespmem:$0xC200] =	vst v63  }
.LBB2_10:
0x93: {  	_ =	sfence.sel $0x180000  }
0x94: {  	[bflag:$0x0] =	sbarrier.arrive $0xFFFF  }
0x95: {  	p0 =	sne.s32 s1, $0x0;
	_ =	strace $0x90000050  }
0x96: {  	s0 =	sadd.s32 @!p0 $0x100000, s0;
	[bflag:$0x2] =	sbarrier.arrive $0xFFFF  }
0x97: {  	[sflag:s0] =	ssyncadd.tile.s32 @!p0 $0x1;
	_ =	shalt  }
.Lfunc_end2:
_tile_overlayer_lowered:
.L_overlay_start_2:
0x98: {  	(tag) =	ssettag $0x2  }
0x99: {  	s0 =	rddreg [dreg:$0x0];
	s2 =	stileid.u32  }
0x9a: {  	s1 =	rddreg [dreg:$0x1];
	p0 =	sne.s32 s2, $0x0  }
0x9b: {  	s3 =	rddreg [dreg:$0x2];
	[bflag:$0x3] =	sbarrier.arrive $0xFFFF;
	s2 =	simm.s32 @!p0 $0x1C05  }
0x9c: {  	[timem:s3], [sflag:s2] =	dma.local @!p0 [hbm:s0], s1  }
0x9d: {  	s0 =	simm.s32 @!p0 $0x5  }
0x9e: {  	_ =	swait.ge @!p0 [sflag:s0], s1  }
0x9f: {  	s1 =	ssub.s32 @!p0 $0x0, s1;
	[sflag:s0] =	ssyncset.done @!p0 $0x0  }
0xa0: {  	[sflag:s0] =	ssyncadd.s32 @!p0 s1  }
0xa1: {  	[bflag:$0x3] =	sbarrier.arrive $0xFFFF  }
0xa2: {  	_ =	shalt  }

// kernel: kernel.28.cloned.1.call-start
scs
__scs_entry_jumppad:
0x0: {  	(pc) =	sbr.rel $0x88, $3  }
0x1: {  	(tag) =	ssettag $0x0;
	lr =	simm.s32 $0x1  }
0x2: {  	[smem:$0x3F85] =	sst lr;
	_ =	strace $0xD0000000  }
0x3: {  	_ = 	snop  }
0x4: {  	_ = 	snop  }
0x5: {  	_ = 	snop  }
0x6: {  	_ = 	snop  }
0x7: {  	_ = 	snop  }
__scs_overlays_trampoline_lowered:
0x8: {  	[smem:$0x3F94] =	sst s0  }
0x9: {  	[smem:$0x3F95] =	sst s1  }
0xa: {  	[smem:$0x3F96] =	sst s2  }
0xb: {  	[smem:$0x3F97] =	sst s3  }
0xc: {  	[smem:$0x3F98] =	sst s4  }
0xd: {  	[smem:$0x3F99] =	sst s5  }
0xe: {  	[smem:$0x3F9A] =	sst s6  }
0xf: {  	[smem:$0x3F9B] =	sst s7  }
0x10: {  	[smem:$0x3F9C] =	sst s8  }
0x11: {  	[smem:$0x3F9D] =	sst s9;
	s0 =	simm.s32 @!p0 $0x0  }
0x12: {  	s1 =	sld [smem:$0x3F83];
	s0 =	simm.s32 @p0 $0x1  }
0x13: {  	[smem:$0x3F9E] =	sst s0;
	s0 =	simm.s32 @!p1 $0x0  }
0x14: {  	s2 =	sld [smem:$0x3F82];
	s0 =	simm.s32 @p1 $0x1  }
0x15: {  	[smem:$0x3F9F] =	sst s0;
	s0 =	simm.s32 @!p2 $0x0  }
0x16: {  	s3 =	sld [smem:$0x3FDB];
	s0 =	simm.s32 @p2 $0x1  }
0x17: {  	s4 =	simm.s32 $0x1BF5;
	[smem:$0x3FA1] =	sst s0  }
0x18: {  	s0 =	sld [smem:$0x3F84];
	_ =	swait.ge [sflag:s4], $0x0  }
0x19: {  	s7 =	sld [smem:$0x3F85]  }
0x1a: {  	s8 =	sadd.s32 $0xFFFFE003, lr  }
0x1b: {  	s9 =	sadd.s32 $0xFFFFFEF7, lr;
	s5 =	simm.s32 $0xFFFFFFFF;
	p2 =	slt.u32 s8, $0xFFFFF086  }
0x1c: {  	p1 =	slt.u32 s9, $0xF7A;
	s5 =	simm.s32 @!p2 $0x0  }
0x1d: {  	s5 =	simm.s32 @p1 $0x1;
	p0 =	seq.s32 s7, s2  }
0x1e: {  	s7 =	smul.u32 @!p0 $0xF7A, s2;
	p2 =	seq.s32 @!p0 s5, $0x0  }
0x1f: {  	s9 =	smul.u32 $0xF7A, s1;
	s8 =	simm.s32 @!p0 $0x1BF5;
	p2 =	por !p2, p0  }
0x20: {  	[sflag:s8] =	ssyncset.s32 @!p0 $0xFFFFF086;
	s6 =	sadd.s32 @!p0 s3, s7;
	s7 =	simm.s32 @!p0 $0x108  }
0x21: {  	s3 =	sadd.s32 s3, s9;
	s6 =	sadd.s32 @!p0 $0x88, s6;
	s7 =	simm.s32 @p2 $0x1082  }
0x22: {  	[simem:s7], [sflag:s8] =	dma.local @!p0 [hbm:s6], $0xF7A  }
0x23: {  	s9 =	sor.u32 $0xD0000000, s2;
	s6 =	simm.s32 $0x108;
	_ =	swait.ge @!p0 [sflag:s8], $0x0  }
0x24: {  	s3 =	sadd.s32 $0x88, s3;
	s6 =	simm.s32 @!p1 $0x1082;
	[sflag:s4] =	ssyncset.s32 $0xFFFFF086  }
0x25: {  	[simem:s6], [sflag:s4] =	dma.local [hbm:s3], $0xF7A  }
0x26: {  	[smem:$0x3F85] =	sst s1;
	(tag) =	ssettag s2;
	_ =	strace s9  }
0x27: {  	s1 =	sld [smem:$0x3F95]  }
0x28: {  	s2 =	sld [smem:$0x3F96]  }
0x29: {  	s4 =	sld [smem:$0x3F98]  }
0x2a: {  	p0 =	seq.s32 s5, $0x0;
	s5 =	sld [smem:$0x3F99]  }
0x2b: {  	s6 =	sld [smem:$0x3F9A]  }
0x2c: {  	s7 =	sld [smem:$0x3F9B]  }
0x2d: {  	s3 =	simm.s32 $0x108;
	s8 =	sld [smem:$0x3F9C]  }
0x2e: {  	s3 =	simm.s32 @!p0 $0x1082;
	s9 =	sld [smem:$0x3F9D]  }
0x2f: {  	lr =	sadd.s32 s0, s3;
	s0 =	sld [smem:$0x3F94]  }
0x30: {  	s3 =	sld [smem:$0x3F97]  }
0x31: {  	[smem:$0x3FA0] =	sst s10  }
0x32: {  	s10 =	sld [smem:$0x3F9E];
	_ =	sdelay $0x3  }
0x33: {  	p0 =	seq.s32 s10, $0x1;
	s10 =	sld [smem:$0x3FA0];
	_ =	sdelay $0x3  }
0x34: {  	[smem:$0x3FA0] =	sst s10  }
0x35: {  	s10 =	sld [smem:$0x3F9F];
	_ =	sdelay $0x3  }
0x36: {  	p1 =	seq.s32 s10, $0x1;
	s10 =	sld [smem:$0x3FA0];
	_ =	sdelay $0x3  }
0x37: {  	[smem:$0x3FA0] =	sst s10  }
0x38: {  	s10 =	sld [smem:$0x3FA1]  }
0x39: {  	_ = 	snop;
	(pc) =	sbr.ind lr, $3  }
0x3a: {  	_ = 	snop  }
0x3b: {  	_ = 	snop  }
0x3c: {  	p2 =	seq.s32 s10, $0x1;
	s10 =	sld [smem:$0x3FA0]  }
0x3d: {  	_ =	shalt  }
0x3e: {  	_ =	shalt  }
0x3f: {  	_ =	shalt  }
0x40: {  	_ =	shalt  }
0x41: {  	_ =	shalt  }
0x42: {  	_ =	shalt  }
0x43: {  	_ =	shalt  }
0x44: {  	_ =	shalt  }
0x45: {  	_ =	shalt  }
0x46: {  	_ =	shalt  }
0x47: {  	_ =	shalt  }
0x48: {  	_ =	shalt  }
0x49: {  	_ =	shalt  }
0x4a: {  	_ =	shalt  }
0x4b: {  	_ =	shalt  }
0x4c: {  	_ =	shalt  }
0x4d: {  	_ =	shalt  }
0x4e: {  	_ =	shalt  }
0x4f: {  	_ =	shalt  }
0x50: {  	_ =	shalt  }
0x51: {  	_ =	shalt  }
0x52: {  	_ =	shalt  }
0x53: {  	_ =	shalt  }
0x54: {  	_ =	shalt  }
0x55: {  	_ =	shalt  }
0x56: {  	_ =	shalt  }
0x57: {  	_ =	shalt  }
0x58: {  	_ =	shalt  }
0x59: {  	_ =	shalt  }
0x5a: {  	_ =	shalt  }
0x5b: {  	_ =	shalt  }
0x5c: {  	_ =	shalt  }
0x5d: {  	_ =	shalt  }
0x5e: {  	_ =	shalt  }
0x5f: {  	_ =	shalt  }
0x60: {  	_ =	shalt  }
0x61: {  	_ =	shalt  }
0x62: {  	_ =	shalt  }
0x63: {  	_ =	shalt  }
0x64: {  	_ =	shalt  }
0x65: {  	_ =	shalt  }
0x66: {  	_ =	shalt  }
0x67: {  	_ =	shalt  }
0x68: {  	_ =	shalt  }
0x69: {  	_ =	shalt  }
0x6a: {  	_ =	shalt  }
0x6b: {  	_ =	shalt  }
0x6c: {  	_ =	shalt  }
0x6d: {  	_ =	shalt  }
0x6e: {  	_ =	shalt  }
0x6f: {  	_ =	shalt  }
0x70: {  	_ =	shalt  }
0x71: {  	_ =	shalt  }
0x72: {  	_ =	shalt  }
0x73: {  	_ =	shalt  }
0x74: {  	_ =	shalt  }
0x75: {  	_ =	shalt  }
0x76: {  	_ =	shalt  }
0x77: {  	_ =	shalt  }
0x78: {  	_ =	shalt  }
0x79: {  	_ =	shalt  }
0x7a: {  	_ =	shalt  }
0x7b: {  	_ =	shalt  }
0x7c: {  	_ =	shalt  }
0x7d: {  	_ =	shalt  }
0x7e: {  	_ =	shalt  }
0x7f: {  	_ =	shalt  }
0x80: {  	_ =	shalt  }
0x81: {  	_ =	shalt  }
0x82: {  	_ =	shalt  }
0x83: {  	_ =	shalt  }
0x84: {  	_ =	shalt  }
0x85: {  	_ =	shalt  }
0x86: {  	_ =	shalt  }
0x87: {  	_ =	shalt  }
.Lfunc_end0:
.L_simem_size_0:
called_computation.4_lowered:
.L_overlay_start_0:
0x88: {  	s2 =	sld [smem:$0x3FD9]  }
0x89: {  	s3 =	sld [smem:$0x3FFE];
	_ =	sdelay $0x1  }
0x8a: {  	s1 =	srdreg.scid  }
0x8b: {  	s0 =	sand.u32 $0x1, s1  }
0x8c: {  	s16 =	sshll.u32 s0, $0xA;
	s2 =	sadd.s32 s3, s2  }
0x8d: {  	s2 =	sadd.s32 s2, s16  }
0x8e: {  	[smem:$0x3FAC] =	sst s2  }
0x8f: {  	_ = 	snop  }
0x90: {  	(tm) =	ssettm $0x1  }
0x91: {  	s17 =	sld [smem:$0x3FFB];
	_ =	sdelay $0x3  }
0x92: {  	_ =	strace s17  }
0x93: {  	s2 =	sld [smem:$0x3FFC];
	_ =	sdelay $0x3  }
0x94: {  	_ =	strace s2  }
0x95: {  	s2 =	sld [smem:$0x3FFD];
	_ =	sdelay $0x3  }
0x96: {  	_ =	strace s2  }
0x97: {  	_ =	strace $0x8FFFFFFF  }
0x98: {  	s18 =	sld [smem:$0x3FDB];
	_ =	sdelay $0x1  }
0x99: {  	s19 =	simm.s32 $_scs_section_size  }
0x9a: {  	s4 =	simm.s32 $_size__tile_overlayer_lowered;
	s5 =	simm.s32 $_tile_overlayer_lowered  }
0x9b: {  	s22 =	simm.s32 $0x1BFF;
	s21 =	sshll.u32 s5, $0x1;
	s2 =	sadd.s32 s19, s18  }
0x9c: {  	s6 =	simm.s32 $0x0;
	s20 =	sshll.u32 s4, $0x1;
	s4 =	sadd.s32 s21, s2  }
0x9d: {  	[timem:s6], [sflag:s22] =	dma.local [hbm:s4], s20  }
0x9e: {  	_ =	swait.ge [sflag:s22], s20  }
0x9f: {  	s3 =	ssub.s32 $0x0, s20;
	[sflag:s22] =	ssyncset.done $0x0  }
0xa0: {  	[sflag:s22] =	ssyncadd.s32 s3;
	_ =	sdelay $0x1  }
0xa1: {  	s23 =	simm.s32 $0x1B8B  }
0xa2: {  	_ =	swait.ge [sflag:s23], $0x1  }
0xa3: {  	[sflag:s23] =	ssyncset.done $0x0  }
0xa4: {  	s25 =	simm.s32 $0x1B8E;
	s24 =	sld [smem:$0x3FFE];
	[sflag:s23] =	ssyncadd.s32 $0xFFFFFFFF  }
0xa5: {  	s26 =	simm.s32 $execute0_lowered;
	[smem:$0x3FD2] =	sst s25  }
0xa6: {  	s4 =	sshll.u32 s26, $0x1;
	_ =	strace $0x80000052;
	[dreg:$0x1] =	wrdreg $0xFFFFFFFF  }
0xa7: {  	s28 =	simm.s32 $_size_execute0_lowered;
	s2 =	sadd.s32 s2, s4;
	[dreg:$0x0] =	wrdreg $0x0  }
0xa8: {  	s4 =	sshll.u32 s28, $0x1;
	[dreg:$0x2] =	wrdreg s2  }
0xa9: {  	[dreg:$0x3] =	wrdreg s4  }
0xaa: {  	[dreg:$0x4] =	wrdreg $0xC0  }
0xab: {  	_ =	task [dreg:s6], $0x5FFFF  }
0xac: {  	[dreg:$0x1] =	wrdreg $0xFFFFFFFF  }
0xad: {  	[dreg:$0x0] =	wrdreg $0x60  }
0xae: {  	[dreg:$0x2] =	wrdreg s24  }
0xaf: {  	[dreg:$0x3] =	wrdreg $0x84000  }
0xb0: {  	[dreg:$0x4] =	wrdreg $0x9  }
0xb1: {  	_ =	task.clear_ibuf [dreg:s6], $0x5FFFF;
	_ =	strace $0x90000052  }
0xb2: {  	s29 =	simm.s32 $0x9;
	_ =	strace $0x80000054  }
0xb3: {  	_ =	swait.ge [sflag:s29], $0x1  }
0xb4: {  	[sflag:s29] =	ssyncadd.s32 $0xFFFFFFFF  }
0xb5: {  	_ =	strace $0x90000054  }
0xb6: {  	_ =	sfence  }
0xb7: {  	s30 =	sld [smem:$0x0];
	_ =	sdelay $0x2  }
0xb8: {  	s31 =	sshll.u32 s1, $0xD;
	s1 =	sshrl.u32 s1, $0x2  }
0xb9: {  	s3 =	sand.u32 $0x4000, s31;
	s1 =	sadd.s32 s1, s30  }
0xba: {  	s0 =	sor.u32 s3, s0;
	s1 =	sshll.u32 s1, $0x11  }
0xbb: {  	s0 =	sor.u32 s1, s0  }
0xbc: {  	s0 =	sadd.s32 $0x8F2B, s0  }
0xbd: {  	[sflag:s0] =	ssyncadd.remote.s32 $0x1  }
0xbe: {  	_ =	sfence.sel $0xFFFF  }
0xbf: {  	[dreg:$0x0] =	wrdreg $0xFFFFFFFF;
	(pc) =	sbr.abs _section_cstart, $3  }
0xc0: {  	[dreg:$0x1] =	wrdreg $0xFFFFFFFF  }
0xc1: {  	_ =	task.clear_ibuf [dreg:s6], $0x2FFFF;
	_ =	strace $0x9FFFFFFF  }
0xc2: {  	(tm) =	ssettm $0x7FFFFFFF  }
0xc3: {  	_ =	shalt  }
tec
execute0_lowered:
.L_overlay_start_1:
0x0: {  	(tag) =	ssettag $0x1  }
0x1: {  	s0 =	rddreg [dreg:$0x0]  }
0x2: {  	s1 =	rddreg [dreg:$0x1];
	s2 =	srdreg.scid  }
0x3: {  	s3 =	simm.s32 $0x0;
	s16 =	stileid.u32;
	s13 =	simm.s32 $0x80  }
0x4: {  	s14 =	simm.s32 $0x400;
	s15 =	simm.s32 $0x2400;
	s18 =	simm.s32 $0x1  }
0x5: {  	s19 =	simm.s32 $0x200;
	s28 =	simm.s32 $0x3;
	s29 =	simm.s32 $0x4  }
0x6: {  	s30 =	simm.s32 $0x300;
	s31 =	simm.s32 $0x380;
	s9 =	smul.u32 $0x14000, s16  }
0x7: {  	s2 =	sand.u32 $0x1, s2;
	[smem:$0x7FF] =	sst s3;
	s12 =	smul.u32 $0xA000, s16  }
0x8: {  	s11 =	sadd.s32 $0xA8000, s0;
	s10 =	sadd.s32 $0x2F800, s0;
	s23 =	smul.u32 $0x1400, s16  }
0x9: {  	s26 =	sshll.u32 s16, $0x6;
	s4 =	sshll.u32 s2, $0x4;
	s5 =	smul.u32 $0x28000, s2  }
0xa: {  	_ =	strace $0x80000053;
	s8 =	ssub.s32 $0x2, s2;
	s22 =	smul.u32 $0x14000, s2  }
0xb: {  	[dreg:$0x3] =	wrdreg s10;
	s2 =	smul.u32 $0xA0000, s2;
	s6 =	sor.u32 s16, s4  }
0xc: {  	s4 =	sadd.s32 $0x7800, s0;
	s20 =	sshrl.u32 s8, $0x1;
	s17 =	sadd.s32 s9, s1  }
0xd: {  	s24 =	sshrl.u32 s9, $0x3;
	s16 =	sor.u32 $0x1C07, s26;
	s7 =	smul.u32 $0x1400, s6  }
0xe: {  	s26 =	simm.s32 $0x2;
	s6 =	smul.u32 $0xA000, s6;
	s0 =	sadd.s32 s5, s0  }
0xf: {  	s21 =	ssub.s32 s8, s20;
	s25 =	sadd.s32 s22, s11;
	s2 =	sadd.s32 s12, s2  }
0x10: {  	s12 =	simm.s32 $0x7;
	s17 =	sshrl.u32 s17, $0x3;
	s20 =	simm.s32 $0x4400  }
0x11: {  	s22 =	simm.s32 $0x6400;
	s0 =	sadd.s32 $0x32000, s0;
	s5 =	smax.u32 s21, $0x1  }
0x12: {  	s2 =	sor.u32 $0x800, s2;
	s21 =	simm.s32 $0x280;
	s7 =	sadd.s32 s11, s7  }
0x13: {  	s6 =	sor.u32 $0x400, s6;
	[dreg:$0x4] =	wrdreg s5;
	s5 =	sadd.s32 s23, s25  }
.Ltmp0:
0x14: {  	s2 =	sshrl.u32 s2, $0x3;
	s23 =	simm.s32 $0x100;
	(pc) =	sbr.rel .LBB2_1-.Ltmp0, $4  }
0x15: {  	s24 =	sadd.s32 s24, s0;
	s25 =	simm.s32 $0x180;
	s0 =	simm.s32 $0x5  }
0x16: {  	s8 =	smov.u32 s7;
	s7 =	sadd.s32 $0x40, s7;
	s6 =	sshrl.u32 s6, $0x3  }
0x17: {  	s10 =	sadd.s32 $0xC0, s5;
	s5 =	simm.s32 $0x0;
	[dreg:$0x5] =	wrdreg s7  }
0x18: {  	s9 =	sadd.s32 s11, s6;
	s11 =	sadd.s32 s2, s11;
	s2 =	simm.s32 $0x6  }
.LBB2_4:
0x19: {  	[spmem:s1] =	stream.indirect.scatter.add.f32 [tilespmem:s20], [sflag:$0x5], $0x40, s30, s13, $0xb8;
	[tilespmem:$0x1C400] =	vst v63  }
0x1a: {  	_ = 	snop  }
0x1b: {  	[spmem:s1] =	stream.indirect.scatter.add.f32 [tilespmem:s22], [sflag:$0x6], $0x40, s31, s13, $0xb8;
	[tilespmem:$0x1C400] =	vst v63  }
0x1c: {  	_ =	swait.ge [sflag:s28], $0x2000  }
0x1d: {  	[sflag:s28] =	ssyncset.done $0x0  }
0x1e: {  	[sflag:s28] =	ssyncadd.s32 $0xFFFFE000  }
0x1f: {  	_ =	swait.ge [sflag:s29], $0x2000  }
0x20: {  	[sflag:s29] =	ssyncset.done $0x0  }
0x21: {  	[sflag:s29] =	ssyncadd.s32 $0xFFFFE000  }
0x22: {  	_ =	swait.ge [sflag:s0], $0x2000  }
0x23: {  	[sflag:s0] =	ssyncset.done $0x0  }
0x24: {  	[sflag:s0] =	ssyncadd.s32 $0xFFFFE000  }
0x25: {  	_ =	swait.ge [sflag:s2], $0x2000  }
0x26: {  	[sflag:s2] =	ssyncset.done $0x0  }
0x27: {  	[sflag:s2] =	ssyncadd.s32 $0xFFFFE000  }
0x28: {  	[bflag:$0x0] =	sbarrier.arrive $0xFFFF  }
0x29: {  	[hbm:s24], [sflag:s16] =	dma.local [spmem:s17], $0x2800  }
0x2a: {  	_ =	swait.ge [sflag:s12], $0x2800  }
0x2b: {  	s5 =	sadd.s32 $0x1, s5;
	s6 =	rddreg [dreg:$0x4]  }
0x2c: {  	p0 =	sne.s32 s5, s6  }
.Ltmp1:
0x2d: {  	_ = 	snop;
	(pc) =	sbr.rel @!p0 .LBB2_5-.Ltmp1, $3  }
0x2e: {  	_ =	sdelay $0x1  }
0x2f: {  	[sflag:s12] =	ssyncset.done $0x0  }
0x30: {  	[sflag:s12] =	ssyncadd.s32 $0xFFFFD800  }
.LBB2_1:
0x31: {  	[tilespmem:s3], [sflag:$0x7] =	stream.linear.gather [hbm4b:s8+s3], $0x200, $0x38;
	[tilespmem:$0x1C400] =	vst v63  }
0x32: {  	_ =	swait.ge [sflag:s12], $0x200  }
0x33: {  	[sflag:s12] =	ssyncset.done $0x0  }
0x34: {  	[sflag:s12] =	ssyncadd.s32 $0xFFFFFE00  }
0x35: {  	[tilespmem:s14], [sflag:$0x1] =	stream.indirect.gather [hbm4b:s4+s13], $0x40, s3, s13, $0xb8;
	[tilespmem:$0x1C400] =	vst v63  }
0x36: {  	s6 =	rddreg [dreg:$0x3]  }
0x37: {  	[tilespmem:s15], [sflag:$0x1] =	stream.indirect.gather [hbm4b:s4+s13], $0x40, s13, s13, $0xb8;
	[tilespmem:$0x1C400] =	vst v63  }
0x38: {  	[spmem:s17], [sflag:s16] =	dma.local [hbm:s6], $0x2800  }
0x39: {  	_ =	swait.ge [sflag:s12], $0x2800  }
0x3a: {  	[sflag:s12] =	ssyncset.done $0x0  }
0x3b: {  	[sflag:s12] =	ssyncadd.s32 $0xFFFFD800  }
0x3c: {  	[bflag:$0x0] =	sbarrier.arrive $0xFFFF  }
0x3d: {  	_ =	swait.ge [sflag:s18], $0x4000  }
0x3e: {  	[sflag:s18] =	ssyncset.done $0x0  }
0x3f: {  	s7 =	rddreg [dreg:$0x5];
	[sflag:s18] =	ssyncadd.s32 $0xFFFFC000  }
0x40: {  	[tilespmem:s19], [sflag:$0x7] =	stream.linear.gather [hbm4b:s7+s3], $0x200, $0x38;
	[tilespmem:$0x1C400] =	vst v63  }
0x41: {  	_ =	swait.ge [sflag:s12], $0x200  }
0x42: {  	[sflag:s12] =	ssyncset.done $0x0  }
0x43: {  	[sflag:s12] =	ssyncadd.s32 $0xFFFFFE00  }
0x44: {  	[tilespmem:s20], [sflag:$0x2] =	stream.indirect.gather [hbm4b:s4+s13], $0x40, s19, s13, $0xb8;
	[tilespmem:$0x1C400] =	vst v63  }
0x45: {  	_ = 	snop  }
0x46: {  	[tilespmem:s22], [sflag:$0x2] =	stream.indirect.gather [hbm4b:s4+s13], $0x40, s21, s13, $0xb8;
	[tilespmem:$0x1C400] =	vst v63  }
0x47: {  	_ = 	snop  }
0x48: {  	[spmem:s1] =	stream.indirect.scatter.add.f32 [tilespmem:s14], [sflag:$0x3], $0x40, s23, s13, $0xb8;
	[tilespmem:$0x1C400] =	vst v63  }
0x49: {  	_ = 	snop  }
0x4a: {  	[spmem:s1] =	stream.indirect.scatter.add.f32 [tilespmem:s15], [sflag:$0x4], $0x40, s25, s13, $0xb8;
	[tilespmem:$0x1C400] =	vst v63  }
0x4b: {  	_ =	swait.ge [sflag:s26], $0x4000  }
0x4c: {  	[sflag:s26] =	ssyncset.done $0x0  }
0x4d: {  	[sflag:s26] =	ssyncadd.s32 $0xFFFFC000  }
0x4e: {  	_ =	swait.ge [sflag:s28], $0x2000  }
0x4f: {  	[sflag:s28] =	ssyncset.done $0x0  }
0x50: {  	[sflag:s28] =	ssyncadd.s32 $0xFFFFE000  }
0x51: {  	_ =	swait.ge [sflag:s29], $0x2000  }
0x52: {  	[sflag:s29] =	ssyncset.done $0x0  }
0x53: {  	[sflag:s29] =	ssyncadd.s32 $0xFFFFE000  }
0x54: {  	[tilespmem:s3], [sflag:$0x7] =	stream.linear.gather [hbm4b:s9+s3], $0x200, $0x38;
	[tilespmem:$0x1C400] =	vst v63  }
0x55: {  	_ =	swait.ge [sflag:s12], $0x200  }
0x56: {  	[sflag:s12] =	ssyncset.done $0x0  }
0x57: {  	[sflag:s12] =	ssyncadd.s32 $0xFFFFFE00  }
0x58: {  	[tilespmem:s14], [sflag:$0x1] =	stream.indirect.gather [hbm4b:s4+s13], $0x40, s3, s13, $0xb8;
	[tilespmem:$0x1C400] =	vst v63  }
0x59: {  	_ = 	snop  }
0x5a: {  	[tilespmem:s15], [sflag:$0x1] =	stream.indirect.gather [hbm4b:s4+s13], $0x40, s13, s13, $0xb8;
	[tilespmem:$0x1C400] =	vst v63  }
0x5b: {  	_ = 	snop  }
0x5c: {  	[spmem:s1] =	stream.indirect.scatter.add.f32 [tilespmem:s20], [sflag:$0x5], $0x40, s30, s13, $0xb8;
	[tilespmem:$0x1C400] =	vst v63  }
0x5d: {  	s6 =	simm.s32 $0x0  }
0x5e: {  	[spmem:s1] =	stream.indirect.scatter.add.f32 [tilespmem:s22], [sflag:$0x6], $0x40, s31, s13, $0xb8;
	[tilespmem:$0x1C400] =	vst v63  }
.LBB2_2:
0x5f: {  	_ =	swait.ge [sflag:s18], $0x4000  }
0x60: {  	[sflag:s18] =	ssyncset.done $0x0  }
0x61: {  	[sflag:s18] =	ssyncadd.s32 $0xFFFFC000  }
0x62: {  	_ =	swait.ge [sflag:s0], $0x2000  }
0x63: {  	[sflag:s0] =	ssyncset.done $0x0  }
0x64: {  	[sflag:s0] =	ssyncadd.s32 $0xFFFFE000  }
0x65: {  	_ =	swait.ge [sflag:s2], $0x2000  }
0x66: {  	[sflag:s2] =	ssyncset.done $0x0  }
0x67: {  	s7 =	sadd.s32 s6, s10;
	[sflag:s2] =	ssyncadd.s32 $0xFFFFE000  }
0x68: {  	[tilespmem:s19], [sflag:$0x7] =	stream.linear.gather [hbm4b:s7+s3], $0x200, $0x38;
	[tilespmem:$0x1C400] =	vst v63  }
0x69: {  	_ =	swait.ge [sflag:s12], $0x200  }
0x6a: {  	[sflag:s12] =	ssyncset.done $0x0  }
0x6b: {  	[sflag:s12] =	ssyncadd.s32 $0xFFFFFE00  }
0x6c: {  	[tilespmem:s20], [sflag:$0x2] =	stream.indirect.gather [hbm4b:s4+s13], $0x40, s19, s13, $0xb8;
	[tilespmem:$0x1C400] =	vst v63  }
0x6d: {  	_ = 	snop  }
0x6e: {  	[tilespmem:s22], [sflag:$0x2] =	stream.indirect.gather [hbm4b:s4+s13], $0x40, s21, s13, $0xb8;
	[tilespmem:$0x1C400] =	vst v63  }
0x6f: {  	p0 =	seq.s32 s6, $0x1300  }
0x70: {  	[spmem:s1] =	stream.indirect.scatter.add.f32 [tilespmem:s14], [sflag:$0x3], $0x40, s23, s13, $0xb8;
	[tilespmem:$0x1C400] =	vst v63  }
.Ltmp2:
0x71: {  	_ = 	snop;
	(pc) =	sbr.rel @p0 .LBB2_4-.Ltmp2, $4  }
0x72: {  	[spmem:s1] =	stream.indirect.scatter.add.f32 [tilespmem:s15], [sflag:$0x4], $0x40, s25, s13, $0xb8;
	[tilespmem:$0x1C400] =	vst v63  }
0x73: {  	_ =	swait.ge [sflag:s26], $0x4000  }
0x74: {  	[sflag:s26] =	ssyncset.done $0x0  }
0x75: {  	[sflag:s26] =	ssyncadd.s32 $0xFFFFC000  }
0x76: {  	_ =	swait.ge [sflag:s28], $0x2000  }
0x77: {  	[sflag:s28] =	ssyncset.done $0x0  }
0x78: {  	[sflag:s28] =	ssyncadd.s32 $0xFFFFE000  }
0x79: {  	_ =	swait.ge [sflag:s29], $0x2000  }
0x7a: {  	[sflag:s29] =	ssyncset.done $0x0  }
0x7b: {  	s7 =	sadd.s32 s6, s11;
	[sflag:s29] =	ssyncadd.s32 $0xFFFFE000  }
0x7c: {  	[tilespmem:s3], [sflag:$0x7] =	stream.linear.gather [hbm4b:s7+s3], $0x200, $0x38;
	[tilespmem:$0x1C400] =	vst v63  }
0x7d: {  	_ =	swait.ge [sflag:s12], $0x200  }
0x7e: {  	[sflag:s12] =	ssyncset.done $0x0  }
0x7f: {  	[sflag:s12] =	ssyncadd.s32 $0xFFFFFE00  }
0x80: {  	[tilespmem:s14], [sflag:$0x1] =	stream.indirect.gather [hbm4b:s4+s13], $0x40, s3, s13, $0xb8;
	[tilespmem:$0x1C400] =	vst v63  }
0x81: {  	_ = 	snop  }
0x82: {  	[tilespmem:s15], [sflag:$0x1] =	stream.indirect.gather [hbm4b:s4+s13], $0x40, s13, s13, $0xb8;
	[tilespmem:$0x1C400] =	vst v63  }
.Ltmp3:
0x83: {  	_ = 	snop;
	(pc) =	sbr.rel .LBB2_2-.Ltmp3, $4  }
0x84: {  	_ = 	snop  }
0x85: {  	[spmem:s1] =	stream.indirect.scatter.add.f32 [tilespmem:s20], [sflag:$0x5], $0x40, s30, s13, $0xb8;
	[tilespmem:$0x1C400] =	vst v63  }
0x86: {  	s6 =	sadd.s32 $0x80, s6  }
0x87: {  	[spmem:s1] =	stream.indirect.scatter.add.f32 [tilespmem:s22], [sflag:$0x6], $0x40, s31, s13, $0xb8;
	[tilespmem:$0x1C400] =	vst v63  }
.LBB2_5:
0x88: {  	_ =	sfence.sel $0x180000  }
0x89: {  	[bflag:$0x0] =	sbarrier.arrive $0xFFFF  }
0x8a: {  	_ =	strace $0x90000053  }
0x8b: {  	s0 =	stileid.u32;
	[bflag:$0x2] =	sbarrier.arrive $0xFFFF  }
0x8c: {  	p0 =	sne.s32 s0, $0x0;
	s0 =	rddreg [dreg:$0x2]  }
0x8d: {  	s0 =	sadd.s32 @!p0 $0x100000, s0  }
0x8e: {  	[sflag:s0] =	ssyncadd.tile.s32 @!p0 $0x1;
	_ =	shalt  }
.Lfunc_end2:
_tile_overlayer_lowered:
.L_overlay_start_2:
0x8f: {  	(tag) =	ssettag $0x2  }
0x90: {  	s0 =	rddreg [dreg:$0x0];
	s2 =	stileid.u32  }
0x91: {  	s1 =	rddreg [dreg:$0x1];
	p0 =	sne.s32 s2, $0x0  }
0x92: {  	s3 =	rddreg [dreg:$0x2];
	[bflag:$0x3] =	sbarrier.arrive $0xFFFF;
	s2 =	simm.s32 @!p0 $0x1C07  }
0x93: {  	[timem:s3], [sflag:s2] =	dma.local @!p0 [hbm:s0], s1  }
0x94: {  	s0 =	simm.s32 @!p0 $0x7  }
0x95: {  	_ =	swait.ge @!p0 [sflag:s0], s1  }
0x96: {  	s1 =	ssub.s32 @!p0 $0x0, s1;
	[sflag:s0] =	ssyncset.done @!p0 $0x0  }
0x97: {  	[sflag:s0] =	ssyncadd.s32 @!p0 s1  }
0x98: {  	[bflag:$0x3] =	sbarrier.arrive $0xFFFF  }
0x99: {  	_ =	shalt  }

// kernel: kernel.31.cloned.1.call-start
scs
__scs_entry_jumppad:
0x0: {  	(pc) =	sbr.rel $0x88, $3  }
0x1: {  	(tag) =	ssettag $0x0;
	lr =	simm.s32 $0x1  }
0x2: {  	[smem:$0x3F85] =	sst lr;
	_ =	strace $0xD0000000  }
0x3: {  	_ = 	snop  }
0x4: {  	_ = 	snop  }
0x5: {  	_ = 	snop  }
0x6: {  	_ = 	snop  }
0x7: {  	_ = 	snop  }
__scs_overlays_trampoline_lowered:
0x8: {  	[smem:$0x3F94] =	sst s0  }
0x9: {  	[smem:$0x3F95] =	sst s1  }
0xa: {  	[smem:$0x3F96] =	sst s2  }
0xb: {  	[smem:$0x3F97] =	sst s3  }
0xc: {  	[smem:$0x3F98] =	sst s4  }
0xd: {  	[smem:$0x3F99] =	sst s5  }
0xe: {  	[smem:$0x3F9A] =	sst s6  }
0xf: {  	[smem:$0x3F9B] =	sst s7  }
0x10: {  	[smem:$0x3F9C] =	sst s8  }
0x11: {  	[smem:$0x3F9D] =	sst s9;
	s0 =	simm.s32 @!p0 $0x0  }
0x12: {  	s1 =	sld [smem:$0x3F83];
	s0 =	simm.s32 @p0 $0x1  }
0x13: {  	[smem:$0x3F9E] =	sst s0;
	s0 =	simm.s32 @!p1 $0x0  }
0x14: {  	s2 =	sld [smem:$0x3F82];
	s0 =	simm.s32 @p1 $0x1  }
0x15: {  	[smem:$0x3F9F] =	sst s0;
	s0 =	simm.s32 @!p2 $0x0  }
0x16: {  	s3 =	sld [smem:$0x3FDB];
	s0 =	simm.s32 @p2 $0x1  }
0x17: {  	s4 =	simm.s32 $0x1BF5;
	[smem:$0x3FA1] =	sst s0  }
0x18: {  	s0 =	sld [smem:$0x3F84];
	_ =	swait.ge [sflag:s4], $0x0  }
0x19: {  	s7 =	sld [smem:$0x3F85]  }
0x1a: {  	s8 =	sadd.s32 $0xFFFFE003, lr  }
0x1b: {  	s9 =	sadd.s32 $0xFFFFFEF7, lr;
	s5 =	simm.s32 $0xFFFFFFFF;
	p2 =	slt.u32 s8, $0xFFFFF086  }
0x1c: {  	p1 =	slt.u32 s9, $0xF7A;
	s5 =	simm.s32 @!p2 $0x0  }
0x1d: {  	s5 =	simm.s32 @p1 $0x1;
	p0 =	seq.s32 s7, s2  }
0x1e: {  	s7 =	smul.u32 @!p0 $0xF7A, s2;
	p2 =	seq.s32 @!p0 s5, $0x0  }
0x1f: {  	s9 =	smul.u32 $0xF7A, s1;
	s8 =	simm.s32 @!p0 $0x1BF5;
	p2 =	por !p2, p0  }
0x20: {  	[sflag:s8] =	ssyncset.s32 @!p0 $0xFFFFF086;
	s6 =	sadd.s32 @!p0 s3, s7;
	s7 =	simm.s32 @!p0 $0x108  }
0x21: {  	s3 =	sadd.s32 s3, s9;
	s6 =	sadd.s32 @!p0 $0x88, s6;
	s7 =	simm.s32 @p2 $0x1082  }
0x22: {  	[simem:s7], [sflag:s8] =	dma.local @!p0 [hbm:s6], $0xF7A  }
0x23: {  	s9 =	sor.u32 $0xD0000000, s2;
	s6 =	simm.s32 $0x108;
	_ =	swait.ge @!p0 [sflag:s8], $0x0  }
0x24: {  	s3 =	sadd.s32 $0x88, s3;
	s6 =	simm.s32 @!p1 $0x1082;
	[sflag:s4] =	ssyncset.s32 $0xFFFFF086  }
0x25: {  	[simem:s6], [sflag:s4] =	dma.local [hbm:s3], $0xF7A  }
0x26: {  	[smem:$0x3F85] =	sst s1;
	(tag) =	ssettag s2;
	_ =	strace s9  }
0x27: {  	s1 =	sld [smem:$0x3F95]  }
0x28: {  	s2 =	sld [smem:$0x3F96]  }
0x29: {  	s4 =	sld [smem:$0x3F98]  }
0x2a: {  	p0 =	seq.s32 s5, $0x0;
	s5 =	sld [smem:$0x3F99]  }
0x2b: {  	s6 =	sld [smem:$0x3F9A]  }
0x2c: {  	s7 =	sld [smem:$0x3F9B]  }
0x2d: {  	s3 =	simm.s32 $0x108;
	s8 =	sld [smem:$0x3F9C]  }
0x2e: {  	s3 =	simm.s32 @!p0 $0x1082;
	s9 =	sld [smem:$0x3F9D]  }
0x2f: {  	lr =	sadd.s32 s0, s3;
	s0 =	sld [smem:$0x3F94]  }
0x30: {  	s3 =	sld [smem:$0x3F97]  }
0x31: {  	[smem:$0x3FA0] =	sst s10  }
0x32: {  	s10 =	sld [smem:$0x3F9E];
	_ =	sdelay $0x3  }
0x33: {  	p0 =	seq.s32 s10, $0x1;
	s10 =	sld [smem:$0x3FA0];
	_ =	sdelay $0x3  }
0x34: {  	[smem:$0x3FA0] =	sst s10  }
0x35: {  	s10 =	sld [smem:$0x3F9F];
	_ =	sdelay $0x3  }
0x36: {  	p1 =	seq.s32 s10, $0x1;
	s10 =	sld [smem:$0x3FA0];
	_ =	sdelay $0x3  }
0x37: {  	[smem:$0x3FA0] =	sst s10  }
0x38: {  	s10 =	sld [smem:$0x3FA1]  }
0x39: {  	_ = 	snop;
	(pc) =	sbr.ind lr, $3  }
0x3a: {  	_ = 	snop  }
0x3b: {  	_ = 	snop  }
0x3c: {  	p2 =	seq.s32 s10, $0x1;
	s10 =	sld [smem:$0x3FA0]  }
0x3d: {  	_ =	shalt  }
0x3e: {  	_ =	shalt  }
0x3f: {  	_ =	shalt  }
0x40: {  	_ =	shalt  }
0x41: {  	_ =	shalt  }
0x42: {  	_ =	shalt  }
0x43: {  	_ =	shalt  }
0x44: {  	_ =	shalt  }
0x45: {  	_ =	shalt  }
0x46: {  	_ =	shalt  }
0x47: {  	_ =	shalt  }
0x48: {  	_ =	shalt  }
0x49: {  	_ =	shalt  }
0x4a: {  	_ =	shalt  }
0x4b: {  	_ =	shalt  }
0x4c: {  	_ =	shalt  }
0x4d: {  	_ =	shalt  }
0x4e: {  	_ =	shalt  }
0x4f: {  	_ =	shalt  }
0x50: {  	_ =	shalt  }
0x51: {  	_ =	shalt  }
0x52: {  	_ =	shalt  }
0x53: {  	_ =	shalt  }
0x54: {  	_ =	shalt  }
0x55: {  	_ =	shalt  }
0x56: {  	_ =	shalt  }
0x57: {  	_ =	shalt  }
0x58: {  	_ =	shalt  }
0x59: {  	_ =	shalt  }
0x5a: {  	_ =	shalt  }
0x5b: {  	_ =	shalt  }
0x5c: {  	_ =	shalt  }
0x5d: {  	_ =	shalt  }
0x5e: {  	_ =	shalt  }
0x5f: {  	_ =	shalt  }
0x60: {  	_ =	shalt  }
0x61: {  	_ =	shalt  }
0x62: {  	_ =	shalt  }
0x63: {  	_ =	shalt  }
0x64: {  	_ =	shalt  }
0x65: {  	_ =	shalt  }
0x66: {  	_ =	shalt  }
0x67: {  	_ =	shalt  }
0x68: {  	_ =	shalt  }
0x69: {  	_ =	shalt  }
0x6a: {  	_ =	shalt  }
0x6b: {  	_ =	shalt  }
0x6c: {  	_ =	shalt  }
0x6d: {  	_ =	shalt  }
0x6e: {  	_ =	shalt  }
0x6f: {  	_ =	shalt  }
0x70: {  	_ =	shalt  }
0x71: {  	_ =	shalt  }
0x72: {  	_ =	shalt  }
0x73: {  	_ =	shalt  }
0x74: {  	_ =	shalt  }
0x75: {  	_ =	shalt  }
0x76: {  	_ =	shalt  }
0x77: {  	_ =	shalt  }
0x78: {  	_ =	shalt  }
0x79: {  	_ =	shalt  }
0x7a: {  	_ =	shalt  }
0x7b: {  	_ =	shalt  }
0x7c: {  	_ =	shalt  }
0x7d: {  	_ =	shalt  }
0x7e: {  	_ =	shalt  }
0x7f: {  	_ =	shalt  }
0x80: {  	_ =	shalt  }
0x81: {  	_ =	shalt  }
0x82: {  	_ =	shalt  }
0x83: {  	_ =	shalt  }
0x84: {  	_ =	shalt  }
0x85: {  	_ =	shalt  }
0x86: {  	_ =	shalt  }
0x87: {  	_ =	shalt  }
.Lfunc_end0:
.L_simem_size_0:
called_computation.5_lowered:
.L_overlay_start_0:
0x88: {  	s2 =	sld [smem:$0x3FD9]  }
0x89: {  	s3 =	sld [smem:$0x3FFE];
	_ =	sdelay $0x1  }
0x8a: {  	s1 =	srdreg.scid  }
0x8b: {  	s0 =	sand.u32 $0x1, s1  }
0x8c: {  	s16 =	sshll.u32 s0, $0xA;
	s2 =	sadd.s32 s3, s2  }
0x8d: {  	s2 =	sadd.s32 s2, s16  }
0x8e: {  	[smem:$0x3FAC] =	sst s2  }
0x8f: {  	_ = 	snop  }
0x90: {  	(tm) =	ssettm $0x1  }
0x91: {  	s17 =	sld [smem:$0x3FFB];
	_ =	sdelay $0x3  }
0x92: {  	_ =	strace s17  }
0x93: {  	s2 =	sld [smem:$0x3FFC];
	_ =	sdelay $0x3  }
0x94: {  	_ =	strace s2  }
0x95: {  	s2 =	sld [smem:$0x3FFD];
	_ =	sdelay $0x3  }
0x96: {  	_ =	strace s2  }
0x97: {  	_ =	strace $0x8FFFFFFF  }
0x98: {  	s18 =	sld [smem:$0x3FDB];
	_ =	sdelay $0x1  }
0x99: {  	s19 =	simm.s32 $_scs_section_size  }
0x9a: {  	s4 =	simm.s32 $_size__tile_overlayer_lowered;
	s5 =	simm.s32 $_tile_overlayer_lowered  }
0x9b: {  	s22 =	simm.s32 $0x1BFF;
	s21 =	sshll.u32 s5, $0x1;
	s2 =	sadd.s32 s19, s18  }
0x9c: {  	s6 =	simm.s32 $0x0;
	s20 =	sshll.u32 s4, $0x1;
	s4 =	sadd.s32 s21, s2  }
0x9d: {  	[timem:s6], [sflag:s22] =	dma.local [hbm:s4], s20  }
0x9e: {  	_ =	swait.ge [sflag:s22], s20  }
0x9f: {  	s3 =	ssub.s32 $0x0, s20;
	[sflag:s22] =	ssyncset.done $0x0  }
0xa0: {  	[sflag:s22] =	ssyncadd.s32 s3;
	_ =	sdelay $0x1  }
0xa1: {  	s23 =	simm.s32 $0x1B8B  }
0xa2: {  	_ =	swait.ge [sflag:s23], $0x1  }
0xa3: {  	[sflag:s23] =	ssyncset.done $0x0  }
0xa4: {  	s25 =	simm.s32 $0x1B8E;
	s24 =	sld [smem:$0x3FFE];
	[sflag:s23] =	ssyncadd.s32 $0xFFFFFFFF  }
0xa5: {  	s26 =	simm.s32 $execute0_lowered;
	[smem:$0x3FD2] =	sst s25  }
0xa6: {  	s4 =	sshll.u32 s26, $0x1;
	_ =	strace $0x80000055;
	[dreg:$0x1] =	wrdreg $0xFFFFFFFF  }
0xa7: {  	s28 =	simm.s32 $_size_execute0_lowered;
	s2 =	sadd.s32 s2, s4;
	[dreg:$0x0] =	wrdreg $0x0  }
0xa8: {  	s4 =	sshll.u32 s28, $0x1;
	[dreg:$0x2] =	wrdreg s2  }
0xa9: {  	[dreg:$0x3] =	wrdreg s4  }
0xaa: {  	[dreg:$0x4] =	wrdreg $0xC0  }
0xab: {  	_ =	task [dreg:s6], $0x5FFFF  }
0xac: {  	[dreg:$0x1] =	wrdreg $0xFFFFFFFF  }
0xad: {  	[dreg:$0x0] =	wrdreg $0x60  }
0xae: {  	[dreg:$0x2] =	wrdreg s24  }
0xaf: {  	[dreg:$0x3] =	wrdreg $0x84000  }
0xb0: {  	[dreg:$0x4] =	wrdreg $0x9  }
0xb1: {  	_ =	task.clear_ibuf [dreg:s6], $0x5FFFF;
	_ =	strace $0x90000055  }
0xb2: {  	s29 =	simm.s32 $0x9;
	_ =	strace $0x80000057  }
0xb3: {  	_ =	swait.ge [sflag:s29], $0x1  }
0xb4: {  	[sflag:s29] =	ssyncadd.s32 $0xFFFFFFFF  }
0xb5: {  	_ =	strace $0x90000057  }
0xb6: {  	_ =	sfence  }
0xb7: {  	s30 =	sld [smem:$0x0];
	_ =	sdelay $0x2  }
0xb8: {  	s31 =	sshll.u32 s1, $0xD;
	s1 =	sshrl.u32 s1, $0x2  }
0xb9: {  	s3 =	sand.u32 $0x4000, s31;
	s1 =	sadd.s32 s1, s30  }
0xba: {  	s0 =	sor.u32 s3, s0;
	s1 =	sshll.u32 s1, $0x11  }
0xbb: {  	s0 =	sor.u32 s1, s0  }
0xbc: {  	s0 =	sadd.s32 $0x8F2B, s0  }
0xbd: {  	[sflag:s0] =	ssyncadd.remote.s32 $0x1  }
0xbe: {  	_ =	sfence.sel $0xFFFF  }
0xbf: {  	[dreg:$0x0] =	wrdreg $0xFFFFFFFF;
	(pc) =	sbr.abs _section_cstart, $3  }
0xc0: {  	[dreg:$0x1] =	wrdreg $0xFFFFFFFF  }
0xc1: {  	_ =	task.clear_ibuf [dreg:s6], $0x2FFFF;
	_ =	strace $0x9FFFFFFF  }
0xc2: {  	(tm) =	ssettm $0x7FFFFFFF  }
0xc3: {  	_ =	shalt  }
tec
execute0_lowered:
.L_overlay_start_1:
0x0: {  	(tag) =	ssettag $0x1  }
0x1: {  	s0 =	rddreg [dreg:$0x0]  }
0x2: {  	s1 =	rddreg [dreg:$0x1];
	s2 =	srdreg.scid  }
0x3: {  	s3 =	simm.s32 $0x0;
	s16 =	stileid.u32;
	s13 =	simm.s32 $0x80  }
0x4: {  	s14 =	simm.s32 $0x400;
	s15 =	simm.s32 $0x2400;
	s18 =	simm.s32 $0x1  }
0x5: {  	s19 =	simm.s32 $0x200;
	s28 =	simm.s32 $0x3;
	s29 =	simm.s32 $0x4  }
0x6: {  	s30 =	simm.s32 $0x300;
	s31 =	simm.s32 $0x380;
	s9 =	smul.u32 $0x14000, s16  }
0x7: {  	s2 =	sand.u32 $0x1, s2;
	[smem:$0x7FF] =	sst s3;
	s12 =	smul.u32 $0xA000, s16  }
0x8: {  	s11 =	sadd.s32 $0xA8000, s0;
	s10 =	sadd.s32 $0x2F800, s0;
	s23 =	smul.u32 $0x1400, s16  }
0x9: {  	s26 =	sshll.u32 s16, $0x6;
	s4 =	sshll.u32 s2, $0x4;
	s5 =	smul.u32 $0x28000, s2  }
0xa: {  	_ =	strace $0x80000056;
	s8 =	ssub.s32 $0x2, s2;
	s22 =	smul.u32 $0x14000, s2  }
0xb: {  	[dreg:$0x3] =	wrdreg s10;
	s2 =	smul.u32 $0xA0000, s2;
	s6 =	sor.u32 s16, s4  }
0xc: {  	s4 =	sadd.s32 $0x7800, s0;
	s20 =	sshrl.u32 s8, $0x1;
	s17 =	sadd.s32 s9, s1  }
0xd: {  	s24 =	sshrl.u32 s9, $0x3;
	s16 =	sor.u32 $0x1C07, s26;
	s7 =	smul.u32 $0x1400, s6  }
0xe: {  	s26 =	simm.s32 $0x2;
	s6 =	smul.u32 $0xA000, s6;
	s0 =	sadd.s32 s5, s0  }
0xf: {  	s21 =	ssub.s32 s8, s20;
	s25 =	sadd.s32 s22, s11;
	s2 =	sadd.s32 s12, s2  }
0x10: {  	s12 =	simm.s32 $0x7;
	s17 =	sshrl.u32 s17, $0x3;
	s20 =	simm.s32 $0x4400  }
0x11: {  	s22 =	simm.s32 $0x6400;
	s0 =	sadd.s32 $0x32000, s0;
	s5 =	smax.u32 s21, $0x1  }
0x12: {  	s2 =	sor.u32 $0x800, s2;
	s21 =	simm.s32 $0x280;
	s7 =	sadd.s32 s11, s7  }
0x13: {  	s6 =	sor.u32 $0x400, s6;
	[dreg:$0x4] =	wrdreg s5;
	s5 =	sadd.s32 s23, s25  }
.Ltmp0:
0x14: {  	s2 =	sshrl.u32 s2, $0x3;
	s23 =	simm.s32 $0x100;
	(pc) =	sbr.rel .LBB2_1-.Ltmp0, $4  }
0x15: {  	s24 =	sadd.s32 s24, s0;
	s25 =	simm.s32 $0x180;
	s0 =	simm.s32 $0x5  }
0x16: {  	s8 =	smov.u32 s7;
	s7 =	sadd.s32 $0x40, s7;
	s6 =	sshrl.u32 s6, $0x3  }
0x17: {  	s10 =	sadd.s32 $0xC0, s5;
	s5 =	simm.s32 $0x0;
	[dreg:$0x5] =	wrdreg s7  }
0x18: {  	s9 =	sadd.s32 s11, s6;
	s11 =	sadd.s32 s2, s11;
	s2 =	simm.s32 $0x6  }
.LBB2_4:
0x19: {  	[spmem:s1] =	stream.indirect.scatter.add.f32 [tilespmem:s20], [sflag:$0x5], $0x40, s30, s13, $0xb8;
	[tilespmem:$0x1C400] =	vst v63  }
0x1a: {  	_ = 	snop  }
0x1b: {  	[spmem:s1] =	stream.indirect.scatter.add.f32 [tilespmem:s22], [sflag:$0x6], $0x40, s31, s13, $0xb8;
	[tilespmem:$0x1C400] =	vst v63  }
0x1c: {  	_ =	swait.ge [sflag:s28], $0x2000  }
0x1d: {  	[sflag:s28] =	ssyncset.done $0x0  }
0x1e: {  	[sflag:s28] =	ssyncadd.s32 $0xFFFFE000  }
0x1f: {  	_ =	swait.ge [sflag:s29], $0x2000  }
0x20: {  	[sflag:s29] =	ssyncset.done $0x0  }
0x21: {  	[sflag:s29] =	ssyncadd.s32 $0xFFFFE000  }
0x22: {  	_ =	swait.ge [sflag:s0], $0x2000  }
0x23: {  	[sflag:s0] =	ssyncset.done $0x0  }
0x24: {  	[sflag:s0] =	ssyncadd.s32 $0xFFFFE000  }
0x25: {  	_ =	swait.ge [sflag:s2], $0x2000  }
0x26: {  	[sflag:s2] =	ssyncset.done $0x0  }
0x27: {  	[sflag:s2] =	ssyncadd.s32 $0xFFFFE000  }
0x28: {  	[bflag:$0x0] =	sbarrier.arrive $0xFFFF  }
0x29: {  	[hbm:s24], [sflag:s16] =	dma.local [spmem:s17], $0x2800  }
0x2a: {  	_ =	swait.ge [sflag:s12], $0x2800  }
0x2b: {  	s5 =	sadd.s32 $0x1, s5;
	s6 =	rddreg [dreg:$0x4]  }
0x2c: {  	p0 =	sne.s32 s5, s6  }
.Ltmp1:
0x2d: {  	_ = 	snop;
	(pc) =	sbr.rel @!p0 .LBB2_5-.Ltmp1, $3  }
0x2e: {  	_ =	sdelay $0x1  }
0x2f: {  	[sflag:s12] =	ssyncset.done $0x0  }
0x30: {  	[sflag:s12] =	ssyncadd.s32 $0xFFFFD800  }
.LBB2_1:
0x31: {  	[tilespmem:s3], [sflag:$0x7] =	stream.linear.gather [hbm4b:s8+s3], $0x200, $0x38;
	[tilespmem:$0x1C400] =	vst v63  }
0x32: {  	_ =	swait.ge [sflag:s12], $0x200  }
0x33: {  	[sflag:s12] =	ssyncset.done $0x0  }
0x34: {  	[sflag:s12] =	ssyncadd.s32 $0xFFFFFE00  }
0x35: {  	[tilespmem:s14], [sflag:$0x1] =	stream.indirect.gather [hbm4b:s4+s13], $0x40, s3, s13, $0xb8;
	[tilespmem:$0x1C400] =	vst v63  }
0x36: {  	s6 =	rddreg [dreg:$0x3]  }
0x37: {  	[tilespmem:s15], [sflag:$0x1] =	stream.indirect.gather [hbm4b:s4+s13], $0x40, s13, s13, $0xb8;
	[tilespmem:$0x1C400] =	vst v63  }
0x38: {  	[spmem:s17], [sflag:s16] =	dma.local [hbm:s6], $0x2800  }
0x39: {  	_ =	swait.ge [sflag:s12], $0x2800  }
0x3a: {  	[sflag:s12] =	ssyncset.done $0x0  }
0x3b: {  	[sflag:s12] =	ssyncadd.s32 $0xFFFFD800  }
0x3c: {  	[bflag:$0x0] =	sbarrier.arrive $0xFFFF  }
0x3d: {  	_ =	swait.ge [sflag:s18], $0x4000  }
0x3e: {  	[sflag:s18] =	ssyncset.done $0x0  }
0x3f: {  	s7 =	rddreg [dreg:$0x5];
	[sflag:s18] =	ssyncadd.s32 $0xFFFFC000  }
0x40: {  	[tilespmem:s19], [sflag:$0x7] =	stream.linear.gather [hbm4b:s7+s3], $0x200, $0x38;
	[tilespmem:$0x1C400] =	vst v63  }
0x41: {  	_ =	swait.ge [sflag:s12], $0x200  }
0x42: {  	[sflag:s12] =	ssyncset.done $0x0  }
0x43: {  	[sflag:s12] =	ssyncadd.s32 $0xFFFFFE00  }
0x44: {  	[tilespmem:s20], [sflag:$0x2] =	stream.indirect.gather [hbm4b:s4+s13], $0x40, s19, s13, $0xb8;
	[tilespmem:$0x1C400] =	vst v63  }
0x45: {  	_ = 	snop  }
0x46: {  	[tilespmem:s22], [sflag:$0x2] =	stream.indirect.gather [hbm4b:s4+s13], $0x40, s21, s13, $0xb8;
	[tilespmem:$0x1C400] =	vst v63  }
0x47: {  	_ = 	snop  }
0x48: {  	[spmem:s1] =	stream.indirect.scatter.add.f32 [tilespmem:s14], [sflag:$0x3], $0x40, s23, s13, $0xb8;
	[tilespmem:$0x1C400] =	vst v63  }
0x49: {  	_ = 	snop  }
0x4a: {  	[spmem:s1] =	stream.indirect.scatter.add.f32 [tilespmem:s15], [sflag:$0x4], $0x40, s25, s13, $0xb8;
	[tilespmem:$0x1C400] =	vst v63  }
0x4b: {  	_ =	swait.ge [sflag:s26], $0x4000  }
0x4c: {  	[sflag:s26] =	ssyncset.done $0x0  }
0x4d: {  	[sflag:s26] =	ssyncadd.s32 $0xFFFFC000  }
0x4e: {  	_ =	swait.ge [sflag:s28], $0x2000  }
0x4f: {  	[sflag:s28] =	ssyncset.done $0x0  }
0x50: {  	[sflag:s28] =	ssyncadd.s32 $0xFFFFE000  }
0x51: {  	_ =	swait.ge [sflag:s29], $0x2000  }
0x52: {  	[sflag:s29] =	ssyncset.done $0x0  }
0x53: {  	[sflag:s29] =	ssyncadd.s32 $0xFFFFE000  }
0x54: {  	[tilespmem:s3], [sflag:$0x7] =	stream.linear.gather [hbm4b:s9+s3], $0x200, $0x38;
	[tilespmem:$0x1C400] =	vst v63  }
0x55: {  	_ =	swait.ge [sflag:s12], $0x200  }
0x56: {  	[sflag:s12] =	ssyncset.done $0x0  }
0x57: {  	[sflag:s12] =	ssyncadd.s32 $0xFFFFFE00  }
0x58: {  	[tilespmem:s14], [sflag:$0x1] =	stream.indirect.gather [hbm4b:s4+s13], $0x40, s3, s13, $0xb8;
	[tilespmem:$0x1C400] =	vst v63  }
0x59: {  	_ = 	snop  }
0x5a: {  	[tilespmem:s15], [sflag:$0x1] =	stream.indirect.gather [hbm4b:s4+s13], $0x40, s13, s13, $0xb8;
	[tilespmem:$0x1C400] =	vst v63  }
0x5b: {  	_ = 	snop  }
0x5c: {  	[spmem:s1] =	stream.indirect.scatter.add.f32 [tilespmem:s20], [sflag:$0x5], $0x40, s30, s13, $0xb8;
	[tilespmem:$0x1C400] =	vst v63  }
0x5d: {  	s6 =	simm.s32 $0x0  }
0x5e: {  	[spmem:s1] =	stream.indirect.scatter.add.f32 [tilespmem:s22], [sflag:$0x6], $0x40, s31, s13, $0xb8;
	[tilespmem:$0x1C400] =	vst v63  }
.LBB2_2:
0x5f: {  	_ =	swait.ge [sflag:s18], $0x4000  }
0x60: {  	[sflag:s18] =	ssyncset.done $0x0  }
0x61: {  	[sflag:s18] =	ssyncadd.s32 $0xFFFFC000  }
0x62: {  	_ =	swait.ge [sflag:s0], $0x2000  }
0x63: {  	[sflag:s0] =	ssyncset.done $0x0  }
0x64: {  	[sflag:s0] =	ssyncadd.s32 $0xFFFFE000  }
0x65: {  	_ =	swait.ge [sflag:s2], $0x2000  }
0x66: {  	[sflag:s2] =	ssyncset.done $0x0  }
0x67: {  	s7 =	sadd.s32 s6, s10;
	[sflag:s2] =	ssyncadd.s32 $0xFFFFE000  }
0x68: {  	[tilespmem:s19], [sflag:$0x7] =	stream.linear.gather [hbm4b:s7+s3], $0x200, $0x38;
	[tilespmem:$0x1C400] =	vst v63  }
0x69: {  	_ =	swait.ge [sflag:s12], $0x200  }
0x6a: {  	[sflag:s12] =	ssyncset.done $0x0  }
0x6b: {  	[sflag:s12] =	ssyncadd.s32 $0xFFFFFE00  }
0x6c: {  	[tilespmem:s20], [sflag:$0x2] =	stream.indirect.gather [hbm4b:s4+s13], $0x40, s19, s13, $0xb8;
	[tilespmem:$0x1C400] =	vst v63  }
0x6d: {  	_ = 	snop  }
0x6e: {  	[tilespmem:s22], [sflag:$0x2] =	stream.indirect.gather [hbm4b:s4+s13], $0x40, s21, s13, $0xb8;
	[tilespmem:$0x1C400] =	vst v63  }
0x6f: {  	p0 =	seq.s32 s6, $0x1300  }
0x70: {  	[spmem:s1] =	stream.indirect.scatter.add.f32 [tilespmem:s14], [sflag:$0x3], $0x40, s23, s13, $0xb8;
	[tilespmem:$0x1C400] =	vst v63  }
.Ltmp2:
0x71: {  	_ = 	snop;
	(pc) =	sbr.rel @p0 .LBB2_4-.Ltmp2, $4  }
0x72: {  	[spmem:s1] =	stream.indirect.scatter.add.f32 [tilespmem:s15], [sflag:$0x4], $0x40, s25, s13, $0xb8;
	[tilespmem:$0x1C400] =	vst v63  }
0x73: {  	_ =	swait.ge [sflag:s26], $0x4000  }
0x74: {  	[sflag:s26] =	ssyncset.done $0x0  }
0x75: {  	[sflag:s26] =	ssyncadd.s32 $0xFFFFC000  }
0x76: {  	_ =	swait.ge [sflag:s28], $0x2000  }
0x77: {  	[sflag:s28] =	ssyncset.done $0x0  }
0x78: {  	[sflag:s28] =	ssyncadd.s32 $0xFFFFE000  }
0x79: {  	_ =	swait.ge [sflag:s29], $0x2000  }
0x7a: {  	[sflag:s29] =	ssyncset.done $0x0  }
0x7b: {  	s7 =	sadd.s32 s6, s11;
	[sflag:s29] =	ssyncadd.s32 $0xFFFFE000  }
0x7c: {  	[tilespmem:s3], [sflag:$0x7] =	stream.linear.gather [hbm4b:s7+s3], $0x200, $0x38;
	[tilespmem:$0x1C400] =	vst v63  }
0x7d: {  	_ =	swait.ge [sflag:s12], $0x200  }
0x7e: {  	[sflag:s12] =	ssyncset.done $0x0  }
0x7f: {  	[sflag:s12] =	ssyncadd.s32 $0xFFFFFE00  }
0x80: {  	[tilespmem:s14], [sflag:$0x1] =	stream.indirect.gather [hbm4b:s4+s13], $0x40, s3, s13, $0xb8;
	[tilespmem:$0x1C400] =	vst v63  }
0x81: {  	_ = 	snop  }
0x82: {  	[tilespmem:s15], [sflag:$0x1] =	stream.indirect.gather [hbm4b:s4+s13], $0x40, s13, s13, $0xb8;
	[tilespmem:$0x1C400] =	vst v63  }
.Ltmp3:
0x83: {  	_ = 	snop;
	(pc) =	sbr.rel .LBB2_2-.Ltmp3, $4  }
0x84: {  	_ = 	snop  }
0x85: {  	[spmem:s1] =	stream.indirect.scatter.add.f32 [tilespmem:s20], [sflag:$0x5], $0x40, s30, s13, $0xb8;
	[tilespmem:$0x1C400] =	vst v63  }
0x86: {  	s6 =	sadd.s32 $0x80, s6  }
0x87: {  	[spmem:s1] =	stream.indirect.scatter.add.f32 [tilespmem:s22], [sflag:$0x6], $0x40, s31, s13, $0xb8;
	[tilespmem:$0x1C400] =	vst v63  }
.LBB2_5:
0x88: {  	_ =	sfence.sel $0x180000  }
0x89: {  	[bflag:$0x0] =	sbarrier.arrive $0xFFFF  }
0x8a: {  	_ =	strace $0x90000056  }
0x8b: {  	s0 =	stileid.u32;
	[bflag:$0x2] =	sbarrier.arrive $0xFFFF  }
0x8c: {  	p0 =	sne.s32 s0, $0x0;
	s0 =	rddreg [dreg:$0x2]  }
0x8d: {  	s0 =	sadd.s32 @!p0 $0x100000, s0  }
0x8e: {  	[sflag:s0] =	ssyncadd.tile.s32 @!p0 $0x1;
	_ =	shalt  }
.Lfunc_end2:
_tile_overlayer_lowered:
.L_overlay_start_2:
0x8f: {  	(tag) =	ssettag $0x2  }
0x90: {  	s0 =	rddreg [dreg:$0x0];
	s2 =	stileid.u32  }
0x91: {  	s1 =	rddreg [dreg:$0x1];
	p0 =	sne.s32 s2, $0x0  }
0x92: {  	s3 =	rddreg [dreg:$0x2];
	[bflag:$0x3] =	sbarrier.arrive $0xFFFF;
	s2 =	simm.s32 @!p0 $0x1C07  }
0x93: {  	[timem:s3], [sflag:s2] =	dma.local @!p0 [hbm:s0], s1  }
0x94: {  	s0 =	simm.s32 @!p0 $0x7  }
0x95: {  	_ =	swait.ge @!p0 [sflag:s0], s1  }
0x96: {  	s1 =	ssub.s32 @!p0 $0x0, s1;
	[sflag:s0] =	ssyncset.done @!p0 $0x0  }
0x97: {  	[sflag:s0] =	ssyncadd.s32 @!p0 s1  }
0x98: {  	[bflag:$0x3] =	sbarrier.arrive $0xFFFF  }
0x99: {  	_ =	shalt  }

</sc_bundles>
